<compile_context>
chip_gen: v7x
topology: tpu7x:2x2x1
jax: 0.10.2.dev20260603
libtpu: 0.0.44.dev20260713+nightly
codegen_flags: <defaults>
</compile_context>

<pallas_src>
import functools

import jax
import jax.numpy as jnp
from jax import lax
from jax.experimental import pallas as pl
from jax.experimental.pallas import tpu as pltpu
from jax.experimental.pallas import tpu_sc as plsc

N_NODES = 10000
E_REAL = 160000
D_IN = 1028
D_OUT = 256

G = 128
E_PAD = 163840
NW = 32
EW1 = E_PAD // NW
CH1 = EW1 // G
NSUB = 16
CH2 = E_PAD // G
NP = 10240
NHALF = 5120
CB = 16

NB = 1000


def _mm_body(x_ref, wl_ref, wr_ref, xl_ref, xr_ref):
    xb = x_ref[...]
    xl_ref[...] = jnp.dot(xb, wl_ref[...], preferred_element_type=jnp.float32)
    xr_ref[...] = jnp.dot(xb, wr_ref[...], preferred_element_type=jnp.float32)


_matmul = pl.pallas_call(
    _mm_body,
    grid=(N_NODES // NB,),
    in_specs=[
        pl.BlockSpec((NB, D_IN), lambda i: (i, 0)),
        pl.BlockSpec((D_IN, D_OUT), lambda i: (0, 0)),
        pl.BlockSpec((D_IN, D_OUT), lambda i: (0, 0)),
    ],
    out_specs=[
        pl.BlockSpec((NB, D_OUT), lambda i: (i, 0)),
        pl.BlockSpec((NB, D_OUT), lambda i: (i, 0)),
    ],
    out_shape=[
        jax.ShapeDtypeStruct((N_NODES, D_OUT), jnp.float32),
        jax.ShapeDtypeStruct((N_NODES, D_OUT), jnp.float32),
    ],
)

_mesh = plsc.VectorSubcoreMesh(
    core_axis_name="c", subcore_axis_name="s", num_cores=2, num_subcores=NSUB
)

_SC_PARAMS = pltpu.CompilerParams(needs_layout_passes=False)
_SC_PARAMS_NT = pltpu.CompilerParams(
    needs_layout_passes=False, use_tc_tiling_on_sc=False
)


@functools.partial(
    pl.kernel,
    mesh=_mesh,
    compiler_params=_SC_PARAMS,
    out_type=[
        jax.ShapeDtypeStruct((E_PAD,), jnp.float32),
        jax.ShapeDtypeStruct((NW * NP,), jnp.float32),
    ],
    scratch_types=[
        pltpu.VMEM((G,), jnp.int32),
        pltpu.VMEM((G,), jnp.int32),
        pltpu.VMEM((G, D_OUT), jnp.float32),
        pltpu.VMEM((G, D_OUT), jnp.float32),
        pltpu.VMEM((D_OUT,), jnp.float32),
        pltpu.VMEM((G,), jnp.float32),
        pltpu.VMEM((NP,), jnp.float32),
        pltpu.SemaphoreType.DMA,
        pltpu.SemaphoreType.DMA,
    ],
)
def _phase1(xl_hbm, xr_hbm, src_hbm, dst_hbm, att_hbm, p_hbm, den_hbm,
            srcb, dstb, xlb, xrb, attb, pb, denb, sem1, sem2):
    wid = lax.axis_index("s") * 2 + lax.axis_index("c")
    base = wid * EW1
    pltpu.sync_copy(att_hbm, attb)
    lanes = lax.iota(jnp.int32, 16)
    lane0 = lanes == 0
    zv = jnp.zeros((16,), jnp.float32)

    def zrow(k, carry):
        denb[pl.ds(k * 16, 16)] = zv
        return carry

    lax.fori_loop(0, NP // 16, zrow, 0)

    def chunk(i, carry):
        eb = base + i * G
        pltpu.sync_copy(src_hbm.at[pl.ds(eb, G)], srcb)
        pltpu.sync_copy(dst_hbm.at[pl.ds(eb, G)], dstb)
        cl = pltpu.async_copy(xl_hbm.at[srcb], xlb, sem1)
        cr = pltpu.async_copy(xr_hbm.at[dstb], xrb, sem2)
        cl.wait()
        cr.wait()
        for sub in range(8):
            rows = sub * 16 + lanes

            def col(j, acc):
                js = jnp.full((16,), j, jnp.int32)
                h = plsc.load_gather(xlb, [rows, js]) + plsc.load_gather(xrb, [rows, js])
                h = jnp.maximum(h, 0.2 * h)
                return acc + plsc.load_gather(attb, [js]) * h

            acc = lax.fori_loop(0, D_OUT, col, jnp.zeros((16,), jnp.float32))
            gid = eb + sub * 16 + lanes
            pb[pl.ds(sub * 16, 16)] = jnp.where(gid < E_REAL, jnp.exp(acc), 0.0)

        def dacc(e, carry2):
            dvec = plsc.load_gather(dstb, [jnp.full((16,), e, jnp.int32)])
            pvec = plsc.load_gather(pb, [jnp.full((16,), e, jnp.int32)])
            plsc.addupdate_scatter(denb, [dvec], pvec, mask=lane0)
            return carry2

        lax.fori_loop(0, G, dacc, 0)
        pltpu.sync_copy(pb, p_hbm.at[pl.ds(eb, G)])
        return carry

    lax.fori_loop(0, CH1, chunk, 0)
    pltpu.sync_copy(denb, den_hbm.at[pl.ds(wid * NP, NP)])


SUP = 2048
NSUP = E_PAD // SUP
SUBG = SUP // G


@functools.partial(
    pl.kernel,
    mesh=_mesh,
    compiler_params=_SC_PARAMS_NT,
    out_type=jax.ShapeDtypeStruct((NW * NHALF * CB,), jnp.float32),
    scratch_types=[
        pltpu.VMEM((SUP,), jnp.int32),
        pltpu.VMEM((SUP,), jnp.int32),
        pltpu.VMEM((SUP,), jnp.int32),
        pltpu.VMEM((SUP,), jnp.int32),
        pltpu.VMEM((SUP,), jnp.float32),
        pltpu.VMEM((SUP,), jnp.float32),
        pltpu.VMEM((G,), jnp.int32),
        pltpu.VMEM((G, CB), jnp.float32),
        pltpu.VMEM((NHALF * CB,), jnp.float32),
        pltpu.SemaphoreType.DMA,
        pltpu.SemaphoreType.DMA,
    ],
)
def _phase2(xcb_hbm, src_hbm, dst_hbm, p_hbm, un_hbm,
            srcb, idxb, dstb, dlb, pb, pmb, idxg, rowsa, acc, sema, semb):
    wid = lax.axis_index("s") * 2 + lax.axis_index("c")
    cb = wid % CB
    half = wid // CB
    lo = half * (N_NODES // 2)
    hi = lo + N_NODES // 2
    lanes = lax.iota(jnp.int32, 16)
    zv = jnp.zeros((16,), jnp.float32)

    def zrow(k, carry):
        acc[pl.ds(k * 16, 16)] = zv
        return carry

    lax.fori_loop(0, NHALF * CB // 16, zrow, 0)
    toff = cb * N_NODES

    def chunk(i, carry):
        eb = i * SUP
        pltpu.sync_copy(src_hbm.at[pl.ds(eb, SUP)], srcb)
        pltpu.sync_copy(dst_hbm.at[pl.ds(eb, SUP)], dstb)
        pltpu.sync_copy(p_hbm.at[pl.ds(eb, SUP)], pb)

        def prep(t, c2):
            sl = pl.ds(t * 16, 16)
            dv = dstb[sl]
            ok = (dv >= lo) & (dv < hi)
            pmb[sl] = jnp.where(ok, pb[sl], 0.0)
            dlb[sl] = jnp.clip(dv - lo, 0, NHALF - 1) * CB
            idxb[sl] = srcb[sl] + toff
            return c2

        lax.fori_loop(0, SUP // 16, prep, 0)

        for g in range(SUBG):
            gbase = g * G
            for b in range(G // 16):
                idxg[pl.ds(b * 16, 16)] = idxb[pl.ds(gbase + b * 16, 16)]
            pltpu.async_copy(xcb_hbm.at[idxg], rowsa, sema).wait()

            def edge(k, carry2):
                for u in range(4):
                    ks = jnp.full((16,), k * 4 + u + gbase, jnp.int32)
                    dlvec = plsc.load_gather(dlb, [ks])
                    pvec = plsc.load_gather(pmb, [ks])
                    v = rowsa[k * 4 + u, pl.ds(0, 16)] * pvec
                    plsc.addupdate_scatter(acc, [dlvec + lanes], v)
                return carry2

            lax.fori_loop(0, G // 4, edge, 0)
        return carry

    lax.fori_loop(0, NSUP, chunk, 0)
    pltpu.sync_copy(acc, un_hbm.at[pl.ds(wid * (NHALF * CB), NHALF * CB)])


def _densum_body(d_ref, o_ref):
    o_ref[...] = jnp.sum(d_ref[...], axis=0, keepdims=True)


_densum = pl.pallas_call(
    _densum_body,
    in_specs=[pl.BlockSpec((NW, NP), lambda: (0, 0))],
    out_specs=pl.BlockSpec((1, NP), lambda: (0, 0)),
    out_shape=jax.ShapeDtypeStruct((1, NP), jnp.float32),
)


def _norm_body(un_ref, den_ref, bias_ref, o_ref):
    d = den_ref[...] + 1e-16
    o_ref[...] = un_ref[...] / d + bias_ref[...]


_normalize = pl.pallas_call(
    _norm_body,
    grid=(N_NODES // NB,),
    in_specs=[
        pl.BlockSpec((NB, D_OUT), lambda i: (i, 0)),
        pl.BlockSpec((NB, 1), lambda i: (i, 0)),
        pl.BlockSpec((1, D_OUT), lambda i: (0, 0)),
    ],
    out_specs=pl.BlockSpec((NB, D_OUT), lambda i: (i, 0)),
    out_shape=jax.ShapeDtypeStruct((N_NODES, D_OUT), jnp.float32),
)


def kernel(x, edge_index, W_l, W_r, att, bias):
    src = edge_index[0]
    dst = edge_index[1]
    pad = E_PAD - E_REAL
    src_p = jnp.concatenate([src, jnp.zeros((pad,), jnp.int32)])
    dst_p = jnp.concatenate([dst, jnp.zeros((pad,), jnp.int32)])

    xl, xr = _matmul(x, W_l, W_r)
    xcb = jnp.transpose(xl.reshape(N_NODES, CB, CB), (1, 0, 2)).reshape(CB * N_NODES, CB)

    p, den_parts = _phase1(xl, xr, src_p, dst_p, att)
    un_parts = _phase2(xcb, src_p, dst_p, p)

    den = _densum(den_parts.reshape(NW, NP))
    den_col = den.reshape(NP)[:N_NODES].reshape(N_NODES, 1)

    un4 = un_parts.reshape(2, CB, NHALF, CB)[:, :, : N_NODES // 2, :]
    un2d = jnp.transpose(un4, (0, 2, 1, 3)).reshape(N_NODES, D_OUT)

    return _normalize(un2d, den_col, bias.reshape(1, D_OUT))

# --- scband reference (transcript-rebuilt; emitter-appended) ---
"""Pipeline reference for scband-gat-fcm-42021960024201 (READ-ONLY COPY).

The authoritative reference and input builder live on the scoring server;
editing this copy changes nothing except your own understanding.
"""

import jax, jax.numpy as jnp
import numpy as np

N = 10000
E = 160000
D_IN = 1028
D_OUT = 256


def setup_inputs(seed: int = 0):
    key = jax.random.key(seed)
    ks = jax.random.split(key, 6)
    x = jax.random.normal(ks[0], (N, D_IN), dtype=jnp.float32)
    edge_index = jax.random.randint(ks[1], (2, E), 0, N, dtype=jnp.int32)
    W_l = jax.random.normal(ks[2], (D_IN, D_OUT), dtype=jnp.float32) * 0.05
    W_r = jax.random.normal(ks[3], (D_IN, D_OUT), dtype=jnp.float32) * 0.05
    att = jax.random.normal(ks[4], (D_OUT,), dtype=jnp.float32) * 0.05
    bias = jnp.zeros((D_OUT,), dtype=jnp.float32)
    return {"x": x, "edge_index": edge_index, "W_l": W_l, "W_r": W_r, "att": att, "bias": bias}


def reference(x, edge_index, W_l, W_r, att, bias):
    # GATv2Conv (heads=1): single-layer GAT model, in=1028 -> out=256
    src = edge_index[0]
    dst = edge_index[1]
    xl = x @ W_l  # lin_l, applied to source/message features
    xr = x @ W_r  # lin_r, applied to destination features
    h = xl[src] + xr[dst]                      # [E, D_OUT] gather
    h = jnp.where(h > 0, h, 0.2 * h)           # LeakyReLU(0.2)
    e = h @ att                                # [E] attention logits
    # softmax over incoming edges per destination node
    e_max = jax.ops.segment_max(e, dst, num_segments=N)
    e_max = jnp.where(jnp.isfinite(e_max), e_max, 0.0)
    e_exp = jnp.exp(e - e_max[dst])
    denom = jax.ops.segment_sum(e_exp, dst, num_segments=N)
    alpha = e_exp / (denom[dst] + 1e-16)
    out = jax.ops.segment_sum(alpha[:, None] * xl[src], dst, num_segments=N)
    return out + bias

if __name__ == "__main__":
    import jax
    _d = setup_inputs()
    print(jax.jit(kernel)(*tuple(_d.values())))

</pallas_src>

<mosaic_0001>
#map = affine_map<(d0, d1) -> (0, 0)>
#map1 = affine_map<(d0, d1) -> (0)>
module attributes {stable_mosaic.version = 14 : i64} {
  func.func @_phase1(%arg0: i32, %arg1: i32, %arg2: memref<10000x256xf32, #tpu.memory_space<hbm>>, %arg3: memref<10000x256xf32, #tpu.memory_space<hbm>>, %arg4: memref<163840xi32, #tpu.memory_space<hbm>>, %arg5: memref<163840xi32, #tpu.memory_space<hbm>>, %arg6: memref<256xf32, #tpu.memory_space<hbm>>, %arg7: memref<163840xf32, #tpu.memory_space<hbm>>, %arg8: memref<327680xf32, #tpu.memory_space<hbm>>, %arg9: memref<128xi32, #tpu.memory_space<vmem>>, %arg10: memref<128xi32, #tpu.memory_space<vmem>>, %arg11: memref<128x256xf32, #tpu.memory_space<vmem>>, %arg12: memref<128x256xf32, #tpu.memory_space<vmem>>, %arg13: memref<256xf32, #tpu.memory_space<vmem>>, %arg14: memref<128xf32, #tpu.memory_space<vmem>>, %arg15: memref<10240xf32, #tpu.memory_space<vmem>>, %arg16: memref<!tpu.dma_semaphore, #tpu.memory_space<semaphore_mem>>, %arg17: memref<!tpu.dma_semaphore, #tpu.memory_space<semaphore_mem>>) attributes {dimension_semantics = [#tpu.dimension_semantics<core_parallel>, #tpu.dimension_semantics<subcore_parallel>], iteration_bounds = array<i64: 2, 16>, scalar_prefetch = 0 : i64, scratch_operands = 9 : i64, tpu.core_type = #tpu.core_type<sc_vector_subcore>, window_params = [{transform_indices = #map}, {transform_indices = #map}, {transform_indices = #map1}, {transform_indices = #map1}, {transform_indices = #map1}, {transform_indices = #map1}, {transform_indices = #map1}]} {
    %mul3A = arith.constant 2 : i32
    %mul3A_0 = arith.muli %arg1, %mul3A : i32
    %add3A = arith.addi %mul3A_0, %arg0 : i32
    %mul3A_1 = arith.constant 5120 : i32
    %mul3A_2 = arith.muli %add3A, %mul3A_1 : i32
    "tpu.region"() ({
      %run_scoped3A = tpu.sem_alloc : memref<!tpu.dma_semaphore, #tpu.memory_space<semaphore_mem>>
      tpu.enqueue_dma source(%arg6 : memref<256xf32, #tpu.memory_space<hbm>>) target(%arg13 : memref<256xf32, #tpu.memory_space<vmem>>) target_semaphore(%run_scoped3A : memref<!tpu.dma_semaphore, #tpu.memory_space<semaphore_mem>>)
      tpu.wait_dma2 semaphore(%run_scoped3A : memref<!tpu.dma_semaphore, #tpu.memory_space<semaphore_mem>>) src(%arg6 : memref<256xf32, #tpu.memory_space<hbm>>) dst(%arg13 : memref<256xf32, #tpu.memory_space<vmem>>)
      tpu.yield
    }) : () -> ()
    %iota3A = tpu.iota {dimensions = array<i32: 0>} : vector<16xi32>
    %eq3A = arith.constant 0 : i32
    %eq3A_3 = vector.broadcast %eq3A : i32 to vector<16xi32>
    %eq3A_4 = arith.cmpi eq, %iota3A, %eq3A_3 : vector<16xi32>
    %broadcast_in_dim3A = arith.constant 0.000000e+00 : f32
    %broadcast_in_dim3A_5 = vector.broadcast %broadcast_in_dim3A : f32 to vector<16xf32>
    %scan3A = arith.constant 0 : i32
    %scan3A_6 = arith.constant 0 : i32
    %scan3A_7 = arith.constant 640 : i32
    %scan3A_8 = arith.addi %scan3A_6, %scan3A_7 : i32
    %scan3A_9 = arith.constant 1 : i32
    scf.for %scan3A_19 = %scan3A_6 to %scan3A_8 step %scan3A_9  : i32 {
      %mul3A_20 = arith.constant 16 : i32
      %mul3A_21 = arith.muli %scan3A_19, %mul3A_20 : i32
      %swap3A = arith.index_cast %mul3A_21 : i32 to index
      %swap3A_22 = tpu.vector_load %arg15[%swap3A] {strides = array<i32>} : memref<10240xf32, #tpu.memory_space<vmem>>, vector<16xf32>,
      tpu.vector_store %arg15[%swap3A], %broadcast_in_dim3A_5 {strides = array<i32>} : memref<10240xf32, #tpu.memory_space<vmem>>, vector<16xf32>,
    }
    %scan3A_10 = arith.constant 640 : i32
    %scan3A_11 = arith.constant 0 : i32
    %scan3A_12 = arith.constant 0 : i32
    %scan3A_13 = arith.constant 40 : i32
    %scan3A_14 = arith.addi %scan3A_12, %scan3A_13 : i32
    %scan3A_15 = arith.constant 1 : i32
    scf.for %scan3A_19 = %scan3A_12 to %scan3A_14 step %scan3A_15  : i32 {
      %mul3A_20 = arith.constant 128 : i32
      %mul3A_21 = arith.muli %scan3A_19, %mul3A_20 : i32
      %add3A_22 = arith.addi %mul3A_2, %mul3A_21 : i32
      "tpu.region"() ({
        %run_scoped3A = tpu.sem_alloc : memref<!tpu.dma_semaphore, #tpu.memory_space<semaphore_mem>>
        %dma_start3A_226 = tpu.memref_slice %arg4[%add3A_22] : memref<163840xi32, #tpu.memory_space<hbm>> -> memref<128xi32, #tpu.memory_space<hbm>>
        %dma_start3A_227 = tpu.memref_slice %arg4[%add3A_22] : memref<163840xi32, #tpu.memory_space<hbm>> -> memref<128xi32, #tpu.memory_space<hbm>>
        tpu.enqueue_dma source(%dma_start3A_227 : memref<128xi32, #tpu.memory_space<hbm>>) target(%arg9 : memref<128xi32, #tpu.memory_space<vmem>>) target_semaphore(%run_scoped3A : memref<!tpu.dma_semaphore, #tpu.memory_space<semaphore_mem>>)
        %dma_wait3A_228 = tpu.memref_slice %arg4[%add3A_22] : memref<163840xi32, #tpu.memory_space<hbm>> -> memref<128xi32, #tpu.memory_space<hbm>>
        %dma_wait3A_229 = tpu.memref_slice %arg4[%add3A_22] : memref<163840xi32, #tpu.memory_space<hbm>> -> memref<128xi32, #tpu.memory_space<hbm>>
        tpu.wait_dma2 semaphore(%run_scoped3A : memref<!tpu.dma_semaphore, #tpu.memory_space<semaphore_mem>>) src(%dma_wait3A_229 : memref<128xi32, #tpu.memory_space<hbm>>) dst(%arg9 : memref<128xi32, #tpu.memory_space<vmem>>)
        tpu.yield
      }) : () -> ()
      "tpu.region"() ({
        %run_scoped3A = tpu.sem_alloc : memref<!tpu.dma_semaphore, #tpu.memory_space<semaphore_mem>>
        %dma_start3A_226 = tpu.memref_slice %arg5[%add3A_22] : memref<163840xi32, #tpu.memory_space<hbm>> -> memref<128xi32, #tpu.memory_space<hbm>>
        %dma_start3A_227 = tpu.memref_slice %arg5[%add3A_22] : memref<163840xi32, #tpu.memory_space<hbm>> -> memref<128xi32, #tpu.memory_space<hbm>>
        tpu.enqueue_dma source(%dma_start3A_227 : memref<128xi32, #tpu.memory_space<hbm>>) target(%arg10 : memref<128xi32, #tpu.memory_space<vmem>>) target_semaphore(%run_scoped3A : memref<!tpu.dma_semaphore, #tpu.memory_space<semaphore_mem>>)
        %dma_wait3A_228 = tpu.memref_slice %arg5[%add3A_22] : memref<163840xi32, #tpu.memory_space<hbm>> -> memref<128xi32, #tpu.memory_space<hbm>>
        %dma_wait3A_229 = tpu.memref_slice %arg5[%add3A_22] : memref<163840xi32, #tpu.memory_space<hbm>> -> memref<128xi32, #tpu.memory_space<hbm>>
        tpu.wait_dma2 semaphore(%run_scoped3A : memref<!tpu.dma_semaphore, #tpu.memory_space<semaphore_mem>>) src(%dma_wait3A_229 : memref<128xi32, #tpu.memory_space<hbm>>) dst(%arg10 : memref<128xi32, #tpu.memory_space<vmem>>)
        tpu.yield
      }) : () -> ()
      %dma_start3A = arith.constant 0 : i32
      %dma_start3A_23 = arith.constant 0 : i32
      %dma_start3A_24 = tpu.memref_slice %arg2[%dma_start3A, %dma_start3A_23] : memref<10000x256xf32, #tpu.memory_space<hbm>> -> memref<10000x256xf32, #tpu.memory_space<hbm>>
      tpu.enqueue_indirect_dma source(%dma_start3A_24 : memref<10000x256xf32, #tpu.memory_space<hbm>>) target(%arg11 : memref<128x256xf32, #tpu.memory_space<vmem>>) offsets(%arg9 : memref<128xi32, #tpu.memory_space<vmem>>) semaphore(%arg16 : memref<!tpu.dma_semaphore, #tpu.memory_space<semaphore_mem>>)
      %dma_start3A_25 = arith.constant 0 : i32
      %dma_start3A_26 = arith.constant 0 : i32
      %dma_start3A_27 = tpu.memref_slice %arg3[%dma_start3A_25, %dma_start3A_26] : memref<10000x256xf32, #tpu.memory_space<hbm>> -> memref<10000x256xf32, #tpu.memory_space<hbm>>
      tpu.enqueue_indirect_dma source(%dma_start3A_27 : memref<10000x256xf32, #tpu.memory_space<hbm>>) target(%arg12 : memref<128x256xf32, #tpu.memory_space<vmem>>) offsets(%arg10 : memref<128xi32, #tpu.memory_space<vmem>>) semaphore(%arg17 : memref<!tpu.dma_semaphore, #tpu.memory_space<semaphore_mem>>)
      %dma_wait3A = arith.constant 0 : i32
      %dma_wait3A_28 = arith.constant 0 : i32
      %dma_wait3A_29 = tpu.memref_slice %arg2[%dma_wait3A, %dma_wait3A_28] : memref<10000x256xf32, #tpu.memory_space<hbm>> -> memref<10000x256xf32, #tpu.memory_space<hbm>>
      tpu.wait_indirect_dma semaphore(%arg16 : memref<!tpu.dma_semaphore, #tpu.memory_space<semaphore_mem>>) src(%dma_wait3A_29 : memref<10000x256xf32, #tpu.memory_space<hbm>>) dst(%arg11 : memref<128x256xf32, #tpu.memory_space<vmem>>)
      %dma_wait3A_30 = arith.constant 0 : i32
      %dma_wait3A_31 = arith.constant 0 : i32
      %dma_wait3A_32 = tpu.memref_slice %arg3[%dma_wait3A_30, %dma_wait3A_31] : memref<10000x256xf32, #tpu.memory_space<hbm>> -> memref<10000x256xf32, #tpu.memory_space<hbm>>
      tpu.wait_indirect_dma semaphore(%arg17 : memref<!tpu.dma_semaphore, #tpu.memory_space<semaphore_mem>>) src(%dma_wait3A_32 : memref<10000x256xf32, #tpu.memory_space<hbm>>) dst(%arg12 : memref<128x256xf32, #tpu.memory_space<vmem>>)
      %add3A_33 = arith.constant 0 : i32
      %add3A_34 = vector.broadcast %add3A_33 : i32 to vector<16xi32>
      %add3A_35 = arith.addi %add3A_34, %iota3A : vector<16xi32>
      %broadcast_in_dim3A_36 = arith.constant 0.000000e+00 : f32
      %broadcast_in_dim3A_37 = vector.broadcast %broadcast_in_dim3A_36 : f32 to vector<16xf32>
      %scan3A_38 = arith.constant 0 : i32
      %scan3A_39 = arith.constant 256 : i32
      %scan3A_40 = arith.addi %scan3A_38, %scan3A_39 : i32
      %scan3A_41 = arith.constant 1 : i32
      %scan3A_42 = scf.for %scan3A_226 = %scan3A_38 to %scan3A_40 step %scan3A_41 iter_args(%scan3A_227 = %broadcast_in_dim3A_37) -> (vector<16xf32>)  : i32 {
        %broadcast_in_dim3A_228 = vector.broadcast %scan3A_226 : i32 to vector<16xi32>
        %gather3A = tpu.vector_load_idx %arg11[%add3A_35, %broadcast_in_dim3A_228] : memref<128x256xf32, #tpu.memory_space<vmem>>[vector<16xi32>, vector<16xi32>], vector<16xf32>,
        %gather3A_229 = tpu.vector_load_idx %arg12[%add3A_35, %broadcast_in_dim3A_228] : memref<128x256xf32, #tpu.memory_space<vmem>>[vector<16xi32>, vector<16xi32>], vector<16xf32>,
        %add3A_230 = arith.addf %gather3A, %gather3A_229 : vector<16xf32>
        %mul3A_231 = arith.constant 2.000000e-01 : f32
        %mul3A_232 = vector.broadcast %mul3A_231 : f32 to vector<16xf32>
        %mul3A_233 = arith.mulf %mul3A_232, %add3A_230 : vector<16xf32>
        %max3A = arith.maximumf %add3A_230, %mul3A_233 : vector<16xf32>
        %gather3A_234 = tpu.vector_load_idx %arg13[%broadcast_in_dim3A_228] : memref<256xf32, #tpu.memory_space<vmem>>[vector<16xi32>], vector<16xf32>,
        %mul3A_235 = arith.mulf %gather3A_234, %max3A : vector<16xf32>
        %add3A_236 = arith.addf %scan3A_227, %mul3A_235 : vector<16xf32>
        scf.yield %add3A_236 : vector<16xf32>
      }
      %scan3A_43 = arith.constant 256 : i32
      %add3A_44 = arith.constant 0 : i32
      %add3A_45 = arith.addi %add3A_22, %add3A_44 : i32
      %add3A_46 = vector.broadcast %add3A_45 : i32 to vector<16xi32>
      %add3A_47 = arith.addi %add3A_46, %iota3A : vector<16xi32>
      %lt3A = arith.constant 160000 : i32
      %lt3A_48 = vector.broadcast %lt3A : i32 to vector<16xi32>
      %lt3A_49 = arith.cmpi slt, %add3A_47, %lt3A_48 : vector<16xi32>
      %exp3A = math.exp %scan3A_42 : vector<16xf32>
      %jit3A = arith.constant 0.000000e+00 : f32
      %broadcast_in_dim3A_50 = vector.broadcast %jit3A : f32 to vector<16xf32>
      %select_n3A = arith.select %lt3A_49, %exp3A, %broadcast_in_dim3A_50 : vector<16xi1>, vector<16xf32>
      %swap3A = arith.constant 0 : index
      %swap3A_51 = tpu.vector_load %arg14[%swap3A] {strides = array<i32>} : memref<128xf32, #tpu.memory_space<vmem>>, vector<16xf32>,
      tpu.vector_store %arg14[%swap3A], %select_n3A {strides = array<i32>} : memref<128xf32, #tpu.memory_space<vmem>>, vector<16xf32>,
      %add3A_52 = arith.constant 16 : i32
      %add3A_53 = vector.broadcast %add3A_52 : i32 to vector<16xi32>
      %add3A_54 = arith.addi %add3A_53, %iota3A : vector<16xi32>
      %broadcast_in_dim3A_55 = arith.constant 0.000000e+00 : f32
      %broadcast_in_dim3A_56 = vector.broadcast %broadcast_in_dim3A_55 : f32 to vector<16xf32>
      %scan3A_57 = arith.constant 0 : i32
      %scan3A_58 = arith.constant 256 : i32
      %scan3A_59 = arith.addi %scan3A_57, %scan3A_58 : i32
      %scan3A_60 = arith.constant 1 : i32
      %scan3A_61 = scf.for %scan3A_226 = %scan3A_57 to %scan3A_59 step %scan3A_60 iter_args(%scan3A_227 = %broadcast_in_dim3A_56) -> (vector<16xf32>)  : i32 {
        %broadcast_in_dim3A_228 = vector.broadcast %scan3A_226 : i32 to vector<16xi32>
        %gather3A = tpu.vector_load_idx %arg11[%add3A_54, %broadcast_in_dim3A_228] : memref<128x256xf32, #tpu.memory_space<vmem>>[vector<16xi32>, vector<16xi32>], vector<16xf32>,
        %gather3A_229 = tpu.vector_load_idx %arg12[%add3A_54, %broadcast_in_dim3A_228] : memref<128x256xf32, #tpu.memory_space<vmem>>[vector<16xi32>, vector<16xi32>], vector<16xf32>,
        %add3A_230 = arith.addf %gather3A, %gather3A_229 : vector<16xf32>
        %mul3A_231 = arith.constant 2.000000e-01 : f32
        %mul3A_232 = vector.broadcast %mul3A_231 : f32 to vector<16xf32>
        %mul3A_233 = arith.mulf %mul3A_232, %add3A_230 : vector<16xf32>
        %max3A = arith.maximumf %add3A_230, %mul3A_233 : vector<16xf32>
        %gather3A_234 = tpu.vector_load_idx %arg13[%broadcast_in_dim3A_228] : memref<256xf32, #tpu.memory_space<vmem>>[vector<16xi32>], vector<16xf32>,
        %mul3A_235 = arith.mulf %gather3A_234, %max3A : vector<16xf32>
        %add3A_236 = arith.addf %scan3A_227, %mul3A_235 : vector<16xf32>
        scf.yield %add3A_236 : vector<16xf32>
      }
      %scan3A_62 = arith.constant 256 : i32
      %add3A_63 = arith.constant 16 : i32
      %add3A_64 = arith.addi %add3A_22, %add3A_63 : i32
      %add3A_65 = vector.broadcast %add3A_64 : i32 to vector<16xi32>
      %add3A_66 = arith.addi %add3A_65, %iota3A : vector<16xi32>
      %lt3A_67 = arith.constant 160000 : i32
      %lt3A_68 = vector.broadcast %lt3A_67 : i32 to vector<16xi32>
      %lt3A_69 = arith.cmpi slt, %add3A_66, %lt3A_68 : vector<16xi32>
      %exp3A_70 = math.exp %scan3A_61 : vector<16xf32>
      %jit3A_71 = arith.constant 0.000000e+00 : f32
      %broadcast_in_dim3A_72 = vector.broadcast %jit3A_71 : f32 to vector<16xf32>
      %select_n3A_73 = arith.select %lt3A_69, %exp3A_70, %broadcast_in_dim3A_72 : vector<16xi1>, vector<16xf32>
      %swap3A_74 = arith.constant 16 : index
      %swap3A_75 = tpu.vector_load %arg14[%swap3A_74] {strides = array<i32>} : memref<128xf32, #tpu.memory_space<vmem>>, vector<16xf32>,
      tpu.vector_store %arg14[%swap3A_74], %select_n3A_73 {strides = array<i32>} : memref<128xf32, #tpu.memory_space<vmem>>, vector<16xf32>,
      %add3A_76 = arith.constant 32 : i32
      %add3A_77 = vector.broadcast %add3A_76 : i32 to vector<16xi32>
      %add3A_78 = arith.addi %add3A_77, %iota3A : vector<16xi32>
      %broadcast_in_dim3A_79 = arith.constant 0.000000e+00 : f32
      %broadcast_in_dim3A_80 = vector.broadcast %broadcast_in_dim3A_79 : f32 to vector<16xf32>
      %scan3A_81 = arith.constant 0 : i32
      %scan3A_82 = arith.constant 256 : i32
      %scan3A_83 = arith.addi %scan3A_81, %scan3A_82 : i32
      %scan3A_84 = arith.constant 1 : i32
      %scan3A_85 = scf.for %scan3A_226 = %scan3A_81 to %scan3A_83 step %scan3A_84 iter_args(%scan3A_227 = %broadcast_in_dim3A_80) -> (vector<16xf32>)  : i32 {
        %broadcast_in_dim3A_228 = vector.broadcast %scan3A_226 : i32 to vector<16xi32>
        %gather3A = tpu.vector_load_idx %arg11[%add3A_78, %broadcast_in_dim3A_228] : memref<128x256xf32, #tpu.memory_space<vmem>>[vector<16xi32>, vector<16xi32>], vector<16xf32>,
        %gather3A_229 = tpu.vector_load_idx %arg12[%add3A_78, %broadcast_in_dim3A_228] : memref<128x256xf32, #tpu.memory_space<vmem>>[vector<16xi32>, vector<16xi32>], vector<16xf32>,
        %add3A_230 = arith.addf %gather3A, %gather3A_229 : vector<16xf32>
        %mul3A_231 = arith.constant 2.000000e-01 : f32
        %mul3A_232 = vector.broadcast %mul3A_231 : f32 to vector<16xf32>
        %mul3A_233 = arith.mulf %mul3A_232, %add3A_230 : vector<16xf32>
        %max3A = arith.maximumf %add3A_230, %mul3A_233 : vector<16xf32>
        %gather3A_234 = tpu.vector_load_idx %arg13[%broadcast_in_dim3A_228] : memref<256xf32, #tpu.memory_space<vmem>>[vector<16xi32>], vector<16xf32>,
        %mul3A_235 = arith.mulf %gather3A_234, %max3A : vector<16xf32>
        %add3A_236 = arith.addf %scan3A_227, %mul3A_235 : vector<16xf32>
        scf.yield %add3A_236 : vector<16xf32>
      }
      %scan3A_86 = arith.constant 256 : i32
      %add3A_87 = arith.constant 32 : i32
      %add3A_88 = arith.addi %add3A_22, %add3A_87 : i32
      %add3A_89 = vector.broadcast %add3A_88 : i32 to vector<16xi32>
      %add3A_90 = arith.addi %add3A_89, %iota3A : vector<16xi32>
      %lt3A_91 = arith.constant 160000 : i32
      %lt3A_92 = vector.broadcast %lt3A_91 : i32 to vector<16xi32>
      %lt3A_93 = arith.cmpi slt, %add3A_90, %lt3A_92 : vector<16xi32>
      %exp3A_94 = math.exp %scan3A_85 : vector<16xf32>
      %jit3A_95 = arith.constant 0.000000e+00 : f32
      %broadcast_in_dim3A_96 = vector.broadcast %jit3A_95 : f32 to vector<16xf32>
      %select_n3A_97 = arith.select %lt3A_93, %exp3A_94, %broadcast_in_dim3A_96 : vector<16xi1>, vector<16xf32>
      %swap3A_98 = arith.constant 32 : index
      %swap3A_99 = tpu.vector_load %arg14[%swap3A_98] {strides = array<i32>} : memref<128xf32, #tpu.memory_space<vmem>>, vector<16xf32>,
      tpu.vector_store %arg14[%swap3A_98], %select_n3A_97 {strides = array<i32>} : memref<128xf32, #tpu.memory_space<vmem>>, vector<16xf32>,
      %add3A_100 = arith.constant 48 : i32
      %add3A_101 = vector.broadcast %add3A_100 : i32 to vector<16xi32>
      %add3A_102 = arith.addi %add3A_101, %iota3A : vector<16xi32>
      %broadcast_in_dim3A_103 = arith.constant 0.000000e+00 : f32
      %broadcast_in_dim3A_104 = vector.broadcast %broadcast_in_dim3A_103 : f32 to vector<16xf32>
      %scan3A_105 = arith.constant 0 : i32
      %scan3A_106 = arith.constant 256 : i32
      %scan3A_107 = arith.addi %scan3A_105, %scan3A_106 : i32
      %scan3A_108 = arith.constant 1 : i32
      %scan3A_109 = scf.for %scan3A_226 = %scan3A_105 to %scan3A_107 step %scan3A_108 iter_args(%scan3A_227 = %broadcast_in_dim3A_104) -> (vector<16xf32>)  : i32 {
        %broadcast_in_dim3A_228 = vector.broadcast %scan3A_226 : i32 to vector<16xi32>
        %gather3A = tpu.vector_load_idx %arg11[%add3A_102, %broadcast_in_dim3A_228] : memref<128x256xf32, #tpu.memory_space<vmem>>[vector<16xi32>, vector<16xi32>], vector<16xf32>,
        %gather3A_229 = tpu.vector_load_idx %arg12[%add3A_102, %broadcast_in_dim3A_228] : memref<128x256xf32, #tpu.memory_space<vmem>>[vector<16xi32>, vector<16xi32>], vector<16xf32>,
        %add3A_230 = arith.addf %gather3A, %gather3A_229 : vector<16xf32>
        %mul3A_231 = arith.constant 2.000000e-01 : f32
        %mul3A_232 = vector.broadcast %mul3A_231 : f32 to vector<16xf32>
        %mul3A_233 = arith.mulf %mul3A_232, %add3A_230 : vector<16xf32>
        %max3A = arith.maximumf %add3A_230, %mul3A_233 : vector<16xf32>
        %gather3A_234 = tpu.vector_load_idx %arg13[%broadcast_in_dim3A_228] : memref<256xf32, #tpu.memory_space<vmem>>[vector<16xi32>], vector<16xf32>,
        %mul3A_235 = arith.mulf %gather3A_234, %max3A : vector<16xf32>
        %add3A_236 = arith.addf %scan3A_227, %mul3A_235 : vector<16xf32>
        scf.yield %add3A_236 : vector<16xf32>
      }
      %scan3A_110 = arith.constant 256 : i32
      %add3A_111 = arith.constant 48 : i32
      %add3A_112 = arith.addi %add3A_22, %add3A_111 : i32
      %add3A_113 = vector.broadcast %add3A_112 : i32 to vector<16xi32>
      %add3A_114 = arith.addi %add3A_113, %iota3A : vector<16xi32>
      %lt3A_115 = arith.constant 160000 : i32
      %lt3A_116 = vector.broadcast %lt3A_115 : i32 to vector<16xi32>
      %lt3A_117 = arith.cmpi slt, %add3A_114, %lt3A_116 : vector<16xi32>
      %exp3A_118 = math.exp %scan3A_109 : vector<16xf32>
      %jit3A_119 = arith.constant 0.000000e+00 : f32
      %broadcast_in_dim3A_120 = vector.broadcast %jit3A_119 : f32 to vector<16xf32>
      %select_n3A_121 = arith.select %lt3A_117, %exp3A_118, %broadcast_in_dim3A_120 : vector<16xi1>, vector<16xf32>
      %swap3A_122 = arith.constant 48 : index
      %swap3A_123 = tpu.vector_load %arg14[%swap3A_122] {strides = array<i32>} : memref<128xf32, #tpu.memory_space<vmem>>, vector<16xf32>,
      tpu.vector_store %arg14[%swap3A_122], %select_n3A_121 {strides = array<i32>} : memref<128xf32, #tpu.memory_space<vmem>>, vector<16xf32>,
      %add3A_124 = arith.constant 64 : i32
      %add3A_125 = vector.broadcast %add3A_124 : i32 to vector<16xi32>
      %add3A_126 = arith.addi %add3A_125, %iota3A : vector<16xi32>
      %broadcast_in_dim3A_127 = arith.constant 0.000000e+00 : f32
      %broadcast_in_dim3A_128 = vector.broadcast %broadcast_in_dim3A_127 : f32 to vector<16xf32>
      %scan3A_129 = arith.constant 0 : i32
      %scan3A_130 = arith.constant 256 : i32
      %scan3A_131 = arith.addi %scan3A_129, %scan3A_130 : i32
      %scan3A_132 = arith.constant 1 : i32
      %scan3A_133 = scf.for %scan3A_226 = %scan3A_129 to %scan3A_131 step %scan3A_132 iter_args(%scan3A_227 = %broadcast_in_dim3A_128) -> (vector<16xf32>)  : i32 {
        %broadcast_in_dim3A_228 = vector.broadcast %scan3A_226 : i32 to vector<16xi32>
        %gather3A = tpu.vector_load_idx %arg11[%add3A_126, %broadcast_in_dim3A_228] : memref<128x256xf32, #tpu.memory_space<vmem>>[vector<16xi32>, vector<16xi32>], vector<16xf32>,
        %gather3A_229 = tpu.vector_load_idx %arg12[%add3A_126, %broadcast_in_dim3A_228] : memref<128x256xf32, #tpu.memory_space<vmem>>[vector<16xi32>, vector<16xi32>], vector<16xf32>,
        %add3A_230 = arith.addf %gather3A, %gather3A_229 : vector<16xf32>
        %mul3A_231 = arith.constant 2.000000e-01 : f32
        %mul3A_232 = vector.broadcast %mul3A_231 : f32 to vector<16xf32>
        %mul3A_233 = arith.mulf %mul3A_232, %add3A_230 : vector<16xf32>
        %max3A = arith.maximumf %add3A_230, %mul3A_233 : vector<16xf32>
        %gather3A_234 = tpu.vector_load_idx %arg13[%broadcast_in_dim3A_228] : memref<256xf32, #tpu.memory_space<vmem>>[vector<16xi32>], vector<16xf32>,
        %mul3A_235 = arith.mulf %gather3A_234, %max3A : vector<16xf32>
        %add3A_236 = arith.addf %scan3A_227, %mul3A_235 : vector<16xf32>
        scf.yield %add3A_236 : vector<16xf32>
      }
      %scan3A_134 = arith.constant 256 : i32
      %add3A_135 = arith.constant 64 : i32
      %add3A_136 = arith.addi %add3A_22, %add3A_135 : i32
      %add3A_137 = vector.broadcast %add3A_136 : i32 to vector<16xi32>
      %add3A_138 = arith.addi %add3A_137, %iota3A : vector<16xi32>
      %lt3A_139 = arith.constant 160000 : i32
      %lt3A_140 = vector.broadcast %lt3A_139 : i32 to vector<16xi32>
      %lt3A_141 = arith.cmpi slt, %add3A_138, %lt3A_140 : vector<16xi32>
      %exp3A_142 = math.exp %scan3A_133 : vector<16xf32>
      %jit3A_143 = arith.constant 0.000000e+00 : f32
      %broadcast_in_dim3A_144 = vector.broadcast %jit3A_143 : f32 to vector<16xf32>
      %select_n3A_145 = arith.select %lt3A_141, %exp3A_142, %broadcast_in_dim3A_144 : vector<16xi1>, vector<16xf32>
      %swap3A_146 = arith.constant 64 : index
      %swap3A_147 = tpu.vector_load %arg14[%swap3A_146] {strides = array<i32>} : memref<128xf32, #tpu.memory_space<vmem>>, vector<16xf32>,
      tpu.vector_store %arg14[%swap3A_146], %select_n3A_145 {strides = array<i32>} : memref<128xf32, #tpu.memory_space<vmem>>, vector<16xf32>,
      %add3A_148 = arith.constant 80 : i32
      %add3A_149 = vector.broadcast %add3A_148 : i32 to vector<16xi32>
      %add3A_150 = arith.addi %add3A_149, %iota3A : vector<16xi32>
      %broadcast_in_dim3A_151 = arith.constant 0.000000e+00 : f32
      %broadcast_in_dim3A_152 = vector.broadcast %broadcast_in_dim3A_151 : f32 to vector<16xf32>
      %scan3A_153 = arith.constant 0 : i32
      %scan3A_154 = arith.constant 256 : i32
      %scan3A_155 = arith.addi %scan3A_153, %scan3A_154 : i32
      %scan3A_156 = arith.constant 1 : i32
      %scan3A_157 = scf.for %scan3A_226 = %scan3A_153 to %scan3A_155 step %scan3A_156 iter_args(%scan3A_227 = %broadcast_in_dim3A_152) -> (vector<16xf32>)  : i32 {
        %broadcast_in_dim3A_228 = vector.broadcast %scan3A_226 : i32 to vector<16xi32>
        %gather3A = tpu.vector_load_idx %arg11[%add3A_150, %broadcast_in_dim3A_228] : memref<128x256xf32, #tpu.memory_space<vmem>>[vector<16xi32>, vector<16xi32>], vector<16xf32>,
        %gather3A_229 = tpu.vector_load_idx %arg12[%add3A_150, %broadcast_in_dim3A_228] : memref<128x256xf32, #tpu.memory_space<vmem>>[vector<16xi32>, vector<16xi32>], vector<16xf32>,
        %add3A_230 = arith.addf %gather3A, %gather3A_229 : vector<16xf32>
        %mul3A_231 = arith.constant 2.000000e-01 : f32
        %mul3A_232 = vector.broadcast %mul3A_231 : f32 to vector<16xf32>
        %mul3A_233 = arith.mulf %mul3A_232, %add3A_230 : vector<16xf32>
        %max3A = arith.maximumf %add3A_230, %mul3A_233 : vector<16xf32>
        %gather3A_234 = tpu.vector_load_idx %arg13[%broadcast_in_dim3A_228] : memref<256xf32, #tpu.memory_space<vmem>>[vector<16xi32>], vector<16xf32>,
        %mul3A_235 = arith.mulf %gather3A_234, %max3A : vector<16xf32>
        %add3A_236 = arith.addf %scan3A_227, %mul3A_235 : vector<16xf32>
        scf.yield %add3A_236 : vector<16xf32>
      }
      %scan3A_158 = arith.constant 256 : i32
      %add3A_159 = arith.constant 80 : i32
      %add3A_160 = arith.addi %add3A_22, %add3A_159 : i32
      %add3A_161 = vector.broadcast %add3A_160 : i32 to vector<16xi32>
      %add3A_162 = arith.addi %add3A_161, %iota3A : vector<16xi32>
      %lt3A_163 = arith.constant 160000 : i32
      %lt3A_164 = vector.broadcast %lt3A_163 : i32 to vector<16xi32>
      %lt3A_165 = arith.cmpi slt, %add3A_162, %lt3A_164 : vector<16xi32>
      %exp3A_166 = math.exp %scan3A_157 : vector<16xf32>
      %jit3A_167 = arith.constant 0.000000e+00 : f32
      %broadcast_in_dim3A_168 = vector.broadcast %jit3A_167 : f32 to vector<16xf32>
      %select_n3A_169 = arith.select %lt3A_165, %exp3A_166, %broadcast_in_dim3A_168 : vector<16xi1>, vector<16xf32>
      %swap3A_170 = arith.constant 80 : index
      %swap3A_171 = tpu.vector_load %arg14[%swap3A_170] {strides = array<i32>} : memref<128xf32, #tpu.memory_space<vmem>>, vector<16xf32>,
      tpu.vector_store %arg14[%swap3A_170], %select_n3A_169 {strides = array<i32>} : memref<128xf32, #tpu.memory_space<vmem>>, vector<16xf32>,
      %add3A_172 = arith.constant 96 : i32
      %add3A_173 = vector.broadcast %add3A_172 : i32 to vector<16xi32>
      %add3A_174 = arith.addi %add3A_173, %iota3A : vector<16xi32>
      %broadcast_in_dim3A_175 = arith.constant 0.000000e+00 : f32
      %broadcast_in_dim3A_176 = vector.broadcast %broadcast_in_dim3A_175 : f32 to vector<16xf32>
      %scan3A_177 = arith.constant 0 : i32
      %scan3A_178 = arith.constant 256 : i32
      %scan3A_179 = arith.addi %scan3A_177, %scan3A_178 : i32
      %scan3A_180 = arith.constant 1 : i32
      %scan3A_181 = scf.for %scan3A_226 = %scan3A_177 to %scan3A_179 step %scan3A_180 iter_args(%scan3A_227 = %broadcast_in_dim3A_176) -> (vector<16xf32>)  : i32 {
        %broadcast_in_dim3A_228 = vector.broadcast %scan3A_226 : i32 to vector<16xi32>
        %gather3A = tpu.vector_load_idx %arg11[%add3A_174, %broadcast_in_dim3A_228] : memref<128x256xf32, #tpu.memory_space<vmem>>[vector<16xi32>, vector<16xi32>], vector<16xf32>,
        %gather3A_229 = tpu.vector_load_idx %arg12[%add3A_174, %broadcast_in_dim3A_228] : memref<128x256xf32, #tpu.memory_space<vmem>>[vector<16xi32>, vector<16xi32>], vector<16xf32>,
        %add3A_230 = arith.addf %gather3A, %gather3A_229 : vector<16xf32>
        %mul3A_231 = arith.constant 2.000000e-01 : f32
        %mul3A_232 = vector.broadcast %mul3A_231 : f32 to vector<16xf32>
        %mul3A_233 = arith.mulf %mul3A_232, %add3A_230 : vector<16xf32>
        %max3A = arith.maximumf %add3A_230, %mul3A_233 : vector<16xf32>
        %gather3A_234 = tpu.vector_load_idx %arg13[%broadcast_in_dim3A_228] : memref<256xf32, #tpu.memory_space<vmem>>[vector<16xi32>], vector<16xf32>,
        %mul3A_235 = arith.mulf %gather3A_234, %max3A : vector<16xf32>
        %add3A_236 = arith.addf %scan3A_227, %mul3A_235 : vector<16xf32>
        scf.yield %add3A_236 : vector<16xf32>
      }
      %scan3A_182 = arith.constant 256 : i32
      %add3A_183 = arith.constant 96 : i32
      %add3A_184 = arith.addi %add3A_22, %add3A_183 : i32
      %add3A_185 = vector.broadcast %add3A_184 : i32 to vector<16xi32>
      %add3A_186 = arith.addi %add3A_185, %iota3A : vector<16xi32>
      %lt3A_187 = arith.constant 160000 : i32
      %lt3A_188 = vector.broadcast %lt3A_187 : i32 to vector<16xi32>
      %lt3A_189 = arith.cmpi slt, %add3A_186, %lt3A_188 : vector<16xi32>
      %exp3A_190 = math.exp %scan3A_181 : vector<16xf32>
      %jit3A_191 = arith.constant 0.000000e+00 : f32
      %broadcast_in_dim3A_192 = vector.broadcast %jit3A_191 : f32 to vector<16xf32>
      %select_n3A_193 = arith.select %lt3A_189, %exp3A_190, %broadcast_in_dim3A_192 : vector<16xi1>, vector<16xf32>
      %swap3A_194 = arith.constant 96 : index
      %swap3A_195 = tpu.vector_load %arg14[%swap3A_194] {strides = array<i32>} : memref<128xf32, #tpu.memory_space<vmem>>, vector<16xf32>,
      tpu.vector_store %arg14[%swap3A_194], %select_n3A_193 {strides = array<i32>} : memref<128xf32, #tpu.memory_space<vmem>>, vector<16xf32>,
      %add3A_196 = arith.constant 112 : i32
      %add3A_197 = vector.broadcast %add3A_196 : i32 to vector<16xi32>
      %add3A_198 = arith.addi %add3A_197, %iota3A : vector<16xi32>
      %broadcast_in_dim3A_199 = arith.constant 0.000000e+00 : f32
      %broadcast_in_dim3A_200 = vector.broadcast %broadcast_in_dim3A_199 : f32 to vector<16xf32>
      %scan3A_201 = arith.constant 0 : i32
      %scan3A_202 = arith.constant 256 : i32
      %scan3A_203 = arith.addi %scan3A_201, %scan3A_202 : i32
      %scan3A_204 = arith.constant 1 : i32
      %scan3A_205 = scf.for %scan3A_226 = %scan3A_201 to %scan3A_203 step %scan3A_204 iter_args(%scan3A_227 = %broadcast_in_dim3A_200) -> (vector<16xf32>)  : i32 {
        %broadcast_in_dim3A_228 = vector.broadcast %scan3A_226 : i32 to vector<16xi32>
        %gather3A = tpu.vector_load_idx %arg11[%add3A_198, %broadcast_in_dim3A_228] : memref<128x256xf32, #tpu.memory_space<vmem>>[vector<16xi32>, vector<16xi32>], vector<16xf32>,
        %gather3A_229 = tpu.vector_load_idx %arg12[%add3A_198, %broadcast_in_dim3A_228] : memref<128x256xf32, #tpu.memory_space<vmem>>[vector<16xi32>, vector<16xi32>], vector<16xf32>,
        %add3A_230 = arith.addf %gather3A, %gather3A_229 : vector<16xf32>
        %mul3A_231 = arith.constant 2.000000e-01 : f32
        %mul3A_232 = vector.broadcast %mul3A_231 : f32 to vector<16xf32>
        %mul3A_233 = arith.mulf %mul3A_232, %add3A_230 : vector<16xf32>
        %max3A = arith.maximumf %add3A_230, %mul3A_233 : vector<16xf32>
        %gather3A_234 = tpu.vector_load_idx %arg13[%broadcast_in_dim3A_228] : memref<256xf32, #tpu.memory_space<vmem>>[vector<16xi32>], vector<16xf32>,
        %mul3A_235 = arith.mulf %gather3A_234, %max3A : vector<16xf32>
        %add3A_236 = arith.addf %scan3A_227, %mul3A_235 : vector<16xf32>
        scf.yield %add3A_236 : vector<16xf32>
      }
      %scan3A_206 = arith.constant 256 : i32
      %add3A_207 = arith.constant 112 : i32
      %add3A_208 = arith.addi %add3A_22, %add3A_207 : i32
      %add3A_209 = vector.broadcast %add3A_208 : i32 to vector<16xi32>
      %add3A_210 = arith.addi %add3A_209, %iota3A : vector<16xi32>
      %lt3A_211 = arith.constant 160000 : i32
      %lt3A_212 = vector.broadcast %lt3A_211 : i32 to vector<16xi32>
      %lt3A_213 = arith.cmpi slt, %add3A_210, %lt3A_212 : vector<16xi32>
      %exp3A_214 = math.exp %scan3A_205 : vector<16xf32>
      %jit3A_215 = arith.constant 0.000000e+00 : f32
      %broadcast_in_dim3A_216 = vector.broadcast %jit3A_215 : f32 to vector<16xf32>
      %select_n3A_217 = arith.select %lt3A_213, %exp3A_214, %broadcast_in_dim3A_216 : vector<16xi1>, vector<16xf32>
      %swap3A_218 = arith.constant 112 : index
      %swap3A_219 = tpu.vector_load %arg14[%swap3A_218] {strides = array<i32>} : memref<128xf32, #tpu.memory_space<vmem>>, vector<16xf32>,
      tpu.vector_store %arg14[%swap3A_218], %select_n3A_217 {strides = array<i32>} : memref<128xf32, #tpu.memory_space<vmem>>, vector<16xf32>,
      %scan3A_220 = arith.constant 0 : i32
      %scan3A_221 = arith.constant 0 : i32
      %scan3A_222 = arith.constant 128 : i32
      %scan3A_223 = arith.addi %scan3A_221, %scan3A_222 : i32
      %scan3A_224 = arith.constant 1 : i32
      scf.for %scan3A_226 = %scan3A_221 to %scan3A_223 step %scan3A_224  : i32 {
        %broadcast_in_dim3A_227 = vector.broadcast %scan3A_226 : i32 to vector<16xi32>
        %gather3A = tpu.vector_load_idx %arg10[%broadcast_in_dim3A_227] : memref<128xi32, #tpu.memory_space<vmem>>[vector<16xi32>], vector<16xi32>,
        %broadcast_in_dim3A_228 = vector.broadcast %scan3A_226 : i32 to vector<16xi32>
        %gather3A_229 = tpu.vector_load_idx %arg14[%broadcast_in_dim3A_228] : memref<128xf32, #tpu.memory_space<vmem>>[vector<16xi32>], vector<16xf32>,
        tpu.vector_store_idx %arg15[%gather3A], %gather3A_229 masked %eq3A_4 {add = true} : memref<10240xf32, #tpu.memory_space<vmem>>[vector<16xi32>], vector<16xf32>, vector<16xi1>
      }
      %scan3A_225 = arith.constant 128 : i32
      "tpu.region"() ({
        %run_scoped3A = tpu.sem_alloc : memref<!tpu.dma_semaphore, #tpu.memory_space<semaphore_mem>>
        %dma_start3A_226 = tpu.memref_slice %arg7[%add3A_22] : memref<163840xf32, #tpu.memory_space<hbm>> -> memref<128xf32, #tpu.memory_space<hbm>>
        %dma_start3A_227 = tpu.memref_slice %arg7[%add3A_22] : memref<163840xf32, #tpu.memory_space<hbm>> -> memref<128xf32, #tpu.memory_space<hbm>>
        tpu.enqueue_dma source(%arg14 : memref<128xf32, #tpu.memory_space<vmem>>) target(%dma_start3A_227 : memref<128xf32, #tpu.memory_space<hbm>>) target_semaphore(%run_scoped3A : memref<!tpu.dma_semaphore, #tpu.memory_space<semaphore_mem>>)
        %dma_wait3A_228 = tpu.memref_slice %arg7[%add3A_22] : memref<163840xf32, #tpu.memory_space<hbm>> -> memref<128xf32, #tpu.memory_space<hbm>>
        %dma_wait3A_229 = tpu.memref_slice %arg7[%add3A_22] : memref<163840xf32, #tpu.memory_space<hbm>> -> memref<128xf32, #tpu.memory_space<hbm>>
        tpu.wait_dma2 semaphore(%run_scoped3A : memref<!tpu.dma_semaphore, #tpu.memory_space<semaphore_mem>>) src(%arg14 : memref<128xf32, #tpu.memory_space<vmem>>) dst(%dma_wait3A_229 : memref<128xf32, #tpu.memory_space<hbm>>)
        tpu.yield
      }) : () -> ()
    }
    %scan3A_16 = arith.constant 40 : i32
    %mul3A_17 = arith.constant 10240 : i32
    %mul3A_18 = arith.muli %add3A, %mul3A_17 : i32
    "tpu.region"() ({
      %run_scoped3A = tpu.sem_alloc : memref<!tpu.dma_semaphore, #tpu.memory_space<semaphore_mem>>
      %dma_start3A = tpu.memref_slice %arg8[%mul3A_18] : memref<327680xf32, #tpu.memory_space<hbm>> -> memref<10240xf32, #tpu.memory_space<hbm>>
      %dma_start3A_19 = tpu.memref_slice %arg8[%mul3A_18] : memref<327680xf32, #tpu.memory_space<hbm>> -> memref<10240xf32, #tpu.memory_space<hbm>>
      tpu.enqueue_dma source(%arg15 : memref<10240xf32, #tpu.memory_space<vmem>>) target(%dma_start3A_19 : memref<10240xf32, #tpu.memory_space<hbm>>) target_semaphore(%run_scoped3A : memref<!tpu.dma_semaphore, #tpu.memory_space<semaphore_mem>>)
      %dma_wait3A = tpu.memref_slice %arg8[%mul3A_18] : memref<327680xf32, #tpu.memory_space<hbm>> -> memref<10240xf32, #tpu.memory_space<hbm>>
      %dma_wait3A_20 = tpu.memref_slice %arg8[%mul3A_18] : memref<327680xf32, #tpu.memory_space<hbm>> -> memref<10240xf32, #tpu.memory_space<hbm>>
      tpu.wait_dma2 semaphore(%run_scoped3A : memref<!tpu.dma_semaphore, #tpu.memory_space<semaphore_mem>>) src(%arg15 : memref<10240xf32, #tpu.memory_space<vmem>>) dst(%dma_wait3A_20 : memref<10240xf32, #tpu.memory_space<hbm>>)
      tpu.yield
    }) : () -> ()
    return
  }
}

#map = affine_map<(d0, d1) -> (0, 0)>
#map1 = affine_map<(d0, d1) -> (0)>
module attributes {stable_mosaic.version = 14 : i64} {
  func.func @_phase2(%arg0: i32, %arg1: i32, %arg2: memref<160000x16xf32, #tpu.memory_space<hbm>>, %arg3: memref<163840xi32, #tpu.memory_space<hbm>>, %arg4: memref<163840xi32, #tpu.memory_space<hbm>>, %arg5: memref<163840xf32, #tpu.memory_space<hbm>>, %arg6: memref<2621440xf32, #tpu.memory_space<hbm>>, %arg7: memref<2048xi32, #tpu.memory_space<vmem>>, %arg8: memref<2048xi32, #tpu.memory_space<vmem>>, %arg9: memref<2048xi32, #tpu.memory_space<vmem>>, %arg10: memref<2048xi32, #tpu.memory_space<vmem>>, %arg11: memref<2048xf32, #tpu.memory_space<vmem>>, %arg12: memref<2048xf32, #tpu.memory_space<vmem>>, %arg13: memref<128xi32, #tpu.memory_space<vmem>>, %arg14: memref<128x16xf32, #tpu.memory_space<vmem>>, %arg15: memref<81920xf32, #tpu.memory_space<vmem>>, %arg16: memref<!tpu.dma_semaphore, #tpu.memory_space<semaphore_mem>>, %arg17: memref<!tpu.dma_semaphore, #tpu.memory_space<semaphore_mem>>) attributes {dimension_semantics = [#tpu.dimension_semantics<core_parallel>, #tpu.dimension_semantics<subcore_parallel>], iteration_bounds = array<i64: 2, 16>, scalar_prefetch = 0 : i64, scratch_operands = 11 : i64, tpu.core_type = #tpu.core_type<sc_vector_subcore>, window_params = [{transform_indices = #map}, {transform_indices = #map1}, {transform_indices = #map1}, {transform_indices = #map1}, {transform_indices = #map1}]} {
    %mul3A = arith.constant 2 : i32
    %mul3A_0 = arith.muli %arg1, %mul3A : i32
    %add3A = arith.addi %mul3A_0, %arg0 : i32
    %jit3A = arith.constant 16 : i32
    %eq3A = arith.constant 0 : i32
    %eq3A_1 = arith.cmpi eq, %jit3A, %eq3A : i32
    %jit3A_2 = arith.constant 1 : i32
    %select_n3A = arith.select %eq3A_1, %jit3A_2, %jit3A : i32
    %rem3A = arith.remsi %add3A, %select_n3A : i32
    %ne3A = arith.constant 0 : i32
    %ne3A_3 = arith.cmpi ne, %rem3A, %ne3A : i32
    %lt3A = arith.constant 0 : i32
    %lt3A_4 = arith.cmpi slt, %rem3A, %lt3A : i32
    %lt3A_5 = arith.constant 0 : i32
    %lt3A_6 = arith.cmpi slt, %select_n3A, %lt3A_5 : i32
    %ne3A_7 = arith.xori %lt3A_4, %lt3A_6 : i1
    %and3A = arith.andi %ne3A_7, %ne3A_3 : i1
    %add3A_8 = arith.addi %rem3A, %select_n3A : i32
    %select_n3A_9 = arith.select %and3A, %add3A_8, %rem3A : i32
    %jit3A_10 = arith.constant 16 : i32
    %div3A = arith.divsi %add3A, %jit3A_10 : i32
    %sign3A = arith.constant 0 : i32
    %sign3A_11 = arith.cmpi sgt, %add3A, %sign3A : i32
    %sign3A_12 = arith.extui %sign3A_11 : i1 to i32
    %sign3A_13 = arith.constant 0 : i32
    %sign3A_14 = arith.cmpi slt, %add3A, %sign3A_13 : i32
    %sign3A_15 = arith.extui %sign3A_14 : i1 to i32
    %sign3A_16 = arith.subi %sign3A_12, %sign3A_15 : i32
    %sign3A_17 = arith.constant 0 : i32
    %sign3A_18 = arith.cmpi sgt, %jit3A_10, %sign3A_17 : i32
    %sign3A_19 = arith.extui %sign3A_18 : i1 to i32
    %sign3A_20 = arith.constant 0 : i32
    %sign3A_21 = arith.cmpi slt, %jit3A_10, %sign3A_20 : i32
    %sign3A_22 = arith.extui %sign3A_21 : i1 to i32
    %sign3A_23 = arith.subi %sign3A_19, %sign3A_22 : i32
    %ne3A_24 = arith.cmpi ne, %sign3A_16, %sign3A_23 : i32
    %rem3A_25 = arith.remsi %add3A, %jit3A_10 : i32
    %ne3A_26 = arith.constant 0 : i32
    %ne3A_27 = arith.cmpi ne, %rem3A_25, %ne3A_26 : i32
    %and3A_28 = arith.andi %ne3A_24, %ne3A_27 : i1
    %sub3A = arith.constant 1 : i32
    %sub3A_29 = arith.subi %div3A, %sub3A : i32
    %select_n3A_30 = arith.select %and3A_28, %sub3A_29, %div3A : i32
    %mul3A_31 = arith.constant 5000 : i32
    %mul3A_32 = arith.muli %select_n3A_30, %mul3A_31 : i32
    %add3A_33 = arith.constant 5000 : i32
    %add3A_34 = arith.addi %mul3A_32, %add3A_33 : i32
    %iota3A = tpu.iota {dimensions = array<i32: 0>} : vector<16xi32>
    %broadcast_in_dim3A = arith.constant 0.000000e+00 : f32
    %broadcast_in_dim3A_35 = vector.broadcast %broadcast_in_dim3A : f32 to vector<16xf32>
    %scan3A = arith.constant 0 : i32
    %scan3A_36 = arith.constant 0 : i32
    %scan3A_37 = arith.constant 5120 : i32
    %scan3A_38 = arith.addi %scan3A_36, %scan3A_37 : i32
    %scan3A_39 = arith.constant 1 : i32
    scf.for %scan3A_51 = %scan3A_36 to %scan3A_38 step %scan3A_39  : i32 {
      %mul3A_52 = arith.constant 16 : i32
      %mul3A_53 = arith.muli %scan3A_51, %mul3A_52 : i32
      %swap3A = arith.index_cast %mul3A_53 : i32 to index
      %swap3A_54 = tpu.vector_load %arg15[%swap3A] {strides = array<i32>} : memref<81920xf32, #tpu.memory_space<vmem>>, vector<16xf32>,
      tpu.vector_store %arg15[%swap3A], %broadcast_in_dim3A_35 {strides = array<i32>} : memref<81920xf32, #tpu.memory_space<vmem>>, vector<16xf32>,
    }
    %scan3A_40 = arith.constant 5120 : i32
    %mul3A_41 = arith.constant 10000 : i32
    %mul3A_42 = arith.muli %select_n3A_9, %mul3A_41 : i32
    %scan3A_43 = arith.constant 0 : i32
    %scan3A_44 = arith.constant 0 : i32
    %scan3A_45 = arith.constant 80 : i32
    %scan3A_46 = arith.addi %scan3A_44, %scan3A_45 : i32
    %scan3A_47 = arith.constant 1 : i32
    scf.for %scan3A_51 = %scan3A_44 to %scan3A_46 step %scan3A_47  : i32 {
      %mul3A_52 = arith.constant 2048 : i32
      %mul3A_53 = arith.muli %scan3A_51, %mul3A_52 : i32
      "tpu.region"() ({
        %run_scoped3A = tpu.sem_alloc : memref<!tpu.dma_semaphore, #tpu.memory_space<semaphore_mem>>
        %dma_start3A_760 = tpu.memref_slice %arg3[%mul3A_53] : memref<163840xi32, #tpu.memory_space<hbm>> -> memref<2048xi32, #tpu.memory_space<hbm>>
        %dma_start3A_761 = tpu.memref_slice %arg3[%mul3A_53] : memref<163840xi32, #tpu.memory_space<hbm>> -> memref<2048xi32, #tpu.memory_space<hbm>>
        tpu.enqueue_dma source(%dma_start3A_761 : memref<2048xi32, #tpu.memory_space<hbm>>) target(%arg7 : memref<2048xi32, #tpu.memory_space<vmem>>) target_semaphore(%run_scoped3A : memref<!tpu.dma_semaphore, #tpu.memory_space<semaphore_mem>>)
        %dma_wait3A_762 = tpu.memref_slice %arg3[%mul3A_53] : memref<163840xi32, #tpu.memory_space<hbm>> -> memref<2048xi32, #tpu.memory_space<hbm>>
        %dma_wait3A_763 = tpu.memref_slice %arg3[%mul3A_53] : memref<163840xi32, #tpu.memory_space<hbm>> -> memref<2048xi32, #tpu.memory_space<hbm>>
        tpu.wait_dma2 semaphore(%run_scoped3A : memref<!tpu.dma_semaphore, #tpu.memory_space<semaphore_mem>>) src(%dma_wait3A_763 : memref<2048xi32, #tpu.memory_space<hbm>>) dst(%arg7 : memref<2048xi32, #tpu.memory_space<vmem>>)
        tpu.yield
      }) : () -> ()
      "tpu.region"() ({
        %run_scoped3A = tpu.sem_alloc : memref<!tpu.dma_semaphore, #tpu.memory_space<semaphore_mem>>
        %dma_start3A_760 = tpu.memref_slice %arg4[%mul3A_53] : memref<163840xi32, #tpu.memory_space<hbm>> -> memref<2048xi32, #tpu.memory_space<hbm>>
        %dma_start3A_761 = tpu.memref_slice %arg4[%mul3A_53] : memref<163840xi32, #tpu.memory_space<hbm>> -> memref<2048xi32, #tpu.memory_space<hbm>>
        tpu.enqueue_dma source(%dma_start3A_761 : memref<2048xi32, #tpu.memory_space<hbm>>) target(%arg9 : memref<2048xi32, #tpu.memory_space<vmem>>) target_semaphore(%run_scoped3A : memref<!tpu.dma_semaphore, #tpu.memory_space<semaphore_mem>>)
        %dma_wait3A_762 = tpu.memref_slice %arg4[%mul3A_53] : memref<163840xi32, #tpu.memory_space<hbm>> -> memref<2048xi32, #tpu.memory_space<hbm>>
        %dma_wait3A_763 = tpu.memref_slice %arg4[%mul3A_53] : memref<163840xi32, #tpu.memory_space<hbm>> -> memref<2048xi32, #tpu.memory_space<hbm>>
        tpu.wait_dma2 semaphore(%run_scoped3A : memref<!tpu.dma_semaphore, #tpu.memory_space<semaphore_mem>>) src(%dma_wait3A_763 : memref<2048xi32, #tpu.memory_space<hbm>>) dst(%arg9 : memref<2048xi32, #tpu.memory_space<vmem>>)
        tpu.yield
      }) : () -> ()
      "tpu.region"() ({
        %run_scoped3A = tpu.sem_alloc : memref<!tpu.dma_semaphore, #tpu.memory_space<semaphore_mem>>
        %dma_start3A_760 = tpu.memref_slice %arg5[%mul3A_53] : memref<163840xf32, #tpu.memory_space<hbm>> -> memref<2048xf32, #tpu.memory_space<hbm>>
        %dma_start3A_761 = tpu.memref_slice %arg5[%mul3A_53] : memref<163840xf32, #tpu.memory_space<hbm>> -> memref<2048xf32, #tpu.memory_space<hbm>>
        tpu.enqueue_dma source(%dma_start3A_761 : memref<2048xf32, #tpu.memory_space<hbm>>) target(%arg11 : memref<2048xf32, #tpu.memory_space<vmem>>) target_semaphore(%run_scoped3A : memref<!tpu.dma_semaphore, #tpu.memory_space<semaphore_mem>>)
        %dma_wait3A_762 = tpu.memref_slice %arg5[%mul3A_53] : memref<163840xf32, #tpu.memory_space<hbm>> -> memref<2048xf32, #tpu.memory_space<hbm>>
        %dma_wait3A_763 = tpu.memref_slice %arg5[%mul3A_53] : memref<163840xf32, #tpu.memory_space<hbm>> -> memref<2048xf32, #tpu.memory_space<hbm>>
        tpu.wait_dma2 semaphore(%run_scoped3A : memref<!tpu.dma_semaphore, #tpu.memory_space<semaphore_mem>>) src(%dma_wait3A_763 : memref<2048xf32, #tpu.memory_space<hbm>>) dst(%arg11 : memref<2048xf32, #tpu.memory_space<vmem>>)
        tpu.yield
      }) : () -> ()
      %scan3A_54 = arith.constant 0 : i32
      %scan3A_55 = arith.constant 0 : i32
      %scan3A_56 = arith.constant 128 : i32
      %scan3A_57 = arith.addi %scan3A_55, %scan3A_56 : i32
      %scan3A_58 = arith.constant 1 : i32
      scf.for %scan3A_760 = %scan3A_55 to %scan3A_57 step %scan3A_58  : i32 {
        %mul3A_761 = arith.constant 16 : i32
        %mul3A_762 = arith.muli %scan3A_760, %mul3A_761 : i32
        %get3A_763 = arith.index_cast %mul3A_762 : i32 to index
        %get3A_764 = tpu.vector_load %arg9[%get3A_763] {strides = array<i32>} : memref<2048xi32, #tpu.memory_space<vmem>>, vector<16xi32>,
        %ge3A = vector.broadcast %mul3A_32 : i32 to vector<16xi32>
        %ge3A_765 = arith.cmpi sge, %get3A_764, %ge3A : vector<16xi32>
        %lt3A_766 = vector.broadcast %add3A_34 : i32 to vector<16xi32>
        %lt3A_767 = arith.cmpi slt, %get3A_764, %lt3A_766 : vector<16xi32>
        %and3A_768 = arith.andi %ge3A_765, %lt3A_767 : vector<16xi1>
        %get3A_769 = arith.index_cast %mul3A_762 : i32 to index
        %get3A_770 = tpu.vector_load %arg11[%get3A_769] {strides = array<i32>} : memref<2048xf32, #tpu.memory_space<vmem>>, vector<16xf32>,
        %jit3A_771 = arith.constant 0.000000e+00 : f32
        %broadcast_in_dim3A_772 = vector.broadcast %jit3A_771 : f32 to vector<16xf32>
        %select_n3A_773 = arith.select %and3A_768, %get3A_770, %broadcast_in_dim3A_772 : vector<16xi1>, vector<16xf32>
        %swap3A_774 = arith.index_cast %mul3A_762 : i32 to index
        %swap3A_775 = tpu.vector_load %arg12[%swap3A_774] {strides = array<i32>} : memref<2048xf32, #tpu.memory_space<vmem>>, vector<16xf32>,
        tpu.vector_store %arg12[%swap3A_774], %select_n3A_773 {strides = array<i32>} : memref<2048xf32, #tpu.memory_space<vmem>>, vector<16xf32>,
        %sub3A_776 = vector.broadcast %mul3A_32 : i32 to vector<16xi32>
        %sub3A_777 = arith.subi %get3A_764, %sub3A_776 : vector<16xi32>
        %jit3A_778 = arith.constant 0 : i32
        %jit3A_779 = arith.constant 5119 : i32
        %max3A = vector.broadcast %jit3A_778 : i32 to vector<16xi32>
        %max3A_780 = arith.maxsi %max3A, %sub3A_777 : vector<16xi32>
        %min3A = vector.broadcast %jit3A_779 : i32 to vector<16xi32>
        %min3A_781 = arith.minsi %min3A, %max3A_780 : vector<16xi32>
        %mul3A_782 = arith.constant 16 : i32
        %mul3A_783 = vector.broadcast %mul3A_782 : i32 to vector<16xi32>
        %mul3A_784 = arith.muli %min3A_781, %mul3A_783 : vector<16xi32>
        %swap3A_785 = arith.index_cast %mul3A_762 : i32 to index
        %swap3A_786 = tpu.vector_load %arg10[%swap3A_785] {strides = array<i32>} : memref<2048xi32, #tpu.memory_space<vmem>>, vector<16xi32>,
        tpu.vector_store %arg10[%swap3A_785], %mul3A_784 {strides = array<i32>} : memref<2048xi32, #tpu.memory_space<vmem>>, vector<16xi32>,
        %get3A_787 = arith.index_cast %mul3A_762 : i32 to index
        %get3A_788 = tpu.vector_load %arg7[%get3A_787] {strides = array<i32>} : memref<2048xi32, #tpu.memory_space<vmem>>, vector<16xi32>,
        %add3A_789 = vector.broadcast %mul3A_42 : i32 to vector<16xi32>
        %add3A_790 = arith.addi %get3A_788, %add3A_789 : vector<16xi32>
        %swap3A_791 = arith.index_cast %mul3A_762 : i32 to index
        %swap3A_792 = tpu.vector_load %arg8[%swap3A_791] {strides = array<i32>} : memref<2048xi32, #tpu.memory_space<vmem>>, vector<16xi32>,
        tpu.vector_store %arg8[%swap3A_791], %add3A_790 {strides = array<i32>} : memref<2048xi32, #tpu.memory_space<vmem>>, vector<16xi32>,
      }
      %scan3A_59 = arith.constant 128 : i32
      %get3A = arith.constant 0 : index
      %get3A_60 = tpu.vector_load %arg8[%get3A] {strides = array<i32>} : memref<2048xi32, #tpu.memory_space<vmem>>, vector<16xi32>,
      %swap3A = arith.constant 0 : index
      %swap3A_61 = tpu.vector_load %arg13[%swap3A] {strides = array<i32>} : memref<128xi32, #tpu.memory_space<vmem>>, vector<16xi32>,
      tpu.vector_store %arg13[%swap3A], %get3A_60 {strides = array<i32>} : memref<128xi32, #tpu.memory_space<vmem>>, vector<16xi32>,
      %get3A_62 = arith.constant 16 : index
      %get3A_63 = tpu.vector_load %arg8[%get3A_62] {strides = array<i32>} : memref<2048xi32, #tpu.memory_space<vmem>>, vector<16xi32>,
      %swap3A_64 = arith.constant 16 : index
      %swap3A_65 = tpu.vector_load %arg13[%swap3A_64] {strides = array<i32>} : memref<128xi32, #tpu.memory_space<vmem>>, vector<16xi32>,
      tpu.vector_store %arg13[%swap3A_64], %get3A_63 {strides = array<i32>} : memref<128xi32, #tpu.memory_space<vmem>>, vector<16xi32>,
      %get3A_66 = arith.constant 32 : index
      %get3A_67 = tpu.vector_load %arg8[%get3A_66] {strides = array<i32>} : memref<2048xi32, #tpu.memory_space<vmem>>, vector<16xi32>,
      %swap3A_68 = arith.constant 32 : index
      %swap3A_69 = tpu.vector_load %arg13[%swap3A_68] {strides = array<i32>} : memref<128xi32, #tpu.memory_space<vmem>>, vector<16xi32>,
      tpu.vector_store %arg13[%swap3A_68], %get3A_67 {strides = array<i32>} : memref<128xi32, #tpu.memory_space<vmem>>, vector<16xi32>,
      %get3A_70 = arith.constant 48 : index
      %get3A_71 = tpu.vector_load %arg8[%get3A_70] {strides = array<i32>} : memref<2048xi32, #tpu.memory_space<vmem>>, vector<16xi32>,
      %swap3A_72 = arith.constant 48 : index
      %swap3A_73 = tpu.vector_load %arg13[%swap3A_72] {strides = array<i32>} : memref<128xi32, #tpu.memory_space<vmem>>, vector<16xi32>,
      tpu.vector_store %arg13[%swap3A_72], %get3A_71 {strides = array<i32>} : memref<128xi32, #tpu.memory_space<vmem>>, vector<16xi32>,
      %get3A_74 = arith.constant 64 : index
      %get3A_75 = tpu.vector_load %arg8[%get3A_74] {strides = array<i32>} : memref<2048xi32, #tpu.memory_space<vmem>>, vector<16xi32>,
      %swap3A_76 = arith.constant 64 : index
      %swap3A_77 = tpu.vector_load %arg13[%swap3A_76] {strides = array<i32>} : memref<128xi32, #tpu.memory_space<vmem>>, vector<16xi32>,
      tpu.vector_store %arg13[%swap3A_76], %get3A_75 {strides = array<i32>} : memref<128xi32, #tpu.memory_space<vmem>>, vector<16xi32>,
      %get3A_78 = arith.constant 80 : index
      %get3A_79 = tpu.vector_load %arg8[%get3A_78] {strides = array<i32>} : memref<2048xi32, #tpu.memory_space<vmem>>, vector<16xi32>,
      %swap3A_80 = arith.constant 80 : index
      %swap3A_81 = tpu.vector_load %arg13[%swap3A_80] {strides = array<i32>} : memref<128xi32, #tpu.memory_space<vmem>>, vector<16xi32>,
      tpu.vector_store %arg13[%swap3A_80], %get3A_79 {strides = array<i32>} : memref<128xi32, #tpu.memory_space<vmem>>, vector<16xi32>,
      %get3A_82 = arith.constant 96 : index
      %get3A_83 = tpu.vector_load %arg8[%get3A_82] {strides = array<i32>} : memref<2048xi32, #tpu.memory_space<vmem>>, vector<16xi32>,
      %swap3A_84 = arith.constant 96 : index
      %swap3A_85 = tpu.vector_load %arg13[%swap3A_84] {strides = array<i32>} : memref<128xi32, #tpu.memory_space<vmem>>, vector<16xi32>,
      tpu.vector_store %arg13[%swap3A_84], %get3A_83 {strides = array<i32>} : memref<128xi32, #tpu.memory_space<vmem>>, vector<16xi32>,
      %get3A_86 = arith.constant 112 : index
      %get3A_87 = tpu.vector_load %arg8[%get3A_86] {strides = array<i32>} : memref<2048xi32, #tpu.memory_space<vmem>>, vector<16xi32>,
      %swap3A_88 = arith.constant 112 : index
      %swap3A_89 = tpu.vector_load %arg13[%swap3A_88] {strides = array<i32>} : memref<128xi32, #tpu.memory_space<vmem>>, vector<16xi32>,
      tpu.vector_store %arg13[%swap3A_88], %get3A_87 {strides = array<i32>} : memref<128xi32, #tpu.memory_space<vmem>>, vector<16xi32>,
      %dma_start3A = arith.constant 0 : i32
      %dma_start3A_90 = arith.constant 0 : i32
      %dma_start3A_91 = tpu.memref_slice %arg2[%dma_start3A, %dma_start3A_90] : memref<160000x16xf32, #tpu.memory_space<hbm>> -> memref<160000x16xf32, #tpu.memory_space<hbm>>
      tpu.enqueue_indirect_dma source(%dma_start3A_91 : memref<160000x16xf32, #tpu.memory_space<hbm>>) target(%arg14 : memref<128x16xf32, #tpu.memory_space<vmem>>) offsets(%arg13 : memref<128xi32, #tpu.memory_space<vmem>>) semaphore(%arg16 : memref<!tpu.dma_semaphore, #tpu.memory_space<semaphore_mem>>)
      %dma_wait3A = arith.constant 0 : i32
      %dma_wait3A_92 = arith.constant 0 : i32
      %dma_wait3A_93 = tpu.memref_slice %arg2[%dma_wait3A, %dma_wait3A_92] : memref<160000x16xf32, #tpu.memory_space<hbm>> -> memref<160000x16xf32, #tpu.memory_space<hbm>>
      tpu.wait_indirect_dma semaphore(%arg16 : memref<!tpu.dma_semaphore, #tpu.memory_space<semaphore_mem>>) src(%dma_wait3A_93 : memref<160000x16xf32, #tpu.memory_space<hbm>>) dst(%arg14 : memref<128x16xf32, #tpu.memory_space<vmem>>)
      %scan3A_94 = arith.constant 0 : i32
      %scan3A_95 = arith.constant 0 : i32
      %scan3A_96 = arith.constant 32 : i32
      %scan3A_97 = arith.addi %scan3A_95, %scan3A_96 : i32
      %scan3A_98 = arith.constant 1 : i32
      scf.for %scan3A_760 = %scan3A_95 to %scan3A_97 step %scan3A_98  : i32 {
        %mul3A_761 = arith.constant 4 : i32
        %mul3A_762 = arith.muli %scan3A_760, %mul3A_761 : i32
        %add3A_763 = arith.constant 0 : i32
        %add3A_764 = arith.addi %mul3A_762, %add3A_763 : i32
        %add3A_765 = arith.constant 0 : i32
        %add3A_766 = arith.addi %add3A_764, %add3A_765 : i32
        %broadcast_in_dim3A_767 = vector.broadcast %add3A_766 : i32 to vector<16xi32>
        %gather3A = tpu.vector_load_idx %arg10[%broadcast_in_dim3A_767] : memref<2048xi32, #tpu.memory_space<vmem>>[vector<16xi32>], vector<16xi32>,
        %gather3A_768 = tpu.vector_load_idx %arg12[%broadcast_in_dim3A_767] : memref<2048xf32, #tpu.memory_space<vmem>>[vector<16xi32>], vector<16xf32>,
        %mul3A_769 = arith.constant 4 : i32
        %mul3A_770 = arith.muli %scan3A_760, %mul3A_769 : i32
        %add3A_771 = arith.constant 0 : i32
        %add3A_772 = arith.addi %mul3A_770, %add3A_771 : i32
        %get3A_773 = arith.index_cast %add3A_772 : i32 to index
        %get3A_774 = arith.constant 0 : index
        %get3A_775 = tpu.vector_load %arg14[%get3A_773, %get3A_774] {strides = array<i32>} : memref<128x16xf32, #tpu.memory_space<vmem>>, vector<16xf32>,
        %mul3A_776 = arith.mulf %get3A_775, %gather3A_768 : vector<16xf32>
        %add3A_777 = arith.addi %gather3A, %iota3A : vector<16xi32>
        tpu.vector_store_idx %arg15[%add3A_777], %mul3A_776 {add = true} : memref<81920xf32, #tpu.memory_space<vmem>>[vector<16xi32>], vector<16xf32>,
        %mul3A_778 = arith.constant 4 : i32
        %mul3A_779 = arith.muli %scan3A_760, %mul3A_778 : i32
        %add3A_780 = arith.constant 1 : i32
        %add3A_781 = arith.addi %mul3A_779, %add3A_780 : i32
        %add3A_782 = arith.constant 0 : i32
        %add3A_783 = arith.addi %add3A_781, %add3A_782 : i32
        %broadcast_in_dim3A_784 = vector.broadcast %add3A_783 : i32 to vector<16xi32>
        %gather3A_785 = tpu.vector_load_idx %arg10[%broadcast_in_dim3A_784] : memref<2048xi32, #tpu.memory_space<vmem>>[vector<16xi32>], vector<16xi32>,
        %gather3A_786 = tpu.vector_load_idx %arg12[%broadcast_in_dim3A_784] : memref<2048xf32, #tpu.memory_space<vmem>>[vector<16xi32>], vector<16xf32>,
        %mul3A_787 = arith.constant 4 : i32
        %mul3A_788 = arith.muli %scan3A_760, %mul3A_787 : i32
        %add3A_789 = arith.constant 1 : i32
        %add3A_790 = arith.addi %mul3A_788, %add3A_789 : i32
        %get3A_791 = arith.index_cast %add3A_790 : i32 to index
        %get3A_792 = arith.constant 0 : index
        %get3A_793 = tpu.vector_load %arg14[%get3A_791, %get3A_792] {strides = array<i32>} : memref<128x16xf32, #tpu.memory_space<vmem>>, vector<16xf32>,
        %mul3A_794 = arith.mulf %get3A_793, %gather3A_786 : vector<16xf32>
        %add3A_795 = arith.addi %gather3A_785, %iota3A : vector<16xi32>
        tpu.vector_store_idx %arg15[%add3A_795], %mul3A_794 {add = true} : memref<81920xf32, #tpu.memory_space<vmem>>[vector<16xi32>], vector<16xf32>,
        %mul3A_796 = arith.constant 4 : i32
        %mul3A_797 = arith.muli %scan3A_760, %mul3A_796 : i32
        %add3A_798 = arith.constant 2 : i32
        %add3A_799 = arith.addi %mul3A_797, %add3A_798 : i32
        %add3A_800 = arith.constant 0 : i32
        %add3A_801 = arith.addi %add3A_799, %add3A_800 : i32
        %broadcast_in_dim3A_802 = vector.broadcast %add3A_801 : i32 to vector<16xi32>
        %gather3A_803 = tpu.vector_load_idx %arg10[%broadcast_in_dim3A_802] : memref<2048xi32, #tpu.memory_space<vmem>>[vector<16xi32>], vector<16xi32>,
        %gather3A_804 = tpu.vector_load_idx %arg12[%broadcast_in_dim3A_802] : memref<2048xf32, #tpu.memory_space<vmem>>[vector<16xi32>], vector<16xf32>,
        %mul3A_805 = arith.constant 4 : i32
        %mul3A_806 = arith.muli %scan3A_760, %mul3A_805 : i32
        %add3A_807 = arith.constant 2 : i32
        %add3A_808 = arith.addi %mul3A_806, %add3A_807 : i32
        %get3A_809 = arith.index_cast %add3A_808 : i32 to index
        %get3A_810 = arith.constant 0 : index
        %get3A_811 = tpu.vector_load %arg14[%get3A_809, %get3A_810] {strides = array<i32>} : memref<128x16xf32, #tpu.memory_space<vmem>>, vector<16xf32>,
        %mul3A_812 = arith.mulf %get3A_811, %gather3A_804 : vector<16xf32>
        %add3A_813 = arith.addi %gather3A_803, %iota3A : vector<16xi32>
        tpu.vector_store_idx %arg15[%add3A_813], %mul3A_812 {add = true} : memref<81920xf32, #tpu.memory_space<vmem>>[vector<16xi32>], vector<16xf32>,
        %mul3A_814 = arith.constant 4 : i32
        %mul3A_815 = arith.muli %scan3A_760, %mul3A_814 : i32
        %add3A_816 = arith.constant 3 : i32
        %add3A_817 = arith.addi %mul3A_815, %add3A_816 : i32
        %add3A_818 = arith.constant 0 : i32
        %add3A_819 = arith.addi %add3A_817, %add3A_818 : i32
        %broadcast_in_dim3A_820 = vector.broadcast %add3A_819 : i32 to vector<16xi32>
        %gather3A_821 = tpu.vector_load_idx %arg10[%broadcast_in_dim3A_820] : memref<2048xi32, #tpu.memory_space<vmem>>[vector<16xi32>], vector<16xi32>,
        %gather3A_822 = tpu.vector_load_idx %arg12[%broadcast_in_dim3A_820] : memref<2048xf32, #tpu.memory_space<vmem>>[vector<16xi32>], vector<16xf32>,
        %mul3A_823 = arith.constant 4 : i32
        %mul3A_824 = arith.muli %scan3A_760, %mul3A_823 : i32
        %add3A_825 = arith.constant 3 : i32
        %add3A_826 = arith.addi %mul3A_824, %add3A_825 : i32
        %get3A_827 = arith.index_cast %add3A_826 : i32 to index
        %get3A_828 = arith.constant 0 : index
        %get3A_829 = tpu.vector_load %arg14[%get3A_827, %get3A_828] {strides = array<i32>} : memref<128x16xf32, #tpu.memory_space<vmem>>, vector<16xf32>,
        %mul3A_830 = arith.mulf %get3A_829, %gather3A_822 : vector<16xf32>
        %add3A_831 = arith.addi %gather3A_821, %iota3A : vector<16xi32>
        tpu.vector_store_idx %arg15[%add3A_831], %mul3A_830 {add = true} : memref<81920xf32, #tpu.memory_space<vmem>>[vector<16xi32>], vector<16xf32>,
      }
      %scan3A_99 = arith.constant 32 : i32
      %get3A_100 = arith.constant 128 : index
      %get3A_101 = tpu.vector_load %arg8[%get3A_100] {strides = array<i32>} : memref<2048xi32, #tpu.memory_space<vmem>>, vector<16xi32>,
      %swap3A_102 = arith.constant 0 : index
      %swap3A_103 = tpu.vector_load %arg13[%swap3A_102] {strides = array<i32>} : memref<128xi32, #tpu.memory_space<vmem>>, vector<16xi32>,
      tpu.vector_store %arg13[%swap3A_102], %get3A_101 {strides = array<i32>} : memref<128xi32, #tpu.memory_space<vmem>>, vector<16xi32>,
      %get3A_104 = arith.constant 144 : index
      %get3A_105 = tpu.vector_load %arg8[%get3A_104] {strides = array<i32>} : memref<2048xi32, #tpu.memory_space<vmem>>, vector<16xi32>,
      %swap3A_106 = arith.constant 16 : index
      %swap3A_107 = tpu.vector_load %arg13[%swap3A_106] {strides = array<i32>} : memref<128xi32, #tpu.memory_space<vmem>>, vector<16xi32>,
      tpu.vector_store %arg13[%swap3A_106], %get3A_105 {strides = array<i32>} : memref<128xi32, #tpu.memory_space<vmem>>, vector<16xi32>,
      %get3A_108 = arith.constant 160 : index
      %get3A_109 = tpu.vector_load %arg8[%get3A_108] {strides = array<i32>} : memref<2048xi32, #tpu.memory_space<vmem>>, vector<16xi32>,
      %swap3A_110 = arith.constant 32 : index
      %swap3A_111 = tpu.vector_load %arg13[%swap3A_110] {strides = array<i32>} : memref<128xi32, #tpu.memory_space<vmem>>, vector<16xi32>,
      tpu.vector_store %arg13[%swap3A_110], %get3A_109 {strides = array<i32>} : memref<128xi32, #tpu.memory_space<vmem>>, vector<16xi32>,
      %get3A_112 = arith.constant 176 : index
      %get3A_113 = tpu.vector_load %arg8[%get3A_112] {strides = array<i32>} : memref<2048xi32, #tpu.memory_space<vmem>>, vector<16xi32>,
      %swap3A_114 = arith.constant 48 : index
      %swap3A_115 = tpu.vector_load %arg13[%swap3A_114] {strides = array<i32>} : memref<128xi32, #tpu.memory_space<vmem>>, vector<16xi32>,
      tpu.vector_store %arg13[%swap3A_114], %get3A_113 {strides = array<i32>} : memref<128xi32, #tpu.memory_space<vmem>>, vector<16xi32>,
      %get3A_116 = arith.constant 192 : index
      %get3A_117 = tpu.vector_load %arg8[%get3A_116] {strides = array<i32>} : memref<2048xi32, #tpu.memory_space<vmem>>, vector<16xi32>,
      %swap3A_118 = arith.constant 64 : index
      %swap3A_119 = tpu.vector_load %arg13[%swap3A_118] {strides = array<i32>} : memref<128xi32, #tpu.memory_space<vmem>>, vector<16xi32>,
      tpu.vector_store %arg13[%swap3A_118], %get3A_117 {strides = array<i32>} : memref<128xi32, #tpu.memory_space<vmem>>, vector<16xi32>,
      %get3A_120 = arith.constant 208 : index
      %get3A_121 = tpu.vector_load %arg8[%get3A_120] {strides = array<i32>} : memref<2048xi32, #tpu.memory_space<vmem>>, vector<16xi32>,
      %swap3A_122 = arith.constant 80 : index
      %swap3A_123 = tpu.vector_load %arg13[%swap3A_122] {strides = array<i32>} : memref<128xi32, #tpu.memory_space<vmem>>, vector<16xi32>,
      tpu.vector_store %arg13[%swap3A_122], %get3A_121 {strides = array<i32>} : memref<128xi32, #tpu.memory_space<vmem>>, vector<16xi32>,
      %get3A_124 = arith.constant 224 : index
      %get3A_125 = tpu.vector_load %arg8[%get3A_124] {strides = array<i32>} : memref<2048xi32, #tpu.memory_space<vmem>>, vector<16xi32>,
      %swap3A_126 = arith.constant 96 : index
      %swap3A_127 = tpu.vector_load %arg13[%swap3A_126] {strides = array<i32>} : memref<128xi32, #tpu.memory_space<vmem>>, vector<16xi32>,
      tpu.vector_store %arg13[%swap3A_126], %get3A_125 {strides = array<i32>} : memref<128xi32, #tpu.memory_space<vmem>>, vector<16xi32>,
      %get3A_128 = arith.constant 240 : index
      %get3A_129 = tpu.vector_load %arg8[%get3A_128] {strides = array<i32>} : memref<2048xi32, #tpu.memory_space<vmem>>, vector<16xi32>,
      %swap3A_130 = arith.constant 112 : index
      %swap3A_131 = tpu.vector_load %arg13[%swap3A_130] {strides = array<i32>} : memref<128xi32, #tpu.memory_space<vmem>>, vector<16xi32>,
      tpu.vector_store %arg13[%swap3A_130], %get3A_129 {strides = array<i32>} : memref<128xi32, #tpu.memory_space<vmem>>, vector<16xi32>,
      %dma_start3A_132 = arith.constant 0 : i32
      %dma_start3A_133 = arith.constant 0 : i32
      %dma_start3A_134 = tpu.memref_slice %arg2[%dma_start3A_132, %dma_start3A_133] : memref<160000x16xf32, #tpu.memory_space<hbm>> -> memref<160000x16xf32, #tpu.memory_space<hbm>>
      tpu.enqueue_indirect_dma source(%dma_start3A_134 : memref<160000x16xf32, #tpu.memory_space<hbm>>) target(%arg14 : memref<128x16xf32, #tpu.memory_space<vmem>>) offsets(%arg13 : memref<128xi32, #tpu.memory_space<vmem>>) semaphore(%arg16 : memref<!tpu.dma_semaphore, #tpu.memory_space<semaphore_mem>>)
      %dma_wait3A_135 = arith.constant 0 : i32
      %dma_wait3A_136 = arith.constant 0 : i32
      %dma_wait3A_137 = tpu.memref_slice %arg2[%dma_wait3A_135, %dma_wait3A_136] : memref<160000x16xf32, #tpu.memory_space<hbm>> -> memref<160000x16xf32, #tpu.memory_space<hbm>>
      tpu.wait_indirect_dma semaphore(%arg16 : memref<!tpu.dma_semaphore, #tpu.memory_space<semaphore_mem>>) src(%dma_wait3A_137 : memref<160000x16xf32, #tpu.memory_space<hbm>>) dst(%arg14 : memref<128x16xf32, #tpu.memory_space<vmem>>)
      %scan3A_138 = arith.constant 0 : i32
      %scan3A_139 = arith.constant 0 : i32
      %scan3A_140 = arith.constant 32 : i32
      %scan3A_141 = arith.addi %scan3A_139, %scan3A_140 : i32
      %scan3A_142 = arith.constant 1 : i32
      scf.for %scan3A_760 = %scan3A_139 to %scan3A_141 step %scan3A_142  : i32 {
        %mul3A_761 = arith.constant 4 : i32
        %mul3A_762 = arith.muli %scan3A_760, %mul3A_761 : i32
        %add3A_763 = arith.constant 0 : i32
        %add3A_764 = arith.addi %mul3A_762, %add3A_763 : i32
        %add3A_765 = arith.constant 128 : i32
        %add3A_766 = arith.addi %add3A_764, %add3A_765 : i32
        %broadcast_in_dim3A_767 = vector.broadcast %add3A_766 : i32 to vector<16xi32>
        %gather3A = tpu.vector_load_idx %arg10[%broadcast_in_dim3A_767] : memref<2048xi32, #tpu.memory_space<vmem>>[vector<16xi32>], vector<16xi32>,
        %gather3A_768 = tpu.vector_load_idx %arg12[%broadcast_in_dim3A_767] : memref<2048xf32, #tpu.memory_space<vmem>>[vector<16xi32>], vector<16xf32>,
        %mul3A_769 = arith.constant 4 : i32
        %mul3A_770 = arith.muli %scan3A_760, %mul3A_769 : i32
        %add3A_771 = arith.constant 0 : i32
        %add3A_772 = arith.addi %mul3A_770, %add3A_771 : i32
        %get3A_773 = arith.index_cast %add3A_772 : i32 to index
        %get3A_774 = arith.constant 0 : index
        %get3A_775 = tpu.vector_load %arg14[%get3A_773, %get3A_774] {strides = array<i32>} : memref<128x16xf32, #tpu.memory_space<vmem>>, vector<16xf32>,
        %mul3A_776 = arith.mulf %get3A_775, %gather3A_768 : vector<16xf32>
        %add3A_777 = arith.addi %gather3A, %iota3A : vector<16xi32>
        tpu.vector_store_idx %arg15[%add3A_777], %mul3A_776 {add = true} : memref<81920xf32, #tpu.memory_space<vmem>>[vector<16xi32>], vector<16xf32>,
        %mul3A_778 = arith.constant 4 : i32
        %mul3A_779 = arith.muli %scan3A_760, %mul3A_778 : i32
        %add3A_780 = arith.constant 1 : i32
        %add3A_781 = arith.addi %mul3A_779, %add3A_780 : i32
        %add3A_782 = arith.constant 128 : i32
        %add3A_783 = arith.addi %add3A_781, %add3A_782 : i32
        %broadcast_in_dim3A_784 = vector.broadcast %add3A_783 : i32 to vector<16xi32>
        %gather3A_785 = tpu.vector_load_idx %arg10[%broadcast_in_dim3A_784] : memref<2048xi32, #tpu.memory_space<vmem>>[vector<16xi32>], vector<16xi32>,
        %gather3A_786 = tpu.vector_load_idx %arg12[%broadcast_in_dim3A_784] : memref<2048xf32, #tpu.memory_space<vmem>>[vector<16xi32>], vector<16xf32>,
        %mul3A_787 = arith.constant 4 : i32
        %mul3A_788 = arith.muli %scan3A_760, %mul3A_787 : i32
        %add3A_789 = arith.constant 1 : i32
        %add3A_790 = arith.addi %mul3A_788, %add3A_789 : i32
        %get3A_791 = arith.index_cast %add3A_790 : i32 to index
        %get3A_792 = arith.constant 0 : index
        %get3A_793 = tpu.vector_load %arg14[%get3A_791, %get3A_792] {strides = array<i32>} : memref<128x16xf32, #tpu.memory_space<vmem>>, vector<16xf32>,
        %mul3A_794 = arith.mulf %get3A_793, %gather3A_786 : vector<16xf32>
        %add3A_795 = arith.addi %gather3A_785, %iota3A : vector<16xi32>
        tpu.vector_store_idx %arg15[%add3A_795], %mul3A_794 {add = true} : memref<81920xf32, #tpu.memory_space<vmem>>[vector<16xi32>], vector<16xf32>,
        %mul3A_796 = arith.constant 4 : i32
        %mul3A_797 = arith.muli %scan3A_760, %mul3A_796 : i32
        %add3A_798 = arith.constant 2 : i32
        %add3A_799 = arith.addi %mul3A_797, %add3A_798 : i32
        %add3A_800 = arith.constant 128 : i32
        %add3A_801 = arith.addi %add3A_799, %add3A_800 : i32
        %broadcast_in_dim3A_802 = vector.broadcast %add3A_801 : i32 to vector<16xi32>
        %gather3A_803 = tpu.vector_load_idx %arg10[%broadcast_in_dim3A_802] : memref<2048xi32, #tpu.memory_space<vmem>>[vector<16xi32>], vector<16xi32>,
        %gather3A_804 = tpu.vector_load_idx %arg12[%broadcast_in_dim3A_802] : memref<2048xf32, #tpu.memory_space<vmem>>[vector<16xi32>], vector<16xf32>,
        %mul3A_805 = arith.constant 4 : i32
        %mul3A_806 = arith.muli %scan3A_760, %mul3A_805 : i32
        %add3A_807 = arith.constant 2 : i32
        %add3A_808 = arith.addi %mul3A_806, %add3A_807 : i32
        %get3A_809 = arith.index_cast %add3A_808 : i32 to index
        %get3A_810 = arith.constant 0 : index
        %get3A_811 = tpu.vector_load %arg14[%get3A_809, %get3A_810] {strides = array<i32>} : memref<128x16xf32, #tpu.memory_space<vmem>>, vector<16xf32>,
        %mul3A_812 = arith.mulf %get3A_811, %gather3A_804 : vector<16xf32>
        %add3A_813 = arith.addi %gather3A_803, %iota3A : vector<16xi32>
        tpu.vector_store_idx %arg15[%add3A_813], %mul3A_812 {add = true} : memref<81920xf32, #tpu.memory_space<vmem>>[vector<16xi32>], vector<16xf32>,
        %mul3A_814 = arith.constant 4 : i32
        %mul3A_815 = arith.muli %scan3A_760, %mul3A_814 : i32
        %add3A_816 = arith.constant 3 : i32
        %add3A_817 = arith.addi %mul3A_815, %add3A_816 : i32
        %add3A_818 = arith.constant 128 : i32
        %add3A_819 = arith.addi %add3A_817, %add3A_818 : i32
        %broadcast_in_dim3A_820 = vector.broadcast %add3A_819 : i32 to vector<16xi32>
        %gather3A_821 = tpu.vector_load_idx %arg10[%broadcast_in_dim3A_820] : memref<2048xi32, #tpu.memory_space<vmem>>[vector<16xi32>], vector<16xi32>,
        %gather3A_822 = tpu.vector_load_idx %arg12[%broadcast_in_dim3A_820] : memref<2048xf32, #tpu.memory_space<vmem>>[vector<16xi32>], vector<16xf32>,
        %mul3A_823 = arith.constant 4 : i32
        %mul3A_824 = arith.muli %scan3A_760, %mul3A_823 : i32
        %add3A_825 = arith.constant 3 : i32
        %add3A_826 = arith.addi %mul3A_824, %add3A_825 : i32
        %get3A_827 = arith.index_cast %add3A_826 : i32 to index
        %get3A_828 = arith.constant 0 : index
        %get3A_829 = tpu.vector_load %arg14[%get3A_827, %get3A_828] {strides = array<i32>} : memref<128x16xf32, #tpu.memory_space<vmem>>, vector<16xf32>,
        %mul3A_830 = arith.mulf %get3A_829, %gather3A_822 : vector<16xf32>
        %add3A_831 = arith.addi %gather3A_821, %iota3A : vector<16xi32>
        tpu.vector_store_idx %arg15[%add3A_831], %mul3A_830 {add = true} : memref<81920xf32, #tpu.memory_space<vmem>>[vector<16xi32>], vector<16xf32>,
      }
      %scan3A_143 = arith.constant 32 : i32
      %get3A_144 = arith.constant 256 : index
      %get3A_145 = tpu.vector_load %arg8[%get3A_144] {strides = array<i32>} : memref<2048xi32, #tpu.memory_space<vmem>>, vector<16xi32>,
      %swap3A_146 = arith.constant 0 : index
      %swap3A_147 = tpu.vector_load %arg13[%swap3A_146] {strides = array<i32>} : memref<128xi32, #tpu.memory_space<vmem>>, vector<16xi32>,
      tpu.vector_store %arg13[%swap3A_146], %get3A_145 {strides = array<i32>} : memref<128xi32, #tpu.memory_space<vmem>>, vector<16xi32>,
      %get3A_148 = arith.constant 272 : index
      %get3A_149 = tpu.vector_load %arg8[%get3A_148] {strides = array<i32>} : memref<2048xi32, #tpu.memory_space<vmem>>, vector<16xi32>,
      %swap3A_150 = arith.constant 16 : index
      %swap3A_151 = tpu.vector_load %arg13[%swap3A_150] {strides = array<i32>} : memref<128xi32, #tpu.memory_space<vmem>>, vector<16xi32>,
      tpu.vector_store %arg13[%swap3A_150], %get3A_149 {strides = array<i32>} : memref<128xi32, #tpu.memory_space<vmem>>, vector<16xi32>,
      %get3A_152 = arith.constant 288 : index
      %get3A_153 = tpu.vector_load %arg8[%get3A_152] {strides = array<i32>} : memref<2048xi32, #tpu.memory_space<vmem>>, vector<16xi32>,
      %swap3A_154 = arith.constant 32 : index
      %swap3A_155 = tpu.vector_load %arg13[%swap3A_154] {strides = array<i32>} : memref<128xi32, #tpu.memory_space<vmem>>, vector<16xi32>,
      tpu.vector_store %arg13[%swap3A_154], %get3A_153 {strides = array<i32>} : memref<128xi32, #tpu.memory_space<vmem>>, vector<16xi32>,
      %get3A_156 = arith.constant 304 : index
      %get3A_157 = tpu.vector_load %arg8[%get3A_156] {strides = array<i32>} : memref<2048xi32, #tpu.memory_space<vmem>>, vector<16xi32>,
      %swap3A_158 = arith.constant 48 : index
      %swap3A_159 = tpu.vector_load %arg13[%swap3A_158] {strides = array<i32>} : memref<128xi32, #tpu.memory_space<vmem>>, vector<16xi32>,
      tpu.vector_store %arg13[%swap3A_158], %get3A_157 {strides = array<i32>} : memref<128xi32, #tpu.memory_space<vmem>>, vector<16xi32>,
      %get3A_160 = arith.constant 320 : index
      %get3A_161 = tpu.vector_load %arg8[%get3A_160] {strides = array<i32>} : memref<2048xi32, #tpu.memory_space<vmem>>, vector<16xi32>,
      %swap3A_162 = arith.constant 64 : index
      %swap3A_163 = tpu.vector_load %arg13[%swap3A_162] {strides = array<i32>} : memref<128xi32, #tpu.memory_space<vmem>>, vector<16xi32>,
      tpu.vector_store %arg13[%swap3A_162], %get3A_161 {strides = array<i32>} : memref<128xi32, #tpu.memory_space<vmem>>, vector<16xi32>,
      %get3A_164 = arith.constant 336 : index
      %get3A_165 = tpu.vector_load %arg8[%get3A_164] {strides = array<i32>} : memref<2048xi32, #tpu.memory_space<vmem>>, vector<16xi32>,
      %swap3A_166 = arith.constant 80 : index
      %swap3A_167 = tpu.vector_load %arg13[%swap3A_166] {strides = array<i32>} : memref<128xi32, #tpu.memory_space<vmem>>, vector<16xi32>,
      tpu.vector_store %arg13[%swap3A_166], %get3A_165 {strides = array<i32>} : memref<128xi32, #tpu.memory_space<vmem>>, vector<16xi32>,
      %get3A_168 = arith.constant 352 : index
      %get3A_169 = tpu.vector_load %arg8[%get3A_168] {strides = array<i32>} : memref<2048xi32, #tpu.memory_space<vmem>>, vector<16xi32>,
      %swap3A_170 = arith.constant 96 : index
      %swap3A_171 = tpu.vector_load %arg13[%swap3A_170] {strides = array<i32>} : memref<128xi32, #tpu.memory_space<vmem>>, vector<16xi32>,
      tpu.vector_store %arg13[%swap3A_170], %get3A_169 {strides = array<i32>} : memref<128xi32, #tpu.memory_space<vmem>>, vector<16xi32>,
      %get3A_172 = arith.constant 368 : index
      %get3A_173 = tpu.vector_load %arg8[%get3A_172] {strides = array<i32>} : memref<2048xi32, #tpu.memory_space<vmem>>, vector<16xi32>,
      %swap3A_174 = arith.constant 112 : index
      %swap3A_175 = tpu.vector_load %arg13[%swap3A_174] {strides = array<i32>} : memref<128xi32, #tpu.memory_space<vmem>>, vector<16xi32>,
      tpu.vector_store %arg13[%swap3A_174], %get3A_173 {strides = array<i32>} : memref<128xi32, #tpu.memory_space<vmem>>, vector<16xi32>,
      %dma_start3A_176 = arith.constant 0 : i32
      %dma_start3A_177 = arith.constant 0 : i32
      %dma_start3A_178 = tpu.memref_slice %arg2[%dma_start3A_176, %dma_start3A_177] : memref<160000x16xf32, #tpu.memory_space<hbm>> -> memref<160000x16xf32, #tpu.memory_space<hbm>>
      tpu.enqueue_indirect_dma source(%dma_start3A_178 : memref<160000x16xf32, #tpu.memory_space<hbm>>) target(%arg14 : memref<128x16xf32, #tpu.memory_space<vmem>>) offsets(%arg13 : memref<128xi32, #tpu.memory_space<vmem>>) semaphore(%arg16 : memref<!tpu.dma_semaphore, #tpu.memory_space<semaphore_mem>>)
      %dma_wait3A_179 = arith.constant 0 : i32
      %dma_wait3A_180 = arith.constant 0 : i32
      %dma_wait3A_181 = tpu.memref_slice %arg2[%dma_wait3A_179, %dma_wait3A_180] : memref<160000x16xf32, #tpu.memory_space<hbm>> -> memref<160000x16xf32, #tpu.memory_space<hbm>>
      tpu.wait_indirect_dma semaphore(%arg16 : memref<!tpu.dma_semaphore, #tpu.memory_space<semaphore_mem>>) src(%dma_wait3A_181 : memref<160000x16xf32, #tpu.memory_space<hbm>>) dst(%arg14 : memref<128x16xf32, #tpu.memory_space<vmem>>)
      %scan3A_182 = arith.constant 0 : i32
      %scan3A_183 = arith.constant 0 : i32
      %scan3A_184 = arith.constant 32 : i32
      %scan3A_185 = arith.addi %scan3A_183, %scan3A_184 : i32
      %scan3A_186 = arith.constant 1 : i32
      scf.for %scan3A_760 = %scan3A_183 to %scan3A_185 step %scan3A_186  : i32 {
        %mul3A_761 = arith.constant 4 : i32
        %mul3A_762 = arith.muli %scan3A_760, %mul3A_761 : i32
        %add3A_763 = arith.constant 0 : i32
        %add3A_764 = arith.addi %mul3A_762, %add3A_763 : i32
        %add3A_765 = arith.constant 256 : i32
        %add3A_766 = arith.addi %add3A_764, %add3A_765 : i32
        %broadcast_in_dim3A_767 = vector.broadcast %add3A_766 : i32 to vector<16xi32>
        %gather3A = tpu.vector_load_idx %arg10[%broadcast_in_dim3A_767] : memref<2048xi32, #tpu.memory_space<vmem>>[vector<16xi32>], vector<16xi32>,
        %gather3A_768 = tpu.vector_load_idx %arg12[%broadcast_in_dim3A_767] : memref<2048xf32, #tpu.memory_space<vmem>>[vector<16xi32>], vector<16xf32>,
        %mul3A_769 = arith.constant 4 : i32
        %mul3A_770 = arith.muli %scan3A_760, %mul3A_769 : i32
        %add3A_771 = arith.constant 0 : i32
        %add3A_772 = arith.addi %mul3A_770, %add3A_771 : i32
        %get3A_773 = arith.index_cast %add3A_772 : i32 to index
        %get3A_774 = arith.constant 0 : index
        %get3A_775 = tpu.vector_load %arg14[%get3A_773, %get3A_774] {strides = array<i32>} : memref<128x16xf32, #tpu.memory_space<vmem>>, vector<16xf32>,
        %mul3A_776 = arith.mulf %get3A_775, %gather3A_768 : vector<16xf32>
        %add3A_777 = arith.addi %gather3A, %iota3A : vector<16xi32>
        tpu.vector_store_idx %arg15[%add3A_777], %mul3A_776 {add = true} : memref<81920xf32, #tpu.memory_space<vmem>>[vector<16xi32>], vector<16xf32>,
        %mul3A_778 = arith.constant 4 : i32
        %mul3A_779 = arith.muli %scan3A_760, %mul3A_778 : i32
        %add3A_780 = arith.constant 1 : i32
        %add3A_781 = arith.addi %mul3A_779, %add3A_780 : i32
        %add3A_782 = arith.constant 256 : i32
        %add3A_783 = arith.addi %add3A_781, %add3A_782 : i32
        %broadcast_in_dim3A_784 = vector.broadcast %add3A_783 : i32 to vector<16xi32>
        %gather3A_785 = tpu.vector_load_idx %arg10[%broadcast_in_dim3A_784] : memref<2048xi32, #tpu.memory_space<vmem>>[vector<16xi32>], vector<16xi32>,
        %gather3A_786 = tpu.vector_load_idx %arg12[%broadcast_in_dim3A_784] : memref<2048xf32, #tpu.memory_space<vmem>>[vector<16xi32>], vector<16xf32>,
        %mul3A_787 = arith.constant 4 : i32
        %mul3A_788 = arith.muli %scan3A_760, %mul3A_787 : i32
        %add3A_789 = arith.constant 1 : i32
        %add3A_790 = arith.addi %mul3A_788, %add3A_789 : i32
        %get3A_791 = arith.index_cast %add3A_790 : i32 to index
        %get3A_792 = arith.constant 0 : index
        %get3A_793 = tpu.vector_load %arg14[%get3A_791, %get3A_792] {strides = array<i32>} : memref<128x16xf32, #tpu.memory_space<vmem>>, vector<16xf32>,
        %mul3A_794 = arith.mulf %get3A_793, %gather3A_786 : vector<16xf32>
        %add3A_795 = arith.addi %gather3A_785, %iota3A : vector<16xi32>
        tpu.vector_store_idx %arg15[%add3A_795], %mul3A_794 {add = true} : memref<81920xf32, #tpu.memory_space<vmem>>[vector<16xi32>], vector<16xf32>,
        %mul3A_796 = arith.constant 4 : i32
        %mul3A_797 = arith.muli %scan3A_760, %mul3A_796 : i32
        %add3A_798 = arith.constant 2 : i32
        %add3A_799 = arith.addi %mul3A_797, %add3A_798 : i32
        %add3A_800 = arith.constant 256 : i32
        %add3A_801 = arith.addi %add3A_799, %add3A_800 : i32
        %broadcast_in_dim3A_802 = vector.broadcast %add3A_801 : i32 to vector<16xi32>
        %gather3A_803 = tpu.vector_load_idx %arg10[%broadcast_in_dim3A_802] : memref<2048xi32, #tpu.memory_space<vmem>>[vector<16xi32>], vector<16xi32>,
        %gather3A_804 = tpu.vector_load_idx %arg12[%broadcast_in_dim3A_802] : memref<2048xf32, #tpu.memory_space<vmem>>[vector<16xi32>], vector<16xf32>,
        %mul3A_805 = arith.constant 4 : i32
        %mul3A_806 = arith.muli %scan3A_760, %mul3A_805 : i32
        %add3A_807 = arith.constant 2 : i32
        %add3A_808 = arith.addi %mul3A_806, %add3A_807 : i32
        %get3A_809 = arith.index_cast %add3A_808 : i32 to index
        %get3A_810 = arith.constant 0 : index
        %get3A_811 = tpu.vector_load %arg14[%get3A_809, %get3A_810] {strides = array<i32>} : memref<128x16xf32, #tpu.memory_space<vmem>>, vector<16xf32>,
        %mul3A_812 = arith.mulf %get3A_811, %gather3A_804 : vector<16xf32>
        %add3A_813 = arith.addi %gather3A_803, %iota3A : vector<16xi32>
        tpu.vector_store_idx %arg15[%add3A_813], %mul3A_812 {add = true} : memref<81920xf32, #tpu.memory_space<vmem>>[vector<16xi32>], vector<16xf32>,
        %mul3A_814 = arith.constant 4 : i32
        %mul3A_815 = arith.muli %scan3A_760, %mul3A_814 : i32
        %add3A_816 = arith.constant 3 : i32
        %add3A_817 = arith.addi %mul3A_815, %add3A_816 : i32
        %add3A_818 = arith.constant 256 : i32
        %add3A_819 = arith.addi %add3A_817, %add3A_818 : i32
        %broadcast_in_dim3A_820 = vector.broadcast %add3A_819 : i32 to vector<16xi32>
        %gather3A_821 = tpu.vector_load_idx %arg10[%broadcast_in_dim3A_820] : memref<2048xi32, #tpu.memory_space<vmem>>[vector<16xi32>], vector<16xi32>,
        %gather3A_822 = tpu.vector_load_idx %arg12[%broadcast_in_dim3A_820] : memref<2048xf32, #tpu.memory_space<vmem>>[vector<16xi32>], vector<16xf32>,
        %mul3A_823 = arith.constant 4 : i32
        %mul3A_824 = arith.muli %scan3A_760, %mul3A_823 : i32
        %add3A_825 = arith.constant 3 : i32
        %add3A_826 = arith.addi %mul3A_824, %add3A_825 : i32
        %get3A_827 = arith.index_cast %add3A_826 : i32 to index
        %get3A_828 = arith.constant 0 : index
        %get3A_829 = tpu.vector_load %arg14[%get3A_827, %get3A_828] {strides = array<i32>} : memref<128x16xf32, #tpu.memory_space<vmem>>, vector<16xf32>,
        %mul3A_830 = arith.mulf %get3A_829, %gather3A_822 : vector<16xf32>
        %add3A_831 = arith.addi %gather3A_821, %iota3A : vector<16xi32>
        tpu.vector_store_idx %arg15[%add3A_831], %mul3A_830 {add = true} : memref<81920xf32, #tpu.memory_space<vmem>>[vector<16xi32>], vector<16xf32>,
      }
      %scan3A_187 = arith.constant 32 : i32
      %get3A_188 = arith.constant 384 : index
      %get3A_189 = tpu.vector_load %arg8[%get3A_188] {strides = array<i32>} : memref<2048xi32, #tpu.memory_space<vmem>>, vector<16xi32>,
      %swap3A_190 = arith.constant 0 : index
      %swap3A_191 = tpu.vector_load %arg13[%swap3A_190] {strides = array<i32>} : memref<128xi32, #tpu.memory_space<vmem>>, vector<16xi32>,
      tpu.vector_store %arg13[%swap3A_190], %get3A_189 {strides = array<i32>} : memref<128xi32, #tpu.memory_space<vmem>>, vector<16xi32>,
      %get3A_192 = arith.constant 400 : index
      %get3A_193 = tpu.vector_load %arg8[%get3A_192] {strides = array<i32>} : memref<2048xi32, #tpu.memory_space<vmem>>, vector<16xi32>,
      %swap3A_194 = arith.constant 16 : index
      %swap3A_195 = tpu.vector_load %arg13[%swap3A_194] {strides = array<i32>} : memref<128xi32, #tpu.memory_space<vmem>>, vector<16xi32>,
      tpu.vector_store %arg13[%swap3A_194], %get3A_193 {strides = array<i32>} : memref<128xi32, #tpu.memory_space<vmem>>, vector<16xi32>,
      %get3A_196 = arith.constant 416 : index
      %get3A_197 = tpu.vector_load %arg8[%get3A_196] {strides = array<i32>} : memref<2048xi32, #tpu.memory_space<vmem>>, vector<16xi32>,
      %swap3A_198 = arith.constant 32 : index
      %swap3A_199 = tpu.vector_load %arg13[%swap3A_198] {strides = array<i32>} : memref<128xi32, #tpu.memory_space<vmem>>, vector<16xi32>,
      tpu.vector_store %arg13[%swap3A_198], %get3A_197 {strides = array<i32>} : memref<128xi32, #tpu.memory_space<vmem>>, vector<16xi32>,
      %get3A_200 = arith.constant 432 : index
      %get3A_201 = tpu.vector_load %arg8[%get3A_200] {strides = array<i32>} : memref<2048xi32, #tpu.memory_space<vmem>>, vector<16xi32>,
      %swap3A_202 = arith.constant 48 : index
      %swap3A_203 = tpu.vector_load %arg13[%swap3A_202] {strides = array<i32>} : memref<128xi32, #tpu.memory_space<vmem>>, vector<16xi32>,
      tpu.vector_store %arg13[%swap3A_202], %get3A_201 {strides = array<i32>} : memref<128xi32, #tpu.memory_space<vmem>>, vector<16xi32>,
      %get3A_204 = arith.constant 448 : index
      %get3A_205 = tpu.vector_load %arg8[%get3A_204] {strides = array<i32>} : memref<2048xi32, #tpu.memory_space<vmem>>, vector<16xi32>,
      %swap3A_206 = arith.constant 64 : index
      %swap3A_207 = tpu.vector_load %arg13[%swap3A_206] {strides = array<i32>} : memref<128xi32, #tpu.memory_space<vmem>>, vector<16xi32>,
      tpu.vector_store %arg13[%swap3A_206], %get3A_205 {strides = array<i32>} : memref<128xi32, #tpu.memory_space<vmem>>, vector<16xi32>,
      %get3A_208 = arith.constant 464 : index
      %get3A_209 = tpu.vector_load %arg8[%get3A_208] {strides = array<i32>} : memref<2048xi32, #tpu.memory_space<vmem>>, vector<16xi32>,
      %swap3A_210 = arith.constant 80 : index
      %swap3A_211 = tpu.vector_load %arg13[%swap3A_210] {strides = array<i32>} : memref<128xi32, #tpu.memory_space<vmem>>, vector<16xi32>,
      tpu.vector_store %arg13[%swap3A_210], %get3A_209 {strides = array<i32>} : memref<128xi32, #tpu.memory_space<vmem>>, vector<16xi32>,
      %get3A_212 = arith.constant 480 : index
      %get3A_213 = tpu.vector_load %arg8[%get3A_212] {strides = array<i32>} : memref<2048xi32, #tpu.memory_space<vmem>>, vector<16xi32>,
      %swap3A_214 = arith.constant 96 : index
      %swap3A_215 = tpu.vector_load %arg13[%swap3A_214] {strides = array<i32>} : memref<128xi32, #tpu.memory_space<vmem>>, vector<16xi32>,
      tpu.vector_store %arg13[%swap3A_214], %get3A_213 {strides = array<i32>} : memref<128xi32, #tpu.memory_space<vmem>>, vector<16xi32>,
      %get3A_216 = arith.constant 496 : index
      %get3A_217 = tpu.vector_load %arg8[%get3A_216] {strides = array<i32>} : memref<2048xi32, #tpu.memory_space<vmem>>, vector<16xi32>,
      %swap3A_218 = arith.constant 112 : index
      %swap3A_219 = tpu.vector_load %arg13[%swap3A_218] {strides = array<i32>} : memref<128xi32, #tpu.memory_space<vmem>>, vector<16xi32>,
      tpu.vector_store %arg13[%swap3A_218], %get3A_217 {strides = array<i32>} : memref<128xi32, #tpu.memory_space<vmem>>, vector<16xi32>,
      %dma_start3A_220 = arith.constant 0 : i32
      %dma_start3A_221 = arith.constant 0 : i32
      %dma_start3A_222 = tpu.memref_slice %arg2[%dma_start3A_220, %dma_start3A_221] : memref<160000x16xf32, #tpu.memory_space<hbm>> -> memref<160000x16xf32, #tpu.memory_space<hbm>>
      tpu.enqueue_indirect_dma source(%dma_start3A_222 : memref<160000x16xf32, #tpu.memory_space<hbm>>) target(%arg14 : memref<128x16xf32, #tpu.memory_space<vmem>>) offsets(%arg13 : memref<128xi32, #tpu.memory_space<vmem>>) semaphore(%arg16 : memref<!tpu.dma_semaphore, #tpu.memory_space<semaphore_mem>>)
      %dma_wait3A_223 = arith.constant 0 : i32
      %dma_wait3A_224 = arith.constant 0 : i32
      %dma_wait3A_225 = tpu.memref_slice %arg2[%dma_wait3A_223, %dma_wait3A_224] : memref<160000x16xf32, #tpu.memory_space<hbm>> -> memref<160000x16xf32, #tpu.memory_space<hbm>>
      tpu.wait_indirect_dma semaphore(%arg16 : memref<!tpu.dma_semaphore, #tpu.memory_space<semaphore_mem>>) src(%dma_wait3A_225 : memref<160000x16xf32, #tpu.memory_space<hbm>>) dst(%arg14 : memref<128x16xf32, #tpu.memory_space<vmem>>)
      %scan3A_226 = arith.constant 0 : i32
      %scan3A_227 = arith.constant 0 : i32
      %scan3A_228 = arith.constant 32 : i32
      %scan3A_229 = arith.addi %scan3A_227, %scan3A_228 : i32
      %scan3A_230 = arith.constant 1 : i32
      scf.for %scan3A_760 = %scan3A_227 to %scan3A_229 step %scan3A_230  : i32 {
        %mul3A_761 = arith.constant 4 : i32
        %mul3A_762 = arith.muli %scan3A_760, %mul3A_761 : i32
        %add3A_763 = arith.constant 0 : i32
        %add3A_764 = arith.addi %mul3A_762, %add3A_763 : i32
        %add3A_765 = arith.constant 384 : i32
        %add3A_766 = arith.addi %add3A_764, %add3A_765 : i32
        %broadcast_in_dim3A_767 = vector.broadcast %add3A_766 : i32 to vector<16xi32>
        %gather3A = tpu.vector_load_idx %arg10[%broadcast_in_dim3A_767] : memref<2048xi32, #tpu.memory_space<vmem>>[vector<16xi32>], vector<16xi32>,
        %gather3A_768 = tpu.vector_load_idx %arg12[%broadcast_in_dim3A_767] : memref<2048xf32, #tpu.memory_space<vmem>>[vector<16xi32>], vector<16xf32>,
        %mul3A_769 = arith.constant 4 : i32
        %mul3A_770 = arith.muli %scan3A_760, %mul3A_769 : i32
        %add3A_771 = arith.constant 0 : i32
        %add3A_772 = arith.addi %mul3A_770, %add3A_771 : i32
        %get3A_773 = arith.index_cast %add3A_772 : i32 to index
        %get3A_774 = arith.constant 0 : index
        %get3A_775 = tpu.vector_load %arg14[%get3A_773, %get3A_774] {strides = array<i32>} : memref<128x16xf32, #tpu.memory_space<vmem>>, vector<16xf32>,
        %mul3A_776 = arith.mulf %get3A_775, %gather3A_768 : vector<16xf32>
        %add3A_777 = arith.addi %gather3A, %iota3A : vector<16xi32>
        tpu.vector_store_idx %arg15[%add3A_777], %mul3A_776 {add = true} : memref<81920xf32, #tpu.memory_space<vmem>>[vector<16xi32>], vector<16xf32>,
        %mul3A_778 = arith.constant 4 : i32
        %mul3A_779 = arith.muli %scan3A_760, %mul3A_778 : i32
        %add3A_780 = arith.constant 1 : i32
        %add3A_781 = arith.addi %mul3A_779, %add3A_780 : i32
        %add3A_782 = arith.constant 384 : i32
        %add3A_783 = arith.addi %add3A_781, %add3A_782 : i32
        %broadcast_in_dim3A_784 = vector.broadcast %add3A_783 : i32 to vector<16xi32>
        %gather3A_785 = tpu.vector_load_idx %arg10[%broadcast_in_dim3A_784] : memref<2048xi32, #tpu.memory_space<vmem>>[vector<16xi32>], vector<16xi32>,
        %gather3A_786 = tpu.vector_load_idx %arg12[%broadcast_in_dim3A_784] : memref<2048xf32, #tpu.memory_space<vmem>>[vector<16xi32>], vector<16xf32>,
        %mul3A_787 = arith.constant 4 : i32
        %mul3A_788 = arith.muli %scan3A_760, %mul3A_787 : i32
        %add3A_789 = arith.constant 1 : i32
        %add3A_790 = arith.addi %mul3A_788, %add3A_789 : i32
        %get3A_791 = arith.index_cast %add3A_790 : i32 to index
        %get3A_792 = arith.constant 0 : index
        %get3A_793 = tpu.vector_load %arg14[%get3A_791, %get3A_792] {strides = array<i32>} : memref<128x16xf32, #tpu.memory_space<vmem>>, vector<16xf32>,
        %mul3A_794 = arith.mulf %get3A_793, %gather3A_786 : vector<16xf32>
        %add3A_795 = arith.addi %gather3A_785, %iota3A : vector<16xi32>
        tpu.vector_store_idx %arg15[%add3A_795], %mul3A_794 {add = true} : memref<81920xf32, #tpu.memory_space<vmem>>[vector<16xi32>], vector<16xf32>,
        %mul3A_796 = arith.constant 4 : i32
        %mul3A_797 = arith.muli %scan3A_760, %mul3A_796 : i32
        %add3A_798 = arith.constant 2 : i32
        %add3A_799 = arith.addi %mul3A_797, %add3A_798 : i32
        %add3A_800 = arith.constant 384 : i32
        %add3A_801 = arith.addi %add3A_799, %add3A_800 : i32
        %broadcast_in_dim3A_802 = vector.broadcast %add3A_801 : i32 to vector<16xi32>
        %gather3A_803 = tpu.vector_load_idx %arg10[%broadcast_in_dim3A_802] : memref<2048xi32, #tpu.memory_space<vmem>>[vector<16xi32>], vector<16xi32>,
        %gather3A_804 = tpu.vector_load_idx %arg12[%broadcast_in_dim3A_802] : memref<2048xf32, #tpu.memory_space<vmem>>[vector<16xi32>], vector<16xf32>,
        %mul3A_805 = arith.constant 4 : i32
        %mul3A_806 = arith.muli %scan3A_760, %mul3A_805 : i32
        %add3A_807 = arith.constant 2 : i32
        %add3A_808 = arith.addi %mul3A_806, %add3A_807 : i32
        %get3A_809 = arith.index_cast %add3A_808 : i32 to index
        %get3A_810 = arith.constant 0 : index
        %get3A_811 = tpu.vector_load %arg14[%get3A_809, %get3A_810] {strides = array<i32>} : memref<128x16xf32, #tpu.memory_space<vmem>>, vector<16xf32>,
        %mul3A_812 = arith.mulf %get3A_811, %gather3A_804 : vector<16xf32>
        %add3A_813 = arith.addi %gather3A_803, %iota3A : vector<16xi32>
        tpu.vector_store_idx %arg15[%add3A_813], %mul3A_812 {add = true} : memref<81920xf32, #tpu.memory_space<vmem>>[vector<16xi32>], vector<16xf32>,
        %mul3A_814 = arith.constant 4 : i32
        %mul3A_815 = arith.muli %scan3A_760, %mul3A_814 : i32
        %add3A_816 = arith.constant 3 : i32
        %add3A_817 = arith.addi %mul3A_815, %add3A_816 : i32
        %add3A_818 = arith.constant 384 : i32
        %add3A_819 = arith.addi %add3A_817, %add3A_818 : i32
        %broadcast_in_dim3A_820 = vector.broadcast %add3A_819 : i32 to vector<16xi32>
        %gather3A_821 = tpu.vector_load_idx %arg10[%broadcast_in_dim3A_820] : memref<2048xi32, #tpu.memory_space<vmem>>[vector<16xi32>], vector<16xi32>,
        %gather3A_822 = tpu.vector_load_idx %arg12[%broadcast_in_dim3A_820] : memref<2048xf32, #tpu.memory_space<vmem>>[vector<16xi32>], vector<16xf32>,
        %mul3A_823 = arith.constant 4 : i32
        %mul3A_824 = arith.muli %scan3A_760, %mul3A_823 : i32
        %add3A_825 = arith.constant 3 : i32
        %add3A_826 = arith.addi %mul3A_824, %add3A_825 : i32
        %get3A_827 = arith.index_cast %add3A_826 : i32 to index
        %get3A_828 = arith.constant 0 : index
        %get3A_829 = tpu.vector_load %arg14[%get3A_827, %get3A_828] {strides = array<i32>} : memref<128x16xf32, #tpu.memory_space<vmem>>, vector<16xf32>,
        %mul3A_830 = arith.mulf %get3A_829, %gather3A_822 : vector<16xf32>
        %add3A_831 = arith.addi %gather3A_821, %iota3A : vector<16xi32>
        tpu.vector_store_idx %arg15[%add3A_831], %mul3A_830 {add = true} : memref<81920xf32, #tpu.memory_space<vmem>>[vector<16xi32>], vector<16xf32>,
      }
      %scan3A_231 = arith.constant 32 : i32
      %get3A_232 = arith.constant 512 : index
      %get3A_233 = tpu.vector_load %arg8[%get3A_232] {strides = array<i32>} : memref<2048xi32, #tpu.memory_space<vmem>>, vector<16xi32>,
      %swap3A_234 = arith.constant 0 : index
      %swap3A_235 = tpu.vector_load %arg13[%swap3A_234] {strides = array<i32>} : memref<128xi32, #tpu.memory_space<vmem>>, vector<16xi32>,
      tpu.vector_store %arg13[%swap3A_234], %get3A_233 {strides = array<i32>} : memref<128xi32, #tpu.memory_space<vmem>>, vector<16xi32>,
      %get3A_236 = arith.constant 528 : index
      %get3A_237 = tpu.vector_load %arg8[%get3A_236] {strides = array<i32>} : memref<2048xi32, #tpu.memory_space<vmem>>, vector<16xi32>,
      %swap3A_238 = arith.constant 16 : index
      %swap3A_239 = tpu.vector_load %arg13[%swap3A_238] {strides = array<i32>} : memref<128xi32, #tpu.memory_space<vmem>>, vector<16xi32>,
      tpu.vector_store %arg13[%swap3A_238], %get3A_237 {strides = array<i32>} : memref<128xi32, #tpu.memory_space<vmem>>, vector<16xi32>,
      %get3A_240 = arith.constant 544 : index
      %get3A_241 = tpu.vector_load %arg8[%get3A_240] {strides = array<i32>} : memref<2048xi32, #tpu.memory_space<vmem>>, vector<16xi32>,
      %swap3A_242 = arith.constant 32 : index
      %swap3A_243 = tpu.vector_load %arg13[%swap3A_242] {strides = array<i32>} : memref<128xi32, #tpu.memory_space<vmem>>, vector<16xi32>,
      tpu.vector_store %arg13[%swap3A_242], %get3A_241 {strides = array<i32>} : memref<128xi32, #tpu.memory_space<vmem>>, vector<16xi32>,
      %get3A_244 = arith.constant 560 : index
      %get3A_245 = tpu.vector_load %arg8[%get3A_244] {strides = array<i32>} : memref<2048xi32, #tpu.memory_space<vmem>>, vector<16xi32>,
      %swap3A_246 = arith.constant 48 : index
      %swap3A_247 = tpu.vector_load %arg13[%swap3A_246] {strides = array<i32>} : memref<128xi32, #tpu.memory_space<vmem>>, vector<16xi32>,
      tpu.vector_store %arg13[%swap3A_246], %get3A_245 {strides = array<i32>} : memref<128xi32, #tpu.memory_space<vmem>>, vector<16xi32>,
      %get3A_248 = arith.constant 576 : index
      %get3A_249 = tpu.vector_load %arg8[%get3A_248] {strides = array<i32>} : memref<2048xi32, #tpu.memory_space<vmem>>, vector<16xi32>,
      %swap3A_250 = arith.constant 64 : index
      %swap3A_251 = tpu.vector_load %arg13[%swap3A_250] {strides = array<i32>} : memref<128xi32, #tpu.memory_space<vmem>>, vector<16xi32>,
      tpu.vector_store %arg13[%swap3A_250], %get3A_249 {strides = array<i32>} : memref<128xi32, #tpu.memory_space<vmem>>, vector<16xi32>,
      %get3A_252 = arith.constant 592 : index
      %get3A_253 = tpu.vector_load %arg8[%get3A_252] {strides = array<i32>} : memref<2048xi32, #tpu.memory_space<vmem>>, vector<16xi32>,
      %swap3A_254 = arith.constant 80 : index
      %swap3A_255 = tpu.vector_load %arg13[%swap3A_254] {strides = array<i32>} : memref<128xi32, #tpu.memory_space<vmem>>, vector<16xi32>,
      tpu.vector_store %arg13[%swap3A_254], %get3A_253 {strides = array<i32>} : memref<128xi32, #tpu.memory_space<vmem>>, vector<16xi32>,
      %get3A_256 = arith.constant 608 : index
      %get3A_257 = tpu.vector_load %arg8[%get3A_256] {strides = array<i32>} : memref<2048xi32, #tpu.memory_space<vmem>>, vector<16xi32>,
      %swap3A_258 = arith.constant 96 : index
      %swap3A_259 = tpu.vector_load %arg13[%swap3A_258] {strides = array<i32>} : memref<128xi32, #tpu.memory_space<vmem>>, vector<16xi32>,
      tpu.vector_store %arg13[%swap3A_258], %get3A_257 {strides = array<i32>} : memref<128xi32, #tpu.memory_space<vmem>>, vector<16xi32>,
      %get3A_260 = arith.constant 624 : index
      %get3A_261 = tpu.vector_load %arg8[%get3A_260] {strides = array<i32>} : memref<2048xi32, #tpu.memory_space<vmem>>, vector<16xi32>,
      %swap3A_262 = arith.constant 112 : index
      %swap3A_263 = tpu.vector_load %arg13[%swap3A_262] {strides = array<i32>} : memref<128xi32, #tpu.memory_space<vmem>>, vector<16xi32>,
      tpu.vector_store %arg13[%swap3A_262], %get3A_261 {strides = array<i32>} : memref<128xi32, #tpu.memory_space<vmem>>, vector<16xi32>,
      %dma_start3A_264 = arith.constant 0 : i32
      %dma_start3A_265 = arith.constant 0 : i32
      %dma_start3A_266 = tpu.memref_slice %arg2[%dma_start3A_264, %dma_start3A_265] : memref<160000x16xf32, #tpu.memory_space<hbm>> -> memref<160000x16xf32, #tpu.memory_space<hbm>>
      tpu.enqueue_indirect_dma source(%dma_start3A_266 : memref<160000x16xf32, #tpu.memory_space<hbm>>) target(%arg14 : memref<128x16xf32, #tpu.memory_space<vmem>>) offsets(%arg13 : memref<128xi32, #tpu.memory_space<vmem>>) semaphore(%arg16 : memref<!tpu.dma_semaphore, #tpu.memory_space<semaphore_mem>>)
      %dma_wait3A_267 = arith.constant 0 : i32
      %dma_wait3A_268 = arith.constant 0 : i32
      %dma_wait3A_269 = tpu.memref_slice %arg2[%dma_wait3A_267, %dma_wait3A_268] : memref<160000x16xf32, #tpu.memory_space<hbm>> -> memref<160000x16xf32, #tpu.memory_space<hbm>>
      tpu.wait_indirect_dma semaphore(%arg16 : memref<!tpu.dma_semaphore, #tpu.memory_space<semaphore_mem>>) src(%dma_wait3A_269 : memref<160000x16xf32, #tpu.memory_space<hbm>>) dst(%arg14 : memref<128x16xf32, #tpu.memory_space<vmem>>)
      %scan3A_270 = arith.constant 0 : i32
      %scan3A_271 = arith.constant 0 : i32
      %scan3A_272 = arith.constant 32 : i32
      %scan3A_273 = arith.addi %scan3A_271, %scan3A_272 : i32
      %scan3A_274 = arith.constant 1 : i32
      scf.for %scan3A_760 = %scan3A_271 to %scan3A_273 step %scan3A_274  : i32 {
        %mul3A_761 = arith.constant 4 : i32
        %mul3A_762 = arith.muli %scan3A_760, %mul3A_761 : i32
        %add3A_763 = arith.constant 0 : i32
        %add3A_764 = arith.addi %mul3A_762, %add3A_763 : i32
        %add3A_765 = arith.constant 512 : i32
        %add3A_766 = arith.addi %add3A_764, %add3A_765 : i32
        %broadcast_in_dim3A_767 = vector.broadcast %add3A_766 : i32 to vector<16xi32>
        %gather3A = tpu.vector_load_idx %arg10[%broadcast_in_dim3A_767] : memref<2048xi32, #tpu.memory_space<vmem>>[vector<16xi32>], vector<16xi32>,
        %gather3A_768 = tpu.vector_load_idx %arg12[%broadcast_in_dim3A_767] : memref<2048xf32, #tpu.memory_space<vmem>>[vector<16xi32>], vector<16xf32>,
        %mul3A_769 = arith.constant 4 : i32
        %mul3A_770 = arith.muli %scan3A_760, %mul3A_769 : i32
        %add3A_771 = arith.constant 0 : i32
        %add3A_772 = arith.addi %mul3A_770, %add3A_771 : i32
        %get3A_773 = arith.index_cast %add3A_772 : i32 to index
        %get3A_774 = arith.constant 0 : index
        %get3A_775 = tpu.vector_load %arg14[%get3A_773, %get3A_774] {strides = array<i32>} : memref<128x16xf32, #tpu.memory_space<vmem>>, vector<16xf32>,
        %mul3A_776 = arith.mulf %get3A_775, %gather3A_768 : vector<16xf32>
        %add3A_777 = arith.addi %gather3A, %iota3A : vector<16xi32>
        tpu.vector_store_idx %arg15[%add3A_777], %mul3A_776 {add = true} : memref<81920xf32, #tpu.memory_space<vmem>>[vector<16xi32>], vector<16xf32>,
        %mul3A_778 = arith.constant 4 : i32
        %mul3A_779 = arith.muli %scan3A_760, %mul3A_778 : i32
        %add3A_780 = arith.constant 1 : i32
        %add3A_781 = arith.addi %mul3A_779, %add3A_780 : i32
        %add3A_782 = arith.constant 512 : i32
        %add3A_783 = arith.addi %add3A_781, %add3A_782 : i32
        %broadcast_in_dim3A_784 = vector.broadcast %add3A_783 : i32 to vector<16xi32>
        %gather3A_785 = tpu.vector_load_idx %arg10[%broadcast_in_dim3A_784] : memref<2048xi32, #tpu.memory_space<vmem>>[vector<16xi32>], vector<16xi32>,
        %gather3A_786 = tpu.vector_load_idx %arg12[%broadcast_in_dim3A_784] : memref<2048xf32, #tpu.memory_space<vmem>>[vector<16xi32>], vector<16xf32>,
        %mul3A_787 = arith.constant 4 : i32
        %mul3A_788 = arith.muli %scan3A_760, %mul3A_787 : i32
        %add3A_789 = arith.constant 1 : i32
        %add3A_790 = arith.addi %mul3A_788, %add3A_789 : i32
        %get3A_791 = arith.index_cast %add3A_790 : i32 to index
        %get3A_792 = arith.constant 0 : index
        %get3A_793 = tpu.vector_load %arg14[%get3A_791, %get3A_792] {strides = array<i32>} : memref<128x16xf32, #tpu.memory_space<vmem>>, vector<16xf32>,
        %mul3A_794 = arith.mulf %get3A_793, %gather3A_786 : vector<16xf32>
        %add3A_795 = arith.addi %gather3A_785, %iota3A : vector<16xi32>
        tpu.vector_store_idx %arg15[%add3A_795], %mul3A_794 {add = true} : memref<81920xf32, #tpu.memory_space<vmem>>[vector<16xi32>], vector<16xf32>,
        %mul3A_796 = arith.constant 4 : i32
        %mul3A_797 = arith.muli %scan3A_760, %mul3A_796 : i32
        %add3A_798 = arith.constant 2 : i32
        %add3A_799 = arith.addi %mul3A_797, %add3A_798 : i32
        %add3A_800 = arith.constant 512 : i32
        %add3A_801 = arith.addi %add3A_799, %add3A_800 : i32
        %broadcast_in_dim3A_802 = vector.broadcast %add3A_801 : i32 to vector<16xi32>
        %gather3A_803 = tpu.vector_load_idx %arg10[%broadcast_in_dim3A_802] : memref<2048xi32, #tpu.memory_space<vmem>>[vector<16xi32>], vector<16xi32>,
        %gather3A_804 = tpu.vector_load_idx %arg12[%broadcast_in_dim3A_802] : memref<2048xf32, #tpu.memory_space<vmem>>[vector<16xi32>], vector<16xf32>,
        %mul3A_805 = arith.constant 4 : i32
        %mul3A_806 = arith.muli %scan3A_760, %mul3A_805 : i32
        %add3A_807 = arith.constant 2 : i32
        %add3A_808 = arith.addi %mul3A_806, %add3A_807 : i32
        %get3A_809 = arith.index_cast %add3A_808 : i32 to index
        %get3A_810 = arith.constant 0 : index
        %get3A_811 = tpu.vector_load %arg14[%get3A_809, %get3A_810] {strides = array<i32>} : memref<128x16xf32, #tpu.memory_space<vmem>>, vector<16xf32>,
        %mul3A_812 = arith.mulf %get3A_811, %gather3A_804 : vector<16xf32>
        %add3A_813 = arith.addi %gather3A_803, %iota3A : vector<16xi32>
        tpu.vector_store_idx %arg15[%add3A_813], %mul3A_812 {add = true} : memref<81920xf32, #tpu.memory_space<vmem>>[vector<16xi32>], vector<16xf32>,
        %mul3A_814 = arith.constant 4 : i32
        %mul3A_815 = arith.muli %scan3A_760, %mul3A_814 : i32
        %add3A_816 = arith.constant 3 : i32
        %add3A_817 = arith.addi %mul3A_815, %add3A_816 : i32
        %add3A_818 = arith.constant 512 : i32
        %add3A_819 = arith.addi %add3A_817, %add3A_818 : i32
        %broadcast_in_dim3A_820 = vector.broadcast %add3A_819 : i32 to vector<16xi32>
        %gather3A_821 = tpu.vector_load_idx %arg10[%broadcast_in_dim3A_820] : memref<2048xi32, #tpu.memory_space<vmem>>[vector<16xi32>], vector<16xi32>,
        %gather3A_822 = tpu.vector_load_idx %arg12[%broadcast_in_dim3A_820] : memref<2048xf32, #tpu.memory_space<vmem>>[vector<16xi32>], vector<16xf32>,
        %mul3A_823 = arith.constant 4 : i32
        %mul3A_824 = arith.muli %scan3A_760, %mul3A_823 : i32
        %add3A_825 = arith.constant 3 : i32
        %add3A_826 = arith.addi %mul3A_824, %add3A_825 : i32
        %get3A_827 = arith.index_cast %add3A_826 : i32 to index
        %get3A_828 = arith.constant 0 : index
        %get3A_829 = tpu.vector_load %arg14[%get3A_827, %get3A_828] {strides = array<i32>} : memref<128x16xf32, #tpu.memory_space<vmem>>, vector<16xf32>,
        %mul3A_830 = arith.mulf %get3A_829, %gather3A_822 : vector<16xf32>
        %add3A_831 = arith.addi %gather3A_821, %iota3A : vector<16xi32>
        tpu.vector_store_idx %arg15[%add3A_831], %mul3A_830 {add = true} : memref<81920xf32, #tpu.memory_space<vmem>>[vector<16xi32>], vector<16xf32>,
      }
      %scan3A_275 = arith.constant 32 : i32
      %get3A_276 = arith.constant 640 : index
      %get3A_277 = tpu.vector_load %arg8[%get3A_276] {strides = array<i32>} : memref<2048xi32, #tpu.memory_space<vmem>>, vector<16xi32>,
      %swap3A_278 = arith.constant 0 : index
      %swap3A_279 = tpu.vector_load %arg13[%swap3A_278] {strides = array<i32>} : memref<128xi32, #tpu.memory_space<vmem>>, vector<16xi32>,
      tpu.vector_store %arg13[%swap3A_278], %get3A_277 {strides = array<i32>} : memref<128xi32, #tpu.memory_space<vmem>>, vector<16xi32>,
      %get3A_280 = arith.constant 656 : index
      %get3A_281 = tpu.vector_load %arg8[%get3A_280] {strides = array<i32>} : memref<2048xi32, #tpu.memory_space<vmem>>, vector<16xi32>,
      %swap3A_282 = arith.constant 16 : index
      %swap3A_283 = tpu.vector_load %arg13[%swap3A_282] {strides = array<i32>} : memref<128xi32, #tpu.memory_space<vmem>>, vector<16xi32>,
      tpu.vector_store %arg13[%swap3A_282], %get3A_281 {strides = array<i32>} : memref<128xi32, #tpu.memory_space<vmem>>, vector<16xi32>,
      %get3A_284 = arith.constant 672 : index
      %get3A_285 = tpu.vector_load %arg8[%get3A_284] {strides = array<i32>} : memref<2048xi32, #tpu.memory_space<vmem>>, vector<16xi32>,
      %swap3A_286 = arith.constant 32 : index
      %swap3A_287 = tpu.vector_load %arg13[%swap3A_286] {strides = array<i32>} : memref<128xi32, #tpu.memory_space<vmem>>, vector<16xi32>,
      tpu.vector_store %arg13[%swap3A_286], %get3A_285 {strides = array<i32>} : memref<128xi32, #tpu.memory_space<vmem>>, vector<16xi32>,
      %get3A_288 = arith.constant 688 : index
      %get3A_289 = tpu.vector_load %arg8[%get3A_288] {strides = array<i32>} : memref<2048xi32, #tpu.memory_space<vmem>>, vector<16xi32>,
      %swap3A_290 = arith.constant 48 : index
      %swap3A_291 = tpu.vector_load %arg13[%swap3A_290] {strides = array<i32>} : memref<128xi32, #tpu.memory_space<vmem>>, vector<16xi32>,
      tpu.vector_store %arg13[%swap3A_290], %get3A_289 {strides = array<i32>} : memref<128xi32, #tpu.memory_space<vmem>>, vector<16xi32>,
      %get3A_292 = arith.constant 704 : index
      %get3A_293 = tpu.vector_load %arg8[%get3A_292] {strides = array<i32>} : memref<2048xi32, #tpu.memory_space<vmem>>, vector<16xi32>,
      %swap3A_294 = arith.constant 64 : index
      %swap3A_295 = tpu.vector_load %arg13[%swap3A_294] {strides = array<i32>} : memref<128xi32, #tpu.memory_space<vmem>>, vector<16xi32>,
      tpu.vector_store %arg13[%swap3A_294], %get3A_293 {strides = array<i32>} : memref<128xi32, #tpu.memory_space<vmem>>, vector<16xi32>,
      %get3A_296 = arith.constant 720 : index
      %get3A_297 = tpu.vector_load %arg8[%get3A_296] {strides = array<i32>} : memref<2048xi32, #tpu.memory_space<vmem>>, vector<16xi32>,
      %swap3A_298 = arith.constant 80 : index
      %swap3A_299 = tpu.vector_load %arg13[%swap3A_298] {strides = array<i32>} : memref<128xi32, #tpu.memory_space<vmem>>, vector<16xi32>,
      tpu.vector_store %arg13[%swap3A_298], %get3A_297 {strides = array<i32>} : memref<128xi32, #tpu.memory_space<vmem>>, vector<16xi32>,
      %get3A_300 = arith.constant 736 : index
      %get3A_301 = tpu.vector_load %arg8[%get3A_300] {strides = array<i32>} : memref<2048xi32, #tpu.memory_space<vmem>>, vector<16xi32>,
      %swap3A_302 = arith.constant 96 : index
      %swap3A_303 = tpu.vector_load %arg13[%swap3A_302] {strides = array<i32>} : memref<128xi32, #tpu.memory_space<vmem>>, vector<16xi32>,
      tpu.vector_store %arg13[%swap3A_302], %get3A_301 {strides = array<i32>} : memref<128xi32, #tpu.memory_space<vmem>>, vector<16xi32>,
      %get3A_304 = arith.constant 752 : index
      %get3A_305 = tpu.vector_load %arg8[%get3A_304] {strides = array<i32>} : memref<2048xi32, #tpu.memory_space<vmem>>, vector<16xi32>,
      %swap3A_306 = arith.constant 112 : index
      %swap3A_307 = tpu.vector_load %arg13[%swap3A_306] {strides = array<i32>} : memref<128xi32, #tpu.memory_space<vmem>>, vector<16xi32>,
      tpu.vector_store %arg13[%swap3A_306], %get3A_305 {strides = array<i32>} : memref<128xi32, #tpu.memory_space<vmem>>, vector<16xi32>,
      %dma_start3A_308 = arith.constant 0 : i32
      %dma_start3A_309 = arith.constant 0 : i32
      %dma_start3A_310 = tpu.memref_slice %arg2[%dma_start3A_308, %dma_start3A_309] : memref<160000x16xf32, #tpu.memory_space<hbm>> -> memref<160000x16xf32, #tpu.memory_space<hbm>>
      tpu.enqueue_indirect_dma source(%dma_start3A_310 : memref<160000x16xf32, #tpu.memory_space<hbm>>) target(%arg14 : memref<128x16xf32, #tpu.memory_space<vmem>>) offsets(%arg13 : memref<128xi32, #tpu.memory_space<vmem>>) semaphore(%arg16 : memref<!tpu.dma_semaphore, #tpu.memory_space<semaphore_mem>>)
      %dma_wait3A_311 = arith.constant 0 : i32
      %dma_wait3A_312 = arith.constant 0 : i32
      %dma_wait3A_313 = tpu.memref_slice %arg2[%dma_wait3A_311, %dma_wait3A_312] : memref<160000x16xf32, #tpu.memory_space<hbm>> -> memref<160000x16xf32, #tpu.memory_space<hbm>>
      tpu.wait_indirect_dma semaphore(%arg16 : memref<!tpu.dma_semaphore, #tpu.memory_space<semaphore_mem>>) src(%dma_wait3A_313 : memref<160000x16xf32, #tpu.memory_space<hbm>>) dst(%arg14 : memref<128x16xf32, #tpu.memory_space<vmem>>)
      %scan3A_314 = arith.constant 0 : i32
      %scan3A_315 = arith.constant 0 : i32
      %scan3A_316 = arith.constant 32 : i32
      %scan3A_317 = arith.addi %scan3A_315, %scan3A_316 : i32
      %scan3A_318 = arith.constant 1 : i32
      scf.for %scan3A_760 = %scan3A_315 to %scan3A_317 step %scan3A_318  : i32 {
        %mul3A_761 = arith.constant 4 : i32
        %mul3A_762 = arith.muli %scan3A_760, %mul3A_761 : i32
        %add3A_763 = arith.constant 0 : i32
        %add3A_764 = arith.addi %mul3A_762, %add3A_763 : i32
        %add3A_765 = arith.constant 640 : i32
        %add3A_766 = arith.addi %add3A_764, %add3A_765 : i32
        %broadcast_in_dim3A_767 = vector.broadcast %add3A_766 : i32 to vector<16xi32>
        %gather3A = tpu.vector_load_idx %arg10[%broadcast_in_dim3A_767] : memref<2048xi32, #tpu.memory_space<vmem>>[vector<16xi32>], vector<16xi32>,
        %gather3A_768 = tpu.vector_load_idx %arg12[%broadcast_in_dim3A_767] : memref<2048xf32, #tpu.memory_space<vmem>>[vector<16xi32>], vector<16xf32>,
        %mul3A_769 = arith.constant 4 : i32
        %mul3A_770 = arith.muli %scan3A_760, %mul3A_769 : i32
        %add3A_771 = arith.constant 0 : i32
        %add3A_772 = arith.addi %mul3A_770, %add3A_771 : i32
        %get3A_773 = arith.index_cast %add3A_772 : i32 to index
        %get3A_774 = arith.constant 0 : index
        %get3A_775 = tpu.vector_load %arg14[%get3A_773, %get3A_774] {strides = array<i32>} : memref<128x16xf32, #tpu.memory_space<vmem>>, vector<16xf32>,
        %mul3A_776 = arith.mulf %get3A_775, %gather3A_768 : vector<16xf32>
        %add3A_777 = arith.addi %gather3A, %iota3A : vector<16xi32>
        tpu.vector_store_idx %arg15[%add3A_777], %mul3A_776 {add = true} : memref<81920xf32, #tpu.memory_space<vmem>>[vector<16xi32>], vector<16xf32>,
        %mul3A_778 = arith.constant 4 : i32
        %mul3A_779 = arith.muli %scan3A_760, %mul3A_778 : i32
        %add3A_780 = arith.constant 1 : i32
        %add3A_781 = arith.addi %mul3A_779, %add3A_780 : i32
        %add3A_782 = arith.constant 640 : i32
        %add3A_783 = arith.addi %add3A_781, %add3A_782 : i32
        %broadcast_in_dim3A_784 = vector.broadcast %add3A_783 : i32 to vector<16xi32>
        %gather3A_785 = tpu.vector_load_idx %arg10[%broadcast_in_dim3A_784] : memref<2048xi32, #tpu.memory_space<vmem>>[vector<16xi32>], vector<16xi32>,
        %gather3A_786 = tpu.vector_load_idx %arg12[%broadcast_in_dim3A_784] : memref<2048xf32, #tpu.memory_space<vmem>>[vector<16xi32>], vector<16xf32>,
        %mul3A_787 = arith.constant 4 : i32
        %mul3A_788 = arith.muli %scan3A_760, %mul3A_787 : i32
        %add3A_789 = arith.constant 1 : i32
        %add3A_790 = arith.addi %mul3A_788, %add3A_789 : i32
        %get3A_791 = arith.index_cast %add3A_790 : i32 to index
        %get3A_792 = arith.constant 0 : index
        %get3A_793 = tpu.vector_load %arg14[%get3A_791, %get3A_792] {strides = array<i32>} : memref<128x16xf32, #tpu.memory_space<vmem>>, vector<16xf32>,
        %mul3A_794 = arith.mulf %get3A_793, %gather3A_786 : vector<16xf32>
        %add3A_795 = arith.addi %gather3A_785, %iota3A : vector<16xi32>
        tpu.vector_store_idx %arg15[%add3A_795], %mul3A_794 {add = true} : memref<81920xf32, #tpu.memory_space<vmem>>[vector<16xi32>], vector<16xf32>,
        %mul3A_796 = arith.constant 4 : i32
        %mul3A_797 = arith.muli %scan3A_760, %mul3A_796 : i32
        %add3A_798 = arith.constant 2 : i32
        %add3A_799 = arith.addi %mul3A_797, %add3A_798 : i32
        %add3A_800 = arith.constant 640 : i32
        %add3A_801 = arith.addi %add3A_799, %add3A_800 : i32
        %broadcast_in_dim3A_802 = vector.broadcast %add3A_801 : i32 to vector<16xi32>
        %gather3A_803 = tpu.vector_load_idx %arg10[%broadcast_in_dim3A_802] : memref<2048xi32, #tpu.memory_space<vmem>>[vector<16xi32>], vector<16xi32>,
        %gather3A_804 = tpu.vector_load_idx %arg12[%broadcast_in_dim3A_802] : memref<2048xf32, #tpu.memory_space<vmem>>[vector<16xi32>], vector<16xf32>,
        %mul3A_805 = arith.constant 4 : i32
        %mul3A_806 = arith.muli %scan3A_760, %mul3A_805 : i32
        %add3A_807 = arith.constant 2 : i32
        %add3A_808 = arith.addi %mul3A_806, %add3A_807 : i32
        %get3A_809 = arith.index_cast %add3A_808 : i32 to index
        %get3A_810 = arith.constant 0 : index
        %get3A_811 = tpu.vector_load %arg14[%get3A_809, %get3A_810] {strides = array<i32>} : memref<128x16xf32, #tpu.memory_space<vmem>>, vector<16xf32>,
        %mul3A_812 = arith.mulf %get3A_811, %gather3A_804 : vector<16xf32>
        %add3A_813 = arith.addi %gather3A_803, %iota3A : vector<16xi32>
        tpu.vector_store_idx %arg15[%add3A_813], %mul3A_812 {add = true} : memref<81920xf32, #tpu.memory_space<vmem>>[vector<16xi32>], vector<16xf32>,
        %mul3A_814 = arith.constant 4 : i32
        %mul3A_815 = arith.muli %scan3A_760, %mul3A_814 : i32
        %add3A_816 = arith.constant 3 : i32
        %add3A_817 = arith.addi %mul3A_815, %add3A_816 : i32
        %add3A_818 = arith.constant 640 : i32
        %add3A_819 = arith.addi %add3A_817, %add3A_818 : i32
        %broadcast_in_dim3A_820 = vector.broadcast %add3A_819 : i32 to vector<16xi32>
        %gather3A_821 = tpu.vector_load_idx %arg10[%broadcast_in_dim3A_820] : memref<2048xi32, #tpu.memory_space<vmem>>[vector<16xi32>], vector<16xi32>,
        %gather3A_822 = tpu.vector_load_idx %arg12[%broadcast_in_dim3A_820] : memref<2048xf32, #tpu.memory_space<vmem>>[vector<16xi32>], vector<16xf32>,
        %mul3A_823 = arith.constant 4 : i32
        %mul3A_824 = arith.muli %scan3A_760, %mul3A_823 : i32
        %add3A_825 = arith.constant 3 : i32
        %add3A_826 = arith.addi %mul3A_824, %add3A_825 : i32
        %get3A_827 = arith.index_cast %add3A_826 : i32 to index
        %get3A_828 = arith.constant 0 : index
        %get3A_829 = tpu.vector_load %arg14[%get3A_827, %get3A_828] {strides = array<i32>} : memref<128x16xf32, #tpu.memory_space<vmem>>, vector<16xf32>,
        %mul3A_830 = arith.mulf %get3A_829, %gather3A_822 : vector<16xf32>
        %add3A_831 = arith.addi %gather3A_821, %iota3A : vector<16xi32>
        tpu.vector_store_idx %arg15[%add3A_831], %mul3A_830 {add = true} : memref<81920xf32, #tpu.memory_space<vmem>>[vector<16xi32>], vector<16xf32>,
      }
      %scan3A_319 = arith.constant 32 : i32
      %get3A_320 = arith.constant 768 : index
      %get3A_321 = tpu.vector_load %arg8[%get3A_320] {strides = array<i32>} : memref<2048xi32, #tpu.memory_space<vmem>>, vector<16xi32>,
      %swap3A_322 = arith.constant 0 : index
      %swap3A_323 = tpu.vector_load %arg13[%swap3A_322] {strides = array<i32>} : memref<128xi32, #tpu.memory_space<vmem>>, vector<16xi32>,
      tpu.vector_store %arg13[%swap3A_322], %get3A_321 {strides = array<i32>} : memref<128xi32, #tpu.memory_space<vmem>>, vector<16xi32>,
      %get3A_324 = arith.constant 784 : index
      %get3A_325 = tpu.vector_load %arg8[%get3A_324] {strides = array<i32>} : memref<2048xi32, #tpu.memory_space<vmem>>, vector<16xi32>,
      %swap3A_326 = arith.constant 16 : index
      %swap3A_327 = tpu.vector_load %arg13[%swap3A_326] {strides = array<i32>} : memref<128xi32, #tpu.memory_space<vmem>>, vector<16xi32>,
      tpu.vector_store %arg13[%swap3A_326], %get3A_325 {strides = array<i32>} : memref<128xi32, #tpu.memory_space<vmem>>, vector<16xi32>,
      %get3A_328 = arith.constant 800 : index
      %get3A_329 = tpu.vector_load %arg8[%get3A_328] {strides = array<i32>} : memref<2048xi32, #tpu.memory_space<vmem>>, vector<16xi32>,
      %swap3A_330 = arith.constant 32 : index
      %swap3A_331 = tpu.vector_load %arg13[%swap3A_330] {strides = array<i32>} : memref<128xi32, #tpu.memory_space<vmem>>, vector<16xi32>,
      tpu.vector_store %arg13[%swap3A_330], %get3A_329 {strides = array<i32>} : memref<128xi32, #tpu.memory_space<vmem>>, vector<16xi32>,
      %get3A_332 = arith.constant 816 : index
      %get3A_333 = tpu.vector_load %arg8[%get3A_332] {strides = array<i32>} : memref<2048xi32, #tpu.memory_space<vmem>>, vector<16xi32>,
      %swap3A_334 = arith.constant 48 : index
      %swap3A_335 = tpu.vector_load %arg13[%swap3A_334] {strides = array<i32>} : memref<128xi32, #tpu.memory_space<vmem>>, vector<16xi32>,
      tpu.vector_store %arg13[%swap3A_334], %get3A_333 {strides = array<i32>} : memref<128xi32, #tpu.memory_space<vmem>>, vector<16xi32>,
      %get3A_336 = arith.constant 832 : index
      %get3A_337 = tpu.vector_load %arg8[%get3A_336] {strides = array<i32>} : memref<2048xi32, #tpu.memory_space<vmem>>, vector<16xi32>,
      %swap3A_338 = arith.constant 64 : index
      %swap3A_339 = tpu.vector_load %arg13[%swap3A_338] {strides = array<i32>} : memref<128xi32, #tpu.memory_space<vmem>>, vector<16xi32>,
      tpu.vector_store %arg13[%swap3A_338], %get3A_337 {strides = array<i32>} : memref<128xi32, #tpu.memory_space<vmem>>, vector<16xi32>,
      %get3A_340 = arith.constant 848 : index
      %get3A_341 = tpu.vector_load %arg8[%get3A_340] {strides = array<i32>} : memref<2048xi32, #tpu.memory_space<vmem>>, vector<16xi32>,
      %swap3A_342 = arith.constant 80 : index
      %swap3A_343 = tpu.vector_load %arg13[%swap3A_342] {strides = array<i32>} : memref<128xi32, #tpu.memory_space<vmem>>, vector<16xi32>,
      tpu.vector_store %arg13[%swap3A_342], %get3A_341 {strides = array<i32>} : memref<128xi32, #tpu.memory_space<vmem>>, vector<16xi32>,
      %get3A_344 = arith.constant 864 : index
      %get3A_345 = tpu.vector_load %arg8[%get3A_344] {strides = array<i32>} : memref<2048xi32, #tpu.memory_space<vmem>>, vector<16xi32>,
      %swap3A_346 = arith.constant 96 : index
      %swap3A_347 = tpu.vector_load %arg13[%swap3A_346] {strides = array<i32>} : memref<128xi32, #tpu.memory_space<vmem>>, vector<16xi32>,
      tpu.vector_store %arg13[%swap3A_346], %get3A_345 {strides = array<i32>} : memref<128xi32, #tpu.memory_space<vmem>>, vector<16xi32>,
      %get3A_348 = arith.constant 880 : index
      %get3A_349 = tpu.vector_load %arg8[%get3A_348] {strides = array<i32>} : memref<2048xi32, #tpu.memory_space<vmem>>, vector<16xi32>,
      %swap3A_350 = arith.constant 112 : index
      %swap3A_351 = tpu.vector_load %arg13[%swap3A_350] {strides = array<i32>} : memref<128xi32, #tpu.memory_space<vmem>>, vector<16xi32>,
      tpu.vector_store %arg13[%swap3A_350], %get3A_349 {strides = array<i32>} : memref<128xi32, #tpu.memory_space<vmem>>, vector<16xi32>,
      %dma_start3A_352 = arith.constant 0 : i32
      %dma_start3A_353 = arith.constant 0 : i32
      %dma_start3A_354 = tpu.memref_slice %arg2[%dma_start3A_352, %dma_start3A_353] : memref<160000x16xf32, #tpu.memory_space<hbm>> -> memref<160000x16xf32, #tpu.memory_space<hbm>>
      tpu.enqueue_indirect_dma source(%dma_start3A_354 : memref<160000x16xf32, #tpu.memory_space<hbm>>) target(%arg14 : memref<128x16xf32, #tpu.memory_space<vmem>>) offsets(%arg13 : memref<128xi32, #tpu.memory_space<vmem>>) semaphore(%arg16 : memref<!tpu.dma_semaphore, #tpu.memory_space<semaphore_mem>>)
      %dma_wait3A_355 = arith.constant 0 : i32
      %dma_wait3A_356 = arith.constant 0 : i32
      %dma_wait3A_357 = tpu.memref_slice %arg2[%dma_wait3A_355, %dma_wait3A_356] : memref<160000x16xf32, #tpu.memory_space<hbm>> -> memref<160000x16xf32, #tpu.memory_space<hbm>>
      tpu.wait_indirect_dma semaphore(%arg16 : memref<!tpu.dma_semaphore, #tpu.memory_space<semaphore_mem>>) src(%dma_wait3A_357 : memref<160000x16xf32, #tpu.memory_space<hbm>>) dst(%arg14 : memref<128x16xf32, #tpu.memory_space<vmem>>)
      %scan3A_358 = arith.constant 0 : i32
      %scan3A_359 = arith.constant 0 : i32
      %scan3A_360 = arith.constant 32 : i32
      %scan3A_361 = arith.addi %scan3A_359, %scan3A_360 : i32
      %scan3A_362 = arith.constant 1 : i32
      scf.for %scan3A_760 = %scan3A_359 to %scan3A_361 step %scan3A_362  : i32 {
        %mul3A_761 = arith.constant 4 : i32
        %mul3A_762 = arith.muli %scan3A_760, %mul3A_761 : i32
        %add3A_763 = arith.constant 0 : i32
        %add3A_764 = arith.addi %mul3A_762, %add3A_763 : i32
        %add3A_765 = arith.constant 768 : i32
        %add3A_766 = arith.addi %add3A_764, %add3A_765 : i32
        %broadcast_in_dim3A_767 = vector.broadcast %add3A_766 : i32 to vector<16xi32>
        %gather3A = tpu.vector_load_idx %arg10[%broadcast_in_dim3A_767] : memref<2048xi32, #tpu.memory_space<vmem>>[vector<16xi32>], vector<16xi32>,
        %gather3A_768 = tpu.vector_load_idx %arg12[%broadcast_in_dim3A_767] : memref<2048xf32, #tpu.memory_space<vmem>>[vector<16xi32>], vector<16xf32>,
        %mul3A_769 = arith.constant 4 : i32
        %mul3A_770 = arith.muli %scan3A_760, %mul3A_769 : i32
        %add3A_771 = arith.constant 0 : i32
        %add3A_772 = arith.addi %mul3A_770, %add3A_771 : i32
        %get3A_773 = arith.index_cast %add3A_772 : i32 to index
        %get3A_774 = arith.constant 0 : index
        %get3A_775 = tpu.vector_load %arg14[%get3A_773, %get3A_774] {strides = array<i32>} : memref<128x16xf32, #tpu.memory_space<vmem>>, vector<16xf32>,
        %mul3A_776 = arith.mulf %get3A_775, %gather3A_768 : vector<16xf32>
        %add3A_777 = arith.addi %gather3A, %iota3A : vector<16xi32>
        tpu.vector_store_idx %arg15[%add3A_777], %mul3A_776 {add = true} : memref<81920xf32, #tpu.memory_space<vmem>>[vector<16xi32>], vector<16xf32>,
        %mul3A_778 = arith.constant 4 : i32
        %mul3A_779 = arith.muli %scan3A_760, %mul3A_778 : i32
        %add3A_780 = arith.constant 1 : i32
        %add3A_781 = arith.addi %mul3A_779, %add3A_780 : i32
        %add3A_782 = arith.constant 768 : i32
        %add3A_783 = arith.addi %add3A_781, %add3A_782 : i32
        %broadcast_in_dim3A_784 = vector.broadcast %add3A_783 : i32 to vector<16xi32>
        %gather3A_785 = tpu.vector_load_idx %arg10[%broadcast_in_dim3A_784] : memref<2048xi32, #tpu.memory_space<vmem>>[vector<16xi32>], vector<16xi32>,
        %gather3A_786 = tpu.vector_load_idx %arg12[%broadcast_in_dim3A_784] : memref<2048xf32, #tpu.memory_space<vmem>>[vector<16xi32>], vector<16xf32>,
        %mul3A_787 = arith.constant 4 : i32
        %mul3A_788 = arith.muli %scan3A_760, %mul3A_787 : i32
        %add3A_789 = arith.constant 1 : i32
        %add3A_790 = arith.addi %mul3A_788, %add3A_789 : i32
        %get3A_791 = arith.index_cast %add3A_790 : i32 to index
        %get3A_792 = arith.constant 0 : index
        %get3A_793 = tpu.vector_load %arg14[%get3A_791, %get3A_792] {strides = array<i32>} : memref<128x16xf32, #tpu.memory_space<vmem>>, vector<16xf32>,
        %mul3A_794 = arith.mulf %get3A_793, %gather3A_786 : vector<16xf32>
        %add3A_795 = arith.addi %gather3A_785, %iota3A : vector<16xi32>
        tpu.vector_store_idx %arg15[%add3A_795], %mul3A_794 {add = true} : memref<81920xf32, #tpu.memory_space<vmem>>[vector<16xi32>], vector<16xf32>,
        %mul3A_796 = arith.constant 4 : i32
        %mul3A_797 = arith.muli %scan3A_760, %mul3A_796 : i32
        %add3A_798 = arith.constant 2 : i32
        %add3A_799 = arith.addi %mul3A_797, %add3A_798 : i32
        %add3A_800 = arith.constant 768 : i32
        %add3A_801 = arith.addi %add3A_799, %add3A_800 : i32
        %broadcast_in_dim3A_802 = vector.broadcast %add3A_801 : i32 to vector<16xi32>
        %gather3A_803 = tpu.vector_load_idx %arg10[%broadcast_in_dim3A_802] : memref<2048xi32, #tpu.memory_space<vmem>>[vector<16xi32>], vector<16xi32>,
        %gather3A_804 = tpu.vector_load_idx %arg12[%broadcast_in_dim3A_802] : memref<2048xf32, #tpu.memory_space<vmem>>[vector<16xi32>], vector<16xf32>,
        %mul3A_805 = arith.constant 4 : i32
        %mul3A_806 = arith.muli %scan3A_760, %mul3A_805 : i32
        %add3A_807 = arith.constant 2 : i32
        %add3A_808 = arith.addi %mul3A_806, %add3A_807 : i32
        %get3A_809 = arith.index_cast %add3A_808 : i32 to index
        %get3A_810 = arith.constant 0 : index
        %get3A_811 = tpu.vector_load %arg14[%get3A_809, %get3A_810] {strides = array<i32>} : memref<128x16xf32, #tpu.memory_space<vmem>>, vector<16xf32>,
        %mul3A_812 = arith.mulf %get3A_811, %gather3A_804 : vector<16xf32>
        %add3A_813 = arith.addi %gather3A_803, %iota3A : vector<16xi32>
        tpu.vector_store_idx %arg15[%add3A_813], %mul3A_812 {add = true} : memref<81920xf32, #tpu.memory_space<vmem>>[vector<16xi32>], vector<16xf32>,
        %mul3A_814 = arith.constant 4 : i32
        %mul3A_815 = arith.muli %scan3A_760, %mul3A_814 : i32
        %add3A_816 = arith.constant 3 : i32
        %add3A_817 = arith.addi %mul3A_815, %add3A_816 : i32
        %add3A_818 = arith.constant 768 : i32
        %add3A_819 = arith.addi %add3A_817, %add3A_818 : i32
        %broadcast_in_dim3A_820 = vector.broadcast %add3A_819 : i32 to vector<16xi32>
        %gather3A_821 = tpu.vector_load_idx %arg10[%broadcast_in_dim3A_820] : memref<2048xi32, #tpu.memory_space<vmem>>[vector<16xi32>], vector<16xi32>,
        %gather3A_822 = tpu.vector_load_idx %arg12[%broadcast_in_dim3A_820] : memref<2048xf32, #tpu.memory_space<vmem>>[vector<16xi32>], vector<16xf32>,
        %mul3A_823 = arith.constant 4 : i32
        %mul3A_824 = arith.muli %scan3A_760, %mul3A_823 : i32
        %add3A_825 = arith.constant 3 : i32
        %add3A_826 = arith.addi %mul3A_824, %add3A_825 : i32
        %get3A_827 = arith.index_cast %add3A_826 : i32 to index
        %get3A_828 = arith.constant 0 : index
        %get3A_829 = tpu.vector_load %arg14[%get3A_827, %get3A_828] {strides = array<i32>} : memref<128x16xf32, #tpu.memory_space<vmem>>, vector<16xf32>,
        %mul3A_830 = arith.mulf %get3A_829, %gather3A_822 : vector<16xf32>
        %add3A_831 = arith.addi %gather3A_821, %iota3A : vector<16xi32>
        tpu.vector_store_idx %arg15[%add3A_831], %mul3A_830 {add = true} : memref<81920xf32, #tpu.memory_space<vmem>>[vector<16xi32>], vector<16xf32>,
      }
      %scan3A_363 = arith.constant 32 : i32
      %get3A_364 = arith.constant 896 : index
      %get3A_365 = tpu.vector_load %arg8[%get3A_364] {strides = array<i32>} : memref<2048xi32, #tpu.memory_space<vmem>>, vector<16xi32>,
      %swap3A_366 = arith.constant 0 : index
      %swap3A_367 = tpu.vector_load %arg13[%swap3A_366] {strides = array<i32>} : memref<128xi32, #tpu.memory_space<vmem>>, vector<16xi32>,
      tpu.vector_store %arg13[%swap3A_366], %get3A_365 {strides = array<i32>} : memref<128xi32, #tpu.memory_space<vmem>>, vector<16xi32>,
      %get3A_368 = arith.constant 912 : index
      %get3A_369 = tpu.vector_load %arg8[%get3A_368] {strides = array<i32>} : memref<2048xi32, #tpu.memory_space<vmem>>, vector<16xi32>,
      %swap3A_370 = arith.constant 16 : index
      %swap3A_371 = tpu.vector_load %arg13[%swap3A_370] {strides = array<i32>} : memref<128xi32, #tpu.memory_space<vmem>>, vector<16xi32>,
      tpu.vector_store %arg13[%swap3A_370], %get3A_369 {strides = array<i32>} : memref<128xi32, #tpu.memory_space<vmem>>, vector<16xi32>,
      %get3A_372 = arith.constant 928 : index
      %get3A_373 = tpu.vector_load %arg8[%get3A_372] {strides = array<i32>} : memref<2048xi32, #tpu.memory_space<vmem>>, vector<16xi32>,
      %swap3A_374 = arith.constant 32 : index
      %swap3A_375 = tpu.vector_load %arg13[%swap3A_374] {strides = array<i32>} : memref<128xi32, #tpu.memory_space<vmem>>, vector<16xi32>,
      tpu.vector_store %arg13[%swap3A_374], %get3A_373 {strides = array<i32>} : memref<128xi32, #tpu.memory_space<vmem>>, vector<16xi32>,
      %get3A_376 = arith.constant 944 : index
      %get3A_377 = tpu.vector_load %arg8[%get3A_376] {strides = array<i32>} : memref<2048xi32, #tpu.memory_space<vmem>>, vector<16xi32>,
      %swap3A_378 = arith.constant 48 : index
      %swap3A_379 = tpu.vector_load %arg13[%swap3A_378] {strides = array<i32>} : memref<128xi32, #tpu.memory_space<vmem>>, vector<16xi32>,
      tpu.vector_store %arg13[%swap3A_378], %get3A_377 {strides = array<i32>} : memref<128xi32, #tpu.memory_space<vmem>>, vector<16xi32>,
      %get3A_380 = arith.constant 960 : index
      %get3A_381 = tpu.vector_load %arg8[%get3A_380] {strides = array<i32>} : memref<2048xi32, #tpu.memory_space<vmem>>, vector<16xi32>,
      %swap3A_382 = arith.constant 64 : index
      %swap3A_383 = tpu.vector_load %arg13[%swap3A_382] {strides = array<i32>} : memref<128xi32, #tpu.memory_space<vmem>>, vector<16xi32>,
      tpu.vector_store %arg13[%swap3A_382], %get3A_381 {strides = array<i32>} : memref<128xi32, #tpu.memory_space<vmem>>, vector<16xi32>,
      %get3A_384 = arith.constant 976 : index
      %get3A_385 = tpu.vector_load %arg8[%get3A_384] {strides = array<i32>} : memref<2048xi32, #tpu.memory_space<vmem>>, vector<16xi32>,
      %swap3A_386 = arith.constant 80 : index
      %swap3A_387 = tpu.vector_load %arg13[%swap3A_386] {strides = array<i32>} : memref<128xi32, #tpu.memory_space<vmem>>, vector<16xi32>,
      tpu.vector_store %arg13[%swap3A_386], %get3A_385 {strides = array<i32>} : memref<128xi32, #tpu.memory_space<vmem>>, vector<16xi32>,
      %get3A_388 = arith.constant 992 : index
      %get3A_389 = tpu.vector_load %arg8[%get3A_388] {strides = array<i32>} : memref<2048xi32, #tpu.memory_space<vmem>>, vector<16xi32>,
      %swap3A_390 = arith.constant 96 : index
      %swap3A_391 = tpu.vector_load %arg13[%swap3A_390] {strides = array<i32>} : memref<128xi32, #tpu.memory_space<vmem>>, vector<16xi32>,
      tpu.vector_store %arg13[%swap3A_390], %get3A_389 {strides = array<i32>} : memref<128xi32, #tpu.memory_space<vmem>>, vector<16xi32>,
      %get3A_392 = arith.constant 1008 : index
      %get3A_393 = tpu.vector_load %arg8[%get3A_392] {strides = array<i32>} : memref<2048xi32, #tpu.memory_space<vmem>>, vector<16xi32>,
      %swap3A_394 = arith.constant 112 : index
      %swap3A_395 = tpu.vector_load %arg13[%swap3A_394] {strides = array<i32>} : memref<128xi32, #tpu.memory_space<vmem>>, vector<16xi32>,
      tpu.vector_store %arg13[%swap3A_394], %get3A_393 {strides = array<i32>} : memref<128xi32, #tpu.memory_space<vmem>>, vector<16xi32>,
      %dma_start3A_396 = arith.constant 0 : i32
      %dma_start3A_397 = arith.constant 0 : i32
      %dma_start3A_398 = tpu.memref_slice %arg2[%dma_start3A_396, %dma_start3A_397] : memref<160000x16xf32, #tpu.memory_space<hbm>> -> memref<160000x16xf32, #tpu.memory_space<hbm>>
      tpu.enqueue_indirect_dma source(%dma_start3A_398 : memref<160000x16xf32, #tpu.memory_space<hbm>>) target(%arg14 : memref<128x16xf32, #tpu.memory_space<vmem>>) offsets(%arg13 : memref<128xi32, #tpu.memory_space<vmem>>) semaphore(%arg16 : memref<!tpu.dma_semaphore, #tpu.memory_space<semaphore_mem>>)
      %dma_wait3A_399 = arith.constant 0 : i32
      %dma_wait3A_400 = arith.constant 0 : i32
      %dma_wait3A_401 = tpu.memref_slice %arg2[%dma_wait3A_399, %dma_wait3A_400] : memref<160000x16xf32, #tpu.memory_space<hbm>> -> memref<160000x16xf32, #tpu.memory_space<hbm>>
      tpu.wait_indirect_dma semaphore(%arg16 : memref<!tpu.dma_semaphore, #tpu.memory_space<semaphore_mem>>) src(%dma_wait3A_401 : memref<160000x16xf32, #tpu.memory_space<hbm>>) dst(%arg14 : memref<128x16xf32, #tpu.memory_space<vmem>>)
      %scan3A_402 = arith.constant 0 : i32
      %scan3A_403 = arith.constant 0 : i32
      %scan3A_404 = arith.constant 32 : i32
      %scan3A_405 = arith.addi %scan3A_403, %scan3A_404 : i32
      %scan3A_406 = arith.constant 1 : i32
      scf.for %scan3A_760 = %scan3A_403 to %scan3A_405 step %scan3A_406  : i32 {
        %mul3A_761 = arith.constant 4 : i32
        %mul3A_762 = arith.muli %scan3A_760, %mul3A_761 : i32
        %add3A_763 = arith.constant 0 : i32
        %add3A_764 = arith.addi %mul3A_762, %add3A_763 : i32
        %add3A_765 = arith.constant 896 : i32
        %add3A_766 = arith.addi %add3A_764, %add3A_765 : i32
        %broadcast_in_dim3A_767 = vector.broadcast %add3A_766 : i32 to vector<16xi32>
        %gather3A = tpu.vector_load_idx %arg10[%broadcast_in_dim3A_767] : memref<2048xi32, #tpu.memory_space<vmem>>[vector<16xi32>], vector<16xi32>,
        %gather3A_768 = tpu.vector_load_idx %arg12[%broadcast_in_dim3A_767] : memref<2048xf32, #tpu.memory_space<vmem>>[vector<16xi32>], vector<16xf32>,
        %mul3A_769 = arith.constant 4 : i32
        %mul3A_770 = arith.muli %scan3A_760, %mul3A_769 : i32
        %add3A_771 = arith.constant 0 : i32
        %add3A_772 = arith.addi %mul3A_770, %add3A_771 : i32
        %get3A_773 = arith.index_cast %add3A_772 : i32 to index
        %get3A_774 = arith.constant 0 : index
        %get3A_775 = tpu.vector_load %arg14[%get3A_773, %get3A_774] {strides = array<i32>} : memref<128x16xf32, #tpu.memory_space<vmem>>, vector<16xf32>,
        %mul3A_776 = arith.mulf %get3A_775, %gather3A_768 : vector<16xf32>
        %add3A_777 = arith.addi %gather3A, %iota3A : vector<16xi32>
        tpu.vector_store_idx %arg15[%add3A_777], %mul3A_776 {add = true} : memref<81920xf32, #tpu.memory_space<vmem>>[vector<16xi32>], vector<16xf32>,
        %mul3A_778 = arith.constant 4 : i32
        %mul3A_779 = arith.muli %scan3A_760, %mul3A_778 : i32
        %add3A_780 = arith.constant 1 : i32
        %add3A_781 = arith.addi %mul3A_779, %add3A_780 : i32
        %add3A_782 = arith.constant 896 : i32
        %add3A_783 = arith.addi %add3A_781, %add3A_782 : i32
        %broadcast_in_dim3A_784 = vector.broadcast %add3A_783 : i32 to vector<16xi32>
        %gather3A_785 = tpu.vector_load_idx %arg10[%broadcast_in_dim3A_784] : memref<2048xi32, #tpu.memory_space<vmem>>[vector<16xi32>], vector<16xi32>,
        %gather3A_786 = tpu.vector_load_idx %arg12[%broadcast_in_dim3A_784] : memref<2048xf32, #tpu.memory_space<vmem>>[vector<16xi32>], vector<16xf32>,
        %mul3A_787 = arith.constant 4 : i32
        %mul3A_788 = arith.muli %scan3A_760, %mul3A_787 : i32
        %add3A_789 = arith.constant 1 : i32
        %add3A_790 = arith.addi %mul3A_788, %add3A_789 : i32
        %get3A_791 = arith.index_cast %add3A_790 : i32 to index
        %get3A_792 = arith.constant 0 : index
        %get3A_793 = tpu.vector_load %arg14[%get3A_791, %get3A_792] {strides = array<i32>} : memref<128x16xf32, #tpu.memory_space<vmem>>, vector<16xf32>,
        %mul3A_794 = arith.mulf %get3A_793, %gather3A_786 : vector<16xf32>
        %add3A_795 = arith.addi %gather3A_785, %iota3A : vector<16xi32>
        tpu.vector_store_idx %arg15[%add3A_795], %mul3A_794 {add = true} : memref<81920xf32, #tpu.memory_space<vmem>>[vector<16xi32>], vector<16xf32>,
        %mul3A_796 = arith.constant 4 : i32
        %mul3A_797 = arith.muli %scan3A_760, %mul3A_796 : i32
        %add3A_798 = arith.constant 2 : i32
        %add3A_799 = arith.addi %mul3A_797, %add3A_798 : i32
        %add3A_800 = arith.constant 896 : i32
        %add3A_801 = arith.addi %add3A_799, %add3A_800 : i32
        %broadcast_in_dim3A_802 = vector.broadcast %add3A_801 : i32 to vector<16xi32>
        %gather3A_803 = tpu.vector_load_idx %arg10[%broadcast_in_dim3A_802] : memref<2048xi32, #tpu.memory_space<vmem>>[vector<16xi32>], vector<16xi32>,
        %gather3A_804 = tpu.vector_load_idx %arg12[%broadcast_in_dim3A_802] : memref<2048xf32, #tpu.memory_space<vmem>>[vector<16xi32>], vector<16xf32>,
        %mul3A_805 = arith.constant 4 : i32
        %mul3A_806 = arith.muli %scan3A_760, %mul3A_805 : i32
        %add3A_807 = arith.constant 2 : i32
        %add3A_808 = arith.addi %mul3A_806, %add3A_807 : i32
        %get3A_809 = arith.index_cast %add3A_808 : i32 to index
        %get3A_810 = arith.constant 0 : index
        %get3A_811 = tpu.vector_load %arg14[%get3A_809, %get3A_810] {strides = array<i32>} : memref<128x16xf32, #tpu.memory_space<vmem>>, vector<16xf32>,
        %mul3A_812 = arith.mulf %get3A_811, %gather3A_804 : vector<16xf32>
        %add3A_813 = arith.addi %gather3A_803, %iota3A : vector<16xi32>
        tpu.vector_store_idx %arg15[%add3A_813], %mul3A_812 {add = true} : memref<81920xf32, #tpu.memory_space<vmem>>[vector<16xi32>], vector<16xf32>,
        %mul3A_814 = arith.constant 4 : i32
        %mul3A_815 = arith.muli %scan3A_760, %mul3A_814 : i32
        %add3A_816 = arith.constant 3 : i32
        %add3A_817 = arith.addi %mul3A_815, %add3A_816 : i32
        %add3A_818 = arith.constant 896 : i32
        %add3A_819 = arith.addi %add3A_817, %add3A_818 : i32
        %broadcast_in_dim3A_820 = vector.broadcast %add3A_819 : i32 to vector<16xi32>
        %gather3A_821 = tpu.vector_load_idx %arg10[%broadcast_in_dim3A_820] : memref<2048xi32, #tpu.memory_space<vmem>>[vector<16xi32>], vector<16xi32>,
        %gather3A_822 = tpu.vector_load_idx %arg12[%broadcast_in_dim3A_820] : memref<2048xf32, #tpu.memory_space<vmem>>[vector<16xi32>], vector<16xf32>,
        %mul3A_823 = arith.constant 4 : i32
        %mul3A_824 = arith.muli %scan3A_760, %mul3A_823 : i32
        %add3A_825 = arith.constant 3 : i32
        %add3A_826 = arith.addi %mul3A_824, %add3A_825 : i32
        %get3A_827 = arith.index_cast %add3A_826 : i32 to index
        %get3A_828 = arith.constant 0 : index
        %get3A_829 = tpu.vector_load %arg14[%get3A_827, %get3A_828] {strides = array<i32>} : memref<128x16xf32, #tpu.memory_space<vmem>>, vector<16xf32>,
        %mul3A_830 = arith.mulf %get3A_829, %gather3A_822 : vector<16xf32>
        %add3A_831 = arith.addi %gather3A_821, %iota3A : vector<16xi32>
        tpu.vector_store_idx %arg15[%add3A_831], %mul3A_830 {add = true} : memref<81920xf32, #tpu.memory_space<vmem>>[vector<16xi32>], vector<16xf32>,
      }
      %scan3A_407 = arith.constant 32 : i32
      %get3A_408 = arith.constant 1024 : index
      %get3A_409 = tpu.vector_load %arg8[%get3A_408] {strides = array<i32>} : memref<2048xi32, #tpu.memory_space<vmem>>, vector<16xi32>,
      %swap3A_410 = arith.constant 0 : index
      %swap3A_411 = tpu.vector_load %arg13[%swap3A_410] {strides = array<i32>} : memref<128xi32, #tpu.memory_space<vmem>>, vector<16xi32>,
      tpu.vector_store %arg13[%swap3A_410], %get3A_409 {strides = array<i32>} : memref<128xi32, #tpu.memory_space<vmem>>, vector<16xi32>,
      %get3A_412 = arith.constant 1040 : index
      %get3A_413 = tpu.vector_load %arg8[%get3A_412] {strides = array<i32>} : memref<2048xi32, #tpu.memory_space<vmem>>, vector<16xi32>,
      %swap3A_414 = arith.constant 16 : index
      %swap3A_415 = tpu.vector_load %arg13[%swap3A_414] {strides = array<i32>} : memref<128xi32, #tpu.memory_space<vmem>>, vector<16xi32>,
      tpu.vector_store %arg13[%swap3A_414], %get3A_413 {strides = array<i32>} : memref<128xi32, #tpu.memory_space<vmem>>, vector<16xi32>,
      %get3A_416 = arith.constant 1056 : index
      %get3A_417 = tpu.vector_load %arg8[%get3A_416] {strides = array<i32>} : memref<2048xi32, #tpu.memory_space<vmem>>, vector<16xi32>,
      %swap3A_418 = arith.constant 32 : index
      %swap3A_419 = tpu.vector_load %arg13[%swap3A_418] {strides = array<i32>} : memref<128xi32, #tpu.memory_space<vmem>>, vector<16xi32>,
      tpu.vector_store %arg13[%swap3A_418], %get3A_417 {strides = array<i32>} : memref<128xi32, #tpu.memory_space<vmem>>, vector<16xi32>,
      %get3A_420 = arith.constant 1072 : index
      %get3A_421 = tpu.vector_load %arg8[%get3A_420] {strides = array<i32>} : memref<2048xi32, #tpu.memory_space<vmem>>, vector<16xi32>,
      %swap3A_422 = arith.constant 48 : index
      %swap3A_423 = tpu.vector_load %arg13[%swap3A_422] {strides = array<i32>} : memref<128xi32, #tpu.memory_space<vmem>>, vector<16xi32>,
      tpu.vector_store %arg13[%swap3A_422], %get3A_421 {strides = array<i32>} : memref<128xi32, #tpu.memory_space<vmem>>, vector<16xi32>,
      %get3A_424 = arith.constant 1088 : index
      %get3A_425 = tpu.vector_load %arg8[%get3A_424] {strides = array<i32>} : memref<2048xi32, #tpu.memory_space<vmem>>, vector<16xi32>,
      %swap3A_426 = arith.constant 64 : index
      %swap3A_427 = tpu.vector_load %arg13[%swap3A_426] {strides = array<i32>} : memref<128xi32, #tpu.memory_space<vmem>>, vector<16xi32>,
      tpu.vector_store %arg13[%swap3A_426], %get3A_425 {strides = array<i32>} : memref<128xi32, #tpu.memory_space<vmem>>, vector<16xi32>,
      %get3A_428 = arith.constant 1104 : index
      %get3A_429 = tpu.vector_load %arg8[%get3A_428] {strides = array<i32>} : memref<2048xi32, #tpu.memory_space<vmem>>, vector<16xi32>,
      %swap3A_430 = arith.constant 80 : index
      %swap3A_431 = tpu.vector_load %arg13[%swap3A_430] {strides = array<i32>} : memref<128xi32, #tpu.memory_space<vmem>>, vector<16xi32>,
      tpu.vector_store %arg13[%swap3A_430], %get3A_429 {strides = array<i32>} : memref<128xi32, #tpu.memory_space<vmem>>, vector<16xi32>,
      %get3A_432 = arith.constant 1120 : index
      %get3A_433 = tpu.vector_load %arg8[%get3A_432] {strides = array<i32>} : memref<2048xi32, #tpu.memory_space<vmem>>, vector<16xi32>,
      %swap3A_434 = arith.constant 96 : index
      %swap3A_435 = tpu.vector_load %arg13[%swap3A_434] {strides = array<i32>} : memref<128xi32, #tpu.memory_space<vmem>>, vector<16xi32>,
      tpu.vector_store %arg13[%swap3A_434], %get3A_433 {strides = array<i32>} : memref<128xi32, #tpu.memory_space<vmem>>, vector<16xi32>,
      %get3A_436 = arith.constant 1136 : index
      %get3A_437 = tpu.vector_load %arg8[%get3A_436] {strides = array<i32>} : memref<2048xi32, #tpu.memory_space<vmem>>, vector<16xi32>,
      %swap3A_438 = arith.constant 112 : index
      %swap3A_439 = tpu.vector_load %arg13[%swap3A_438] {strides = array<i32>} : memref<128xi32, #tpu.memory_space<vmem>>, vector<16xi32>,
      tpu.vector_store %arg13[%swap3A_438], %get3A_437 {strides = array<i32>} : memref<128xi32, #tpu.memory_space<vmem>>, vector<16xi32>,
      %dma_start3A_440 = arith.constant 0 : i32
      %dma_start3A_441 = arith.constant 0 : i32
      %dma_start3A_442 = tpu.memref_slice %arg2[%dma_start3A_440, %dma_start3A_441] : memref<160000x16xf32, #tpu.memory_space<hbm>> -> memref<160000x16xf32, #tpu.memory_space<hbm>>
      tpu.enqueue_indirect_dma source(%dma_start3A_442 : memref<160000x16xf32, #tpu.memory_space<hbm>>) target(%arg14 : memref<128x16xf32, #tpu.memory_space<vmem>>) offsets(%arg13 : memref<128xi32, #tpu.memory_space<vmem>>) semaphore(%arg16 : memref<!tpu.dma_semaphore, #tpu.memory_space<semaphore_mem>>)
      %dma_wait3A_443 = arith.constant 0 : i32
      %dma_wait3A_444 = arith.constant 0 : i32
      %dma_wait3A_445 = tpu.memref_slice %arg2[%dma_wait3A_443, %dma_wait3A_444] : memref<160000x16xf32, #tpu.memory_space<hbm>> -> memref<160000x16xf32, #tpu.memory_space<hbm>>
      tpu.wait_indirect_dma semaphore(%arg16 : memref<!tpu.dma_semaphore, #tpu.memory_space<semaphore_mem>>) src(%dma_wait3A_445 : memref<160000x16xf32, #tpu.memory_space<hbm>>) dst(%arg14 : memref<128x16xf32, #tpu.memory_space<vmem>>)
      %scan3A_446 = arith.constant 0 : i32
      %scan3A_447 = arith.constant 0 : i32
      %scan3A_448 = arith.constant 32 : i32
      %scan3A_449 = arith.addi %scan3A_447, %scan3A_448 : i32
      %scan3A_450 = arith.constant 1 : i32
      scf.for %scan3A_760 = %scan3A_447 to %scan3A_449 step %scan3A_450  : i32 {
        %mul3A_761 = arith.constant 4 : i32
        %mul3A_762 = arith.muli %scan3A_760, %mul3A_761 : i32
        %add3A_763 = arith.constant 0 : i32
        %add3A_764 = arith.addi %mul3A_762, %add3A_763 : i32
        %add3A_765 = arith.constant 1024 : i32
        %add3A_766 = arith.addi %add3A_764, %add3A_765 : i32
        %broadcast_in_dim3A_767 = vector.broadcast %add3A_766 : i32 to vector<16xi32>
        %gather3A = tpu.vector_load_idx %arg10[%broadcast_in_dim3A_767] : memref<2048xi32, #tpu.memory_space<vmem>>[vector<16xi32>], vector<16xi32>,
        %gather3A_768 = tpu.vector_load_idx %arg12[%broadcast_in_dim3A_767] : memref<2048xf32, #tpu.memory_space<vmem>>[vector<16xi32>], vector<16xf32>,
        %mul3A_769 = arith.constant 4 : i32
        %mul3A_770 = arith.muli %scan3A_760, %mul3A_769 : i32
        %add3A_771 = arith.constant 0 : i32
        %add3A_772 = arith.addi %mul3A_770, %add3A_771 : i32
        %get3A_773 = arith.index_cast %add3A_772 : i32 to index
        %get3A_774 = arith.constant 0 : index
        %get3A_775 = tpu.vector_load %arg14[%get3A_773, %get3A_774] {strides = array<i32>} : memref<128x16xf32, #tpu.memory_space<vmem>>, vector<16xf32>,
        %mul3A_776 = arith.mulf %get3A_775, %gather3A_768 : vector<16xf32>
        %add3A_777 = arith.addi %gather3A, %iota3A : vector<16xi32>
        tpu.vector_store_idx %arg15[%add3A_777], %mul3A_776 {add = true} : memref<81920xf32, #tpu.memory_space<vmem>>[vector<16xi32>], vector<16xf32>,
        %mul3A_778 = arith.constant 4 : i32
        %mul3A_779 = arith.muli %scan3A_760, %mul3A_778 : i32
        %add3A_780 = arith.constant 1 : i32
        %add3A_781 = arith.addi %mul3A_779, %add3A_780 : i32
        %add3A_782 = arith.constant 1024 : i32
        %add3A_783 = arith.addi %add3A_781, %add3A_782 : i32
        %broadcast_in_dim3A_784 = vector.broadcast %add3A_783 : i32 to vector<16xi32>
        %gather3A_785 = tpu.vector_load_idx %arg10[%broadcast_in_dim3A_784] : memref<2048xi32, #tpu.memory_space<vmem>>[vector<16xi32>], vector<16xi32>,
        %gather3A_786 = tpu.vector_load_idx %arg12[%broadcast_in_dim3A_784] : memref<2048xf32, #tpu.memory_space<vmem>>[vector<16xi32>], vector<16xf32>,
        %mul3A_787 = arith.constant 4 : i32
        %mul3A_788 = arith.muli %scan3A_760, %mul3A_787 : i32
        %add3A_789 = arith.constant 1 : i32
        %add3A_790 = arith.addi %mul3A_788, %add3A_789 : i32
        %get3A_791 = arith.index_cast %add3A_790 : i32 to index
        %get3A_792 = arith.constant 0 : index
        %get3A_793 = tpu.vector_load %arg14[%get3A_791, %get3A_792] {strides = array<i32>} : memref<128x16xf32, #tpu.memory_space<vmem>>, vector<16xf32>,
        %mul3A_794 = arith.mulf %get3A_793, %gather3A_786 : vector<16xf32>
        %add3A_795 = arith.addi %gather3A_785, %iota3A : vector<16xi32>
        tpu.vector_store_idx %arg15[%add3A_795], %mul3A_794 {add = true} : memref<81920xf32, #tpu.memory_space<vmem>>[vector<16xi32>], vector<16xf32>,
        %mul3A_796 = arith.constant 4 : i32
        %mul3A_797 = arith.muli %scan3A_760, %mul3A_796 : i32
        %add3A_798 = arith.constant 2 : i32
        %add3A_799 = arith.addi %mul3A_797, %add3A_798 : i32
        %add3A_800 = arith.constant 1024 : i32
        %add3A_801 = arith.addi %add3A_799, %add3A_800 : i32
        %broadcast_in_dim3A_802 = vector.broadcast %add3A_801 : i32 to vector<16xi32>
        %gather3A_803 = tpu.vector_load_idx %arg10[%broadcast_in_dim3A_802] : memref<2048xi32, #tpu.memory_space<vmem>>[vector<16xi32>], vector<16xi32>,
        %gather3A_804 = tpu.vector_load_idx %arg12[%broadcast_in_dim3A_802] : memref<2048xf32, #tpu.memory_space<vmem>>[vector<16xi32>], vector<16xf32>,
        %mul3A_805 = arith.constant 4 : i32
        %mul3A_806 = arith.muli %scan3A_760, %mul3A_805 : i32
        %add3A_807 = arith.constant 2 : i32
        %add3A_808 = arith.addi %mul3A_806, %add3A_807 : i32
        %get3A_809 = arith.index_cast %add3A_808 : i32 to index
        %get3A_810 = arith.constant 0 : index
        %get3A_811 = tpu.vector_load %arg14[%get3A_809, %get3A_810] {strides = array<i32>} : memref<128x16xf32, #tpu.memory_space<vmem>>, vector<16xf32>,
        %mul3A_812 = arith.mulf %get3A_811, %gather3A_804 : vector<16xf32>
        %add3A_813 = arith.addi %gather3A_803, %iota3A : vector<16xi32>
        tpu.vector_store_idx %arg15[%add3A_813], %mul3A_812 {add = true} : memref<81920xf32, #tpu.memory_space<vmem>>[vector<16xi32>], vector<16xf32>,
        %mul3A_814 = arith.constant 4 : i32
        %mul3A_815 = arith.muli %scan3A_760, %mul3A_814 : i32
        %add3A_816 = arith.constant 3 : i32
        %add3A_817 = arith.addi %mul3A_815, %add3A_816 : i32
        %add3A_818 = arith.constant 1024 : i32
        %add3A_819 = arith.addi %add3A_817, %add3A_818 : i32
        %broadcast_in_dim3A_820 = vector.broadcast %add3A_819 : i32 to vector<16xi32>
        %gather3A_821 = tpu.vector_load_idx %arg10[%broadcast_in_dim3A_820] : memref<2048xi32, #tpu.memory_space<vmem>>[vector<16xi32>], vector<16xi32>,
        %gather3A_822 = tpu.vector_load_idx %arg12[%broadcast_in_dim3A_820] : memref<2048xf32, #tpu.memory_space<vmem>>[vector<16xi32>], vector<16xf32>,
        %mul3A_823 = arith.constant 4 : i32
        %mul3A_824 = arith.muli %scan3A_760, %mul3A_823 : i32
        %add3A_825 = arith.constant 3 : i32
        %add3A_826 = arith.addi %mul3A_824, %add3A_825 : i32
        %get3A_827 = arith.index_cast %add3A_826 : i32 to index
        %get3A_828 = arith.constant 0 : index
        %get3A_829 = tpu.vector_load %arg14[%get3A_827, %get3A_828] {strides = array<i32>} : memref<128x16xf32, #tpu.memory_space<vmem>>, vector<16xf32>,
        %mul3A_830 = arith.mulf %get3A_829, %gather3A_822 : vector<16xf32>
        %add3A_831 = arith.addi %gather3A_821, %iota3A : vector<16xi32>
        tpu.vector_store_idx %arg15[%add3A_831], %mul3A_830 {add = true} : memref<81920xf32, #tpu.memory_space<vmem>>[vector<16xi32>], vector<16xf32>,
      }
      %scan3A_451 = arith.constant 32 : i32
      %get3A_452 = arith.constant 1152 : index
      %get3A_453 = tpu.vector_load %arg8[%get3A_452] {strides = array<i32>} : memref<2048xi32, #tpu.memory_space<vmem>>, vector<16xi32>,
      %swap3A_454 = arith.constant 0 : index
      %swap3A_455 = tpu.vector_load %arg13[%swap3A_454] {strides = array<i32>} : memref<128xi32, #tpu.memory_space<vmem>>, vector<16xi32>,
      tpu.vector_store %arg13[%swap3A_454], %get3A_453 {strides = array<i32>} : memref<128xi32, #tpu.memory_space<vmem>>, vector<16xi32>,
      %get3A_456 = arith.constant 1168 : index
      %get3A_457 = tpu.vector_load %arg8[%get3A_456] {strides = array<i32>} : memref<2048xi32, #tpu.memory_space<vmem>>, vector<16xi32>,
      %swap3A_458 = arith.constant 16 : index
      %swap3A_459 = tpu.vector_load %arg13[%swap3A_458] {strides = array<i32>} : memref<128xi32, #tpu.memory_space<vmem>>, vector<16xi32>,
      tpu.vector_store %arg13[%swap3A_458], %get3A_457 {strides = array<i32>} : memref<128xi32, #tpu.memory_space<vmem>>, vector<16xi32>,
      %get3A_460 = arith.constant 1184 : index
      %get3A_461 = tpu.vector_load %arg8[%get3A_460] {strides = array<i32>} : memref<2048xi32, #tpu.memory_space<vmem>>, vector<16xi32>,
      %swap3A_462 = arith.constant 32 : index
      %swap3A_463 = tpu.vector_load %arg13[%swap3A_462] {strides = array<i32>} : memref<128xi32, #tpu.memory_space<vmem>>, vector<16xi32>,
      tpu.vector_store %arg13[%swap3A_462], %get3A_461 {strides = array<i32>} : memref<128xi32, #tpu.memory_space<vmem>>, vector<16xi32>,
      %get3A_464 = arith.constant 1200 : index
      %get3A_465 = tpu.vector_load %arg8[%get3A_464] {strides = array<i32>} : memref<2048xi32, #tpu.memory_space<vmem>>, vector<16xi32>,
      %swap3A_466 = arith.constant 48 : index
      %swap3A_467 = tpu.vector_load %arg13[%swap3A_466] {strides = array<i32>} : memref<128xi32, #tpu.memory_space<vmem>>, vector<16xi32>,
      tpu.vector_store %arg13[%swap3A_466], %get3A_465 {strides = array<i32>} : memref<128xi32, #tpu.memory_space<vmem>>, vector<16xi32>,
      %get3A_468 = arith.constant 1216 : index
      %get3A_469 = tpu.vector_load %arg8[%get3A_468] {strides = array<i32>} : memref<2048xi32, #tpu.memory_space<vmem>>, vector<16xi32>,
      %swap3A_470 = arith.constant 64 : index
      %swap3A_471 = tpu.vector_load %arg13[%swap3A_470] {strides = array<i32>} : memref<128xi32, #tpu.memory_space<vmem>>, vector<16xi32>,
      tpu.vector_store %arg13[%swap3A_470], %get3A_469 {strides = array<i32>} : memref<128xi32, #tpu.memory_space<vmem>>, vector<16xi32>,
      %get3A_472 = arith.constant 1232 : index
      %get3A_473 = tpu.vector_load %arg8[%get3A_472] {strides = array<i32>} : memref<2048xi32, #tpu.memory_space<vmem>>, vector<16xi32>,
      %swap3A_474 = arith.constant 80 : index
      %swap3A_475 = tpu.vector_load %arg13[%swap3A_474] {strides = array<i32>} : memref<128xi32, #tpu.memory_space<vmem>>, vector<16xi32>,
      tpu.vector_store %arg13[%swap3A_474], %get3A_473 {strides = array<i32>} : memref<128xi32, #tpu.memory_space<vmem>>, vector<16xi32>,
      %get3A_476 = arith.constant 1248 : index
      %get3A_477 = tpu.vector_load %arg8[%get3A_476] {strides = array<i32>} : memref<2048xi32, #tpu.memory_space<vmem>>, vector<16xi32>,
      %swap3A_478 = arith.constant 96 : index
      %swap3A_479 = tpu.vector_load %arg13[%swap3A_478] {strides = array<i32>} : memref<128xi32, #tpu.memory_space<vmem>>, vector<16xi32>,
      tpu.vector_store %arg13[%swap3A_478], %get3A_477 {strides = array<i32>} : memref<128xi32, #tpu.memory_space<vmem>>, vector<16xi32>,
      %get3A_480 = arith.constant 1264 : index
      %get3A_481 = tpu.vector_load %arg8[%get3A_480] {strides = array<i32>} : memref<2048xi32, #tpu.memory_space<vmem>>, vector<16xi32>,
      %swap3A_482 = arith.constant 112 : index
      %swap3A_483 = tpu.vector_load %arg13[%swap3A_482] {strides = array<i32>} : memref<128xi32, #tpu.memory_space<vmem>>, vector<16xi32>,
      tpu.vector_store %arg13[%swap3A_482], %get3A_481 {strides = array<i32>} : memref<128xi32, #tpu.memory_space<vmem>>, vector<16xi32>,
      %dma_start3A_484 = arith.constant 0 : i32
      %dma_start3A_485 = arith.constant 0 : i32
      %dma_start3A_486 = tpu.memref_slice %arg2[%dma_start3A_484, %dma_start3A_485] : memref<160000x16xf32, #tpu.memory_space<hbm>> -> memref<160000x16xf32, #tpu.memory_space<hbm>>
      tpu.enqueue_indirect_dma source(%dma_start3A_486 : memref<160000x16xf32, #tpu.memory_space<hbm>>) target(%arg14 : memref<128x16xf32, #tpu.memory_space<vmem>>) offsets(%arg13 : memref<128xi32, #tpu.memory_space<vmem>>) semaphore(%arg16 : memref<!tpu.dma_semaphore, #tpu.memory_space<semaphore_mem>>)
      %dma_wait3A_487 = arith.constant 0 : i32
      %dma_wait3A_488 = arith.constant 0 : i32
      %dma_wait3A_489 = tpu.memref_slice %arg2[%dma_wait3A_487, %dma_wait3A_488] : memref<160000x16xf32, #tpu.memory_space<hbm>> -> memref<160000x16xf32, #tpu.memory_space<hbm>>
      tpu.wait_indirect_dma semaphore(%arg16 : memref<!tpu.dma_semaphore, #tpu.memory_space<semaphore_mem>>) src(%dma_wait3A_489 : memref<160000x16xf32, #tpu.memory_space<hbm>>) dst(%arg14 : memref<128x16xf32, #tpu.memory_space<vmem>>)
      %scan3A_490 = arith.constant 0 : i32
      %scan3A_491 = arith.constant 0 : i32
      %scan3A_492 = arith.constant 32 : i32
      %scan3A_493 = arith.addi %scan3A_491, %scan3A_492 : i32
      %scan3A_494 = arith.constant 1 : i32
      scf.for %scan3A_760 = %scan3A_491 to %scan3A_493 step %scan3A_494  : i32 {
        %mul3A_761 = arith.constant 4 : i32
        %mul3A_762 = arith.muli %scan3A_760, %mul3A_761 : i32
        %add3A_763 = arith.constant 0 : i32
        %add3A_764 = arith.addi %mul3A_762, %add3A_763 : i32
        %add3A_765 = arith.constant 1152 : i32
        %add3A_766 = arith.addi %add3A_764, %add3A_765 : i32
        %broadcast_in_dim3A_767 = vector.broadcast %add3A_766 : i32 to vector<16xi32>
        %gather3A = tpu.vector_load_idx %arg10[%broadcast_in_dim3A_767] : memref<2048xi32, #tpu.memory_space<vmem>>[vector<16xi32>], vector<16xi32>,
        %gather3A_768 = tpu.vector_load_idx %arg12[%broadcast_in_dim3A_767] : memref<2048xf32, #tpu.memory_space<vmem>>[vector<16xi32>], vector<16xf32>,
        %mul3A_769 = arith.constant 4 : i32
        %mul3A_770 = arith.muli %scan3A_760, %mul3A_769 : i32
        %add3A_771 = arith.constant 0 : i32
        %add3A_772 = arith.addi %mul3A_770, %add3A_771 : i32
        %get3A_773 = arith.index_cast %add3A_772 : i32 to index
        %get3A_774 = arith.constant 0 : index
        %get3A_775 = tpu.vector_load %arg14[%get3A_773, %get3A_774] {strides = array<i32>} : memref<128x16xf32, #tpu.memory_space<vmem>>, vector<16xf32>,
        %mul3A_776 = arith.mulf %get3A_775, %gather3A_768 : vector<16xf32>
        %add3A_777 = arith.addi %gather3A, %iota3A : vector<16xi32>
        tpu.vector_store_idx %arg15[%add3A_777], %mul3A_776 {add = true} : memref<81920xf32, #tpu.memory_space<vmem>>[vector<16xi32>], vector<16xf32>,
        %mul3A_778 = arith.constant 4 : i32
        %mul3A_779 = arith.muli %scan3A_760, %mul3A_778 : i32
        %add3A_780 = arith.constant 1 : i32
        %add3A_781 = arith.addi %mul3A_779, %add3A_780 : i32
        %add3A_782 = arith.constant 1152 : i32
        %add3A_783 = arith.addi %add3A_781, %add3A_782 : i32
        %broadcast_in_dim3A_784 = vector.broadcast %add3A_783 : i32 to vector<16xi32>
        %gather3A_785 = tpu.vector_load_idx %arg10[%broadcast_in_dim3A_784] : memref<2048xi32, #tpu.memory_space<vmem>>[vector<16xi32>], vector<16xi32>,
        %gather3A_786 = tpu.vector_load_idx %arg12[%broadcast_in_dim3A_784] : memref<2048xf32, #tpu.memory_space<vmem>>[vector<16xi32>], vector<16xf32>,
        %mul3A_787 = arith.constant 4 : i32
        %mul3A_788 = arith.muli %scan3A_760, %mul3A_787 : i32
        %add3A_789 = arith.constant 1 : i32
        %add3A_790 = arith.addi %mul3A_788, %add3A_789 : i32
        %get3A_791 = arith.index_cast %add3A_790 : i32 to index
        %get3A_792 = arith.constant 0 : index
        %get3A_793 = tpu.vector_load %arg14[%get3A_791, %get3A_792] {strides = array<i32>} : memref<128x16xf32, #tpu.memory_space<vmem>>, vector<16xf32>,
        %mul3A_794 = arith.mulf %get3A_793, %gather3A_786 : vector<16xf32>
        %add3A_795 = arith.addi %gather3A_785, %iota3A : vector<16xi32>
        tpu.vector_store_idx %arg15[%add3A_795], %mul3A_794 {add = true} : memref<81920xf32, #tpu.memory_space<vmem>>[vector<16xi32>], vector<16xf32>,
        %mul3A_796 = arith.constant 4 : i32
        %mul3A_797 = arith.muli %scan3A_760, %mul3A_796 : i32
        %add3A_798 = arith.constant 2 : i32
        %add3A_799 = arith.addi %mul3A_797, %add3A_798 : i32
        %add3A_800 = arith.constant 1152 : i32
        %add3A_801 = arith.addi %add3A_799, %add3A_800 : i32
        %broadcast_in_dim3A_802 = vector.broadcast %add3A_801 : i32 to vector<16xi32>
        %gather3A_803 = tpu.vector_load_idx %arg10[%broadcast_in_dim3A_802] : memref<2048xi32, #tpu.memory_space<vmem>>[vector<16xi32>], vector<16xi32>,
        %gather3A_804 = tpu.vector_load_idx %arg12[%broadcast_in_dim3A_802] : memref<2048xf32, #tpu.memory_space<vmem>>[vector<16xi32>], vector<16xf32>,
        %mul3A_805 = arith.constant 4 : i32
        %mul3A_806 = arith.muli %scan3A_760, %mul3A_805 : i32
        %add3A_807 = arith.constant 2 : i32
        %add3A_808 = arith.addi %mul3A_806, %add3A_807 : i32
        %get3A_809 = arith.index_cast %add3A_808 : i32 to index
        %get3A_810 = arith.constant 0 : index
        %get3A_811 = tpu.vector_load %arg14[%get3A_809, %get3A_810] {strides = array<i32>} : memref<128x16xf32, #tpu.memory_space<vmem>>, vector<16xf32>,
        %mul3A_812 = arith.mulf %get3A_811, %gather3A_804 : vector<16xf32>
        %add3A_813 = arith.addi %gather3A_803, %iota3A : vector<16xi32>
        tpu.vector_store_idx %arg15[%add3A_813], %mul3A_812 {add = true} : memref<81920xf32, #tpu.memory_space<vmem>>[vector<16xi32>], vector<16xf32>,
        %mul3A_814 = arith.constant 4 : i32
        %mul3A_815 = arith.muli %scan3A_760, %mul3A_814 : i32
        %add3A_816 = arith.constant 3 : i32
        %add3A_817 = arith.addi %mul3A_815, %add3A_816 : i32
        %add3A_818 = arith.constant 1152 : i32
        %add3A_819 = arith.addi %add3A_817, %add3A_818 : i32
        %broadcast_in_dim3A_820 = vector.broadcast %add3A_819 : i32 to vector<16xi32>
        %gather3A_821 = tpu.vector_load_idx %arg10[%broadcast_in_dim3A_820] : memref<2048xi32, #tpu.memory_space<vmem>>[vector<16xi32>], vector<16xi32>,
        %gather3A_822 = tpu.vector_load_idx %arg12[%broadcast_in_dim3A_820] : memref<2048xf32, #tpu.memory_space<vmem>>[vector<16xi32>], vector<16xf32>,
        %mul3A_823 = arith.constant 4 : i32
        %mul3A_824 = arith.muli %scan3A_760, %mul3A_823 : i32
        %add3A_825 = arith.constant 3 : i32
        %add3A_826 = arith.addi %mul3A_824, %add3A_825 : i32
        %get3A_827 = arith.index_cast %add3A_826 : i32 to index
        %get3A_828 = arith.constant 0 : index
        %get3A_829 = tpu.vector_load %arg14[%get3A_827, %get3A_828] {strides = array<i32>} : memref<128x16xf32, #tpu.memory_space<vmem>>, vector<16xf32>,
        %mul3A_830 = arith.mulf %get3A_829, %gather3A_822 : vector<16xf32>
        %add3A_831 = arith.addi %gather3A_821, %iota3A : vector<16xi32>
        tpu.vector_store_idx %arg15[%add3A_831], %mul3A_830 {add = true} : memref<81920xf32, #tpu.memory_space<vmem>>[vector<16xi32>], vector<16xf32>,
      }
      %scan3A_495 = arith.constant 32 : i32
      %get3A_496 = arith.constant 1280 : index
      %get3A_497 = tpu.vector_load %arg8[%get3A_496] {strides = array<i32>} : memref<2048xi32, #tpu.memory_space<vmem>>, vector<16xi32>,
      %swap3A_498 = arith.constant 0 : index
      %swap3A_499 = tpu.vector_load %arg13[%swap3A_498] {strides = array<i32>} : memref<128xi32, #tpu.memory_space<vmem>>, vector<16xi32>,
      tpu.vector_store %arg13[%swap3A_498], %get3A_497 {strides = array<i32>} : memref<128xi32, #tpu.memory_space<vmem>>, vector<16xi32>,
      %get3A_500 = arith.constant 1296 : index
      %get3A_501 = tpu.vector_load %arg8[%get3A_500] {strides = array<i32>} : memref<2048xi32, #tpu.memory_space<vmem>>, vector<16xi32>,
      %swap3A_502 = arith.constant 16 : index
      %swap3A_503 = tpu.vector_load %arg13[%swap3A_502] {strides = array<i32>} : memref<128xi32, #tpu.memory_space<vmem>>, vector<16xi32>,
      tpu.vector_store %arg13[%swap3A_502], %get3A_501 {strides = array<i32>} : memref<128xi32, #tpu.memory_space<vmem>>, vector<16xi32>,
      %get3A_504 = arith.constant 1312 : index
      %get3A_505 = tpu.vector_load %arg8[%get3A_504] {strides = array<i32>} : memref<2048xi32, #tpu.memory_space<vmem>>, vector<16xi32>,
      %swap3A_506 = arith.constant 32 : index
      %swap3A_507 = tpu.vector_load %arg13[%swap3A_506] {strides = array<i32>} : memref<128xi32, #tpu.memory_space<vmem>>, vector<16xi32>,
      tpu.vector_store %arg13[%swap3A_506], %get3A_505 {strides = array<i32>} : memref<128xi32, #tpu.memory_space<vmem>>, vector<16xi32>,
      %get3A_508 = arith.constant 1328 : index
      %get3A_509 = tpu.vector_load %arg8[%get3A_508] {strides = array<i32>} : memref<2048xi32, #tpu.memory_space<vmem>>, vector<16xi32>,
      %swap3A_510 = arith.constant 48 : index
      %swap3A_511 = tpu.vector_load %arg13[%swap3A_510] {strides = array<i32>} : memref<128xi32, #tpu.memory_space<vmem>>, vector<16xi32>,
      tpu.vector_store %arg13[%swap3A_510], %get3A_509 {strides = array<i32>} : memref<128xi32, #tpu.memory_space<vmem>>, vector<16xi32>,
      %get3A_512 = arith.constant 1344 : index
      %get3A_513 = tpu.vector_load %arg8[%get3A_512] {strides = array<i32>} : memref<2048xi32, #tpu.memory_space<vmem>>, vector<16xi32>,
      %swap3A_514 = arith.constant 64 : index
      %swap3A_515 = tpu.vector_load %arg13[%swap3A_514] {strides = array<i32>} : memref<128xi32, #tpu.memory_space<vmem>>, vector<16xi32>,
      tpu.vector_store %arg13[%swap3A_514], %get3A_513 {strides = array<i32>} : memref<128xi32, #tpu.memory_space<vmem>>, vector<16xi32>,
      %get3A_516 = arith.constant 1360 : index
      %get3A_517 = tpu.vector_load %arg8[%get3A_516] {strides = array<i32>} : memref<2048xi32, #tpu.memory_space<vmem>>, vector<16xi32>,
      %swap3A_518 = arith.constant 80 : index
      %swap3A_519 = tpu.vector_load %arg13[%swap3A_518] {strides = array<i32>} : memref<128xi32, #tpu.memory_space<vmem>>, vector<16xi32>,
      tpu.vector_store %arg13[%swap3A_518], %get3A_517 {strides = array<i32>} : memref<128xi32, #tpu.memory_space<vmem>>, vector<16xi32>,
      %get3A_520 = arith.constant 1376 : index
      %get3A_521 = tpu.vector_load %arg8[%get3A_520] {strides = array<i32>} : memref<2048xi32, #tpu.memory_space<vmem>>, vector<16xi32>,
      %swap3A_522 = arith.constant 96 : index
      %swap3A_523 = tpu.vector_load %arg13[%swap3A_522] {strides = array<i32>} : memref<128xi32, #tpu.memory_space<vmem>>, vector<16xi32>,
      tpu.vector_store %arg13[%swap3A_522], %get3A_521 {strides = array<i32>} : memref<128xi32, #tpu.memory_space<vmem>>, vector<16xi32>,
      %get3A_524 = arith.constant 1392 : index
      %get3A_525 = tpu.vector_load %arg8[%get3A_524] {strides = array<i32>} : memref<2048xi32, #tpu.memory_space<vmem>>, vector<16xi32>,
      %swap3A_526 = arith.constant 112 : index
      %swap3A_527 = tpu.vector_load %arg13[%swap3A_526] {strides = array<i32>} : memref<128xi32, #tpu.memory_space<vmem>>, vector<16xi32>,
      tpu.vector_store %arg13[%swap3A_526], %get3A_525 {strides = array<i32>} : memref<128xi32, #tpu.memory_space<vmem>>, vector<16xi32>,
      %dma_start3A_528 = arith.constant 0 : i32
      %dma_start3A_529 = arith.constant 0 : i32
      %dma_start3A_530 = tpu.memref_slice %arg2[%dma_start3A_528, %dma_start3A_529] : memref<160000x16xf32, #tpu.memory_space<hbm>> -> memref<160000x16xf32, #tpu.memory_space<hbm>>
      tpu.enqueue_indirect_dma source(%dma_start3A_530 : memref<160000x16xf32, #tpu.memory_space<hbm>>) target(%arg14 : memref<128x16xf32, #tpu.memory_space<vmem>>) offsets(%arg13 : memref<128xi32, #tpu.memory_space<vmem>>) semaphore(%arg16 : memref<!tpu.dma_semaphore, #tpu.memory_space<semaphore_mem>>)
      %dma_wait3A_531 = arith.constant 0 : i32
      %dma_wait3A_532 = arith.constant 0 : i32
      %dma_wait3A_533 = tpu.memref_slice %arg2[%dma_wait3A_531, %dma_wait3A_532] : memref<160000x16xf32, #tpu.memory_space<hbm>> -> memref<160000x16xf32, #tpu.memory_space<hbm>>
      tpu.wait_indirect_dma semaphore(%arg16 : memref<!tpu.dma_semaphore, #tpu.memory_space<semaphore_mem>>) src(%dma_wait3A_533 : memref<160000x16xf32, #tpu.memory_space<hbm>>) dst(%arg14 : memref<128x16xf32, #tpu.memory_space<vmem>>)
      %scan3A_534 = arith.constant 0 : i32
      %scan3A_535 = arith.constant 0 : i32
      %scan3A_536 = arith.constant 32 : i32
      %scan3A_537 = arith.addi %scan3A_535, %scan3A_536 : i32
      %scan3A_538 = arith.constant 1 : i32
      scf.for %scan3A_760 = %scan3A_535 to %scan3A_537 step %scan3A_538  : i32 {
        %mul3A_761 = arith.constant 4 : i32
        %mul3A_762 = arith.muli %scan3A_760, %mul3A_761 : i32
        %add3A_763 = arith.constant 0 : i32
        %add3A_764 = arith.addi %mul3A_762, %add3A_763 : i32
        %add3A_765 = arith.constant 1280 : i32
        %add3A_766 = arith.addi %add3A_764, %add3A_765 : i32
        %broadcast_in_dim3A_767 = vector.broadcast %add3A_766 : i32 to vector<16xi32>
        %gather3A = tpu.vector_load_idx %arg10[%broadcast_in_dim3A_767] : memref<2048xi32, #tpu.memory_space<vmem>>[vector<16xi32>], vector<16xi32>,
        %gather3A_768 = tpu.vector_load_idx %arg12[%broadcast_in_dim3A_767] : memref<2048xf32, #tpu.memory_space<vmem>>[vector<16xi32>], vector<16xf32>,
        %mul3A_769 = arith.constant 4 : i32
        %mul3A_770 = arith.muli %scan3A_760, %mul3A_769 : i32
        %add3A_771 = arith.constant 0 : i32
        %add3A_772 = arith.addi %mul3A_770, %add3A_771 : i32
        %get3A_773 = arith.index_cast %add3A_772 : i32 to index
        %get3A_774 = arith.constant 0 : index
        %get3A_775 = tpu.vector_load %arg14[%get3A_773, %get3A_774] {strides = array<i32>} : memref<128x16xf32, #tpu.memory_space<vmem>>, vector<16xf32>,
        %mul3A_776 = arith.mulf %get3A_775, %gather3A_768 : vector<16xf32>
        %add3A_777 = arith.addi %gather3A, %iota3A : vector<16xi32>
        tpu.vector_store_idx %arg15[%add3A_777], %mul3A_776 {add = true} : memref<81920xf32, #tpu.memory_space<vmem>>[vector<16xi32>], vector<16xf32>,
        %mul3A_778 = arith.constant 4 : i32
        %mul3A_779 = arith.muli %scan3A_760, %mul3A_778 : i32
        %add3A_780 = arith.constant 1 : i32
        %add3A_781 = arith.addi %mul3A_779, %add3A_780 : i32
        %add3A_782 = arith.constant 1280 : i32
        %add3A_783 = arith.addi %add3A_781, %add3A_782 : i32
        %broadcast_in_dim3A_784 = vector.broadcast %add3A_783 : i32 to vector<16xi32>
        %gather3A_785 = tpu.vector_load_idx %arg10[%broadcast_in_dim3A_784] : memref<2048xi32, #tpu.memory_space<vmem>>[vector<16xi32>], vector<16xi32>,
        %gather3A_786 = tpu.vector_load_idx %arg12[%broadcast_in_dim3A_784] : memref<2048xf32, #tpu.memory_space<vmem>>[vector<16xi32>], vector<16xf32>,
        %mul3A_787 = arith.constant 4 : i32
        %mul3A_788 = arith.muli %scan3A_760, %mul3A_787 : i32
        %add3A_789 = arith.constant 1 : i32
        %add3A_790 = arith.addi %mul3A_788, %add3A_789 : i32
        %get3A_791 = arith.index_cast %add3A_790 : i32 to index
        %get3A_792 = arith.constant 0 : index
        %get3A_793 = tpu.vector_load %arg14[%get3A_791, %get3A_792] {strides = array<i32>} : memref<128x16xf32, #tpu.memory_space<vmem>>, vector<16xf32>,
        %mul3A_794 = arith.mulf %get3A_793, %gather3A_786 : vector<16xf32>
        %add3A_795 = arith.addi %gather3A_785, %iota3A : vector<16xi32>
        tpu.vector_store_idx %arg15[%add3A_795], %mul3A_794 {add = true} : memref<81920xf32, #tpu.memory_space<vmem>>[vector<16xi32>], vector<16xf32>,
        %mul3A_796 = arith.constant 4 : i32
        %mul3A_797 = arith.muli %scan3A_760, %mul3A_796 : i32
        %add3A_798 = arith.constant 2 : i32
        %add3A_799 = arith.addi %mul3A_797, %add3A_798 : i32
        %add3A_800 = arith.constant 1280 : i32
        %add3A_801 = arith.addi %add3A_799, %add3A_800 : i32
        %broadcast_in_dim3A_802 = vector.broadcast %add3A_801 : i32 to vector<16xi32>
        %gather3A_803 = tpu.vector_load_idx %arg10[%broadcast_in_dim3A_802] : memref<2048xi32, #tpu.memory_space<vmem>>[vector<16xi32>], vector<16xi32>,
        %gather3A_804 = tpu.vector_load_idx %arg12[%broadcast_in_dim3A_802] : memref<2048xf32, #tpu.memory_space<vmem>>[vector<16xi32>], vector<16xf32>,
        %mul3A_805 = arith.constant 4 : i32
        %mul3A_806 = arith.muli %scan3A_760, %mul3A_805 : i32
        %add3A_807 = arith.constant 2 : i32
        %add3A_808 = arith.addi %mul3A_806, %add3A_807 : i32
        %get3A_809 = arith.index_cast %add3A_808 : i32 to index
        %get3A_810 = arith.constant 0 : index
        %get3A_811 = tpu.vector_load %arg14[%get3A_809, %get3A_810] {strides = array<i32>} : memref<128x16xf32, #tpu.memory_space<vmem>>, vector<16xf32>,
        %mul3A_812 = arith.mulf %get3A_811, %gather3A_804 : vector<16xf32>
        %add3A_813 = arith.addi %gather3A_803, %iota3A : vector<16xi32>
        tpu.vector_store_idx %arg15[%add3A_813], %mul3A_812 {add = true} : memref<81920xf32, #tpu.memory_space<vmem>>[vector<16xi32>], vector<16xf32>,
        %mul3A_814 = arith.constant 4 : i32
        %mul3A_815 = arith.muli %scan3A_760, %mul3A_814 : i32
        %add3A_816 = arith.constant 3 : i32
        %add3A_817 = arith.addi %mul3A_815, %add3A_816 : i32
        %add3A_818 = arith.constant 1280 : i32
        %add3A_819 = arith.addi %add3A_817, %add3A_818 : i32
        %broadcast_in_dim3A_820 = vector.broadcast %add3A_819 : i32 to vector<16xi32>
        %gather3A_821 = tpu.vector_load_idx %arg10[%broadcast_in_dim3A_820] : memref<2048xi32, #tpu.memory_space<vmem>>[vector<16xi32>], vector<16xi32>,
        %gather3A_822 = tpu.vector_load_idx %arg12[%broadcast_in_dim3A_820] : memref<2048xf32, #tpu.memory_space<vmem>>[vector<16xi32>], vector<16xf32>,
        %mul3A_823 = arith.constant 4 : i32
        %mul3A_824 = arith.muli %scan3A_760, %mul3A_823 : i32
        %add3A_825 = arith.constant 3 : i32
        %add3A_826 = arith.addi %mul3A_824, %add3A_825 : i32
        %get3A_827 = arith.index_cast %add3A_826 : i32 to index
        %get3A_828 = arith.constant 0 : index
        %get3A_829 = tpu.vector_load %arg14[%get3A_827, %get3A_828] {strides = array<i32>} : memref<128x16xf32, #tpu.memory_space<vmem>>, vector<16xf32>,
        %mul3A_830 = arith.mulf %get3A_829, %gather3A_822 : vector<16xf32>
        %add3A_831 = arith.addi %gather3A_821, %iota3A : vector<16xi32>
        tpu.vector_store_idx %arg15[%add3A_831], %mul3A_830 {add = true} : memref<81920xf32, #tpu.memory_space<vmem>>[vector<16xi32>], vector<16xf32>,
      }
      %scan3A_539 = arith.constant 32 : i32
      %get3A_540 = arith.constant 1408 : index
      %get3A_541 = tpu.vector_load %arg8[%get3A_540] {strides = array<i32>} : memref<2048xi32, #tpu.memory_space<vmem>>, vector<16xi32>,
      %swap3A_542 = arith.constant 0 : index
      %swap3A_543 = tpu.vector_load %arg13[%swap3A_542] {strides = array<i32>} : memref<128xi32, #tpu.memory_space<vmem>>, vector<16xi32>,
      tpu.vector_store %arg13[%swap3A_542], %get3A_541 {strides = array<i32>} : memref<128xi32, #tpu.memory_space<vmem>>, vector<16xi32>,
      %get3A_544 = arith.constant 1424 : index
      %get3A_545 = tpu.vector_load %arg8[%get3A_544] {strides = array<i32>} : memref<2048xi32, #tpu.memory_space<vmem>>, vector<16xi32>,
      %swap3A_546 = arith.constant 16 : index
      %swap3A_547 = tpu.vector_load %arg13[%swap3A_546] {strides = array<i32>} : memref<128xi32, #tpu.memory_space<vmem>>, vector<16xi32>,
      tpu.vector_store %arg13[%swap3A_546], %get3A_545 {strides = array<i32>} : memref<128xi32, #tpu.memory_space<vmem>>, vector<16xi32>,
      %get3A_548 = arith.constant 1440 : index
      %get3A_549 = tpu.vector_load %arg8[%get3A_548] {strides = array<i32>} : memref<2048xi32, #tpu.memory_space<vmem>>, vector<16xi32>,
      %swap3A_550 = arith.constant 32 : index
      %swap3A_551 = tpu.vector_load %arg13[%swap3A_550] {strides = array<i32>} : memref<128xi32, #tpu.memory_space<vmem>>, vector<16xi32>,
      tpu.vector_store %arg13[%swap3A_550], %get3A_549 {strides = array<i32>} : memref<128xi32, #tpu.memory_space<vmem>>, vector<16xi32>,
      %get3A_552 = arith.constant 1456 : index
      %get3A_553 = tpu.vector_load %arg8[%get3A_552] {strides = array<i32>} : memref<2048xi32, #tpu.memory_space<vmem>>, vector<16xi32>,
      %swap3A_554 = arith.constant 48 : index
      %swap3A_555 = tpu.vector_load %arg13[%swap3A_554] {strides = array<i32>} : memref<128xi32, #tpu.memory_space<vmem>>, vector<16xi32>,
      tpu.vector_store %arg13[%swap3A_554], %get3A_553 {strides = array<i32>} : memref<128xi32, #tpu.memory_space<vmem>>, vector<16xi32>,
      %get3A_556 = arith.constant 1472 : index
      %get3A_557 = tpu.vector_load %arg8[%get3A_556] {strides = array<i32>} : memref<2048xi32, #tpu.memory_space<vmem>>, vector<16xi32>,
      %swap3A_558 = arith.constant 64 : index
      %swap3A_559 = tpu.vector_load %arg13[%swap3A_558] {strides = array<i32>} : memref<128xi32, #tpu.memory_space<vmem>>, vector<16xi32>,
      tpu.vector_store %arg13[%swap3A_558], %get3A_557 {strides = array<i32>} : memref<128xi32, #tpu.memory_space<vmem>>, vector<16xi32>,
      %get3A_560 = arith.constant 1488 : index
      %get3A_561 = tpu.vector_load %arg8[%get3A_560] {strides = array<i32>} : memref<2048xi32, #tpu.memory_space<vmem>>, vector<16xi32>,
      %swap3A_562 = arith.constant 80 : index
      %swap3A_563 = tpu.vector_load %arg13[%swap3A_562] {strides = array<i32>} : memref<128xi32, #tpu.memory_space<vmem>>, vector<16xi32>,
      tpu.vector_store %arg13[%swap3A_562], %get3A_561 {strides = array<i32>} : memref<128xi32, #tpu.memory_space<vmem>>, vector<16xi32>,
      %get3A_564 = arith.constant 1504 : index
      %get3A_565 = tpu.vector_load %arg8[%get3A_564] {strides = array<i32>} : memref<2048xi32, #tpu.memory_space<vmem>>, vector<16xi32>,
      %swap3A_566 = arith.constant 96 : index
      %swap3A_567 = tpu.vector_load %arg13[%swap3A_566] {strides = array<i32>} : memref<128xi32, #tpu.memory_space<vmem>>, vector<16xi32>,
      tpu.vector_store %arg13[%swap3A_566], %get3A_565 {strides = array<i32>} : memref<128xi32, #tpu.memory_space<vmem>>, vector<16xi32>,
      %get3A_568 = arith.constant 1520 : index
      %get3A_569 = tpu.vector_load %arg8[%get3A_568] {strides = array<i32>} : memref<2048xi32, #tpu.memory_space<vmem>>, vector<16xi32>,
      %swap3A_570 = arith.constant 112 : index
      %swap3A_571 = tpu.vector_load %arg13[%swap3A_570] {strides = array<i32>} : memref<128xi32, #tpu.memory_space<vmem>>, vector<16xi32>,
      tpu.vector_store %arg13[%swap3A_570], %get3A_569 {strides = array<i32>} : memref<128xi32, #tpu.memory_space<vmem>>, vector<16xi32>,
      %dma_start3A_572 = arith.constant 0 : i32
      %dma_start3A_573 = arith.constant 0 : i32
      %dma_start3A_574 = tpu.memref_slice %arg2[%dma_start3A_572, %dma_start3A_573] : memref<160000x16xf32, #tpu.memory_space<hbm>> -> memref<160000x16xf32, #tpu.memory_space<hbm>>
      tpu.enqueue_indirect_dma source(%dma_start3A_574 : memref<160000x16xf32, #tpu.memory_space<hbm>>) target(%arg14 : memref<128x16xf32, #tpu.memory_space<vmem>>) offsets(%arg13 : memref<128xi32, #tpu.memory_space<vmem>>) semaphore(%arg16 : memref<!tpu.dma_semaphore, #tpu.memory_space<semaphore_mem>>)
      %dma_wait3A_575 = arith.constant 0 : i32
      %dma_wait3A_576 = arith.constant 0 : i32
      %dma_wait3A_577 = tpu.memref_slice %arg2[%dma_wait3A_575, %dma_wait3A_576] : memref<160000x16xf32, #tpu.memory_space<hbm>> -> memref<160000x16xf32, #tpu.memory_space<hbm>>
      tpu.wait_indirect_dma semaphore(%arg16 : memref<!tpu.dma_semaphore, #tpu.memory_space<semaphore_mem>>) src(%dma_wait3A_577 : memref<160000x16xf32, #tpu.memory_space<hbm>>) dst(%arg14 : memref<128x16xf32, #tpu.memory_space<vmem>>)
      %scan3A_578 = arith.constant 0 : i32
      %scan3A_579 = arith.constant 0 : i32
      %scan3A_580 = arith.constant 32 : i32
      %scan3A_581 = arith.addi %scan3A_579, %scan3A_580 : i32
      %scan3A_582 = arith.constant 1 : i32
      scf.for %scan3A_760 = %scan3A_579 to %scan3A_581 step %scan3A_582  : i32 {
        %mul3A_761 = arith.constant 4 : i32
        %mul3A_762 = arith.muli %scan3A_760, %mul3A_761 : i32
        %add3A_763 = arith.constant 0 : i32
        %add3A_764 = arith.addi %mul3A_762, %add3A_763 : i32
        %add3A_765 = arith.constant 1408 : i32
        %add3A_766 = arith.addi %add3A_764, %add3A_765 : i32
        %broadcast_in_dim3A_767 = vector.broadcast %add3A_766 : i32 to vector<16xi32>
        %gather3A = tpu.vector_load_idx %arg10[%broadcast_in_dim3A_767] : memref<2048xi32, #tpu.memory_space<vmem>>[vector<16xi32>], vector<16xi32>,
        %gather3A_768 = tpu.vector_load_idx %arg12[%broadcast_in_dim3A_767] : memref<2048xf32, #tpu.memory_space<vmem>>[vector<16xi32>], vector<16xf32>,
        %mul3A_769 = arith.constant 4 : i32
        %mul3A_770 = arith.muli %scan3A_760, %mul3A_769 : i32
        %add3A_771 = arith.constant 0 : i32
        %add3A_772 = arith.addi %mul3A_770, %add3A_771 : i32
        %get3A_773 = arith.index_cast %add3A_772 : i32 to index
        %get3A_774 = arith.constant 0 : index
        %get3A_775 = tpu.vector_load %arg14[%get3A_773, %get3A_774] {strides = array<i32>} : memref<128x16xf32, #tpu.memory_space<vmem>>, vector<16xf32>,
        %mul3A_776 = arith.mulf %get3A_775, %gather3A_768 : vector<16xf32>
        %add3A_777 = arith.addi %gather3A, %iota3A : vector<16xi32>
        tpu.vector_store_idx %arg15[%add3A_777], %mul3A_776 {add = true} : memref<81920xf32, #tpu.memory_space<vmem>>[vector<16xi32>], vector<16xf32>,
        %mul3A_778 = arith.constant 4 : i32
        %mul3A_779 = arith.muli %scan3A_760, %mul3A_778 : i32
        %add3A_780 = arith.constant 1 : i32
        %add3A_781 = arith.addi %mul3A_779, %add3A_780 : i32
        %add3A_782 = arith.constant 1408 : i32
        %add3A_783 = arith.addi %add3A_781, %add3A_782 : i32
        %broadcast_in_dim3A_784 = vector.broadcast %add3A_783 : i32 to vector<16xi32>
        %gather3A_785 = tpu.vector_load_idx %arg10[%broadcast_in_dim3A_784] : memref<2048xi32, #tpu.memory_space<vmem>>[vector<16xi32>], vector<16xi32>,
        %gather3A_786 = tpu.vector_load_idx %arg12[%broadcast_in_dim3A_784] : memref<2048xf32, #tpu.memory_space<vmem>>[vector<16xi32>], vector<16xf32>,
        %mul3A_787 = arith.constant 4 : i32
        %mul3A_788 = arith.muli %scan3A_760, %mul3A_787 : i32
        %add3A_789 = arith.constant 1 : i32
        %add3A_790 = arith.addi %mul3A_788, %add3A_789 : i32
        %get3A_791 = arith.index_cast %add3A_790 : i32 to index
        %get3A_792 = arith.constant 0 : index
        %get3A_793 = tpu.vector_load %arg14[%get3A_791, %get3A_792] {strides = array<i32>} : memref<128x16xf32, #tpu.memory_space<vmem>>, vector<16xf32>,
        %mul3A_794 = arith.mulf %get3A_793, %gather3A_786 : vector<16xf32>
        %add3A_795 = arith.addi %gather3A_785, %iota3A : vector<16xi32>
        tpu.vector_store_idx %arg15[%add3A_795], %mul3A_794 {add = true} : memref<81920xf32, #tpu.memory_space<vmem>>[vector<16xi32>], vector<16xf32>,
        %mul3A_796 = arith.constant 4 : i32
        %mul3A_797 = arith.muli %scan3A_760, %mul3A_796 : i32
        %add3A_798 = arith.constant 2 : i32
        %add3A_799 = arith.addi %mul3A_797, %add3A_798 : i32
        %add3A_800 = arith.constant 1408 : i32
        %add3A_801 = arith.addi %add3A_799, %add3A_800 : i32
        %broadcast_in_dim3A_802 = vector.broadcast %add3A_801 : i32 to vector<16xi32>
        %gather3A_803 = tpu.vector_load_idx %arg10[%broadcast_in_dim3A_802] : memref<2048xi32, #tpu.memory_space<vmem>>[vector<16xi32>], vector<16xi32>,
        %gather3A_804 = tpu.vector_load_idx %arg12[%broadcast_in_dim3A_802] : memref<2048xf32, #tpu.memory_space<vmem>>[vector<16xi32>], vector<16xf32>,
        %mul3A_805 = arith.constant 4 : i32
        %mul3A_806 = arith.muli %scan3A_760, %mul3A_805 : i32
        %add3A_807 = arith.constant 2 : i32
        %add3A_808 = arith.addi %mul3A_806, %add3A_807 : i32
        %get3A_809 = arith.index_cast %add3A_808 : i32 to index
        %get3A_810 = arith.constant 0 : index
        %get3A_811 = tpu.vector_load %arg14[%get3A_809, %get3A_810] {strides = array<i32>} : memref<128x16xf32, #tpu.memory_space<vmem>>, vector<16xf32>,
        %mul3A_812 = arith.mulf %get3A_811, %gather3A_804 : vector<16xf32>
        %add3A_813 = arith.addi %gather3A_803, %iota3A : vector<16xi32>
        tpu.vector_store_idx %arg15[%add3A_813], %mul3A_812 {add = true} : memref<81920xf32, #tpu.memory_space<vmem>>[vector<16xi32>], vector<16xf32>,
        %mul3A_814 = arith.constant 4 : i32
        %mul3A_815 = arith.muli %scan3A_760, %mul3A_814 : i32
        %add3A_816 = arith.constant 3 : i32
        %add3A_817 = arith.addi %mul3A_815, %add3A_816 : i32
        %add3A_818 = arith.constant 1408 : i32
        %add3A_819 = arith.addi %add3A_817, %add3A_818 : i32
        %broadcast_in_dim3A_820 = vector.broadcast %add3A_819 : i32 to vector<16xi32>
        %gather3A_821 = tpu.vector_load_idx %arg10[%broadcast_in_dim3A_820] : memref<2048xi32, #tpu.memory_space<vmem>>[vector<16xi32>], vector<16xi32>,
        %gather3A_822 = tpu.vector_load_idx %arg12[%broadcast_in_dim3A_820] : memref<2048xf32, #tpu.memory_space<vmem>>[vector<16xi32>], vector<16xf32>,
        %mul3A_823 = arith.constant 4 : i32
        %mul3A_824 = arith.muli %scan3A_760, %mul3A_823 : i32
        %add3A_825 = arith.constant 3 : i32
        %add3A_826 = arith.addi %mul3A_824, %add3A_825 : i32
        %get3A_827 = arith.index_cast %add3A_826 : i32 to index
        %get3A_828 = arith.constant 0 : index
        %get3A_829 = tpu.vector_load %arg14[%get3A_827, %get3A_828] {strides = array<i32>} : memref<128x16xf32, #tpu.memory_space<vmem>>, vector<16xf32>,
        %mul3A_830 = arith.mulf %get3A_829, %gather3A_822 : vector<16xf32>
        %add3A_831 = arith.addi %gather3A_821, %iota3A : vector<16xi32>
        tpu.vector_store_idx %arg15[%add3A_831], %mul3A_830 {add = true} : memref<81920xf32, #tpu.memory_space<vmem>>[vector<16xi32>], vector<16xf32>,
      }
      %scan3A_583 = arith.constant 32 : i32
      %get3A_584 = arith.constant 1536 : index
      %get3A_585 = tpu.vector_load %arg8[%get3A_584] {strides = array<i32>} : memref<2048xi32, #tpu.memory_space<vmem>>, vector<16xi32>,
      %swap3A_586 = arith.constant 0 : index
      %swap3A_587 = tpu.vector_load %arg13[%swap3A_586] {strides = array<i32>} : memref<128xi32, #tpu.memory_space<vmem>>, vector<16xi32>,
      tpu.vector_store %arg13[%swap3A_586], %get3A_585 {strides = array<i32>} : memref<128xi32, #tpu.memory_space<vmem>>, vector<16xi32>,
      %get3A_588 = arith.constant 1552 : index
      %get3A_589 = tpu.vector_load %arg8[%get3A_588] {strides = array<i32>} : memref<2048xi32, #tpu.memory_space<vmem>>, vector<16xi32>,
      %swap3A_590 = arith.constant 16 : index
      %swap3A_591 = tpu.vector_load %arg13[%swap3A_590] {strides = array<i32>} : memref<128xi32, #tpu.memory_space<vmem>>, vector<16xi32>,
      tpu.vector_store %arg13[%swap3A_590], %get3A_589 {strides = array<i32>} : memref<128xi32, #tpu.memory_space<vmem>>, vector<16xi32>,
      %get3A_592 = arith.constant 1568 : index
      %get3A_593 = tpu.vector_load %arg8[%get3A_592] {strides = array<i32>} : memref<2048xi32, #tpu.memory_space<vmem>>, vector<16xi32>,
      %swap3A_594 = arith.constant 32 : index
      %swap3A_595 = tpu.vector_load %arg13[%swap3A_594] {strides = array<i32>} : memref<128xi32, #tpu.memory_space<vmem>>, vector<16xi32>,
      tpu.vector_store %arg13[%swap3A_594], %get3A_593 {strides = array<i32>} : memref<128xi32, #tpu.memory_space<vmem>>, vector<16xi32>,
      %get3A_596 = arith.constant 1584 : index
      %get3A_597 = tpu.vector_load %arg8[%get3A_596] {strides = array<i32>} : memref<2048xi32, #tpu.memory_space<vmem>>, vector<16xi32>,
      %swap3A_598 = arith.constant 48 : index
      %swap3A_599 = tpu.vector_load %arg13[%swap3A_598] {strides = array<i32>} : memref<128xi32, #tpu.memory_space<vmem>>, vector<16xi32>,
      tpu.vector_store %arg13[%swap3A_598], %get3A_597 {strides = array<i32>} : memref<128xi32, #tpu.memory_space<vmem>>, vector<16xi32>,
      %get3A_600 = arith.constant 1600 : index
      %get3A_601 = tpu.vector_load %arg8[%get3A_600] {strides = array<i32>} : memref<2048xi32, #tpu.memory_space<vmem>>, vector<16xi32>,
      %swap3A_602 = arith.constant 64 : index
      %swap3A_603 = tpu.vector_load %arg13[%swap3A_602] {strides = array<i32>} : memref<128xi32, #tpu.memory_space<vmem>>, vector<16xi32>,
      tpu.vector_store %arg13[%swap3A_602], %get3A_601 {strides = array<i32>} : memref<128xi32, #tpu.memory_space<vmem>>, vector<16xi32>,
      %get3A_604 = arith.constant 1616 : index
      %get3A_605 = tpu.vector_load %arg8[%get3A_604] {strides = array<i32>} : memref<2048xi32, #tpu.memory_space<vmem>>, vector<16xi32>,
      %swap3A_606 = arith.constant 80 : index
      %swap3A_607 = tpu.vector_load %arg13[%swap3A_606] {strides = array<i32>} : memref<128xi32, #tpu.memory_space<vmem>>, vector<16xi32>,
      tpu.vector_store %arg13[%swap3A_606], %get3A_605 {strides = array<i32>} : memref<128xi32, #tpu.memory_space<vmem>>, vector<16xi32>,
      %get3A_608 = arith.constant 1632 : index
      %get3A_609 = tpu.vector_load %arg8[%get3A_608] {strides = array<i32>} : memref<2048xi32, #tpu.memory_space<vmem>>, vector<16xi32>,
      %swap3A_610 = arith.constant 96 : index
      %swap3A_611 = tpu.vector_load %arg13[%swap3A_610] {strides = array<i32>} : memref<128xi32, #tpu.memory_space<vmem>>, vector<16xi32>,
      tpu.vector_store %arg13[%swap3A_610], %get3A_609 {strides = array<i32>} : memref<128xi32, #tpu.memory_space<vmem>>, vector<16xi32>,
      %get3A_612 = arith.constant 1648 : index
      %get3A_613 = tpu.vector_load %arg8[%get3A_612] {strides = array<i32>} : memref<2048xi32, #tpu.memory_space<vmem>>, vector<16xi32>,
      %swap3A_614 = arith.constant 112 : index
      %swap3A_615 = tpu.vector_load %arg13[%swap3A_614] {strides = array<i32>} : memref<128xi32, #tpu.memory_space<vmem>>, vector<16xi32>,
      tpu.vector_store %arg13[%swap3A_614], %get3A_613 {strides = array<i32>} : memref<128xi32, #tpu.memory_space<vmem>>, vector<16xi32>,
      %dma_start3A_616 = arith.constant 0 : i32
      %dma_start3A_617 = arith.constant 0 : i32
      %dma_start3A_618 = tpu.memref_slice %arg2[%dma_start3A_616, %dma_start3A_617] : memref<160000x16xf32, #tpu.memory_space<hbm>> -> memref<160000x16xf32, #tpu.memory_space<hbm>>
      tpu.enqueue_indirect_dma source(%dma_start3A_618 : memref<160000x16xf32, #tpu.memory_space<hbm>>) target(%arg14 : memref<128x16xf32, #tpu.memory_space<vmem>>) offsets(%arg13 : memref<128xi32, #tpu.memory_space<vmem>>) semaphore(%arg16 : memref<!tpu.dma_semaphore, #tpu.memory_space<semaphore_mem>>)
      %dma_wait3A_619 = arith.constant 0 : i32
      %dma_wait3A_620 = arith.constant 0 : i32
      %dma_wait3A_621 = tpu.memref_slice %arg2[%dma_wait3A_619, %dma_wait3A_620] : memref<160000x16xf32, #tpu.memory_space<hbm>> -> memref<160000x16xf32, #tpu.memory_space<hbm>>
      tpu.wait_indirect_dma semaphore(%arg16 : memref<!tpu.dma_semaphore, #tpu.memory_space<semaphore_mem>>) src(%dma_wait3A_621 : memref<160000x16xf32, #tpu.memory_space<hbm>>) dst(%arg14 : memref<128x16xf32, #tpu.memory_space<vmem>>)
      %scan3A_622 = arith.constant 0 : i32
      %scan3A_623 = arith.constant 0 : i32
      %scan3A_624 = arith.constant 32 : i32
      %scan3A_625 = arith.addi %scan3A_623, %scan3A_624 : i32
      %scan3A_626 = arith.constant 1 : i32
      scf.for %scan3A_760 = %scan3A_623 to %scan3A_625 step %scan3A_626  : i32 {
        %mul3A_761 = arith.constant 4 : i32
        %mul3A_762 = arith.muli %scan3A_760, %mul3A_761 : i32
        %add3A_763 = arith.constant 0 : i32
        %add3A_764 = arith.addi %mul3A_762, %add3A_763 : i32
        %add3A_765 = arith.constant 1536 : i32
        %add3A_766 = arith.addi %add3A_764, %add3A_765 : i32
        %broadcast_in_dim3A_767 = vector.broadcast %add3A_766 : i32 to vector<16xi32>
        %gather3A = tpu.vector_load_idx %arg10[%broadcast_in_dim3A_767] : memref<2048xi32, #tpu.memory_space<vmem>>[vector<16xi32>], vector<16xi32>,
        %gather3A_768 = tpu.vector_load_idx %arg12[%broadcast_in_dim3A_767] : memref<2048xf32, #tpu.memory_space<vmem>>[vector<16xi32>], vector<16xf32>,
        %mul3A_769 = arith.constant 4 : i32
        %mul3A_770 = arith.muli %scan3A_760, %mul3A_769 : i32
        %add3A_771 = arith.constant 0 : i32
        %add3A_772 = arith.addi %mul3A_770, %add3A_771 : i32
        %get3A_773 = arith.index_cast %add3A_772 : i32 to index
        %get3A_774 = arith.constant 0 : index
        %get3A_775 = tpu.vector_load %arg14[%get3A_773, %get3A_774] {strides = array<i32>} : memref<128x16xf32, #tpu.memory_space<vmem>>, vector<16xf32>,
        %mul3A_776 = arith.mulf %get3A_775, %gather3A_768 : vector<16xf32>
        %add3A_777 = arith.addi %gather3A, %iota3A : vector<16xi32>
        tpu.vector_store_idx %arg15[%add3A_777], %mul3A_776 {add = true} : memref<81920xf32, #tpu.memory_space<vmem>>[vector<16xi32>], vector<16xf32>,
        %mul3A_778 = arith.constant 4 : i32
        %mul3A_779 = arith.muli %scan3A_760, %mul3A_778 : i32
        %add3A_780 = arith.constant 1 : i32
        %add3A_781 = arith.addi %mul3A_779, %add3A_780 : i32
        %add3A_782 = arith.constant 1536 : i32
        %add3A_783 = arith.addi %add3A_781, %add3A_782 : i32
        %broadcast_in_dim3A_784 = vector.broadcast %add3A_783 : i32 to vector<16xi32>
        %gather3A_785 = tpu.vector_load_idx %arg10[%broadcast_in_dim3A_784] : memref<2048xi32, #tpu.memory_space<vmem>>[vector<16xi32>], vector<16xi32>,
        %gather3A_786 = tpu.vector_load_idx %arg12[%broadcast_in_dim3A_784] : memref<2048xf32, #tpu.memory_space<vmem>>[vector<16xi32>], vector<16xf32>,
        %mul3A_787 = arith.constant 4 : i32
        %mul3A_788 = arith.muli %scan3A_760, %mul3A_787 : i32
        %add3A_789 = arith.constant 1 : i32
        %add3A_790 = arith.addi %mul3A_788, %add3A_789 : i32
        %get3A_791 = arith.index_cast %add3A_790 : i32 to index
        %get3A_792 = arith.constant 0 : index
        %get3A_793 = tpu.vector_load %arg14[%get3A_791, %get3A_792] {strides = array<i32>} : memref<128x16xf32, #tpu.memory_space<vmem>>, vector<16xf32>,
        %mul3A_794 = arith.mulf %get3A_793, %gather3A_786 : vector<16xf32>
        %add3A_795 = arith.addi %gather3A_785, %iota3A : vector<16xi32>
        tpu.vector_store_idx %arg15[%add3A_795], %mul3A_794 {add = true} : memref<81920xf32, #tpu.memory_space<vmem>>[vector<16xi32>], vector<16xf32>,
        %mul3A_796 = arith.constant 4 : i32
        %mul3A_797 = arith.muli %scan3A_760, %mul3A_796 : i32
        %add3A_798 = arith.constant 2 : i32
        %add3A_799 = arith.addi %mul3A_797, %add3A_798 : i32
        %add3A_800 = arith.constant 1536 : i32
        %add3A_801 = arith.addi %add3A_799, %add3A_800 : i32
        %broadcast_in_dim3A_802 = vector.broadcast %add3A_801 : i32 to vector<16xi32>
        %gather3A_803 = tpu.vector_load_idx %arg10[%broadcast_in_dim3A_802] : memref<2048xi32, #tpu.memory_space<vmem>>[vector<16xi32>], vector<16xi32>,
        %gather3A_804 = tpu.vector_load_idx %arg12[%broadcast_in_dim3A_802] : memref<2048xf32, #tpu.memory_space<vmem>>[vector<16xi32>], vector<16xf32>,
        %mul3A_805 = arith.constant 4 : i32
        %mul3A_806 = arith.muli %scan3A_760, %mul3A_805 : i32
        %add3A_807 = arith.constant 2 : i32
        %add3A_808 = arith.addi %mul3A_806, %add3A_807 : i32
        %get3A_809 = arith.index_cast %add3A_808 : i32 to index
        %get3A_810 = arith.constant 0 : index
        %get3A_811 = tpu.vector_load %arg14[%get3A_809, %get3A_810] {strides = array<i32>} : memref<128x16xf32, #tpu.memory_space<vmem>>, vector<16xf32>,
        %mul3A_812 = arith.mulf %get3A_811, %gather3A_804 : vector<16xf32>
        %add3A_813 = arith.addi %gather3A_803, %iota3A : vector<16xi32>
        tpu.vector_store_idx %arg15[%add3A_813], %mul3A_812 {add = true} : memref<81920xf32, #tpu.memory_space<vmem>>[vector<16xi32>], vector<16xf32>,
        %mul3A_814 = arith.constant 4 : i32
        %mul3A_815 = arith.muli %scan3A_760, %mul3A_814 : i32
        %add3A_816 = arith.constant 3 : i32
        %add3A_817 = arith.addi %mul3A_815, %add3A_816 : i32
        %add3A_818 = arith.constant 1536 : i32
        %add3A_819 = arith.addi %add3A_817, %add3A_818 : i32
        %broadcast_in_dim3A_820 = vector.broadcast %add3A_819 : i32 to vector<16xi32>
        %gather3A_821 = tpu.vector_load_idx %arg10[%broadcast_in_dim3A_820] : memref<2048xi32, #tpu.memory_space<vmem>>[vector<16xi32>], vector<16xi32>,
        %gather3A_822 = tpu.vector_load_idx %arg12[%broadcast_in_dim3A_820] : memref<2048xf32, #tpu.memory_space<vmem>>[vector<16xi32>], vector<16xf32>,
        %mul3A_823 = arith.constant 4 : i32
        %mul3A_824 = arith.muli %scan3A_760, %mul3A_823 : i32
        %add3A_825 = arith.constant 3 : i32
        %add3A_826 = arith.addi %mul3A_824, %add3A_825 : i32
        %get3A_827 = arith.index_cast %add3A_826 : i32 to index
        %get3A_828 = arith.constant 0 : index
        %get3A_829 = tpu.vector_load %arg14[%get3A_827, %get3A_828] {strides = array<i32>} : memref<128x16xf32, #tpu.memory_space<vmem>>, vector<16xf32>,
        %mul3A_830 = arith.mulf %get3A_829, %gather3A_822 : vector<16xf32>
        %add3A_831 = arith.addi %gather3A_821, %iota3A : vector<16xi32>
        tpu.vector_store_idx %arg15[%add3A_831], %mul3A_830 {add = true} : memref<81920xf32, #tpu.memory_space<vmem>>[vector<16xi32>], vector<16xf32>,
      }
      %scan3A_627 = arith.constant 32 : i32
      %get3A_628 = arith.constant 1664 : index
      %get3A_629 = tpu.vector_load %arg8[%get3A_628] {strides = array<i32>} : memref<2048xi32, #tpu.memory_space<vmem>>, vector<16xi32>,
      %swap3A_630 = arith.constant 0 : index
      %swap3A_631 = tpu.vector_load %arg13[%swap3A_630] {strides = array<i32>} : memref<128xi32, #tpu.memory_space<vmem>>, vector<16xi32>,
      tpu.vector_store %arg13[%swap3A_630], %get3A_629 {strides = array<i32>} : memref<128xi32, #tpu.memory_space<vmem>>, vector<16xi32>,
      %get3A_632 = arith.constant 1680 : index
      %get3A_633 = tpu.vector_load %arg8[%get3A_632] {strides = array<i32>} : memref<2048xi32, #tpu.memory_space<vmem>>, vector<16xi32>,
      %swap3A_634 = arith.constant 16 : index
      %swap3A_635 = tpu.vector_load %arg13[%swap3A_634] {strides = array<i32>} : memref<128xi32, #tpu.memory_space<vmem>>, vector<16xi32>,
      tpu.vector_store %arg13[%swap3A_634], %get3A_633 {strides = array<i32>} : memref<128xi32, #tpu.memory_space<vmem>>, vector<16xi32>,
      %get3A_636 = arith.constant 1696 : index
      %get3A_637 = tpu.vector_load %arg8[%get3A_636] {strides = array<i32>} : memref<2048xi32, #tpu.memory_space<vmem>>, vector<16xi32>,
      %swap3A_638 = arith.constant 32 : index
      %swap3A_639 = tpu.vector_load %arg13[%swap3A_638] {strides = array<i32>} : memref<128xi32, #tpu.memory_space<vmem>>, vector<16xi32>,
      tpu.vector_store %arg13[%swap3A_638], %get3A_637 {strides = array<i32>} : memref<128xi32, #tpu.memory_space<vmem>>, vector<16xi32>,
      %get3A_640 = arith.constant 1712 : index
      %get3A_641 = tpu.vector_load %arg8[%get3A_640] {strides = array<i32>} : memref<2048xi32, #tpu.memory_space<vmem>>, vector<16xi32>,
      %swap3A_642 = arith.constant 48 : index
      %swap3A_643 = tpu.vector_load %arg13[%swap3A_642] {strides = array<i32>} : memref<128xi32, #tpu.memory_space<vmem>>, vector<16xi32>,
      tpu.vector_store %arg13[%swap3A_642], %get3A_641 {strides = array<i32>} : memref<128xi32, #tpu.memory_space<vmem>>, vector<16xi32>,
      %get3A_644 = arith.constant 1728 : index
      %get3A_645 = tpu.vector_load %arg8[%get3A_644] {strides = array<i32>} : memref<2048xi32, #tpu.memory_space<vmem>>, vector<16xi32>,
      %swap3A_646 = arith.constant 64 : index
      %swap3A_647 = tpu.vector_load %arg13[%swap3A_646] {strides = array<i32>} : memref<128xi32, #tpu.memory_space<vmem>>, vector<16xi32>,
      tpu.vector_store %arg13[%swap3A_646], %get3A_645 {strides = array<i32>} : memref<128xi32, #tpu.memory_space<vmem>>, vector<16xi32>,
      %get3A_648 = arith.constant 1744 : index
      %get3A_649 = tpu.vector_load %arg8[%get3A_648] {strides = array<i32>} : memref<2048xi32, #tpu.memory_space<vmem>>, vector<16xi32>,
      %swap3A_650 = arith.constant 80 : index
      %swap3A_651 = tpu.vector_load %arg13[%swap3A_650] {strides = array<i32>} : memref<128xi32, #tpu.memory_space<vmem>>, vector<16xi32>,
      tpu.vector_store %arg13[%swap3A_650], %get3A_649 {strides = array<i32>} : memref<128xi32, #tpu.memory_space<vmem>>, vector<16xi32>,
      %get3A_652 = arith.constant 1760 : index
      %get3A_653 = tpu.vector_load %arg8[%get3A_652] {strides = array<i32>} : memref<2048xi32, #tpu.memory_space<vmem>>, vector<16xi32>,
      %swap3A_654 = arith.constant 96 : index
      %swap3A_655 = tpu.vector_load %arg13[%swap3A_654] {strides = array<i32>} : memref<128xi32, #tpu.memory_space<vmem>>, vector<16xi32>,
      tpu.vector_store %arg13[%swap3A_654], %get3A_653 {strides = array<i32>} : memref<128xi32, #tpu.memory_space<vmem>>, vector<16xi32>,
      %get3A_656 = arith.constant 1776 : index
      %get3A_657 = tpu.vector_load %arg8[%get3A_656] {strides = array<i32>} : memref<2048xi32, #tpu.memory_space<vmem>>, vector<16xi32>,
      %swap3A_658 = arith.constant 112 : index
      %swap3A_659 = tpu.vector_load %arg13[%swap3A_658] {strides = array<i32>} : memref<128xi32, #tpu.memory_space<vmem>>, vector<16xi32>,
      tpu.vector_store %arg13[%swap3A_658], %get3A_657 {strides = array<i32>} : memref<128xi32, #tpu.memory_space<vmem>>, vector<16xi32>,
      %dma_start3A_660 = arith.constant 0 : i32
      %dma_start3A_661 = arith.constant 0 : i32
      %dma_start3A_662 = tpu.memref_slice %arg2[%dma_start3A_660, %dma_start3A_661] : memref<160000x16xf32, #tpu.memory_space<hbm>> -> memref<160000x16xf32, #tpu.memory_space<hbm>>
      tpu.enqueue_indirect_dma source(%dma_start3A_662 : memref<160000x16xf32, #tpu.memory_space<hbm>>) target(%arg14 : memref<128x16xf32, #tpu.memory_space<vmem>>) offsets(%arg13 : memref<128xi32, #tpu.memory_space<vmem>>) semaphore(%arg16 : memref<!tpu.dma_semaphore, #tpu.memory_space<semaphore_mem>>)
      %dma_wait3A_663 = arith.constant 0 : i32
      %dma_wait3A_664 = arith.constant 0 : i32
      %dma_wait3A_665 = tpu.memref_slice %arg2[%dma_wait3A_663, %dma_wait3A_664] : memref<160000x16xf32, #tpu.memory_space<hbm>> -> memref<160000x16xf32, #tpu.memory_space<hbm>>
      tpu.wait_indirect_dma semaphore(%arg16 : memref<!tpu.dma_semaphore, #tpu.memory_space<semaphore_mem>>) src(%dma_wait3A_665 : memref<160000x16xf32, #tpu.memory_space<hbm>>) dst(%arg14 : memref<128x16xf32, #tpu.memory_space<vmem>>)
      %scan3A_666 = arith.constant 0 : i32
      %scan3A_667 = arith.constant 0 : i32
      %scan3A_668 = arith.constant 32 : i32
      %scan3A_669 = arith.addi %scan3A_667, %scan3A_668 : i32
      %scan3A_670 = arith.constant 1 : i32
      scf.for %scan3A_760 = %scan3A_667 to %scan3A_669 step %scan3A_670  : i32 {
        %mul3A_761 = arith.constant 4 : i32
        %mul3A_762 = arith.muli %scan3A_760, %mul3A_761 : i32
        %add3A_763 = arith.constant 0 : i32
        %add3A_764 = arith.addi %mul3A_762, %add3A_763 : i32
        %add3A_765 = arith.constant 1664 : i32
        %add3A_766 = arith.addi %add3A_764, %add3A_765 : i32
        %broadcast_in_dim3A_767 = vector.broadcast %add3A_766 : i32 to vector<16xi32>
        %gather3A = tpu.vector_load_idx %arg10[%broadcast_in_dim3A_767] : memref<2048xi32, #tpu.memory_space<vmem>>[vector<16xi32>], vector<16xi32>,
        %gather3A_768 = tpu.vector_load_idx %arg12[%broadcast_in_dim3A_767] : memref<2048xf32, #tpu.memory_space<vmem>>[vector<16xi32>], vector<16xf32>,
        %mul3A_769 = arith.constant 4 : i32
        %mul3A_770 = arith.muli %scan3A_760, %mul3A_769 : i32
        %add3A_771 = arith.constant 0 : i32
        %add3A_772 = arith.addi %mul3A_770, %add3A_771 : i32
        %get3A_773 = arith.index_cast %add3A_772 : i32 to index
        %get3A_774 = arith.constant 0 : index
        %get3A_775 = tpu.vector_load %arg14[%get3A_773, %get3A_774] {strides = array<i32>} : memref<128x16xf32, #tpu.memory_space<vmem>>, vector<16xf32>,
        %mul3A_776 = arith.mulf %get3A_775, %gather3A_768 : vector<16xf32>
        %add3A_777 = arith.addi %gather3A, %iota3A : vector<16xi32>
        tpu.vector_store_idx %arg15[%add3A_777], %mul3A_776 {add = true} : memref<81920xf32, #tpu.memory_space<vmem>>[vector<16xi32>], vector<16xf32>,
        %mul3A_778 = arith.constant 4 : i32
        %mul3A_779 = arith.muli %scan3A_760, %mul3A_778 : i32
        %add3A_780 = arith.constant 1 : i32
        %add3A_781 = arith.addi %mul3A_779, %add3A_780 : i32
        %add3A_782 = arith.constant 1664 : i32
        %add3A_783 = arith.addi %add3A_781, %add3A_782 : i32
        %broadcast_in_dim3A_784 = vector.broadcast %add3A_783 : i32 to vector<16xi32>
        %gather3A_785 = tpu.vector_load_idx %arg10[%broadcast_in_dim3A_784] : memref<2048xi32, #tpu.memory_space<vmem>>[vector<16xi32>], vector<16xi32>,
        %gather3A_786 = tpu.vector_load_idx %arg12[%broadcast_in_dim3A_784] : memref<2048xf32, #tpu.memory_space<vmem>>[vector<16xi32>], vector<16xf32>,
        %mul3A_787 = arith.constant 4 : i32
        %mul3A_788 = arith.muli %scan3A_760, %mul3A_787 : i32
        %add3A_789 = arith.constant 1 : i32
        %add3A_790 = arith.addi %mul3A_788, %add3A_789 : i32
        %get3A_791 = arith.index_cast %add3A_790 : i32 to index
        %get3A_792 = arith.constant 0 : index
        %get3A_793 = tpu.vector_load %arg14[%get3A_791, %get3A_792] {strides = array<i32>} : memref<128x16xf32, #tpu.memory_space<vmem>>, vector<16xf32>,
        %mul3A_794 = arith.mulf %get3A_793, %gather3A_786 : vector<16xf32>
        %add3A_795 = arith.addi %gather3A_785, %iota3A : vector<16xi32>
        tpu.vector_store_idx %arg15[%add3A_795], %mul3A_794 {add = true} : memref<81920xf32, #tpu.memory_space<vmem>>[vector<16xi32>], vector<16xf32>,
        %mul3A_796 = arith.constant 4 : i32
        %mul3A_797 = arith.muli %scan3A_760, %mul3A_796 : i32
        %add3A_798 = arith.constant 2 : i32
        %add3A_799 = arith.addi %mul3A_797, %add3A_798 : i32
        %add3A_800 = arith.constant 1664 : i32
        %add3A_801 = arith.addi %add3A_799, %add3A_800 : i32
        %broadcast_in_dim3A_802 = vector.broadcast %add3A_801 : i32 to vector<16xi32>
        %gather3A_803 = tpu.vector_load_idx %arg10[%broadcast_in_dim3A_802] : memref<2048xi32, #tpu.memory_space<vmem>>[vector<16xi32>], vector<16xi32>,
        %gather3A_804 = tpu.vector_load_idx %arg12[%broadcast_in_dim3A_802] : memref<2048xf32, #tpu.memory_space<vmem>>[vector<16xi32>], vector<16xf32>,
        %mul3A_805 = arith.constant 4 : i32
        %mul3A_806 = arith.muli %scan3A_760, %mul3A_805 : i32
        %add3A_807 = arith.constant 2 : i32
        %add3A_808 = arith.addi %mul3A_806, %add3A_807 : i32
        %get3A_809 = arith.index_cast %add3A_808 : i32 to index
        %get3A_810 = arith.constant 0 : index
        %get3A_811 = tpu.vector_load %arg14[%get3A_809, %get3A_810] {strides = array<i32>} : memref<128x16xf32, #tpu.memory_space<vmem>>, vector<16xf32>,
        %mul3A_812 = arith.mulf %get3A_811, %gather3A_804 : vector<16xf32>
        %add3A_813 = arith.addi %gather3A_803, %iota3A : vector<16xi32>
        tpu.vector_store_idx %arg15[%add3A_813], %mul3A_812 {add = true} : memref<81920xf32, #tpu.memory_space<vmem>>[vector<16xi32>], vector<16xf32>,
        %mul3A_814 = arith.constant 4 : i32
        %mul3A_815 = arith.muli %scan3A_760, %mul3A_814 : i32
        %add3A_816 = arith.constant 3 : i32
        %add3A_817 = arith.addi %mul3A_815, %add3A_816 : i32
        %add3A_818 = arith.constant 1664 : i32
        %add3A_819 = arith.addi %add3A_817, %add3A_818 : i32
        %broadcast_in_dim3A_820 = vector.broadcast %add3A_819 : i32 to vector<16xi32>
        %gather3A_821 = tpu.vector_load_idx %arg10[%broadcast_in_dim3A_820] : memref<2048xi32, #tpu.memory_space<vmem>>[vector<16xi32>], vector<16xi32>,
        %gather3A_822 = tpu.vector_load_idx %arg12[%broadcast_in_dim3A_820] : memref<2048xf32, #tpu.memory_space<vmem>>[vector<16xi32>], vector<16xf32>,
        %mul3A_823 = arith.constant 4 : i32
        %mul3A_824 = arith.muli %scan3A_760, %mul3A_823 : i32
        %add3A_825 = arith.constant 3 : i32
        %add3A_826 = arith.addi %mul3A_824, %add3A_825 : i32
        %get3A_827 = arith.index_cast %add3A_826 : i32 to index
        %get3A_828 = arith.constant 0 : index
        %get3A_829 = tpu.vector_load %arg14[%get3A_827, %get3A_828] {strides = array<i32>} : memref<128x16xf32, #tpu.memory_space<vmem>>, vector<16xf32>,
        %mul3A_830 = arith.mulf %get3A_829, %gather3A_822 : vector<16xf32>
        %add3A_831 = arith.addi %gather3A_821, %iota3A : vector<16xi32>
        tpu.vector_store_idx %arg15[%add3A_831], %mul3A_830 {add = true} : memref<81920xf32, #tpu.memory_space<vmem>>[vector<16xi32>], vector<16xf32>,
      }
      %scan3A_671 = arith.constant 32 : i32
      %get3A_672 = arith.constant 1792 : index
      %get3A_673 = tpu.vector_load %arg8[%get3A_672] {strides = array<i32>} : memref<2048xi32, #tpu.memory_space<vmem>>, vector<16xi32>,
      %swap3A_674 = arith.constant 0 : index
      %swap3A_675 = tpu.vector_load %arg13[%swap3A_674] {strides = array<i32>} : memref<128xi32, #tpu.memory_space<vmem>>, vector<16xi32>,
      tpu.vector_store %arg13[%swap3A_674], %get3A_673 {strides = array<i32>} : memref<128xi32, #tpu.memory_space<vmem>>, vector<16xi32>,
      %get3A_676 = arith.constant 1808 : index
      %get3A_677 = tpu.vector_load %arg8[%get3A_676] {strides = array<i32>} : memref<2048xi32, #tpu.memory_space<vmem>>, vector<16xi32>,
      %swap3A_678 = arith.constant 16 : index
      %swap3A_679 = tpu.vector_load %arg13[%swap3A_678] {strides = array<i32>} : memref<128xi32, #tpu.memory_space<vmem>>, vector<16xi32>,
      tpu.vector_store %arg13[%swap3A_678], %get3A_677 {strides = array<i32>} : memref<128xi32, #tpu.memory_space<vmem>>, vector<16xi32>,
      %get3A_680 = arith.constant 1824 : index
      %get3A_681 = tpu.vector_load %arg8[%get3A_680] {strides = array<i32>} : memref<2048xi32, #tpu.memory_space<vmem>>, vector<16xi32>,
      %swap3A_682 = arith.constant 32 : index
      %swap3A_683 = tpu.vector_load %arg13[%swap3A_682] {strides = array<i32>} : memref<128xi32, #tpu.memory_space<vmem>>, vector<16xi32>,
      tpu.vector_store %arg13[%swap3A_682], %get3A_681 {strides = array<i32>} : memref<128xi32, #tpu.memory_space<vmem>>, vector<16xi32>,
      %get3A_684 = arith.constant 1840 : index
      %get3A_685 = tpu.vector_load %arg8[%get3A_684] {strides = array<i32>} : memref<2048xi32, #tpu.memory_space<vmem>>, vector<16xi32>,
      %swap3A_686 = arith.constant 48 : index
      %swap3A_687 = tpu.vector_load %arg13[%swap3A_686] {strides = array<i32>} : memref<128xi32, #tpu.memory_space<vmem>>, vector<16xi32>,
      tpu.vector_store %arg13[%swap3A_686], %get3A_685 {strides = array<i32>} : memref<128xi32, #tpu.memory_space<vmem>>, vector<16xi32>,
      %get3A_688 = arith.constant 1856 : index
      %get3A_689 = tpu.vector_load %arg8[%get3A_688] {strides = array<i32>} : memref<2048xi32, #tpu.memory_space<vmem>>, vector<16xi32>,
      %swap3A_690 = arith.constant 64 : index
      %swap3A_691 = tpu.vector_load %arg13[%swap3A_690] {strides = array<i32>} : memref<128xi32, #tpu.memory_space<vmem>>, vector<16xi32>,
      tpu.vector_store %arg13[%swap3A_690], %get3A_689 {strides = array<i32>} : memref<128xi32, #tpu.memory_space<vmem>>, vector<16xi32>,
      %get3A_692 = arith.constant 1872 : index
      %get3A_693 = tpu.vector_load %arg8[%get3A_692] {strides = array<i32>} : memref<2048xi32, #tpu.memory_space<vmem>>, vector<16xi32>,
      %swap3A_694 = arith.constant 80 : index
      %swap3A_695 = tpu.vector_load %arg13[%swap3A_694] {strides = array<i32>} : memref<128xi32, #tpu.memory_space<vmem>>, vector<16xi32>,
      tpu.vector_store %arg13[%swap3A_694], %get3A_693 {strides = array<i32>} : memref<128xi32, #tpu.memory_space<vmem>>, vector<16xi32>,
      %get3A_696 = arith.constant 1888 : index
      %get3A_697 = tpu.vector_load %arg8[%get3A_696] {strides = array<i32>} : memref<2048xi32, #tpu.memory_space<vmem>>, vector<16xi32>,
      %swap3A_698 = arith.constant 96 : index
      %swap3A_699 = tpu.vector_load %arg13[%swap3A_698] {strides = array<i32>} : memref<128xi32, #tpu.memory_space<vmem>>, vector<16xi32>,
      tpu.vector_store %arg13[%swap3A_698], %get3A_697 {strides = array<i32>} : memref<128xi32, #tpu.memory_space<vmem>>, vector<16xi32>,
      %get3A_700 = arith.constant 1904 : index
      %get3A_701 = tpu.vector_load %arg8[%get3A_700] {strides = array<i32>} : memref<2048xi32, #tpu.memory_space<vmem>>, vector<16xi32>,
      %swap3A_702 = arith.constant 112 : index
      %swap3A_703 = tpu.vector_load %arg13[%swap3A_702] {strides = array<i32>} : memref<128xi32, #tpu.memory_space<vmem>>, vector<16xi32>,
      tpu.vector_store %arg13[%swap3A_702], %get3A_701 {strides = array<i32>} : memref<128xi32, #tpu.memory_space<vmem>>, vector<16xi32>,
      %dma_start3A_704 = arith.constant 0 : i32
      %dma_start3A_705 = arith.constant 0 : i32
      %dma_start3A_706 = tpu.memref_slice %arg2[%dma_start3A_704, %dma_start3A_705] : memref<160000x16xf32, #tpu.memory_space<hbm>> -> memref<160000x16xf32, #tpu.memory_space<hbm>>
      tpu.enqueue_indirect_dma source(%dma_start3A_706 : memref<160000x16xf32, #tpu.memory_space<hbm>>) target(%arg14 : memref<128x16xf32, #tpu.memory_space<vmem>>) offsets(%arg13 : memref<128xi32, #tpu.memory_space<vmem>>) semaphore(%arg16 : memref<!tpu.dma_semaphore, #tpu.memory_space<semaphore_mem>>)
      %dma_wait3A_707 = arith.constant 0 : i32
      %dma_wait3A_708 = arith.constant 0 : i32
      %dma_wait3A_709 = tpu.memref_slice %arg2[%dma_wait3A_707, %dma_wait3A_708] : memref<160000x16xf32, #tpu.memory_space<hbm>> -> memref<160000x16xf32, #tpu.memory_space<hbm>>
      tpu.wait_indirect_dma semaphore(%arg16 : memref<!tpu.dma_semaphore, #tpu.memory_space<semaphore_mem>>) src(%dma_wait3A_709 : memref<160000x16xf32, #tpu.memory_space<hbm>>) dst(%arg14 : memref<128x16xf32, #tpu.memory_space<vmem>>)
      %scan3A_710 = arith.constant 0 : i32
      %scan3A_711 = arith.constant 0 : i32
      %scan3A_712 = arith.constant 32 : i32
      %scan3A_713 = arith.addi %scan3A_711, %scan3A_712 : i32
      %scan3A_714 = arith.constant 1 : i32
      scf.for %scan3A_760 = %scan3A_711 to %scan3A_713 step %scan3A_714  : i32 {
        %mul3A_761 = arith.constant 4 : i32
        %mul3A_762 = arith.muli %scan3A_760, %mul3A_761 : i32
        %add3A_763 = arith.constant 0 : i32
        %add3A_764 = arith.addi %mul3A_762, %add3A_763 : i32
        %add3A_765 = arith.constant 1792 : i32
        %add3A_766 = arith.addi %add3A_764, %add3A_765 : i32
        %broadcast_in_dim3A_767 = vector.broadcast %add3A_766 : i32 to vector<16xi32>
        %gather3A = tpu.vector_load_idx %arg10[%broadcast_in_dim3A_767] : memref<2048xi32, #tpu.memory_space<vmem>>[vector<16xi32>], vector<16xi32>,
        %gather3A_768 = tpu.vector_load_idx %arg12[%broadcast_in_dim3A_767] : memref<2048xf32, #tpu.memory_space<vmem>>[vector<16xi32>], vector<16xf32>,
        %mul3A_769 = arith.constant 4 : i32
        %mul3A_770 = arith.muli %scan3A_760, %mul3A_769 : i32
        %add3A_771 = arith.constant 0 : i32
        %add3A_772 = arith.addi %mul3A_770, %add3A_771 : i32
        %get3A_773 = arith.index_cast %add3A_772 : i32 to index
        %get3A_774 = arith.constant 0 : index
        %get3A_775 = tpu.vector_load %arg14[%get3A_773, %get3A_774] {strides = array<i32>} : memref<128x16xf32, #tpu.memory_space<vmem>>, vector<16xf32>,
        %mul3A_776 = arith.mulf %get3A_775, %gather3A_768 : vector<16xf32>
        %add3A_777 = arith.addi %gather3A, %iota3A : vector<16xi32>
        tpu.vector_store_idx %arg15[%add3A_777], %mul3A_776 {add = true} : memref<81920xf32, #tpu.memory_space<vmem>>[vector<16xi32>], vector<16xf32>,
        %mul3A_778 = arith.constant 4 : i32
        %mul3A_779 = arith.muli %scan3A_760, %mul3A_778 : i32
        %add3A_780 = arith.constant 1 : i32
        %add3A_781 = arith.addi %mul3A_779, %add3A_780 : i32
        %add3A_782 = arith.constant 1792 : i32
        %add3A_783 = arith.addi %add3A_781, %add3A_782 : i32
        %broadcast_in_dim3A_784 = vector.broadcast %add3A_783 : i32 to vector<16xi32>
        %gather3A_785 = tpu.vector_load_idx %arg10[%broadcast_in_dim3A_784] : memref<2048xi32, #tpu.memory_space<vmem>>[vector<16xi32>], vector<16xi32>,
        %gather3A_786 = tpu.vector_load_idx %arg12[%broadcast_in_dim3A_784] : memref<2048xf32, #tpu.memory_space<vmem>>[vector<16xi32>], vector<16xf32>,
        %mul3A_787 = arith.constant 4 : i32
        %mul3A_788 = arith.muli %scan3A_760, %mul3A_787 : i32
        %add3A_789 = arith.constant 1 : i32
        %add3A_790 = arith.addi %mul3A_788, %add3A_789 : i32
        %get3A_791 = arith.index_cast %add3A_790 : i32 to index
        %get3A_792 = arith.constant 0 : index
        %get3A_793 = tpu.vector_load %arg14[%get3A_791, %get3A_792] {strides = array<i32>} : memref<128x16xf32, #tpu.memory_space<vmem>>, vector<16xf32>,
        %mul3A_794 = arith.mulf %get3A_793, %gather3A_786 : vector<16xf32>
        %add3A_795 = arith.addi %gather3A_785, %iota3A : vector<16xi32>
        tpu.vector_store_idx %arg15[%add3A_795], %mul3A_794 {add = true} : memref<81920xf32, #tpu.memory_space<vmem>>[vector<16xi32>], vector<16xf32>,
        %mul3A_796 = arith.constant 4 : i32
        %mul3A_797 = arith.muli %scan3A_760, %mul3A_796 : i32
        %add3A_798 = arith.constant 2 : i32
        %add3A_799 = arith.addi %mul3A_797, %add3A_798 : i32
        %add3A_800 = arith.constant 1792 : i32
        %add3A_801 = arith.addi %add3A_799, %add3A_800 : i32
        %broadcast_in_dim3A_802 = vector.broadcast %add3A_801 : i32 to vector<16xi32>
        %gather3A_803 = tpu.vector_load_idx %arg10[%broadcast_in_dim3A_802] : memref<2048xi32, #tpu.memory_space<vmem>>[vector<16xi32>], vector<16xi32>,
        %gather3A_804 = tpu.vector_load_idx %arg12[%broadcast_in_dim3A_802] : memref<2048xf32, #tpu.memory_space<vmem>>[vector<16xi32>], vector<16xf32>,
        %mul3A_805 = arith.constant 4 : i32
        %mul3A_806 = arith.muli %scan3A_760, %mul3A_805 : i32
        %add3A_807 = arith.constant 2 : i32
        %add3A_808 = arith.addi %mul3A_806, %add3A_807 : i32
        %get3A_809 = arith.index_cast %add3A_808 : i32 to index
        %get3A_810 = arith.constant 0 : index
        %get3A_811 = tpu.vector_load %arg14[%get3A_809, %get3A_810] {strides = array<i32>} : memref<128x16xf32, #tpu.memory_space<vmem>>, vector<16xf32>,
        %mul3A_812 = arith.mulf %get3A_811, %gather3A_804 : vector<16xf32>
        %add3A_813 = arith.addi %gather3A_803, %iota3A : vector<16xi32>
        tpu.vector_store_idx %arg15[%add3A_813], %mul3A_812 {add = true} : memref<81920xf32, #tpu.memory_space<vmem>>[vector<16xi32>], vector<16xf32>,
        %mul3A_814 = arith.constant 4 : i32
        %mul3A_815 = arith.muli %scan3A_760, %mul3A_814 : i32
        %add3A_816 = arith.constant 3 : i32
        %add3A_817 = arith.addi %mul3A_815, %add3A_816 : i32
        %add3A_818 = arith.constant 1792 : i32
        %add3A_819 = arith.addi %add3A_817, %add3A_818 : i32
        %broadcast_in_dim3A_820 = vector.broadcast %add3A_819 : i32 to vector<16xi32>
        %gather3A_821 = tpu.vector_load_idx %arg10[%broadcast_in_dim3A_820] : memref<2048xi32, #tpu.memory_space<vmem>>[vector<16xi32>], vector<16xi32>,
        %gather3A_822 = tpu.vector_load_idx %arg12[%broadcast_in_dim3A_820] : memref<2048xf32, #tpu.memory_space<vmem>>[vector<16xi32>], vector<16xf32>,
        %mul3A_823 = arith.constant 4 : i32
        %mul3A_824 = arith.muli %scan3A_760, %mul3A_823 : i32
        %add3A_825 = arith.constant 3 : i32
        %add3A_826 = arith.addi %mul3A_824, %add3A_825 : i32
        %get3A_827 = arith.index_cast %add3A_826 : i32 to index
        %get3A_828 = arith.constant 0 : index
        %get3A_829 = tpu.vector_load %arg14[%get3A_827, %get3A_828] {strides = array<i32>} : memref<128x16xf32, #tpu.memory_space<vmem>>, vector<16xf32>,
        %mul3A_830 = arith.mulf %get3A_829, %gather3A_822 : vector<16xf32>
        %add3A_831 = arith.addi %gather3A_821, %iota3A : vector<16xi32>
        tpu.vector_store_idx %arg15[%add3A_831], %mul3A_830 {add = true} : memref<81920xf32, #tpu.memory_space<vmem>>[vector<16xi32>], vector<16xf32>,
      }
      %scan3A_715 = arith.constant 32 : i32
      %get3A_716 = arith.constant 1920 : index
      %get3A_717 = tpu.vector_load %arg8[%get3A_716] {strides = array<i32>} : memref<2048xi32, #tpu.memory_space<vmem>>, vector<16xi32>,
      %swap3A_718 = arith.constant 0 : index
      %swap3A_719 = tpu.vector_load %arg13[%swap3A_718] {strides = array<i32>} : memref<128xi32, #tpu.memory_space<vmem>>, vector<16xi32>,
      tpu.vector_store %arg13[%swap3A_718], %get3A_717 {strides = array<i32>} : memref<128xi32, #tpu.memory_space<vmem>>, vector<16xi32>,
      %get3A_720 = arith.constant 1936 : index
      %get3A_721 = tpu.vector_load %arg8[%get3A_720] {strides = array<i32>} : memref<2048xi32, #tpu.memory_space<vmem>>, vector<16xi32>,
      %swap3A_722 = arith.constant 16 : index
      %swap3A_723 = tpu.vector_load %arg13[%swap3A_722] {strides = array<i32>} : memref<128xi32, #tpu.memory_space<vmem>>, vector<16xi32>,
      tpu.vector_store %arg13[%swap3A_722], %get3A_721 {strides = array<i32>} : memref<128xi32, #tpu.memory_space<vmem>>, vector<16xi32>,
      %get3A_724 = arith.constant 1952 : index
      %get3A_725 = tpu.vector_load %arg8[%get3A_724] {strides = array<i32>} : memref<2048xi32, #tpu.memory_space<vmem>>, vector<16xi32>,
      %swap3A_726 = arith.constant 32 : index
      %swap3A_727 = tpu.vector_load %arg13[%swap3A_726] {strides = array<i32>} : memref<128xi32, #tpu.memory_space<vmem>>, vector<16xi32>,
      tpu.vector_store %arg13[%swap3A_726], %get3A_725 {strides = array<i32>} : memref<128xi32, #tpu.memory_space<vmem>>, vector<16xi32>,
      %get3A_728 = arith.constant 1968 : index
      %get3A_729 = tpu.vector_load %arg8[%get3A_728] {strides = array<i32>} : memref<2048xi32, #tpu.memory_space<vmem>>, vector<16xi32>,
      %swap3A_730 = arith.constant 48 : index
      %swap3A_731 = tpu.vector_load %arg13[%swap3A_730] {strides = array<i32>} : memref<128xi32, #tpu.memory_space<vmem>>, vector<16xi32>,
      tpu.vector_store %arg13[%swap3A_730], %get3A_729 {strides = array<i32>} : memref<128xi32, #tpu.memory_space<vmem>>, vector<16xi32>,
      %get3A_732 = arith.constant 1984 : index
      %get3A_733 = tpu.vector_load %arg8[%get3A_732] {strides = array<i32>} : memref<2048xi32, #tpu.memory_space<vmem>>, vector<16xi32>,
      %swap3A_734 = arith.constant 64 : index
      %swap3A_735 = tpu.vector_load %arg13[%swap3A_734] {strides = array<i32>} : memref<128xi32, #tpu.memory_space<vmem>>, vector<16xi32>,
      tpu.vector_store %arg13[%swap3A_734], %get3A_733 {strides = array<i32>} : memref<128xi32, #tpu.memory_space<vmem>>, vector<16xi32>,
      %get3A_736 = arith.constant 2000 : index
      %get3A_737 = tpu.vector_load %arg8[%get3A_736] {strides = array<i32>} : memref<2048xi32, #tpu.memory_space<vmem>>, vector<16xi32>,
      %swap3A_738 = arith.constant 80 : index
      %swap3A_739 = tpu.vector_load %arg13[%swap3A_738] {strides = array<i32>} : memref<128xi32, #tpu.memory_space<vmem>>, vector<16xi32>,
      tpu.vector_store %arg13[%swap3A_738], %get3A_737 {strides = array<i32>} : memref<128xi32, #tpu.memory_space<vmem>>, vector<16xi32>,
      %get3A_740 = arith.constant 2016 : index
      %get3A_741 = tpu.vector_load %arg8[%get3A_740] {strides = array<i32>} : memref<2048xi32, #tpu.memory_space<vmem>>, vector<16xi32>,
      %swap3A_742 = arith.constant 96 : index
      %swap3A_743 = tpu.vector_load %arg13[%swap3A_742] {strides = array<i32>} : memref<128xi32, #tpu.memory_space<vmem>>, vector<16xi32>,
      tpu.vector_store %arg13[%swap3A_742], %get3A_741 {strides = array<i32>} : memref<128xi32, #tpu.memory_space<vmem>>, vector<16xi32>,
      %get3A_744 = arith.constant 2032 : index
      %get3A_745 = tpu.vector_load %arg8[%get3A_744] {strides = array<i32>} : memref<2048xi32, #tpu.memory_space<vmem>>, vector<16xi32>,
      %swap3A_746 = arith.constant 112 : index
      %swap3A_747 = tpu.vector_load %arg13[%swap3A_746] {strides = array<i32>} : memref<128xi32, #tpu.memory_space<vmem>>, vector<16xi32>,
      tpu.vector_store %arg13[%swap3A_746], %get3A_745 {strides = array<i32>} : memref<128xi32, #tpu.memory_space<vmem>>, vector<16xi32>,
      %dma_start3A_748 = arith.constant 0 : i32
      %dma_start3A_749 = arith.constant 0 : i32
      %dma_start3A_750 = tpu.memref_slice %arg2[%dma_start3A_748, %dma_start3A_749] : memref<160000x16xf32, #tpu.memory_space<hbm>> -> memref<160000x16xf32, #tpu.memory_space<hbm>>
      tpu.enqueue_indirect_dma source(%dma_start3A_750 : memref<160000x16xf32, #tpu.memory_space<hbm>>) target(%arg14 : memref<128x16xf32, #tpu.memory_space<vmem>>) offsets(%arg13 : memref<128xi32, #tpu.memory_space<vmem>>) semaphore(%arg16 : memref<!tpu.dma_semaphore, #tpu.memory_space<semaphore_mem>>)
      %dma_wait3A_751 = arith.constant 0 : i32
      %dma_wait3A_752 = arith.constant 0 : i32
      %dma_wait3A_753 = tpu.memref_slice %arg2[%dma_wait3A_751, %dma_wait3A_752] : memref<160000x16xf32, #tpu.memory_space<hbm>> -> memref<160000x16xf32, #tpu.memory_space<hbm>>
      tpu.wait_indirect_dma semaphore(%arg16 : memref<!tpu.dma_semaphore, #tpu.memory_space<semaphore_mem>>) src(%dma_wait3A_753 : memref<160000x16xf32, #tpu.memory_space<hbm>>) dst(%arg14 : memref<128x16xf32, #tpu.memory_space<vmem>>)
      %scan3A_754 = arith.constant 0 : i32
      %scan3A_755 = arith.constant 0 : i32
      %scan3A_756 = arith.constant 32 : i32
      %scan3A_757 = arith.addi %scan3A_755, %scan3A_756 : i32
      %scan3A_758 = arith.constant 1 : i32
      scf.for %scan3A_760 = %scan3A_755 to %scan3A_757 step %scan3A_758  : i32 {
        %mul3A_761 = arith.constant 4 : i32
        %mul3A_762 = arith.muli %scan3A_760, %mul3A_761 : i32
        %add3A_763 = arith.constant 0 : i32
        %add3A_764 = arith.addi %mul3A_762, %add3A_763 : i32
        %add3A_765 = arith.constant 1920 : i32
        %add3A_766 = arith.addi %add3A_764, %add3A_765 : i32
        %broadcast_in_dim3A_767 = vector.broadcast %add3A_766 : i32 to vector<16xi32>
        %gather3A = tpu.vector_load_idx %arg10[%broadcast_in_dim3A_767] : memref<2048xi32, #tpu.memory_space<vmem>>[vector<16xi32>], vector<16xi32>,
        %gather3A_768 = tpu.vector_load_idx %arg12[%broadcast_in_dim3A_767] : memref<2048xf32, #tpu.memory_space<vmem>>[vector<16xi32>], vector<16xf32>,
        %mul3A_769 = arith.constant 4 : i32
        %mul3A_770 = arith.muli %scan3A_760, %mul3A_769 : i32
        %add3A_771 = arith.constant 0 : i32
        %add3A_772 = arith.addi %mul3A_770, %add3A_771 : i32
        %get3A_773 = arith.index_cast %add3A_772 : i32 to index
        %get3A_774 = arith.constant 0 : index
        %get3A_775 = tpu.vector_load %arg14[%get3A_773, %get3A_774] {strides = array<i32>} : memref<128x16xf32, #tpu.memory_space<vmem>>, vector<16xf32>,
        %mul3A_776 = arith.mulf %get3A_775, %gather3A_768 : vector<16xf32>
        %add3A_777 = arith.addi %gather3A, %iota3A : vector<16xi32>
        tpu.vector_store_idx %arg15[%add3A_777], %mul3A_776 {add = true} : memref<81920xf32, #tpu.memory_space<vmem>>[vector<16xi32>], vector<16xf32>,
        %mul3A_778 = arith.constant 4 : i32
        %mul3A_779 = arith.muli %scan3A_760, %mul3A_778 : i32
        %add3A_780 = arith.constant 1 : i32
        %add3A_781 = arith.addi %mul3A_779, %add3A_780 : i32
        %add3A_782 = arith.constant 1920 : i32
        %add3A_783 = arith.addi %add3A_781, %add3A_782 : i32
        %broadcast_in_dim3A_784 = vector.broadcast %add3A_783 : i32 to vector<16xi32>
        %gather3A_785 = tpu.vector_load_idx %arg10[%broadcast_in_dim3A_784] : memref<2048xi32, #tpu.memory_space<vmem>>[vector<16xi32>], vector<16xi32>,
        %gather3A_786 = tpu.vector_load_idx %arg12[%broadcast_in_dim3A_784] : memref<2048xf32, #tpu.memory_space<vmem>>[vector<16xi32>], vector<16xf32>,
        %mul3A_787 = arith.constant 4 : i32
        %mul3A_788 = arith.muli %scan3A_760, %mul3A_787 : i32
        %add3A_789 = arith.constant 1 : i32
        %add3A_790 = arith.addi %mul3A_788, %add3A_789 : i32
        %get3A_791 = arith.index_cast %add3A_790 : i32 to index
        %get3A_792 = arith.constant 0 : index
        %get3A_793 = tpu.vector_load %arg14[%get3A_791, %get3A_792] {strides = array<i32>} : memref<128x16xf32, #tpu.memory_space<vmem>>, vector<16xf32>,
        %mul3A_794 = arith.mulf %get3A_793, %gather3A_786 : vector<16xf32>
        %add3A_795 = arith.addi %gather3A_785, %iota3A : vector<16xi32>
        tpu.vector_store_idx %arg15[%add3A_795], %mul3A_794 {add = true} : memref<81920xf32, #tpu.memory_space<vmem>>[vector<16xi32>], vector<16xf32>,
        %mul3A_796 = arith.constant 4 : i32
        %mul3A_797 = arith.muli %scan3A_760, %mul3A_796 : i32
        %add3A_798 = arith.constant 2 : i32
        %add3A_799 = arith.addi %mul3A_797, %add3A_798 : i32
        %add3A_800 = arith.constant 1920 : i32
        %add3A_801 = arith.addi %add3A_799, %add3A_800 : i32
        %broadcast_in_dim3A_802 = vector.broadcast %add3A_801 : i32 to vector<16xi32>
        %gather3A_803 = tpu.vector_load_idx %arg10[%broadcast_in_dim3A_802] : memref<2048xi32, #tpu.memory_space<vmem>>[vector<16xi32>], vector<16xi32>,
        %gather3A_804 = tpu.vector_load_idx %arg12[%broadcast_in_dim3A_802] : memref<2048xf32, #tpu.memory_space<vmem>>[vector<16xi32>], vector<16xf32>,
        %mul3A_805 = arith.constant 4 : i32
        %mul3A_806 = arith.muli %scan3A_760, %mul3A_805 : i32
        %add3A_807 = arith.constant 2 : i32
        %add3A_808 = arith.addi %mul3A_806, %add3A_807 : i32
        %get3A_809 = arith.index_cast %add3A_808 : i32 to index
        %get3A_810 = arith.constant 0 : index
        %get3A_811 = tpu.vector_load %arg14[%get3A_809, %get3A_810] {strides = array<i32>} : memref<128x16xf32, #tpu.memory_space<vmem>>, vector<16xf32>,
        %mul3A_812 = arith.mulf %get3A_811, %gather3A_804 : vector<16xf32>
        %add3A_813 = arith.addi %gather3A_803, %iota3A : vector<16xi32>
        tpu.vector_store_idx %arg15[%add3A_813], %mul3A_812 {add = true} : memref<81920xf32, #tpu.memory_space<vmem>>[vector<16xi32>], vector<16xf32>,
        %mul3A_814 = arith.constant 4 : i32
        %mul3A_815 = arith.muli %scan3A_760, %mul3A_814 : i32
        %add3A_816 = arith.constant 3 : i32
        %add3A_817 = arith.addi %mul3A_815, %add3A_816 : i32
        %add3A_818 = arith.constant 1920 : i32
        %add3A_819 = arith.addi %add3A_817, %add3A_818 : i32
        %broadcast_in_dim3A_820 = vector.broadcast %add3A_819 : i32 to vector<16xi32>
        %gather3A_821 = tpu.vector_load_idx %arg10[%broadcast_in_dim3A_820] : memref<2048xi32, #tpu.memory_space<vmem>>[vector<16xi32>], vector<16xi32>,
        %gather3A_822 = tpu.vector_load_idx %arg12[%broadcast_in_dim3A_820] : memref<2048xf32, #tpu.memory_space<vmem>>[vector<16xi32>], vector<16xf32>,
        %mul3A_823 = arith.constant 4 : i32
        %mul3A_824 = arith.muli %scan3A_760, %mul3A_823 : i32
        %add3A_825 = arith.constant 3 : i32
        %add3A_826 = arith.addi %mul3A_824, %add3A_825 : i32
        %get3A_827 = arith.index_cast %add3A_826 : i32 to index
        %get3A_828 = arith.constant 0 : index
        %get3A_829 = tpu.vector_load %arg14[%get3A_827, %get3A_828] {strides = array<i32>} : memref<128x16xf32, #tpu.memory_space<vmem>>, vector<16xf32>,
        %mul3A_830 = arith.mulf %get3A_829, %gather3A_822 : vector<16xf32>
        %add3A_831 = arith.addi %gather3A_821, %iota3A : vector<16xi32>
        tpu.vector_store_idx %arg15[%add3A_831], %mul3A_830 {add = true} : memref<81920xf32, #tpu.memory_space<vmem>>[vector<16xi32>], vector<16xf32>,
      }
      %scan3A_759 = arith.constant 32 : i32
    }
    %scan3A_48 = arith.constant 80 : i32
    %mul3A_49 = arith.constant 81920 : i32
    %mul3A_50 = arith.muli %add3A, %mul3A_49 : i32
    "tpu.region"() ({
      %run_scoped3A = tpu.sem_alloc : memref<!tpu.dma_semaphore, #tpu.memory_space<semaphore_mem>>
      %dma_start3A = tpu.memref_slice %arg6[%mul3A_50] : memref<2621440xf32, #tpu.memory_space<hbm>> -> memref<81920xf32, #tpu.memory_space<hbm>>
      %dma_start3A_51 = tpu.memref_slice %arg6[%mul3A_50] : memref<2621440xf32, #tpu.memory_space<hbm>> -> memref<81920xf32, #tpu.memory_space<hbm>>
      tpu.enqueue_dma source(%arg15 : memref<81920xf32, #tpu.memory_space<vmem>>) target(%dma_start3A_51 : memref<81920xf32, #tpu.memory_space<hbm>>) target_semaphore(%run_scoped3A : memref<!tpu.dma_semaphore, #tpu.memory_space<semaphore_mem>>)
      %dma_wait3A = tpu.memref_slice %arg6[%mul3A_50] : memref<2621440xf32, #tpu.memory_space<hbm>> -> memref<81920xf32, #tpu.memory_space<hbm>>
      %dma_wait3A_52 = tpu.memref_slice %arg6[%mul3A_50] : memref<2621440xf32, #tpu.memory_space<hbm>> -> memref<81920xf32, #tpu.memory_space<hbm>>
      tpu.wait_dma2 semaphore(%run_scoped3A : memref<!tpu.dma_semaphore, #tpu.memory_space<semaphore_mem>>) src(%arg15 : memref<81920xf32, #tpu.memory_space<vmem>>) dst(%dma_wait3A_52 : memref<81920xf32, #tpu.memory_space<hbm>>)
      tpu.yield
    }) : () -> ()
    return
  }
}

module attributes {stable_mosaic.version = 14 : i64} {
  func.func @_mm_body(%arg0: i32, %arg1: memref<1000x1028xf32, #tpu.memory_space<vmem>>, %arg2: memref<1028x256xf32, #tpu.memory_space<vmem>>, %arg3: memref<1028x256xf32, #tpu.memory_space<vmem>>, %arg4: memref<1000x256xf32, #tpu.memory_space<vmem>>, %arg5: memref<1000x256xf32, #tpu.memory_space<vmem>>) attributes {dimension_semantics = [#tpu.dimension_semantics<arbitrary>], iteration_bounds = array<i64: 10>, scalar_prefetch = 0 : i64, scratch_operands = 0 : i64, tpu.core_type = #tpu.core_type<tc>, window_params = [{transform_indices = @transform_0, window_bounds = array<i64: 1000, 1028>}, {pipeline_mode = #tpu.pipeline_mode<synchronous>, transform_indices = @transform_1, window_bounds = array<i64: 1028, 256>}, {pipeline_mode = #tpu.pipeline_mode<synchronous>, transform_indices = @transform_2, window_bounds = array<i64: 1028, 256>}, {transform_indices = @transform_3, window_bounds = array<i64: 1000, 256>}, {transform_indices = @transform_4, window_bounds = array<i64: 1000, 256>}]} {
    %get3A = arith.constant 0 : index
    %get3A_0 = arith.constant 0 : index
    %get3A_1 = vector.load %arg1[%get3A, %get3A_0] : memref<1000x1028xf32, #tpu.memory_space<vmem>>, vector<1000x1028xf32>
    %get3A_2 = arith.constant 0 : index
    %get3A_3 = arith.constant 0 : index
    %get3A_4 = vector.load %arg2[%get3A_2, %get3A_3] : memref<1028x256xf32, #tpu.memory_space<vmem>>, vector<1028x256xf32>
    %dot_general3A = arith.constant dense<0.000000e+00> : vector<1000x256xf32>
    %dot_general3A_5 = tpu.matmul %get3A_1, %get3A_4, %dot_general3A {dimension_numbers = #tpu.dot_dimension_numbers<[1], [0], [0], [1], [0, 0, 1, 1], [], []>, transpose_lhs_hint = false} : vector<1000x1028xf32>, vector<1028x256xf32>, vector<1000x256xf32> -> vector<1000x256xf32>
    %swap3A = arith.constant 0 : index
    %swap3A_6 = arith.constant 0 : index
    %swap3A_7 = vector.load %arg4[%swap3A, %swap3A_6] : memref<1000x256xf32, #tpu.memory_space<vmem>>, vector<1000x256xf32>
    tpu.vector_store %arg4[%swap3A, %swap3A_6], %dot_general3A_5 {strides = array<i32>} : memref<1000x256xf32, #tpu.memory_space<vmem>>, vector<1000x256xf32>,
    %get3A_8 = arith.constant 0 : index
    %get3A_9 = arith.constant 0 : index
    %get3A_10 = vector.load %arg3[%get3A_8, %get3A_9] : memref<1028x256xf32, #tpu.memory_space<vmem>>, vector<1028x256xf32>
    %dot_general3A_11 = arith.constant dense<0.000000e+00> : vector<1000x256xf32>
    %dot_general3A_12 = tpu.matmul %get3A_1, %get3A_10, %dot_general3A_11 {dimension_numbers = #tpu.dot_dimension_numbers<[1], [0], [0], [1], [0, 0, 1, 1], [], []>, transpose_lhs_hint = false} : vector<1000x1028xf32>, vector<1028x256xf32>, vector<1000x256xf32> -> vector<1000x256xf32>
    %swap3A_13 = arith.constant 0 : index
    %swap3A_14 = arith.constant 0 : index
    %swap3A_15 = vector.load %arg5[%swap3A_13, %swap3A_14] : memref<1000x256xf32, #tpu.memory_space<vmem>>, vector<1000x256xf32>
    tpu.vector_store %arg5[%swap3A_13, %swap3A_14], %dot_general3A_12 {strides = array<i32>} : memref<1000x256xf32, #tpu.memory_space<vmem>>, vector<1000x256xf32>,
    return
  }
  func.func @transform_0(%arg0: i32) -> (i32, i32) {
    %c0_i32 = arith.constant 0 : i32
    %c0_i32_0 = arith.constant 0 : i32
    return %arg0, %c0_i32 : i32, i32
  }
  func.func @transform_1(%arg0: i32) -> (i32, i32) {
    %c0_i32 = arith.constant 0 : i32
    %c0_i32_0 = arith.constant 0 : i32
    %c0_i32_1 = arith.constant 0 : i32
    return %c0_i32, %c0_i32_0 : i32, i32
  }
  func.func @transform_2(%arg0: i32) -> (i32, i32) {
    %c0_i32 = arith.constant 0 : i32
    %c0_i32_0 = arith.constant 0 : i32
    %c0_i32_1 = arith.constant 0 : i32
    return %c0_i32, %c0_i32_0 : i32, i32
  }
  func.func @transform_3(%arg0: i32) -> (i32, i32) {
    %c0_i32 = arith.constant 0 : i32
    %c0_i32_0 = arith.constant 0 : i32
    return %arg0, %c0_i32 : i32, i32
  }
  func.func @transform_4(%arg0: i32) -> (i32, i32) {
    %c0_i32 = arith.constant 0 : i32
    %c0_i32_0 = arith.constant 0 : i32
    return %arg0, %c0_i32 : i32, i32
  }
}

module attributes {stable_mosaic.version = 14 : i64} {
  func.func @_densum_body(%arg0: memref<32x10240xf32, #tpu.memory_space<vmem>>, %arg1: memref<1x10240xf32, #tpu.memory_space<vmem>>) attributes {dimension_semantics = [], scalar_prefetch = 0 : i64, scratch_operands = 0 : i64, tpu.core_type = #tpu.core_type<tc>} {
    %get3A = arith.constant 0 : index
    %get3A_0 = arith.constant 0 : index
    %get3A_1 = vector.load %arg0[%get3A, %get3A_0] : memref<32x10240xf32, #tpu.memory_space<vmem>>, vector<32x10240xf32>
    %reduce_sum3A = arith.constant dense<0.000000e+00> : vector<10240xf32>
    %reduce_sum3A_2 = vector.multi_reduction <add>, %get3A_1, %reduce_sum3A [0] : vector<32x10240xf32> to vector<10240xf32>
    %broadcast_in_dim3A = vector.shape_cast %reduce_sum3A_2 : vector<10240xf32> to vector<1x10240xf32>
    %swap3A = arith.constant 0 : index
    %swap3A_3 = arith.constant 0 : index
    %swap3A_4 = vector.load %arg1[%swap3A, %swap3A_3] : memref<1x10240xf32, #tpu.memory_space<vmem>>, vector<1x10240xf32>
    tpu.vector_store %arg1[%swap3A, %swap3A_3], %broadcast_in_dim3A {strides = array<i32>} : memref<1x10240xf32, #tpu.memory_space<vmem>>, vector<1x10240xf32>,
    return
  }
}

module attributes {stable_mosaic.version = 14 : i64} {
  func.func @_norm_body(%arg0: i32, %arg1: memref<1000x256xf32, #tpu.memory_space<vmem>>, %arg2: memref<1000x1xf32, #tpu.memory_space<vmem>>, %arg3: memref<1x256xf32, #tpu.memory_space<vmem>>, %arg4: memref<1000x256xf32, #tpu.memory_space<vmem>>) attributes {dimension_semantics = [#tpu.dimension_semantics<arbitrary>], iteration_bounds = array<i64: 10>, scalar_prefetch = 0 : i64, scratch_operands = 0 : i64, tpu.core_type = #tpu.core_type<tc>, window_params = [{transform_indices = @transform_0, window_bounds = array<i64: 1000, 256>}, {transform_indices = @transform_1, window_bounds = array<i64: 1000, 1>}, {pipeline_mode = #tpu.pipeline_mode<synchronous>, transform_indices = @transform_2, window_bounds = array<i64: 1, 256>}, {transform_indices = @transform_3, window_bounds = array<i64: 1000, 256>}]} {
    %get3A = arith.constant 0 : index
    %get3A_0 = arith.constant 0 : index
    %get3A_1 = vector.load %arg2[%get3A, %get3A_0] : memref<1000x1xf32, #tpu.memory_space<vmem>>, vector<1000x1xf32>
    %add3A = arith.constant 1.000000e-16 : f32
    %add3A_2 = vector.broadcast %add3A : f32 to vector<1000x1xf32>
    %add3A_3 = arith.addf %get3A_1, %add3A_2 : vector<1000x1xf32>
    %get3A_4 = arith.constant 0 : index
    %get3A_5 = arith.constant 0 : index
    %get3A_6 = vector.load %arg1[%get3A_4, %get3A_5] : memref<1000x256xf32, #tpu.memory_space<vmem>>, vector<1000x256xf32>
    %div3A = vector.broadcast %add3A_3 : vector<1000x1xf32> to vector<1000x256xf32>
    %div3A_7 = arith.divf %get3A_6, %div3A : vector<1000x256xf32>
    %get3A_8 = arith.constant 0 : index
    %get3A_9 = arith.constant 0 : index
    %get3A_10 = vector.load %arg3[%get3A_8, %get3A_9] : memref<1x256xf32, #tpu.memory_space<vmem>>, vector<1x256xf32>
    %add3A_11 = vector.broadcast %get3A_10 : vector<1x256xf32> to vector<1000x256xf32>
    %add3A_12 = arith.addf %div3A_7, %add3A_11 : vector<1000x256xf32>
    %swap3A = arith.constant 0 : index
    %swap3A_13 = arith.constant 0 : index
    %swap3A_14 = vector.load %arg4[%swap3A, %swap3A_13] : memref<1000x256xf32, #tpu.memory_space<vmem>>, vector<1000x256xf32>
    tpu.vector_store %arg4[%swap3A, %swap3A_13], %add3A_12 {strides = array<i32>} : memref<1000x256xf32, #tpu.memory_space<vmem>>, vector<1000x256xf32>,
    return
  }
  func.func @transform_0(%arg0: i32) -> (i32, i32) {
    %c0_i32 = arith.constant 0 : i32
    %c0_i32_0 = arith.constant 0 : i32
    return %arg0, %c0_i32 : i32, i32
  }
  func.func @transform_1(%arg0: i32) -> (i32, i32) {
    %c0_i32 = arith.constant 0 : i32
    %c0_i32_0 = arith.constant 0 : i32
    return %arg0, %c0_i32 : i32, i32
  }
  func.func @transform_2(%arg0: i32) -> (i32, i32) {
    %c0_i32 = arith.constant 0 : i32
    %c0_i32_0 = arith.constant 0 : i32
    %c0_i32_1 = arith.constant 0 : i32
    return %c0_i32, %c0_i32_0 : i32, i32
  }
  func.func @transform_3(%arg0: i32) -> (i32, i32) {
    %c0_i32 = arith.constant 0 : i32
    %c0_i32_0 = arith.constant 0 : i32
    return %arg0, %c0_i32 : i32, i32
  }
}

</mosaic_0001>

<sc_bundles>
// kernel: kernel.10.cloned.1.call-start
scs
__scs_entry_jumppad:
0x0: {  	(pc) =	sbr.rel $0x88, $3  }
0x1: {  	(tag) =	ssettag $0x0;
	lr =	simm.s32 $0x1  }
0x2: {  	[smem:$0x3F9B] =	sst lr;
	_ =	strace $0xD0000000  }
0x3: {  	_ = 	snop  }
0x4: {  	_ = 	snop  }
0x5: {  	_ = 	snop  }
0x6: {  	_ = 	snop  }
0x7: {  	_ = 	snop  }
__scs_overlays_trampoline_lowered:
0x8: {  	[smem:$0x3FAA] =	sst s0  }
0x9: {  	[smem:$0x3FAB] =	sst s1  }
0xa: {  	[smem:$0x3FAC] =	sst s2  }
0xb: {  	[smem:$0x3FAD] =	sst s3  }
0xc: {  	[smem:$0x3FAE] =	sst s4  }
0xd: {  	[smem:$0x3FAF] =	sst s5  }
0xe: {  	[smem:$0x3FB0] =	sst s6  }
0xf: {  	[smem:$0x3FB1] =	sst s7  }
0x10: {  	[smem:$0x3FB2] =	sst s8  }
0x11: {  	[smem:$0x3FB3] =	sst s9;
	s0 =	simm.s32 @!p0 $0x0  }
0x12: {  	s1 =	sld [smem:$0x3F99];
	s0 =	simm.s32 @p0 $0x1  }
0x13: {  	[smem:$0x3FB4] =	sst s0;
	s0 =	simm.s32 @!p1 $0x0  }
0x14: {  	s2 =	sld [smem:$0x3F98];
	s0 =	simm.s32 @p1 $0x1  }
0x15: {  	[smem:$0x3FB5] =	sst s0;
	s0 =	simm.s32 @!p2 $0x0  }
0x16: {  	s3 =	sld [smem:$0x3FDB];
	s0 =	simm.s32 @p2 $0x1  }
0x17: {  	s4 =	simm.s32 $0x1BF5;
	[smem:$0x3FB7] =	sst s0  }
0x18: {  	s0 =	sld [smem:$0x3F9A];
	_ =	swait.ge [sflag:s4], $0x0  }
0x19: {  	s7 =	sld [smem:$0x3F9B]  }
0x1a: {  	s8 =	sadd.s32 $0xFFFFE003, lr  }
0x1b: {  	s9 =	sadd.s32 $0xFFFFFEF7, lr;
	s5 =	simm.s32 $0xFFFFFFFF;
	p2 =	slt.u32 s8, $0xFFFFF086  }
0x1c: {  	p1 =	slt.u32 s9, $0xF7A;
	s5 =	simm.s32 @!p2 $0x0  }
0x1d: {  	s5 =	simm.s32 @p1 $0x1;
	p0 =	seq.s32 s7, s2  }
0x1e: {  	s7 =	smul.u32 @!p0 $0xF7A, s2;
	p2 =	seq.s32 @!p0 s5, $0x0  }
0x1f: {  	s9 =	smul.u32 $0xF7A, s1;
	s8 =	simm.s32 @!p0 $0x1BF5;
	p2 =	por !p2, p0  }
0x20: {  	[sflag:s8] =	ssyncset.s32 @!p0 $0xFFFFF086;
	s6 =	sadd.s32 @!p0 s3, s7;
	s7 =	simm.s32 @!p0 $0x108  }
0x21: {  	s3 =	sadd.s32 s3, s9;
	s6 =	sadd.s32 @!p0 $0x88, s6;
	s7 =	simm.s32 @p2 $0x1082  }
0x22: {  	[simem:s7], [sflag:s8] =	dma.local @!p0 [hbm:s6], $0xF7A  }
0x23: {  	s9 =	sor.u32 $0xD0000000, s2;
	s6 =	simm.s32 $0x108;
	_ =	swait.ge @!p0 [sflag:s8], $0x0  }
0x24: {  	s3 =	sadd.s32 $0x88, s3;
	s6 =	simm.s32 @!p1 $0x1082;
	[sflag:s4] =	ssyncset.s32 $0xFFFFF086  }
0x25: {  	[simem:s6], [sflag:s4] =	dma.local [hbm:s3], $0xF7A  }
0x26: {  	[smem:$0x3F9B] =	sst s1;
	(tag) =	ssettag s2;
	_ =	strace s9  }
0x27: {  	s1 =	sld [smem:$0x3FAB]  }
0x28: {  	s2 =	sld [smem:$0x3FAC]  }
0x29: {  	s4 =	sld [smem:$0x3FAE]  }
0x2a: {  	p0 =	seq.s32 s5, $0x0;
	s5 =	sld [smem:$0x3FAF]  }
0x2b: {  	s6 =	sld [smem:$0x3FB0]  }
0x2c: {  	s7 =	sld [smem:$0x3FB1]  }
0x2d: {  	s3 =	simm.s32 $0x108;
	s8 =	sld [smem:$0x3FB2]  }
0x2e: {  	s3 =	simm.s32 @!p0 $0x1082;
	s9 =	sld [smem:$0x3FB3]  }
0x2f: {  	lr =	sadd.s32 s0, s3;
	s0 =	sld [smem:$0x3FAA]  }
0x30: {  	s3 =	sld [smem:$0x3FAD]  }
0x31: {  	[smem:$0x3FB6] =	sst s10  }
0x32: {  	s10 =	sld [smem:$0x3FB4];
	_ =	sdelay $0x3  }
0x33: {  	p0 =	seq.s32 s10, $0x1;
	s10 =	sld [smem:$0x3FB6];
	_ =	sdelay $0x3  }
0x34: {  	[smem:$0x3FB6] =	sst s10  }
0x35: {  	s10 =	sld [smem:$0x3FB5];
	_ =	sdelay $0x3  }
0x36: {  	p1 =	seq.s32 s10, $0x1;
	s10 =	sld [smem:$0x3FB6];
	_ =	sdelay $0x3  }
0x37: {  	[smem:$0x3FB6] =	sst s10  }
0x38: {  	s10 =	sld [smem:$0x3FB7]  }
0x39: {  	_ = 	snop;
	(pc) =	sbr.ind lr, $3  }
0x3a: {  	_ = 	snop  }
0x3b: {  	_ = 	snop  }
0x3c: {  	p2 =	seq.s32 s10, $0x1;
	s10 =	sld [smem:$0x3FB6]  }
0x3d: {  	_ =	shalt  }
0x3e: {  	_ =	shalt  }
0x3f: {  	_ =	shalt  }
0x40: {  	_ =	shalt  }
0x41: {  	_ =	shalt  }
0x42: {  	_ =	shalt  }
0x43: {  	_ =	shalt  }
0x44: {  	_ =	shalt  }
0x45: {  	_ =	shalt  }
0x46: {  	_ =	shalt  }
0x47: {  	_ =	shalt  }
0x48: {  	_ =	shalt  }
0x49: {  	_ =	shalt  }
0x4a: {  	_ =	shalt  }
0x4b: {  	_ =	shalt  }
0x4c: {  	_ =	shalt  }
0x4d: {  	_ =	shalt  }
0x4e: {  	_ =	shalt  }
0x4f: {  	_ =	shalt  }
0x50: {  	_ =	shalt  }
0x51: {  	_ =	shalt  }
0x52: {  	_ =	shalt  }
0x53: {  	_ =	shalt  }
0x54: {  	_ =	shalt  }
0x55: {  	_ =	shalt  }
0x56: {  	_ =	shalt  }
0x57: {  	_ =	shalt  }
0x58: {  	_ =	shalt  }
0x59: {  	_ =	shalt  }
0x5a: {  	_ =	shalt  }
0x5b: {  	_ =	shalt  }
0x5c: {  	_ =	shalt  }
0x5d: {  	_ =	shalt  }
0x5e: {  	_ =	shalt  }
0x5f: {  	_ =	shalt  }
0x60: {  	_ =	shalt  }
0x61: {  	_ =	shalt  }
0x62: {  	_ =	shalt  }
0x63: {  	_ =	shalt  }
0x64: {  	_ =	shalt  }
0x65: {  	_ =	shalt  }
0x66: {  	_ =	shalt  }
0x67: {  	_ =	shalt  }
0x68: {  	_ =	shalt  }
0x69: {  	_ =	shalt  }
0x6a: {  	_ =	shalt  }
0x6b: {  	_ =	shalt  }
0x6c: {  	_ =	shalt  }
0x6d: {  	_ =	shalt  }
0x6e: {  	_ =	shalt  }
0x6f: {  	_ =	shalt  }
0x70: {  	_ =	shalt  }
0x71: {  	_ =	shalt  }
0x72: {  	_ =	shalt  }
0x73: {  	_ =	shalt  }
0x74: {  	_ =	shalt  }
0x75: {  	_ =	shalt  }
0x76: {  	_ =	shalt  }
0x77: {  	_ =	shalt  }
0x78: {  	_ =	shalt  }
0x79: {  	_ =	shalt  }
0x7a: {  	_ =	shalt  }
0x7b: {  	_ =	shalt  }
0x7c: {  	_ =	shalt  }
0x7d: {  	_ =	shalt  }
0x7e: {  	_ =	shalt  }
0x7f: {  	_ =	shalt  }
0x80: {  	_ =	shalt  }
0x81: {  	_ =	shalt  }
0x82: {  	_ =	shalt  }
0x83: {  	_ =	shalt  }
0x84: {  	_ =	shalt  }
0x85: {  	_ =	shalt  }
0x86: {  	_ =	shalt  }
0x87: {  	_ =	shalt  }
.Lfunc_end0:
.L_simem_size_0:
called_computation.1_lowered:
.L_overlay_start_0:
0x88: {  	s2 =	sld [smem:$0x3FD9]  }
0x89: {  	s3 =	sld [smem:$0x3FFE];
	_ =	sdelay $0x1  }
0x8a: {  	s1 =	srdreg.scid  }
0x8b: {  	s0 =	sand.u32 $0x1, s1  }
0x8c: {  	s16 =	sshll.u32 s0, $0xA;
	s2 =	sadd.s32 s3, s2  }
0x8d: {  	s2 =	sadd.s32 s2, s16  }
0x8e: {  	[smem:$0x3FC2] =	sst s2  }
0x8f: {  	_ = 	snop  }
0x90: {  	(tm) =	ssettm $0x1  }
0x91: {  	s17 =	sld [smem:$0x3FFB];
	_ =	sdelay $0x3  }
0x92: {  	_ =	strace s17  }
0x93: {  	s2 =	sld [smem:$0x3FFC];
	_ =	sdelay $0x3  }
0x94: {  	_ =	strace s2  }
0x95: {  	s2 =	sld [smem:$0x3FFD];
	_ =	sdelay $0x3  }
0x96: {  	_ =	strace s2  }
0x97: {  	_ =	strace $0x8FFFFFFF  }
0x98: {  	s18 =	sld [smem:$0x3FDB];
	_ =	sdelay $0x1  }
0x99: {  	s19 =	simm.s32 $_scs_section_size  }
0x9a: {  	s4 =	simm.s32 $_size__tile_overlayer_lowered;
	s5 =	simm.s32 $_tile_overlayer_lowered  }
0x9b: {  	s22 =	simm.s32 $0x1BFF;
	s21 =	sshll.u32 s5, $0x1;
	s2 =	sadd.s32 s19, s18  }
0x9c: {  	s6 =	simm.s32 $0x0;
	s20 =	sshll.u32 s4, $0x1;
	s4 =	sadd.s32 s21, s2  }
0x9d: {  	[timem:s6], [sflag:s22] =	dma.local [hbm:s4], s20  }
0x9e: {  	_ =	swait.ge [sflag:s22], s20  }
0x9f: {  	s3 =	ssub.s32 $0x0, s20;
	[sflag:s22] =	ssyncset.done $0x0  }
0xa0: {  	[sflag:s22] =	ssyncadd.s32 s3;
	_ =	sdelay $0x1  }
0xa1: {  	s23 =	simm.s32 $0x1B8B  }
0xa2: {  	_ =	swait.ge [sflag:s23], $0x1  }
0xa3: {  	[sflag:s23] =	ssyncset.done $0x0  }
0xa4: {  	s25 =	simm.s32 $0x1B8E;
	s24 =	sld [smem:$0x3FFE];
	[sflag:s23] =	ssyncadd.s32 $0xFFFFFFFF  }
0xa5: {  	s26 =	simm.s32 $execute0_lowered;
	[smem:$0x3FD2] =	sst s25  }
0xa6: {  	s4 =	sshll.u32 s26, $0x1;
	_ =	strace $0x80000049;
	[dreg:$0x1] =	wrdreg $0xFFFFFFFF  }
0xa7: {  	s28 =	simm.s32 $_size_execute0_lowered;
	s2 =	sadd.s32 s2, s4;
	[dreg:$0x0] =	wrdreg $0x0  }
0xa8: {  	s4 =	sshll.u32 s28, $0x1;
	[dreg:$0x2] =	wrdreg s2  }
0xa9: {  	[dreg:$0x3] =	wrdreg s4  }
0xaa: {  	[dreg:$0x4] =	wrdreg $0xC0  }
0xab: {  	_ =	task [dreg:s6], $0x5FFFF  }
0xac: {  	[dreg:$0x1] =	wrdreg $0xFFFFFFFF  }
0xad: {  	[dreg:$0x0] =	wrdreg $0x60  }
0xae: {  	[dreg:$0x2] =	wrdreg s24  }
0xaf: {  	[dreg:$0x3] =	wrdreg $0x9  }
0xb0: {  	_ =	task.clear_ibuf [dreg:s6], $0x4FFFF;
	_ =	strace $0x90000049  }
0xb1: {  	s29 =	simm.s32 $0x9;
	_ =	strace $0x8000004B  }
0xb2: {  	_ =	swait.ge [sflag:s29], $0x1  }
0xb3: {  	[sflag:s29] =	ssyncadd.s32 $0xFFFFFFFF  }
0xb4: {  	_ =	strace $0x9000004B  }
0xb5: {  	_ =	sfence  }
0xb6: {  	s30 =	sld [smem:$0x0];
	_ =	sdelay $0x2  }
0xb7: {  	s31 =	sshll.u32 s1, $0xD;
	s1 =	sshrl.u32 s1, $0x2  }
0xb8: {  	s3 =	sand.u32 $0x4000, s31;
	s1 =	sadd.s32 s1, s30  }
0xb9: {  	s0 =	sor.u32 s3, s0;
	s1 =	sshll.u32 s1, $0x11  }
0xba: {  	s0 =	sor.u32 s1, s0  }
0xbb: {  	s0 =	sadd.s32 $0x8F2B, s0  }
0xbc: {  	[sflag:s0] =	ssyncadd.remote.s32 $0x1  }
0xbd: {  	_ =	sfence.sel $0xFFFF  }
0xbe: {  	[dreg:$0x0] =	wrdreg $0xFFFFFFFF;
	(pc) =	sbr.abs _section_cstart, $3  }
0xbf: {  	[dreg:$0x1] =	wrdreg $0xFFFFFFFF  }
0xc0: {  	_ =	task.clear_ibuf [dreg:s6], $0x2FFFF;
	_ =	strace $0x9FFFFFFF  }
0xc1: {  	(tm) =	ssettm $0x7FFFFFFF  }
tec
execute0_lowered:
.L_overlay_start_1:
0x0: {  	(tag) =	ssettag $0x1  }
0x1: {  	s7 =	rddreg [dreg:$0x0]  }
0x2: {  	s0 =	rddreg [dreg:$0x1];
	s2 =	simm.s32 $0x0;
	s4 =	srdreg.scid  }
0x3: {  	s1 =	stileid.u32;
	s13 =	simm.s32 $0x3000;
	s16 =	simm.s32 $0x1800  }
0x4: {  	s18 =	simm.s32 $0x3880;
	s19 =	simm.s32 $0x0;
	[smem:$0x7FF] =	sst s2  }
0x5: {  	s3 =	sadd.s32 $0x5E800, s7;
	s6 =	sand.u32 $0x1, s4;
	s8 =	sshll.u32 s1, $0x1  }
0x6: {  	s4 =	sadd.s32 $0x161000, s7;
	s5 =	sadd.s32 $0x166000, s7;
	s11 =	sshrl.u32 s1, $0x3  }
0x7: {  	_ =	strace $0x8000004A;
	s8 =	sor.u32 s6, s8;
	s10 =	ssub.s32 $0x2, s6  }
0x8: {  	s6 =	sadd.s32 $0x59800, s7;
	s14 =	smul.u32 $0x1388, s11;
	s11 =	simm.s32 $0x2000  }
0x9: {  	s9 =	smul.u32 $0x2800, s8;
	s12 =	sshrl.u32 s10, $0x1;
	s8 =	sand.u32 $0xF, s8  }
0xa: {  	s31 =	ssub.s32 s10, s12;
	s15 =	sadd.s32 $0x1388, s14;
	s17 =	smul.u32 $0x2710, s8  }
0xb: {  	s10 =	simm.s32 $0x1000;
	s12 =	simm.s32 $0x80;
	v0 =	vmov s14;
	s14 =	simm.s32 $0x3080  }
0xc: {  	v3 =	vimm.f32 $0.0e+00;
	s7 =	sadd.s32 s9, s7;
	s8 =	smax.u32 s31, $0x1;
	s9 =	simm.s32 $0x2  }
0xd: {  	v4 =	vlaneseq.u32;
	v1 =	vmov s15;
	s15 =	simm.s32 $0x1;
	s7 =	sadd.s32 $0xACA00, s7;
	v2 =	vmov s17;
	s17 =	simm.s32 $0x2800  }
.LBB2_1:
0xe: {  	s20 =	simm.s32 $0x40;
	s21 =	simm.s32 $0x0  }
.LBB2_2:
0xf: {  	p0 =	sne.s32 s20, $0x4FFC0;
	[tilespmem:s21+$0x3880] =	vst v3;
	s21 =	smov.u32 s20;
	s20 =	sadd.s32 $0x40, s20  }
.Ltmp0:
0x10: {  	(pc) =	sbr.rel @p0 .LBB2_2-.Ltmp0, $2  }
0x11: {  	_ =	sdelay $0x2  }
0x12: {  	s21 =	sshra.s32 s21, $0x2  }
0x13: {  	[tilespmem:s21+$0x3880] =	vst v3;
	s20 =	simm.s32 $0x0;
	s21 =	simm.s32 $0x0  }
.LBB2_4:
0x14: {  	s22 =	sshll.u32 s21, $0x8  }
0x15: {  	s23 =	sadd.s32 s4, s22  }
0x16: {  	[tilespmem:s20], [sflag:$0x2] =	stream.linear.gather [hbm4b:s23+s20], $0x800, $0x38;
	[tilespmem:$0x17880] =	vst v63  }
0x17: {  	_ =	swait.ge [sflag:s9], $0x800  }
0x18: {  	[sflag:s9] =	ssyncset.done $0x0  }
0x19: {  	s31 =	sadd.s32 s5, s22;
	[sflag:s9] =	ssyncadd.s32 $0xFFFFF800  }
0x1a: {  	[tilespmem:s10], [sflag:$0x2] =	stream.linear.gather [hbm4b:s31+s20], $0x800, $0x38;
	[tilespmem:$0x17880] =	vst v63  }
0x1b: {  	_ =	swait.ge [sflag:s9], $0x800  }
0x1c: {  	[sflag:s9] =	ssyncset.done $0x0  }
0x1d: {  	s22 =	sadd.s32 s6, s22;
	[sflag:s9] =	ssyncadd.s32 $0xFFFFF800  }
0x1e: {  	[tilespmem:s11], [sflag:$0x2] =	stream.linear.gather [hbm4b:s22+s20], $0x800, $0x38;
	[tilespmem:$0x17880] =	vst v63  }
0x1f: {  	_ =	swait.ge [sflag:s9], $0x800  }
0x20: {  	[sflag:s9] =	ssyncset.done $0x0  }
0x21: {  	s22 =	simm.s32 $0x0;
	[sflag:s9] =	ssyncadd.s32 $0xFFFFF800  }
0x22: {  	v7 =	vld [tilespmem:s22+$0x1000]  }
0x23: {  	v5 =	vld [tilespmem:s22+$0x2000]  }
0x24: {  	v6 =	vld [tilespmem:s22+$0x0];
	_ =	sdelay $0x1  }
0x25: {  	s23 =	simm.s32 $0x40  }
.LBB2_5:
0x26: {  	s24 =	sshra.s32 s23, $0x2;
	p0 =	sne.s32 s23, $0x1FC0;
	s23 =	sadd.s32 $0x40, s23;
	vm0 =	vge.s32 v7, v0;
	vm1 =	vlt.s32 v7, v1;
	v8 =	vsub.s32 v7, v0  }
.Ltmp1:
0x27: {  	v7 =	vld [tilespmem:s24+$0x1000];
	vm0 =	vmand vm0, vm1;
	vm1 =	vgt.s32 v8, $0x0;
	(pc) =	sbr.rel @p0 .LBB2_5-.Ltmp1, $4  }
0x28: {  	v9 =	vnsel vm0, $0x0, v5;
	v5 =	vld [tilespmem:s24+$0x2000];
	v8 =	vnsel vm1, $0x0, v8;
	v10 =	vadd.s32 v2, v6  }
0x29: {  	v6 =	vld [tilespmem:s24+$0x0];
	[tilespmem:s22+$0x2800] =	vst v9;
	v8 =	vmin.u32 v8, $0x13FF  }
0x2a: {  	v8 =	vshll.u32 v8, $0x4;
	[tilespmem:s22+$0x800] =	vst v10  }
0x2b: {  	[tilespmem:s22+$0x1800] =	vst v8;
	s22 =	smov.u32 s24  }
0x2c: {  	vm0 =	vge.s32 v7, v0;
	vm1 =	vlt.s32 v7, v1;
	v7 =	vsub.s32 v7, v0  }
0x2d: {  	vm0 =	vmand vm0, vm1;
	vm15 =	vgt.s32 v7, $0x0  }
0x2e: {  	v5 =	vnsel vm0, $0x0, v5;
	v7 =	vnsel vm15, $0x0, v7  }
0x2f: {  	v6 =	vadd.s32 v2, v6;
	[tilespmem:s22+$0x2800] =	vst v5;
	v5 =	vmin.u32 v7, $0x13FF  }
0x30: {  	[tilespmem:s22+$0x800] =	vst v6;
	v5 =	vshll.u32 v5, $0x4  }
0x31: {  	[tilespmem:s22+$0x1800] =	vst v5  }
0x32: {  	v5 =	vld [tilespmem:$0x800]  }
0x33: {  	v6 =	vld [tilespmem:$0x810]  }
0x34: {  	v7 =	vld [tilespmem:$0x820]  }
0x35: {  	v8 =	vld [tilespmem:$0x830]  }
0x36: {  	v9 =	vld [tilespmem:$0x840]  }
0x37: {  	[tilespmem:$0x3000] =	vst v5;
	v5 =	vld [tilespmem:$0x850]  }
0x38: {  	[tilespmem:$0x3010] =	vst v6;
	v6 =	vld [tilespmem:$0x860]  }
0x39: {  	[tilespmem:$0x3020] =	vst v7;
	v7 =	vld [tilespmem:$0x870]  }
0x3a: {  	s29 =	simm.s32 $0x0;
	[tilespmem:$0x3030] =	vst v8  }
0x3b: {  	[tilespmem:$0x3040] =	vst v9;
	v8 =	vmov s29  }
0x3c: {  	[tilespmem:$0x3050] =	vst v5;
	v5 =	vand.u32 $0xFFFFFFFC, v8  }
0x3d: {  	[tilespmem:$0x3060] =	vst v6;
	v5 =	vbroadcast v5, $0x0  }
0x3e: {  	[tilespmem:$0x3070] =	vst v7  }
0x3f: {  	[tilespmem:s14], [sflag:$0x1] =	stream.indirect.gather [hbm4b:s3+s12], $0x10, s13, s12, $0xb8;
	[tilespmem:$0x17880] =	vst v63  }
0x40: {  	_ =	swait.ge [sflag:s15], $0x800  }
0x41: {  	[sflag:s15] =	ssyncset.done $0x0  }
0x42: {  	[sflag:s15] =	ssyncadd.s32 $0xFFFFF800  }
0x43: {  	v6 =	vld.idx.msk [tilespmem:v5+s16+$0x0], $0xffff  }
0x44: {  	s22 =	simm.s32 $0x30A0  }
0x45: {  	s23 =	simm.s32 $0x1;
	v7 =	vld [tilespmem:s22+$0xFFFFFFE0]  }
0x46: {  	v8 =	vmov s23;
	v5 =	vld.idx.msk [tilespmem:v5+s17+$0x0], $0xffff  }
0x47: {  	v8 =	vand.u32 $0xFFFFFFFD, v8  }
0x48: {  	v8 =	vbroadcast v8, $0x0;
	v6 =	vadd.s32 v4, v6;
	_ =	sdelay $0x2  }
0x49: {  	v5 =	vmul.f32 v7, v5;
	_ =	sdelay $0x1  }
0x4a: {  	[tilespmem:v6+s18+$0x0] =	vst.idx.add.f32.msk $0xffff, v5  }
0x4b: {  	v5 =	vld.idx.msk [tilespmem:v8+s16+$0x0], $0xffff;
	_ =	sdelay $0x1  }
0x4c: {  	s30 =	simm.s32 $0x2;
	v6 =	vld.idx.msk [tilespmem:v8+s17+$0x0], $0xffff  }
0x4d: {  	v7 =	vld [tilespmem:s22+$0xFFFFFFF0];
	v8 =	vmov s30  }
0x4e: {  	v8 =	vand.u32 $0xFFFFFFFE, v8  }
0x4f: {  	v8 =	vbroadcast v8, $0x0;
	v5 =	vadd.s32 v4, v5;
	_ =	sdelay $0x2  }
0x50: {  	v6 =	vmul.f32 v7, v6;
	_ =	sdelay $0x1  }
0x51: {  	[tilespmem:v5+s18+$0x0] =	vst.idx.add.f32.msk $0xffff, v6  }
0x52: {  	v5 =	vld.idx.msk [tilespmem:v8+s16+$0x0], $0xffff;
	_ =	sdelay $0x1  }
0x53: {  	v6 =	vld.idx.msk [tilespmem:v8+s17+$0x0], $0xffff  }
0x54: {  	v7 =	vld [tilespmem:s22+$0x0];
	_ =	sdelay $0x1  }
0x55: {  	s31 =	simm.s32 $0x3;
	v5 =	vadd.s32 v4, v5  }
0x56: {  	v8 =	vmov s31;
	_ =	sdelay $0x1  }
0x57: {  	v6 =	vmul.f32 v7, v6;
	_ =	sdelay $0x1  }
0x58: {  	[tilespmem:v5+s18+$0x0] =	vst.idx.add.f32.msk $0xffff, v6  }
0x59: {  	v6 =	vld.idx.msk [tilespmem:v8+s16+$0x0], $0xffff;
	_ =	sdelay $0x1  }
0x5a: {  	s23 =	simm.s32 $0x4;
	v7 =	vld.idx.msk [tilespmem:v8+s17+$0x0], $0xffff  }
0x5b: {  	v5 =	vmov s23;
	v8 =	vld [tilespmem:s22+$0x10]  }
0x5c: {  	v5 =	vand.u32 $0xFFFFFFFC, v5  }
0x5d: {  	v5 =	vbroadcast v5, $0x0;
	v6 =	vadd.s32 v4, v6;
	_ =	sdelay $0x2  }
0x5e: {  	s24 =	simm.s32 $0x8;
	v7 =	vmul.f32 v8, v7  }
.LBB2_7:
0x5f: {  	p0 =	sne.s32 s24, $0x7C  }
0x60: {  	s22 =	sadd.s32 $0x40, s22;
	s25 =	smov.u32 s24;
	s24 =	sadd.s32 $0x4, s24;
	[tilespmem:v6+s18+$0x0] =	vst.idx.add.f32.msk $0xffff, v7  }
0x61: {  	v6 =	vld.idx.msk [tilespmem:v5+s16+$0x0], $0xffff;
	_ =	sdelay $0x2  }
0x62: {  	s26 =	sadd.s32 $0x1, s23;
	v5 =	vld.idx.msk [tilespmem:v5+s17+$0x0], $0xffff  }
0x63: {  	v8 =	vmov s26;
	v7 =	vld [tilespmem:s22+$0xFFFFFFE0]  }
0x64: {  	v8 =	vand.u32 $0xFFFFFFFD, v8  }
0x65: {  	v8 =	vbroadcast v8, $0x0;
	v6 =	vadd.s32 v4, v6;
	_ =	sdelay $0x2  }
0x66: {  	v5 =	vmul.f32 v7, v5;
	_ =	sdelay $0x1  }
0x67: {  	[tilespmem:v6+s18+$0x0] =	vst.idx.add.f32.msk $0xffff, v5  }
0x68: {  	v5 =	vld.idx.msk [tilespmem:v8+s16+$0x0], $0xffff;
	_ =	sdelay $0x2  }
0x69: {  	s26 =	sadd.s32 $0x2, s23;
	v6 =	vld.idx.msk [tilespmem:v8+s17+$0x0], $0xffff  }
0x6a: {  	v8 =	vmov s26;
	v7 =	vld [tilespmem:s22+$0xFFFFFFF0]  }
0x6b: {  	v8 =	vand.u32 $0xFFFFFFFE, v8  }
0x6c: {  	v5 =	vadd.s32 v4, v5;
	v8 =	vbroadcast v8, $0x0;
	_ =	sdelay $0x2  }
0x6d: {  	v6 =	vmul.f32 v7, v6;
	_ =	sdelay $0x1  }
0x6e: {  	[tilespmem:v5+s18+$0x0] =	vst.idx.add.f32.msk $0xffff, v6  }
0x6f: {  	v5 =	vld.idx.msk [tilespmem:v8+s16+$0x0], $0xffff;
	_ =	sdelay $0x2  }
0x70: {  	v6 =	vld.idx.msk [tilespmem:v8+s17+$0x0], $0xffff  }
0x71: {  	v7 =	vld [tilespmem:s22+$0x0];
	_ =	sdelay $0x1  }
0x72: {  	s26 =	sadd.s32 $0x3, s23;
	s23 =	smov.u32 s25;
	v5 =	vadd.s32 v4, v5  }
0x73: {  	v8 =	vmov s26;
	_ =	sdelay $0x1  }
0x74: {  	v6 =	vmul.f32 v7, v6;
	_ =	sdelay $0x1  }
0x75: {  	[tilespmem:v5+s18+$0x0] =	vst.idx.add.f32.msk $0xffff, v6  }
0x76: {  	v6 =	vld.idx.msk [tilespmem:v8+s16+$0x0], $0xffff  }
0x77: {  	v7 =	vld.idx.msk [tilespmem:v8+s17+$0x0], $0xffff  }
0x78: {  	v8 =	vld [tilespmem:s22+$0x10];
	_ =	sdelay $0x1  }
0x79: {  	v5 =	vmov s23  }
.Ltmp2:
0x7a: {  	v5 =	vand.u32 $0xFFFFFFFC, v5;
	(pc) =	sbr.rel @p0 .LBB2_7-.Ltmp2, $2  }
0x7b: {  	v5 =	vbroadcast v5, $0x0;
	v6 =	vadd.s32 v4, v6;
	_ =	sdelay $0x2  }
0x7c: {  	v7 =	vmul.f32 v8, v7  }
0x7d: {  	_ =	sdelay $0x3  }
0x7e: {  	[tilespmem:v6+s18+$0x0] =	vst.idx.add.f32.msk $0xffff, v7  }
0x7f: {  	v6 =	vld.idx.msk [tilespmem:v5+s16+$0x0], $0xffff;
	_ =	sdelay $0x1  }
0x80: {  	s22 =	sadd.s32 $0x40, s22;
	s24 =	sadd.s32 $0x1, s23;
	v5 =	vld.idx.msk [tilespmem:v5+s17+$0x0], $0xffff  }
0x81: {  	v8 =	vmov s24;
	v7 =	vld [tilespmem:s22+$0xFFFFFFE0]  }
0x82: {  	v8 =	vand.u32 $0xFFFFFFFD, v8  }
0x83: {  	v8 =	vbroadcast v8, $0x0;
	v6 =	vadd.s32 v4, v6;
	_ =	sdelay $0x2  }
0x84: {  	v5 =	vmul.f32 v7, v5;
	_ =	sdelay $0x1  }
0x85: {  	[tilespmem:v6+s18+$0x0] =	vst.idx.add.f32.msk $0xffff, v5  }
0x86: {  	v5 =	vld.idx.msk [tilespmem:v8+s16+$0x0], $0xffff;
	_ =	sdelay $0x1  }
0x87: {  	s25 =	sadd.s32 $0x2, s23;
	v6 =	vld.idx.msk [tilespmem:v8+s17+$0x0], $0xffff  }
0x88: {  	v7 =	vld [tilespmem:s22+$0xFFFFFFF0];
	v8 =	vmov s25  }
0x89: {  	v8 =	vand.u32 $0xFFFFFFFE, v8  }
0x8a: {  	v8 =	vbroadcast v8, $0x0;
	v5 =	vadd.s32 v4, v5;
	_ =	sdelay $0x2  }
0x8b: {  	v6 =	vmul.f32 v7, v6;
	_ =	sdelay $0x1  }
0x8c: {  	[tilespmem:v5+s18+$0x0] =	vst.idx.add.f32.msk $0xffff, v6  }
0x8d: {  	v5 =	vld.idx.msk [tilespmem:v8+s16+$0x0], $0xffff;
	_ =	sdelay $0x1  }
0x8e: {  	v6 =	vld.idx.msk [tilespmem:v8+s17+$0x0], $0xffff  }
0x8f: {  	v7 =	vld [tilespmem:s22+$0x0];
	_ =	sdelay $0x1  }
0x90: {  	s26 =	sadd.s32 $0x3, s23;
	v5 =	vadd.s32 v4, v5  }
0x91: {  	v8 =	vmov s26;
	_ =	sdelay $0x1  }
0x92: {  	v6 =	vmul.f32 v7, v6;
	_ =	sdelay $0x1  }
0x93: {  	[tilespmem:v5+s18+$0x0] =	vst.idx.add.f32.msk $0xffff, v6  }
0x94: {  	v5 =	vld.idx.msk [tilespmem:v8+s16+$0x0], $0xffff;
	_ =	sdelay $0x1  }
0x95: {  	v6 =	vld.idx.msk [tilespmem:v8+s17+$0x0], $0xffff  }
0x96: {  	v7 =	vld [tilespmem:s22+$0x10];
	_ =	sdelay $0x1  }
0x97: {  	v5 =	vadd.s32 v4, v5;
	_ =	sdelay $0x2  }
0x98: {  	v6 =	vmul.f32 v7, v6;
	_ =	sdelay $0x1  }
0x99: {  	[tilespmem:v5+s18+$0x0] =	vst.idx.add.f32.msk $0xffff, v6  }
0x9a: {  	v5 =	vld [tilespmem:$0x880]  }
0x9b: {  	v6 =	vld [tilespmem:$0x890]  }
0x9c: {  	v7 =	vld [tilespmem:$0x8A0]  }
0x9d: {  	v8 =	vld [tilespmem:$0x8B0]  }
0x9e: {  	v9 =	vld [tilespmem:$0x8C0]  }
0x9f: {  	[tilespmem:$0x3000] =	vst v5;
	v5 =	vld [tilespmem:$0x8D0]  }
0xa0: {  	[tilespmem:$0x3010] =	vst v6;
	v6 =	vld [tilespmem:$0x8E0]  }
0xa1: {  	[tilespmem:$0x3020] =	vst v7;
	v7 =	vld [tilespmem:$0x8F0]  }
0xa2: {  	s28 =	simm.s32 $0x80;
	[tilespmem:$0x3030] =	vst v8  }
0xa3: {  	[tilespmem:$0x3040] =	vst v9;
	v8 =	vmov s28  }
0xa4: {  	[tilespmem:$0x3050] =	vst v5;
	v5 =	vand.u32 $0xFFFFFFFC, v8  }
0xa5: {  	[tilespmem:$0x3060] =	vst v6;
	v5 =	vbroadcast v5, $0x0  }
0xa6: {  	[tilespmem:$0x3070] =	vst v7  }
0xa7: {  	[tilespmem:s14], [sflag:$0x1] =	stream.indirect.gather [hbm4b:s3+s28], $0x10, s13, s28, $0xb8;
	[tilespmem:$0x17880] =	vst v63  }
0xa8: {  	_ =	swait.ge [sflag:s15], $0x800  }
0xa9: {  	[sflag:s15] =	ssyncset.done $0x0  }
0xaa: {  	[sflag:s15] =	ssyncadd.s32 $0xFFFFF800  }
0xab: {  	v6 =	vld.idx.msk [tilespmem:v5+s16+$0x0], $0xffff  }
0xac: {  	s22 =	simm.s32 $0x30A0  }
0xad: {  	s29 =	simm.s32 $0x81;
	v7 =	vld [tilespmem:s22+$0xFFFFFFE0]  }
0xae: {  	v8 =	vmov s29;
	v5 =	vld.idx.msk [tilespmem:v5+s17+$0x0], $0xffff  }
0xaf: {  	v8 =	vand.u32 $0xFFFFFFFD, v8  }
0xb0: {  	v8 =	vbroadcast v8, $0x0;
	v6 =	vadd.s32 v4, v6;
	_ =	sdelay $0x2  }
0xb1: {  	v5 =	vmul.f32 v7, v5;
	_ =	sdelay $0x1  }
0xb2: {  	[tilespmem:v6+s18+$0x0] =	vst.idx.add.f32.msk $0xffff, v5  }
0xb3: {  	v5 =	vld.idx.msk [tilespmem:v8+s16+$0x0], $0xffff;
	_ =	sdelay $0x1  }
0xb4: {  	s30 =	simm.s32 $0x82;
	v6 =	vld.idx.msk [tilespmem:v8+s17+$0x0], $0xffff  }
0xb5: {  	v7 =	vld [tilespmem:s22+$0xFFFFFFF0];
	v8 =	vmov s30  }
0xb6: {  	v8 =	vand.u32 $0xFFFFFFFE, v8  }
0xb7: {  	v8 =	vbroadcast v8, $0x0;
	v5 =	vadd.s32 v4, v5;
	_ =	sdelay $0x2  }
0xb8: {  	v6 =	vmul.f32 v7, v6;
	_ =	sdelay $0x1  }
0xb9: {  	[tilespmem:v5+s18+$0x0] =	vst.idx.add.f32.msk $0xffff, v6  }
0xba: {  	v5 =	vld.idx.msk [tilespmem:v8+s16+$0x0], $0xffff;
	_ =	sdelay $0x1  }
0xbb: {  	v6 =	vld.idx.msk [tilespmem:v8+s17+$0x0], $0xffff  }
0xbc: {  	v7 =	vld [tilespmem:s22+$0x0];
	_ =	sdelay $0x1  }
0xbd: {  	s31 =	simm.s32 $0x83;
	v5 =	vadd.s32 v4, v5  }
0xbe: {  	v8 =	vmov s31;
	_ =	sdelay $0x1  }
0xbf: {  	v6 =	vmul.f32 v7, v6;
	_ =	sdelay $0x1  }
0xc0: {  	[tilespmem:v5+s18+$0x0] =	vst.idx.add.f32.msk $0xffff, v6  }
0xc1: {  	v6 =	vld.idx.msk [tilespmem:v8+s16+$0x0], $0xffff;
	_ =	sdelay $0x1  }
0xc2: {  	s23 =	simm.s32 $0x84;
	v7 =	vld.idx.msk [tilespmem:v8+s17+$0x0], $0xffff  }
0xc3: {  	v5 =	vmov s23;
	v8 =	vld [tilespmem:s22+$0x10]  }
0xc4: {  	v5 =	vand.u32 $0xFFFFFFFC, v5  }
0xc5: {  	v5 =	vbroadcast v5, $0x0;
	v6 =	vadd.s32 v4, v6;
	_ =	sdelay $0x2  }
0xc6: {  	s24 =	simm.s32 $0x88;
	v7 =	vmul.f32 v8, v7  }
.LBB2_9:
0xc7: {  	p0 =	sne.s32 s24, $0xFC  }
0xc8: {  	s22 =	sadd.s32 $0x40, s22;
	s25 =	smov.u32 s24;
	s24 =	sadd.s32 $0x4, s24;
	[tilespmem:v6+s18+$0x0] =	vst.idx.add.f32.msk $0xffff, v7  }
0xc9: {  	v6 =	vld.idx.msk [tilespmem:v5+s16+$0x0], $0xffff;
	_ =	sdelay $0x2  }
0xca: {  	s26 =	sadd.s32 $0x1, s23;
	v5 =	vld.idx.msk [tilespmem:v5+s17+$0x0], $0xffff  }
0xcb: {  	v8 =	vmov s26;
	v7 =	vld [tilespmem:s22+$0xFFFFFFE0]  }
0xcc: {  	v8 =	vand.u32 $0xFFFFFFFD, v8  }
0xcd: {  	v8 =	vbroadcast v8, $0x0;
	v6 =	vadd.s32 v4, v6;
	_ =	sdelay $0x2  }
0xce: {  	v5 =	vmul.f32 v7, v5;
	_ =	sdelay $0x1  }
0xcf: {  	[tilespmem:v6+s18+$0x0] =	vst.idx.add.f32.msk $0xffff, v5  }
0xd0: {  	v5 =	vld.idx.msk [tilespmem:v8+s16+$0x0], $0xffff;
	_ =	sdelay $0x2  }
0xd1: {  	s26 =	sadd.s32 $0x2, s23;
	v6 =	vld.idx.msk [tilespmem:v8+s17+$0x0], $0xffff  }
0xd2: {  	v8 =	vmov s26;
	v7 =	vld [tilespmem:s22+$0xFFFFFFF0]  }
0xd3: {  	v8 =	vand.u32 $0xFFFFFFFE, v8  }
0xd4: {  	v5 =	vadd.s32 v4, v5;
	v8 =	vbroadcast v8, $0x0;
	_ =	sdelay $0x2  }
0xd5: {  	v6 =	vmul.f32 v7, v6;
	_ =	sdelay $0x1  }
0xd6: {  	[tilespmem:v5+s18+$0x0] =	vst.idx.add.f32.msk $0xffff, v6  }
0xd7: {  	v5 =	vld.idx.msk [tilespmem:v8+s16+$0x0], $0xffff;
	_ =	sdelay $0x2  }
0xd8: {  	v6 =	vld.idx.msk [tilespmem:v8+s17+$0x0], $0xffff  }
0xd9: {  	v7 =	vld [tilespmem:s22+$0x0];
	_ =	sdelay $0x1  }
0xda: {  	s26 =	sadd.s32 $0x3, s23;
	s23 =	smov.u32 s25;
	v5 =	vadd.s32 v4, v5  }
0xdb: {  	v8 =	vmov s26;
	_ =	sdelay $0x1  }
0xdc: {  	v6 =	vmul.f32 v7, v6;
	_ =	sdelay $0x1  }
0xdd: {  	[tilespmem:v5+s18+$0x0] =	vst.idx.add.f32.msk $0xffff, v6  }
0xde: {  	v6 =	vld.idx.msk [tilespmem:v8+s16+$0x0], $0xffff  }
0xdf: {  	v7 =	vld.idx.msk [tilespmem:v8+s17+$0x0], $0xffff  }
0xe0: {  	v8 =	vld [tilespmem:s22+$0x10];
	_ =	sdelay $0x1  }
0xe1: {  	v5 =	vmov s23  }
.Ltmp3:
0xe2: {  	v5 =	vand.u32 $0xFFFFFFFC, v5;
	(pc) =	sbr.rel @p0 .LBB2_9-.Ltmp3, $2  }
0xe3: {  	v5 =	vbroadcast v5, $0x0;
	v6 =	vadd.s32 v4, v6;
	_ =	sdelay $0x2  }
0xe4: {  	v7 =	vmul.f32 v8, v7  }
0xe5: {  	_ =	sdelay $0x3  }
0xe6: {  	[tilespmem:v6+s18+$0x0] =	vst.idx.add.f32.msk $0xffff, v7  }
0xe7: {  	v6 =	vld.idx.msk [tilespmem:v5+s16+$0x0], $0xffff;
	_ =	sdelay $0x1  }
0xe8: {  	s22 =	sadd.s32 $0x40, s22;
	s24 =	sadd.s32 $0x1, s23;
	v5 =	vld.idx.msk [tilespmem:v5+s17+$0x0], $0xffff  }
0xe9: {  	v8 =	vmov s24;
	v7 =	vld [tilespmem:s22+$0xFFFFFFE0]  }
0xea: {  	v8 =	vand.u32 $0xFFFFFFFD, v8  }
0xeb: {  	v8 =	vbroadcast v8, $0x0;
	v6 =	vadd.s32 v4, v6;
	_ =	sdelay $0x2  }
0xec: {  	v5 =	vmul.f32 v7, v5;
	_ =	sdelay $0x1  }
0xed: {  	[tilespmem:v6+s18+$0x0] =	vst.idx.add.f32.msk $0xffff, v5  }
0xee: {  	v5 =	vld.idx.msk [tilespmem:v8+s16+$0x0], $0xffff;
	_ =	sdelay $0x1  }
0xef: {  	s25 =	sadd.s32 $0x2, s23;
	v6 =	vld.idx.msk [tilespmem:v8+s17+$0x0], $0xffff  }
0xf0: {  	v7 =	vld [tilespmem:s22+$0xFFFFFFF0];
	v8 =	vmov s25  }
0xf1: {  	v8 =	vand.u32 $0xFFFFFFFE, v8  }
0xf2: {  	v8 =	vbroadcast v8, $0x0;
	v5 =	vadd.s32 v4, v5;
	_ =	sdelay $0x2  }
0xf3: {  	v6 =	vmul.f32 v7, v6;
	_ =	sdelay $0x1  }
0xf4: {  	[tilespmem:v5+s18+$0x0] =	vst.idx.add.f32.msk $0xffff, v6  }
0xf5: {  	v5 =	vld.idx.msk [tilespmem:v8+s16+$0x0], $0xffff;
	_ =	sdelay $0x1  }
0xf6: {  	v6 =	vld.idx.msk [tilespmem:v8+s17+$0x0], $0xffff  }
0xf7: {  	v7 =	vld [tilespmem:s22+$0x0];
	_ =	sdelay $0x1  }
0xf8: {  	s26 =	sadd.s32 $0x3, s23;
	v5 =	vadd.s32 v4, v5  }
0xf9: {  	v8 =	vmov s26;
	_ =	sdelay $0x1  }
0xfa: {  	v6 =	vmul.f32 v7, v6;
	_ =	sdelay $0x1  }
0xfb: {  	[tilespmem:v5+s18+$0x0] =	vst.idx.add.f32.msk $0xffff, v6  }
0xfc: {  	v5 =	vld.idx.msk [tilespmem:v8+s16+$0x0], $0xffff;
	_ =	sdelay $0x1  }
0xfd: {  	v6 =	vld.idx.msk [tilespmem:v8+s17+$0x0], $0xffff  }
0xfe: {  	v7 =	vld [tilespmem:s22+$0x10];
	_ =	sdelay $0x1  }
0xff: {  	v5 =	vadd.s32 v4, v5;
	_ =	sdelay $0x2  }
0x100: {  	v6 =	vmul.f32 v7, v6;
	_ =	sdelay $0x1  }
0x101: {  	[tilespmem:v5+s18+$0x0] =	vst.idx.add.f32.msk $0xffff, v6  }
0x102: {  	v5 =	vld [tilespmem:$0x900]  }
0x103: {  	v6 =	vld [tilespmem:$0x910]  }
0x104: {  	v7 =	vld [tilespmem:$0x920]  }
0x105: {  	v8 =	vld [tilespmem:$0x930]  }
0x106: {  	v9 =	vld [tilespmem:$0x940]  }
0x107: {  	[tilespmem:$0x3000] =	vst v5;
	v5 =	vld [tilespmem:$0x950]  }
0x108: {  	[tilespmem:$0x3010] =	vst v6;
	v6 =	vld [tilespmem:$0x960]  }
0x109: {  	[tilespmem:$0x3020] =	vst v7;
	v7 =	vld [tilespmem:$0x970]  }
0x10a: {  	s28 =	simm.s32 $0x100;
	[tilespmem:$0x3030] =	vst v8  }
0x10b: {  	[tilespmem:$0x3040] =	vst v9;
	v8 =	vmov s28  }
0x10c: {  	[tilespmem:$0x3050] =	vst v5;
	v5 =	vand.u32 $0xFFFFFFFC, v8  }
0x10d: {  	[tilespmem:$0x3060] =	vst v6;
	v5 =	vbroadcast v5, $0x0  }
0x10e: {  	[tilespmem:$0x3070] =	vst v7  }
0x10f: {  	[tilespmem:s14], [sflag:$0x1] =	stream.indirect.gather [hbm4b:s3+s12], $0x10, s13, s12, $0xb8;
	[tilespmem:$0x17880] =	vst v63  }
0x110: {  	_ =	swait.ge [sflag:s15], $0x800  }
0x111: {  	[sflag:s15] =	ssyncset.done $0x0  }
0x112: {  	[sflag:s15] =	ssyncadd.s32 $0xFFFFF800  }
0x113: {  	v6 =	vld.idx.msk [tilespmem:v5+s16+$0x0], $0xffff  }
0x114: {  	s22 =	simm.s32 $0x30A0  }
0x115: {  	s29 =	simm.s32 $0x101;
	v7 =	vld [tilespmem:s22+$0xFFFFFFE0]  }
0x116: {  	v8 =	vmov s29;
	v5 =	vld.idx.msk [tilespmem:v5+s17+$0x0], $0xffff  }
0x117: {  	v8 =	vand.u32 $0xFFFFFFFD, v8  }
0x118: {  	v8 =	vbroadcast v8, $0x0;
	v6 =	vadd.s32 v4, v6;
	_ =	sdelay $0x2  }
0x119: {  	v5 =	vmul.f32 v7, v5;
	_ =	sdelay $0x1  }
0x11a: {  	[tilespmem:v6+s18+$0x0] =	vst.idx.add.f32.msk $0xffff, v5  }
0x11b: {  	v5 =	vld.idx.msk [tilespmem:v8+s16+$0x0], $0xffff;
	_ =	sdelay $0x1  }
0x11c: {  	s30 =	simm.s32 $0x102;
	v6 =	vld.idx.msk [tilespmem:v8+s17+$0x0], $0xffff  }
0x11d: {  	v7 =	vld [tilespmem:s22+$0xFFFFFFF0];
	v8 =	vmov s30  }
0x11e: {  	v8 =	vand.u32 $0xFFFFFFFE, v8  }
0x11f: {  	v8 =	vbroadcast v8, $0x0;
	v5 =	vadd.s32 v4, v5;
	_ =	sdelay $0x2  }
0x120: {  	v6 =	vmul.f32 v7, v6;
	_ =	sdelay $0x1  }
0x121: {  	[tilespmem:v5+s18+$0x0] =	vst.idx.add.f32.msk $0xffff, v6  }
0x122: {  	v5 =	vld.idx.msk [tilespmem:v8+s16+$0x0], $0xffff;
	_ =	sdelay $0x1  }
0x123: {  	v6 =	vld.idx.msk [tilespmem:v8+s17+$0x0], $0xffff  }
0x124: {  	v7 =	vld [tilespmem:s22+$0x0];
	_ =	sdelay $0x1  }
0x125: {  	s31 =	simm.s32 $0x103;
	v5 =	vadd.s32 v4, v5  }
0x126: {  	v8 =	vmov s31;
	_ =	sdelay $0x1  }
0x127: {  	v6 =	vmul.f32 v7, v6;
	_ =	sdelay $0x1  }
0x128: {  	[tilespmem:v5+s18+$0x0] =	vst.idx.add.f32.msk $0xffff, v6  }
0x129: {  	v6 =	vld.idx.msk [tilespmem:v8+s16+$0x0], $0xffff;
	_ =	sdelay $0x1  }
0x12a: {  	s23 =	simm.s32 $0x104;
	v7 =	vld.idx.msk [tilespmem:v8+s17+$0x0], $0xffff  }
0x12b: {  	v5 =	vmov s23;
	v8 =	vld [tilespmem:s22+$0x10]  }
0x12c: {  	v5 =	vand.u32 $0xFFFFFFFC, v5  }
0x12d: {  	v5 =	vbroadcast v5, $0x0;
	v6 =	vadd.s32 v4, v6;
	_ =	sdelay $0x2  }
0x12e: {  	s24 =	simm.s32 $0x108;
	v7 =	vmul.f32 v8, v7  }
.LBB2_11:
0x12f: {  	p0 =	sne.s32 s24, $0x17C  }
0x130: {  	s22 =	sadd.s32 $0x40, s22;
	s25 =	smov.u32 s24;
	s24 =	sadd.s32 $0x4, s24;
	[tilespmem:v6+s18+$0x0] =	vst.idx.add.f32.msk $0xffff, v7  }
0x131: {  	v6 =	vld.idx.msk [tilespmem:v5+s16+$0x0], $0xffff;
	_ =	sdelay $0x2  }
0x132: {  	s26 =	sadd.s32 $0x1, s23;
	v5 =	vld.idx.msk [tilespmem:v5+s17+$0x0], $0xffff  }
0x133: {  	v8 =	vmov s26;
	v7 =	vld [tilespmem:s22+$0xFFFFFFE0]  }
0x134: {  	v8 =	vand.u32 $0xFFFFFFFD, v8  }
0x135: {  	v8 =	vbroadcast v8, $0x0;
	v6 =	vadd.s32 v4, v6;
	_ =	sdelay $0x2  }
0x136: {  	v5 =	vmul.f32 v7, v5;
	_ =	sdelay $0x1  }
0x137: {  	[tilespmem:v6+s18+$0x0] =	vst.idx.add.f32.msk $0xffff, v5  }
0x138: {  	v5 =	vld.idx.msk [tilespmem:v8+s16+$0x0], $0xffff;
	_ =	sdelay $0x2  }
0x139: {  	s26 =	sadd.s32 $0x2, s23;
	v6 =	vld.idx.msk [tilespmem:v8+s17+$0x0], $0xffff  }
0x13a: {  	v8 =	vmov s26;
	v7 =	vld [tilespmem:s22+$0xFFFFFFF0]  }
0x13b: {  	v8 =	vand.u32 $0xFFFFFFFE, v8  }
0x13c: {  	v5 =	vadd.s32 v4, v5;
	v8 =	vbroadcast v8, $0x0;
	_ =	sdelay $0x2  }
0x13d: {  	v6 =	vmul.f32 v7, v6;
	_ =	sdelay $0x1  }
0x13e: {  	[tilespmem:v5+s18+$0x0] =	vst.idx.add.f32.msk $0xffff, v6  }
0x13f: {  	v5 =	vld.idx.msk [tilespmem:v8+s16+$0x0], $0xffff;
	_ =	sdelay $0x2  }
0x140: {  	v6 =	vld.idx.msk [tilespmem:v8+s17+$0x0], $0xffff  }
0x141: {  	v7 =	vld [tilespmem:s22+$0x0];
	_ =	sdelay $0x1  }
0x142: {  	s26 =	sadd.s32 $0x3, s23;
	s23 =	smov.u32 s25;
	v5 =	vadd.s32 v4, v5  }
0x143: {  	v8 =	vmov s26;
	_ =	sdelay $0x1  }
0x144: {  	v6 =	vmul.f32 v7, v6;
	_ =	sdelay $0x1  }
0x145: {  	[tilespmem:v5+s18+$0x0] =	vst.idx.add.f32.msk $0xffff, v6  }
0x146: {  	v6 =	vld.idx.msk [tilespmem:v8+s16+$0x0], $0xffff  }
0x147: {  	v7 =	vld.idx.msk [tilespmem:v8+s17+$0x0], $0xffff  }
0x148: {  	v8 =	vld [tilespmem:s22+$0x10];
	_ =	sdelay $0x1  }
0x149: {  	v5 =	vmov s23  }
.Ltmp4:
0x14a: {  	v5 =	vand.u32 $0xFFFFFFFC, v5;
	(pc) =	sbr.rel @p0 .LBB2_11-.Ltmp4, $2  }
0x14b: {  	v5 =	vbroadcast v5, $0x0;
	v6 =	vadd.s32 v4, v6;
	_ =	sdelay $0x2  }
0x14c: {  	v7 =	vmul.f32 v8, v7  }
0x14d: {  	_ =	sdelay $0x3  }
0x14e: {  	[tilespmem:v6+s18+$0x0] =	vst.idx.add.f32.msk $0xffff, v7  }
0x14f: {  	v6 =	vld.idx.msk [tilespmem:v5+s16+$0x0], $0xffff;
	_ =	sdelay $0x1  }
0x150: {  	s22 =	sadd.s32 $0x40, s22;
	s24 =	sadd.s32 $0x1, s23;
	v5 =	vld.idx.msk [tilespmem:v5+s17+$0x0], $0xffff  }
0x151: {  	v8 =	vmov s24;
	v7 =	vld [tilespmem:s22+$0xFFFFFFE0]  }
0x152: {  	v8 =	vand.u32 $0xFFFFFFFD, v8  }
0x153: {  	v8 =	vbroadcast v8, $0x0;
	v6 =	vadd.s32 v4, v6;
	_ =	sdelay $0x2  }
0x154: {  	v5 =	vmul.f32 v7, v5;
	_ =	sdelay $0x1  }
0x155: {  	[tilespmem:v6+s18+$0x0] =	vst.idx.add.f32.msk $0xffff, v5  }
0x156: {  	v5 =	vld.idx.msk [tilespmem:v8+s16+$0x0], $0xffff;
	_ =	sdelay $0x1  }
0x157: {  	s25 =	sadd.s32 $0x2, s23;
	v6 =	vld.idx.msk [tilespmem:v8+s17+$0x0], $0xffff  }
0x158: {  	v7 =	vld [tilespmem:s22+$0xFFFFFFF0];
	v8 =	vmov s25  }
0x159: {  	v8 =	vand.u32 $0xFFFFFFFE, v8  }
0x15a: {  	v8 =	vbroadcast v8, $0x0;
	v5 =	vadd.s32 v4, v5;
	_ =	sdelay $0x2  }
0x15b: {  	v6 =	vmul.f32 v7, v6;
	_ =	sdelay $0x1  }
0x15c: {  	[tilespmem:v5+s18+$0x0] =	vst.idx.add.f32.msk $0xffff, v6  }
0x15d: {  	v5 =	vld.idx.msk [tilespmem:v8+s16+$0x0], $0xffff;
	_ =	sdelay $0x1  }
0x15e: {  	v6 =	vld.idx.msk [tilespmem:v8+s17+$0x0], $0xffff  }
0x15f: {  	v7 =	vld [tilespmem:s22+$0x0];
	_ =	sdelay $0x1  }
0x160: {  	s26 =	sadd.s32 $0x3, s23;
	v5 =	vadd.s32 v4, v5  }
0x161: {  	v8 =	vmov s26;
	_ =	sdelay $0x1  }
0x162: {  	v6 =	vmul.f32 v7, v6;
	_ =	sdelay $0x1  }
0x163: {  	[tilespmem:v5+s18+$0x0] =	vst.idx.add.f32.msk $0xffff, v6  }
0x164: {  	v5 =	vld.idx.msk [tilespmem:v8+s16+$0x0], $0xffff;
	_ =	sdelay $0x1  }
0x165: {  	v6 =	vld.idx.msk [tilespmem:v8+s17+$0x0], $0xffff  }
0x166: {  	v7 =	vld [tilespmem:s22+$0x10];
	_ =	sdelay $0x1  }
0x167: {  	v5 =	vadd.s32 v4, v5;
	_ =	sdelay $0x2  }
0x168: {  	v6 =	vmul.f32 v7, v6;
	_ =	sdelay $0x1  }
0x169: {  	[tilespmem:v5+s18+$0x0] =	vst.idx.add.f32.msk $0xffff, v6  }
0x16a: {  	v5 =	vld [tilespmem:$0x980]  }
0x16b: {  	v6 =	vld [tilespmem:$0x990]  }
0x16c: {  	v7 =	vld [tilespmem:$0x9A0]  }
0x16d: {  	v8 =	vld [tilespmem:$0x9B0]  }
0x16e: {  	v9 =	vld [tilespmem:$0x9C0]  }
0x16f: {  	[tilespmem:$0x3000] =	vst v5;
	v5 =	vld [tilespmem:$0x9D0]  }
0x170: {  	[tilespmem:$0x3010] =	vst v6;
	v6 =	vld [tilespmem:$0x9E0]  }
0x171: {  	[tilespmem:$0x3020] =	vst v7;
	v7 =	vld [tilespmem:$0x9F0]  }
0x172: {  	s28 =	simm.s32 $0x180;
	[tilespmem:$0x3030] =	vst v8  }
0x173: {  	[tilespmem:$0x3040] =	vst v9;
	v8 =	vmov s28  }
0x174: {  	[tilespmem:$0x3050] =	vst v5;
	v5 =	vand.u32 $0xFFFFFFFC, v8  }
0x175: {  	[tilespmem:$0x3060] =	vst v6;
	v5 =	vbroadcast v5, $0x0  }
0x176: {  	[tilespmem:$0x3070] =	vst v7  }
0x177: {  	[tilespmem:s14], [sflag:$0x1] =	stream.indirect.gather [hbm4b:s3+s12], $0x10, s13, s12, $0xb8;
	[tilespmem:$0x17880] =	vst v63  }
0x178: {  	_ =	swait.ge [sflag:s15], $0x800  }
0x179: {  	[sflag:s15] =	ssyncset.done $0x0  }
0x17a: {  	[sflag:s15] =	ssyncadd.s32 $0xFFFFF800  }
0x17b: {  	v6 =	vld.idx.msk [tilespmem:v5+s16+$0x0], $0xffff  }
0x17c: {  	s22 =	simm.s32 $0x30A0  }
0x17d: {  	s29 =	simm.s32 $0x181;
	v7 =	vld [tilespmem:s22+$0xFFFFFFE0]  }
0x17e: {  	v8 =	vmov s29;
	v5 =	vld.idx.msk [tilespmem:v5+s17+$0x0], $0xffff  }
0x17f: {  	v8 =	vand.u32 $0xFFFFFFFD, v8  }
0x180: {  	v8 =	vbroadcast v8, $0x0;
	v6 =	vadd.s32 v4, v6;
	_ =	sdelay $0x2  }
0x181: {  	v5 =	vmul.f32 v7, v5;
	_ =	sdelay $0x1  }
0x182: {  	[tilespmem:v6+s18+$0x0] =	vst.idx.add.f32.msk $0xffff, v5  }
0x183: {  	v5 =	vld.idx.msk [tilespmem:v8+s16+$0x0], $0xffff;
	_ =	sdelay $0x1  }
0x184: {  	s30 =	simm.s32 $0x182;
	v6 =	vld.idx.msk [tilespmem:v8+s17+$0x0], $0xffff  }
0x185: {  	v7 =	vld [tilespmem:s22+$0xFFFFFFF0];
	v8 =	vmov s30  }
0x186: {  	v8 =	vand.u32 $0xFFFFFFFE, v8  }
0x187: {  	v8 =	vbroadcast v8, $0x0;
	v5 =	vadd.s32 v4, v5;
	_ =	sdelay $0x2  }
0x188: {  	v6 =	vmul.f32 v7, v6;
	_ =	sdelay $0x1  }
0x189: {  	[tilespmem:v5+s18+$0x0] =	vst.idx.add.f32.msk $0xffff, v6  }
0x18a: {  	v5 =	vld.idx.msk [tilespmem:v8+s16+$0x0], $0xffff;
	_ =	sdelay $0x1  }
0x18b: {  	v6 =	vld.idx.msk [tilespmem:v8+s17+$0x0], $0xffff  }
0x18c: {  	v7 =	vld [tilespmem:s22+$0x0];
	_ =	sdelay $0x1  }
0x18d: {  	s31 =	simm.s32 $0x183;
	v5 =	vadd.s32 v4, v5  }
0x18e: {  	v8 =	vmov s31;
	_ =	sdelay $0x1  }
0x18f: {  	v6 =	vmul.f32 v7, v6;
	_ =	sdelay $0x1  }
0x190: {  	[tilespmem:v5+s18+$0x0] =	vst.idx.add.f32.msk $0xffff, v6  }
0x191: {  	v6 =	vld.idx.msk [tilespmem:v8+s16+$0x0], $0xffff;
	_ =	sdelay $0x1  }
0x192: {  	s23 =	simm.s32 $0x184;
	v7 =	vld.idx.msk [tilespmem:v8+s17+$0x0], $0xffff  }
0x193: {  	v5 =	vmov s23;
	v8 =	vld [tilespmem:s22+$0x10]  }
0x194: {  	v5 =	vand.u32 $0xFFFFFFFC, v5  }
0x195: {  	v5 =	vbroadcast v5, $0x0;
	v6 =	vadd.s32 v4, v6;
	_ =	sdelay $0x2  }
0x196: {  	s24 =	simm.s32 $0x188;
	v7 =	vmul.f32 v8, v7  }
.LBB2_13:
0x197: {  	p0 =	sne.s32 s24, $0x1FC  }
0x198: {  	s22 =	sadd.s32 $0x40, s22;
	s25 =	smov.u32 s24;
	s24 =	sadd.s32 $0x4, s24;
	[tilespmem:v6+s18+$0x0] =	vst.idx.add.f32.msk $0xffff, v7  }
0x199: {  	v6 =	vld.idx.msk [tilespmem:v5+s16+$0x0], $0xffff;
	_ =	sdelay $0x2  }
0x19a: {  	s26 =	sadd.s32 $0x1, s23;
	v5 =	vld.idx.msk [tilespmem:v5+s17+$0x0], $0xffff  }
0x19b: {  	v8 =	vmov s26;
	v7 =	vld [tilespmem:s22+$0xFFFFFFE0]  }
0x19c: {  	v8 =	vand.u32 $0xFFFFFFFD, v8  }
0x19d: {  	v8 =	vbroadcast v8, $0x0;
	v6 =	vadd.s32 v4, v6;
	_ =	sdelay $0x2  }
0x19e: {  	v5 =	vmul.f32 v7, v5;
	_ =	sdelay $0x1  }
0x19f: {  	[tilespmem:v6+s18+$0x0] =	vst.idx.add.f32.msk $0xffff, v5  }
0x1a0: {  	v5 =	vld.idx.msk [tilespmem:v8+s16+$0x0], $0xffff;
	_ =	sdelay $0x2  }
0x1a1: {  	s26 =	sadd.s32 $0x2, s23;
	v6 =	vld.idx.msk [tilespmem:v8+s17+$0x0], $0xffff  }
0x1a2: {  	v8 =	vmov s26;
	v7 =	vld [tilespmem:s22+$0xFFFFFFF0]  }
0x1a3: {  	v8 =	vand.u32 $0xFFFFFFFE, v8  }
0x1a4: {  	v5 =	vadd.s32 v4, v5;
	v8 =	vbroadcast v8, $0x0;
	_ =	sdelay $0x2  }
0x1a5: {  	v6 =	vmul.f32 v7, v6;
	_ =	sdelay $0x1  }
0x1a6: {  	[tilespmem:v5+s18+$0x0] =	vst.idx.add.f32.msk $0xffff, v6  }
0x1a7: {  	v5 =	vld.idx.msk [tilespmem:v8+s16+$0x0], $0xffff;
	_ =	sdelay $0x2  }
0x1a8: {  	v6 =	vld.idx.msk [tilespmem:v8+s17+$0x0], $0xffff  }
0x1a9: {  	v7 =	vld [tilespmem:s22+$0x0];
	_ =	sdelay $0x1  }
0x1aa: {  	s26 =	sadd.s32 $0x3, s23;
	s23 =	smov.u32 s25;
	v5 =	vadd.s32 v4, v5  }
0x1ab: {  	v8 =	vmov s26;
	_ =	sdelay $0x1  }
0x1ac: {  	v6 =	vmul.f32 v7, v6;
	_ =	sdelay $0x1  }
0x1ad: {  	[tilespmem:v5+s18+$0x0] =	vst.idx.add.f32.msk $0xffff, v6  }
0x1ae: {  	v6 =	vld.idx.msk [tilespmem:v8+s16+$0x0], $0xffff  }
0x1af: {  	v7 =	vld.idx.msk [tilespmem:v8+s17+$0x0], $0xffff  }
0x1b0: {  	v8 =	vld [tilespmem:s22+$0x10];
	_ =	sdelay $0x1  }
0x1b1: {  	v5 =	vmov s23  }
.Ltmp5:
0x1b2: {  	v5 =	vand.u32 $0xFFFFFFFC, v5;
	(pc) =	sbr.rel @p0 .LBB2_13-.Ltmp5, $2  }
0x1b3: {  	v5 =	vbroadcast v5, $0x0;
	v6 =	vadd.s32 v4, v6;
	_ =	sdelay $0x2  }
0x1b4: {  	v7 =	vmul.f32 v8, v7  }
0x1b5: {  	_ =	sdelay $0x3  }
0x1b6: {  	[tilespmem:v6+s18+$0x0] =	vst.idx.add.f32.msk $0xffff, v7  }
0x1b7: {  	v6 =	vld.idx.msk [tilespmem:v5+s16+$0x0], $0xffff;
	_ =	sdelay $0x1  }
0x1b8: {  	s22 =	sadd.s32 $0x40, s22;
	s24 =	sadd.s32 $0x1, s23;
	v5 =	vld.idx.msk [tilespmem:v5+s17+$0x0], $0xffff  }
0x1b9: {  	v8 =	vmov s24;
	v7 =	vld [tilespmem:s22+$0xFFFFFFE0]  }
0x1ba: {  	v8 =	vand.u32 $0xFFFFFFFD, v8  }
0x1bb: {  	v8 =	vbroadcast v8, $0x0;
	v6 =	vadd.s32 v4, v6;
	_ =	sdelay $0x2  }
0x1bc: {  	v5 =	vmul.f32 v7, v5;
	_ =	sdelay $0x1  }
0x1bd: {  	[tilespmem:v6+s18+$0x0] =	vst.idx.add.f32.msk $0xffff, v5  }
0x1be: {  	v5 =	vld.idx.msk [tilespmem:v8+s16+$0x0], $0xffff;
	_ =	sdelay $0x1  }
0x1bf: {  	s25 =	sadd.s32 $0x2, s23;
	v6 =	vld.idx.msk [tilespmem:v8+s17+$0x0], $0xffff  }
0x1c0: {  	v7 =	vld [tilespmem:s22+$0xFFFFFFF0];
	v8 =	vmov s25  }
0x1c1: {  	v8 =	vand.u32 $0xFFFFFFFE, v8  }
0x1c2: {  	v8 =	vbroadcast v8, $0x0;
	v5 =	vadd.s32 v4, v5;
	_ =	sdelay $0x2  }
0x1c3: {  	v6 =	vmul.f32 v7, v6;
	_ =	sdelay $0x1  }
0x1c4: {  	[tilespmem:v5+s18+$0x0] =	vst.idx.add.f32.msk $0xffff, v6  }
0x1c5: {  	v5 =	vld.idx.msk [tilespmem:v8+s16+$0x0], $0xffff;
	_ =	sdelay $0x1  }
0x1c6: {  	v6 =	vld.idx.msk [tilespmem:v8+s17+$0x0], $0xffff  }
0x1c7: {  	v7 =	vld [tilespmem:s22+$0x0];
	_ =	sdelay $0x1  }
0x1c8: {  	s26 =	sadd.s32 $0x3, s23;
	v5 =	vadd.s32 v4, v5  }
0x1c9: {  	v8 =	vmov s26;
	_ =	sdelay $0x1  }
0x1ca: {  	v6 =	vmul.f32 v7, v6;
	_ =	sdelay $0x1  }
0x1cb: {  	[tilespmem:v5+s18+$0x0] =	vst.idx.add.f32.msk $0xffff, v6  }
0x1cc: {  	v5 =	vld.idx.msk [tilespmem:v8+s16+$0x0], $0xffff;
	_ =	sdelay $0x1  }
0x1cd: {  	v6 =	vld.idx.msk [tilespmem:v8+s17+$0x0], $0xffff  }
0x1ce: {  	v7 =	vld [tilespmem:s22+$0x10];
	_ =	sdelay $0x1  }
0x1cf: {  	v5 =	vadd.s32 v4, v5;
	_ =	sdelay $0x2  }
0x1d0: {  	v6 =	vmul.f32 v7, v6;
	_ =	sdelay $0x1  }
0x1d1: {  	[tilespmem:v5+s18+$0x0] =	vst.idx.add.f32.msk $0xffff, v6  }
0x1d2: {  	v5 =	vld [tilespmem:$0xA00]  }
0x1d3: {  	v6 =	vld [tilespmem:$0xA10]  }
0x1d4: {  	v7 =	vld [tilespmem:$0xA20]  }
0x1d5: {  	v8 =	vld [tilespmem:$0xA30]  }
0x1d6: {  	v9 =	vld [tilespmem:$0xA40]  }
0x1d7: {  	[tilespmem:$0x3000] =	vst v5;
	v5 =	vld [tilespmem:$0xA50]  }
0x1d8: {  	[tilespmem:$0x3010] =	vst v6;
	v6 =	vld [tilespmem:$0xA60]  }
0x1d9: {  	[tilespmem:$0x3020] =	vst v7;
	v7 =	vld [tilespmem:$0xA70]  }
0x1da: {  	s28 =	simm.s32 $0x200;
	[tilespmem:$0x3030] =	vst v8  }
0x1db: {  	[tilespmem:$0x3040] =	vst v9;
	v8 =	vmov s28  }
0x1dc: {  	[tilespmem:$0x3050] =	vst v5;
	v5 =	vand.u32 $0xFFFFFFFC, v8  }
0x1dd: {  	[tilespmem:$0x3060] =	vst v6;
	v5 =	vbroadcast v5, $0x0  }
0x1de: {  	[tilespmem:$0x3070] =	vst v7  }
0x1df: {  	[tilespmem:s14], [sflag:$0x1] =	stream.indirect.gather [hbm4b:s3+s12], $0x10, s13, s12, $0xb8;
	[tilespmem:$0x17880] =	vst v63  }
0x1e0: {  	_ =	swait.ge [sflag:s15], $0x800  }
0x1e1: {  	[sflag:s15] =	ssyncset.done $0x0  }
0x1e2: {  	[sflag:s15] =	ssyncadd.s32 $0xFFFFF800  }
0x1e3: {  	v6 =	vld.idx.msk [tilespmem:v5+s16+$0x0], $0xffff  }
0x1e4: {  	s22 =	simm.s32 $0x30A0  }
0x1e5: {  	s29 =	simm.s32 $0x201;
	v7 =	vld [tilespmem:s22+$0xFFFFFFE0]  }
0x1e6: {  	v8 =	vmov s29;
	v5 =	vld.idx.msk [tilespmem:v5+s17+$0x0], $0xffff  }
0x1e7: {  	v8 =	vand.u32 $0xFFFFFFFD, v8  }
0x1e8: {  	v8 =	vbroadcast v8, $0x0;
	v6 =	vadd.s32 v4, v6;
	_ =	sdelay $0x2  }
0x1e9: {  	v5 =	vmul.f32 v7, v5;
	_ =	sdelay $0x1  }
0x1ea: {  	[tilespmem:v6+s18+$0x0] =	vst.idx.add.f32.msk $0xffff, v5  }
0x1eb: {  	v5 =	vld.idx.msk [tilespmem:v8+s16+$0x0], $0xffff;
	_ =	sdelay $0x1  }
0x1ec: {  	s30 =	simm.s32 $0x202;
	v6 =	vld.idx.msk [tilespmem:v8+s17+$0x0], $0xffff  }
0x1ed: {  	v7 =	vld [tilespmem:s22+$0xFFFFFFF0];
	v8 =	vmov s30  }
0x1ee: {  	v8 =	vand.u32 $0xFFFFFFFE, v8  }
0x1ef: {  	v8 =	vbroadcast v8, $0x0;
	v5 =	vadd.s32 v4, v5;
	_ =	sdelay $0x2  }
0x1f0: {  	v6 =	vmul.f32 v7, v6;
	_ =	sdelay $0x1  }
0x1f1: {  	[tilespmem:v5+s18+$0x0] =	vst.idx.add.f32.msk $0xffff, v6  }
0x1f2: {  	v5 =	vld.idx.msk [tilespmem:v8+s16+$0x0], $0xffff;
	_ =	sdelay $0x1  }
0x1f3: {  	v6 =	vld.idx.msk [tilespmem:v8+s17+$0x0], $0xffff  }
0x1f4: {  	v7 =	vld [tilespmem:s22+$0x0];
	_ =	sdelay $0x1  }
0x1f5: {  	s31 =	simm.s32 $0x203;
	v5 =	vadd.s32 v4, v5  }
0x1f6: {  	v8 =	vmov s31;
	_ =	sdelay $0x1  }
0x1f7: {  	v6 =	vmul.f32 v7, v6;
	_ =	sdelay $0x1  }
0x1f8: {  	[tilespmem:v5+s18+$0x0] =	vst.idx.add.f32.msk $0xffff, v6  }
0x1f9: {  	v6 =	vld.idx.msk [tilespmem:v8+s16+$0x0], $0xffff;
	_ =	sdelay $0x1  }
0x1fa: {  	s23 =	simm.s32 $0x204;
	v7 =	vld.idx.msk [tilespmem:v8+s17+$0x0], $0xffff  }
0x1fb: {  	v5 =	vmov s23;
	v8 =	vld [tilespmem:s22+$0x10]  }
0x1fc: {  	v5 =	vand.u32 $0xFFFFFFFC, v5  }
0x1fd: {  	v5 =	vbroadcast v5, $0x0;
	v6 =	vadd.s32 v4, v6;
	_ =	sdelay $0x2  }
0x1fe: {  	s24 =	simm.s32 $0x208;
	v7 =	vmul.f32 v8, v7  }
.LBB2_15:
0x1ff: {  	p0 =	sne.s32 s24, $0x27C  }
0x200: {  	s22 =	sadd.s32 $0x40, s22;
	s25 =	smov.u32 s24;
	s24 =	sadd.s32 $0x4, s24;
	[tilespmem:v6+s18+$0x0] =	vst.idx.add.f32.msk $0xffff, v7  }
0x201: {  	v6 =	vld.idx.msk [tilespmem:v5+s16+$0x0], $0xffff;
	_ =	sdelay $0x2  }
0x202: {  	s26 =	sadd.s32 $0x1, s23;
	v5 =	vld.idx.msk [tilespmem:v5+s17+$0x0], $0xffff  }
0x203: {  	v8 =	vmov s26;
	v7 =	vld [tilespmem:s22+$0xFFFFFFE0]  }
0x204: {  	v8 =	vand.u32 $0xFFFFFFFD, v8  }
0x205: {  	v8 =	vbroadcast v8, $0x0;
	v6 =	vadd.s32 v4, v6;
	_ =	sdelay $0x2  }
0x206: {  	v5 =	vmul.f32 v7, v5;
	_ =	sdelay $0x1  }
0x207: {  	[tilespmem:v6+s18+$0x0] =	vst.idx.add.f32.msk $0xffff, v5  }
0x208: {  	v5 =	vld.idx.msk [tilespmem:v8+s16+$0x0], $0xffff;
	_ =	sdelay $0x2  }
0x209: {  	s26 =	sadd.s32 $0x2, s23;
	v6 =	vld.idx.msk [tilespmem:v8+s17+$0x0], $0xffff  }
0x20a: {  	v8 =	vmov s26;
	v7 =	vld [tilespmem:s22+$0xFFFFFFF0]  }
0x20b: {  	v8 =	vand.u32 $0xFFFFFFFE, v8  }
0x20c: {  	v5 =	vadd.s32 v4, v5;
	v8 =	vbroadcast v8, $0x0;
	_ =	sdelay $0x2  }
0x20d: {  	v6 =	vmul.f32 v7, v6;
	_ =	sdelay $0x1  }
0x20e: {  	[tilespmem:v5+s18+$0x0] =	vst.idx.add.f32.msk $0xffff, v6  }
0x20f: {  	v5 =	vld.idx.msk [tilespmem:v8+s16+$0x0], $0xffff;
	_ =	sdelay $0x2  }
0x210: {  	v6 =	vld.idx.msk [tilespmem:v8+s17+$0x0], $0xffff  }
0x211: {  	v7 =	vld [tilespmem:s22+$0x0];
	_ =	sdelay $0x1  }
0x212: {  	s26 =	sadd.s32 $0x3, s23;
	s23 =	smov.u32 s25;
	v5 =	vadd.s32 v4, v5  }
0x213: {  	v8 =	vmov s26;
	_ =	sdelay $0x1  }
0x214: {  	v6 =	vmul.f32 v7, v6;
	_ =	sdelay $0x1  }
0x215: {  	[tilespmem:v5+s18+$0x0] =	vst.idx.add.f32.msk $0xffff, v6  }
0x216: {  	v6 =	vld.idx.msk [tilespmem:v8+s16+$0x0], $0xffff  }
0x217: {  	v7 =	vld.idx.msk [tilespmem:v8+s17+$0x0], $0xffff  }
0x218: {  	v8 =	vld [tilespmem:s22+$0x10];
	_ =	sdelay $0x1  }
0x219: {  	v5 =	vmov s23  }
.Ltmp6:
0x21a: {  	v5 =	vand.u32 $0xFFFFFFFC, v5;
	(pc) =	sbr.rel @p0 .LBB2_15-.Ltmp6, $2  }
0x21b: {  	v5 =	vbroadcast v5, $0x0;
	v6 =	vadd.s32 v4, v6;
	_ =	sdelay $0x2  }
0x21c: {  	v7 =	vmul.f32 v8, v7  }
0x21d: {  	_ =	sdelay $0x3  }
0x21e: {  	[tilespmem:v6+s18+$0x0] =	vst.idx.add.f32.msk $0xffff, v7  }
0x21f: {  	v6 =	vld.idx.msk [tilespmem:v5+s16+$0x0], $0xffff;
	_ =	sdelay $0x1  }
0x220: {  	s22 =	sadd.s32 $0x40, s22;
	s24 =	sadd.s32 $0x1, s23;
	v5 =	vld.idx.msk [tilespmem:v5+s17+$0x0], $0xffff  }
0x221: {  	v8 =	vmov s24;
	v7 =	vld [tilespmem:s22+$0xFFFFFFE0]  }
0x222: {  	v8 =	vand.u32 $0xFFFFFFFD, v8  }
0x223: {  	v8 =	vbroadcast v8, $0x0;
	v6 =	vadd.s32 v4, v6;
	_ =	sdelay $0x2  }
0x224: {  	v5 =	vmul.f32 v7, v5;
	_ =	sdelay $0x1  }
0x225: {  	[tilespmem:v6+s18+$0x0] =	vst.idx.add.f32.msk $0xffff, v5  }
0x226: {  	v5 =	vld.idx.msk [tilespmem:v8+s16+$0x0], $0xffff;
	_ =	sdelay $0x1  }
0x227: {  	s25 =	sadd.s32 $0x2, s23;
	v6 =	vld.idx.msk [tilespmem:v8+s17+$0x0], $0xffff  }
0x228: {  	v7 =	vld [tilespmem:s22+$0xFFFFFFF0];
	v8 =	vmov s25  }
0x229: {  	v8 =	vand.u32 $0xFFFFFFFE, v8  }
0x22a: {  	v8 =	vbroadcast v8, $0x0;
	v5 =	vadd.s32 v4, v5;
	_ =	sdelay $0x2  }
0x22b: {  	v6 =	vmul.f32 v7, v6;
	_ =	sdelay $0x1  }
0x22c: {  	[tilespmem:v5+s18+$0x0] =	vst.idx.add.f32.msk $0xffff, v6  }
0x22d: {  	v5 =	vld.idx.msk [tilespmem:v8+s16+$0x0], $0xffff;
	_ =	sdelay $0x1  }
0x22e: {  	v6 =	vld.idx.msk [tilespmem:v8+s17+$0x0], $0xffff  }
0x22f: {  	v7 =	vld [tilespmem:s22+$0x0];
	_ =	sdelay $0x1  }
0x230: {  	s26 =	sadd.s32 $0x3, s23;
	v5 =	vadd.s32 v4, v5  }
0x231: {  	v8 =	vmov s26;
	_ =	sdelay $0x1  }
0x232: {  	v6 =	vmul.f32 v7, v6;
	_ =	sdelay $0x1  }
0x233: {  	[tilespmem:v5+s18+$0x0] =	vst.idx.add.f32.msk $0xffff, v6  }
0x234: {  	v5 =	vld.idx.msk [tilespmem:v8+s16+$0x0], $0xffff;
	_ =	sdelay $0x1  }
0x235: {  	v6 =	vld.idx.msk [tilespmem:v8+s17+$0x0], $0xffff  }
0x236: {  	v7 =	vld [tilespmem:s22+$0x10];
	_ =	sdelay $0x1  }
0x237: {  	v5 =	vadd.s32 v4, v5;
	_ =	sdelay $0x2  }
0x238: {  	v6 =	vmul.f32 v7, v6;
	_ =	sdelay $0x1  }
0x239: {  	[tilespmem:v5+s18+$0x0] =	vst.idx.add.f32.msk $0xffff, v6  }
0x23a: {  	v5 =	vld [tilespmem:$0xA80]  }
0x23b: {  	v6 =	vld [tilespmem:$0xA90]  }
0x23c: {  	v7 =	vld [tilespmem:$0xAA0]  }
0x23d: {  	v8 =	vld [tilespmem:$0xAB0]  }
0x23e: {  	v9 =	vld [tilespmem:$0xAC0]  }
0x23f: {  	[tilespmem:$0x3000] =	vst v5;
	v5 =	vld [tilespmem:$0xAD0]  }
0x240: {  	[tilespmem:$0x3010] =	vst v6;
	v6 =	vld [tilespmem:$0xAE0]  }
0x241: {  	[tilespmem:$0x3020] =	vst v7;
	v7 =	vld [tilespmem:$0xAF0]  }
0x242: {  	s28 =	simm.s32 $0x280;
	[tilespmem:$0x3030] =	vst v8  }
0x243: {  	[tilespmem:$0x3040] =	vst v9;
	v8 =	vmov s28  }
0x244: {  	[tilespmem:$0x3050] =	vst v5;
	v5 =	vand.u32 $0xFFFFFFFC, v8  }
0x245: {  	[tilespmem:$0x3060] =	vst v6;
	v5 =	vbroadcast v5, $0x0  }
0x246: {  	[tilespmem:$0x3070] =	vst v7  }
0x247: {  	[tilespmem:s14], [sflag:$0x1] =	stream.indirect.gather [hbm4b:s3+s12], $0x10, s13, s12, $0xb8;
	[tilespmem:$0x17880] =	vst v63  }
0x248: {  	_ =	swait.ge [sflag:s15], $0x800  }
0x249: {  	[sflag:s15] =	ssyncset.done $0x0  }
0x24a: {  	[sflag:s15] =	ssyncadd.s32 $0xFFFFF800  }
0x24b: {  	v6 =	vld.idx.msk [tilespmem:v5+s16+$0x0], $0xffff  }
0x24c: {  	s22 =	simm.s32 $0x30A0  }
0x24d: {  	s29 =	simm.s32 $0x281;
	v7 =	vld [tilespmem:s22+$0xFFFFFFE0]  }
0x24e: {  	v8 =	vmov s29;
	v5 =	vld.idx.msk [tilespmem:v5+s17+$0x0], $0xffff  }
0x24f: {  	v8 =	vand.u32 $0xFFFFFFFD, v8  }
0x250: {  	v8 =	vbroadcast v8, $0x0;
	v6 =	vadd.s32 v4, v6;
	_ =	sdelay $0x2  }
0x251: {  	v5 =	vmul.f32 v7, v5;
	_ =	sdelay $0x1  }
0x252: {  	[tilespmem:v6+s18+$0x0] =	vst.idx.add.f32.msk $0xffff, v5  }
0x253: {  	v5 =	vld.idx.msk [tilespmem:v8+s16+$0x0], $0xffff;
	_ =	sdelay $0x1  }
0x254: {  	s30 =	simm.s32 $0x282;
	v6 =	vld.idx.msk [tilespmem:v8+s17+$0x0], $0xffff  }
0x255: {  	v7 =	vld [tilespmem:s22+$0xFFFFFFF0];
	v8 =	vmov s30  }
0x256: {  	v8 =	vand.u32 $0xFFFFFFFE, v8  }
0x257: {  	v8 =	vbroadcast v8, $0x0;
	v5 =	vadd.s32 v4, v5;
	_ =	sdelay $0x2  }
0x258: {  	v6 =	vmul.f32 v7, v6;
	_ =	sdelay $0x1  }
0x259: {  	[tilespmem:v5+s18+$0x0] =	vst.idx.add.f32.msk $0xffff, v6  }
0x25a: {  	v5 =	vld.idx.msk [tilespmem:v8+s16+$0x0], $0xffff;
	_ =	sdelay $0x1  }
0x25b: {  	v6 =	vld.idx.msk [tilespmem:v8+s17+$0x0], $0xffff  }
0x25c: {  	v7 =	vld [tilespmem:s22+$0x0];
	_ =	sdelay $0x1  }
0x25d: {  	s31 =	simm.s32 $0x283;
	v5 =	vadd.s32 v4, v5  }
0x25e: {  	v8 =	vmov s31;
	_ =	sdelay $0x1  }
0x25f: {  	v6 =	vmul.f32 v7, v6;
	_ =	sdelay $0x1  }
0x260: {  	[tilespmem:v5+s18+$0x0] =	vst.idx.add.f32.msk $0xffff, v6  }
0x261: {  	v6 =	vld.idx.msk [tilespmem:v8+s16+$0x0], $0xffff;
	_ =	sdelay $0x1  }
0x262: {  	s23 =	simm.s32 $0x284;
	v7 =	vld.idx.msk [tilespmem:v8+s17+$0x0], $0xffff  }
0x263: {  	v5 =	vmov s23;
	v8 =	vld [tilespmem:s22+$0x10]  }
0x264: {  	v5 =	vand.u32 $0xFFFFFFFC, v5  }
0x265: {  	v5 =	vbroadcast v5, $0x0;
	v6 =	vadd.s32 v4, v6;
	_ =	sdelay $0x2  }
0x266: {  	s24 =	simm.s32 $0x288;
	v7 =	vmul.f32 v8, v7  }
.LBB2_17:
0x267: {  	p0 =	sne.s32 s24, $0x2FC  }
0x268: {  	s22 =	sadd.s32 $0x40, s22;
	s25 =	smov.u32 s24;
	s24 =	sadd.s32 $0x4, s24;
	[tilespmem:v6+s18+$0x0] =	vst.idx.add.f32.msk $0xffff, v7  }
0x269: {  	v6 =	vld.idx.msk [tilespmem:v5+s16+$0x0], $0xffff;
	_ =	sdelay $0x2  }
0x26a: {  	s26 =	sadd.s32 $0x1, s23;
	v5 =	vld.idx.msk [tilespmem:v5+s17+$0x0], $0xffff  }
0x26b: {  	v8 =	vmov s26;
	v7 =	vld [tilespmem:s22+$0xFFFFFFE0]  }
0x26c: {  	v8 =	vand.u32 $0xFFFFFFFD, v8  }
0x26d: {  	v8 =	vbroadcast v8, $0x0;
	v6 =	vadd.s32 v4, v6;
	_ =	sdelay $0x2  }
0x26e: {  	v5 =	vmul.f32 v7, v5;
	_ =	sdelay $0x1  }
0x26f: {  	[tilespmem:v6+s18+$0x0] =	vst.idx.add.f32.msk $0xffff, v5  }
0x270: {  	v5 =	vld.idx.msk [tilespmem:v8+s16+$0x0], $0xffff;
	_ =	sdelay $0x2  }
0x271: {  	s26 =	sadd.s32 $0x2, s23;
	v6 =	vld.idx.msk [tilespmem:v8+s17+$0x0], $0xffff  }
0x272: {  	v8 =	vmov s26;
	v7 =	vld [tilespmem:s22+$0xFFFFFFF0]  }
0x273: {  	v8 =	vand.u32 $0xFFFFFFFE, v8  }
0x274: {  	v5 =	vadd.s32 v4, v5;
	v8 =	vbroadcast v8, $0x0;
	_ =	sdelay $0x2  }
0x275: {  	v6 =	vmul.f32 v7, v6;
	_ =	sdelay $0x1  }
0x276: {  	[tilespmem:v5+s18+$0x0] =	vst.idx.add.f32.msk $0xffff, v6  }
0x277: {  	v5 =	vld.idx.msk [tilespmem:v8+s16+$0x0], $0xffff;
	_ =	sdelay $0x2  }
0x278: {  	v6 =	vld.idx.msk [tilespmem:v8+s17+$0x0], $0xffff  }
0x279: {  	v7 =	vld [tilespmem:s22+$0x0];
	_ =	sdelay $0x1  }
0x27a: {  	s26 =	sadd.s32 $0x3, s23;
	s23 =	smov.u32 s25;
	v5 =	vadd.s32 v4, v5  }
0x27b: {  	v8 =	vmov s26;
	_ =	sdelay $0x1  }
0x27c: {  	v6 =	vmul.f32 v7, v6;
	_ =	sdelay $0x1  }
0x27d: {  	[tilespmem:v5+s18+$0x0] =	vst.idx.add.f32.msk $0xffff, v6  }
0x27e: {  	v6 =	vld.idx.msk [tilespmem:v8+s16+$0x0], $0xffff  }
0x27f: {  	v7 =	vld.idx.msk [tilespmem:v8+s17+$0x0], $0xffff  }
0x280: {  	v8 =	vld [tilespmem:s22+$0x10];
	_ =	sdelay $0x1  }
0x281: {  	v5 =	vmov s23  }
.Ltmp7:
0x282: {  	v5 =	vand.u32 $0xFFFFFFFC, v5;
	(pc) =	sbr.rel @p0 .LBB2_17-.Ltmp7, $2  }
0x283: {  	v5 =	vbroadcast v5, $0x0;
	v6 =	vadd.s32 v4, v6;
	_ =	sdelay $0x2  }
0x284: {  	v7 =	vmul.f32 v8, v7  }
0x285: {  	_ =	sdelay $0x3  }
0x286: {  	[tilespmem:v6+s18+$0x0] =	vst.idx.add.f32.msk $0xffff, v7  }
0x287: {  	v6 =	vld.idx.msk [tilespmem:v5+s16+$0x0], $0xffff;
	_ =	sdelay $0x1  }
0x288: {  	s22 =	sadd.s32 $0x40, s22;
	s24 =	sadd.s32 $0x1, s23;
	v5 =	vld.idx.msk [tilespmem:v5+s17+$0x0], $0xffff  }
0x289: {  	v8 =	vmov s24;
	v7 =	vld [tilespmem:s22+$0xFFFFFFE0]  }
0x28a: {  	v8 =	vand.u32 $0xFFFFFFFD, v8  }
0x28b: {  	v8 =	vbroadcast v8, $0x0;
	v6 =	vadd.s32 v4, v6;
	_ =	sdelay $0x2  }
0x28c: {  	v5 =	vmul.f32 v7, v5;
	_ =	sdelay $0x1  }
0x28d: {  	[tilespmem:v6+s18+$0x0] =	vst.idx.add.f32.msk $0xffff, v5  }
0x28e: {  	v5 =	vld.idx.msk [tilespmem:v8+s16+$0x0], $0xffff;
	_ =	sdelay $0x1  }
0x28f: {  	s25 =	sadd.s32 $0x2, s23;
	v6 =	vld.idx.msk [tilespmem:v8+s17+$0x0], $0xffff  }
0x290: {  	v7 =	vld [tilespmem:s22+$0xFFFFFFF0];
	v8 =	vmov s25  }
0x291: {  	v8 =	vand.u32 $0xFFFFFFFE, v8  }
0x292: {  	v8 =	vbroadcast v8, $0x0;
	v5 =	vadd.s32 v4, v5;
	_ =	sdelay $0x2  }
0x293: {  	v6 =	vmul.f32 v7, v6;
	_ =	sdelay $0x1  }
0x294: {  	[tilespmem:v5+s18+$0x0] =	vst.idx.add.f32.msk $0xffff, v6  }
0x295: {  	v5 =	vld.idx.msk [tilespmem:v8+s16+$0x0], $0xffff;
	_ =	sdelay $0x1  }
0x296: {  	v6 =	vld.idx.msk [tilespmem:v8+s17+$0x0], $0xffff  }
0x297: {  	v7 =	vld [tilespmem:s22+$0x0];
	_ =	sdelay $0x1  }
0x298: {  	s26 =	sadd.s32 $0x3, s23;
	v5 =	vadd.s32 v4, v5  }
0x299: {  	v8 =	vmov s26;
	_ =	sdelay $0x1  }
0x29a: {  	v6 =	vmul.f32 v7, v6;
	_ =	sdelay $0x1  }
0x29b: {  	[tilespmem:v5+s18+$0x0] =	vst.idx.add.f32.msk $0xffff, v6  }
0x29c: {  	v5 =	vld.idx.msk [tilespmem:v8+s16+$0x0], $0xffff;
	_ =	sdelay $0x1  }
0x29d: {  	v6 =	vld.idx.msk [tilespmem:v8+s17+$0x0], $0xffff  }
0x29e: {  	v7 =	vld [tilespmem:s22+$0x10];
	_ =	sdelay $0x1  }
0x29f: {  	v5 =	vadd.s32 v4, v5;
	_ =	sdelay $0x2  }
0x2a0: {  	v6 =	vmul.f32 v7, v6;
	_ =	sdelay $0x1  }
0x2a1: {  	[tilespmem:v5+s18+$0x0] =	vst.idx.add.f32.msk $0xffff, v6  }
0x2a2: {  	v5 =	vld [tilespmem:$0xB00]  }
0x2a3: {  	v6 =	vld [tilespmem:$0xB10]  }
0x2a4: {  	v7 =	vld [tilespmem:$0xB20]  }
0x2a5: {  	v8 =	vld [tilespmem:$0xB30]  }
0x2a6: {  	v9 =	vld [tilespmem:$0xB40]  }
0x2a7: {  	[tilespmem:$0x3000] =	vst v5;
	v5 =	vld [tilespmem:$0xB50]  }
0x2a8: {  	[tilespmem:$0x3010] =	vst v6;
	v6 =	vld [tilespmem:$0xB60]  }
0x2a9: {  	[tilespmem:$0x3020] =	vst v7;
	v7 =	vld [tilespmem:$0xB70]  }
0x2aa: {  	s28 =	simm.s32 $0x300;
	[tilespmem:$0x3030] =	vst v8  }
0x2ab: {  	[tilespmem:$0x3040] =	vst v9;
	v8 =	vmov s28  }
0x2ac: {  	[tilespmem:$0x3050] =	vst v5;
	v5 =	vand.u32 $0xFFFFFFFC, v8  }
0x2ad: {  	[tilespmem:$0x3060] =	vst v6;
	v5 =	vbroadcast v5, $0x0  }
0x2ae: {  	[tilespmem:$0x3070] =	vst v7  }
0x2af: {  	[tilespmem:s14], [sflag:$0x1] =	stream.indirect.gather [hbm4b:s3+s12], $0x10, s13, s12, $0xb8;
	[tilespmem:$0x17880] =	vst v63  }
0x2b0: {  	_ =	swait.ge [sflag:s15], $0x800  }
0x2b1: {  	[sflag:s15] =	ssyncset.done $0x0  }
0x2b2: {  	[sflag:s15] =	ssyncadd.s32 $0xFFFFF800  }
0x2b3: {  	v6 =	vld.idx.msk [tilespmem:v5+s16+$0x0], $0xffff  }
0x2b4: {  	s22 =	simm.s32 $0x30A0  }
0x2b5: {  	s29 =	simm.s32 $0x301;
	v7 =	vld [tilespmem:s22+$0xFFFFFFE0]  }
0x2b6: {  	v8 =	vmov s29;
	v5 =	vld.idx.msk [tilespmem:v5+s17+$0x0], $0xffff  }
0x2b7: {  	v8 =	vand.u32 $0xFFFFFFFD, v8  }
0x2b8: {  	v8 =	vbroadcast v8, $0x0;
	v6 =	vadd.s32 v4, v6;
	_ =	sdelay $0x2  }
0x2b9: {  	v5 =	vmul.f32 v7, v5;
	_ =	sdelay $0x1  }
0x2ba: {  	[tilespmem:v6+s18+$0x0] =	vst.idx.add.f32.msk $0xffff, v5  }
0x2bb: {  	v5 =	vld.idx.msk [tilespmem:v8+s16+$0x0], $0xffff;
	_ =	sdelay $0x1  }
0x2bc: {  	s30 =	simm.s32 $0x302;
	v6 =	vld.idx.msk [tilespmem:v8+s17+$0x0], $0xffff  }
0x2bd: {  	v7 =	vld [tilespmem:s22+$0xFFFFFFF0];
	v8 =	vmov s30  }
0x2be: {  	v8 =	vand.u32 $0xFFFFFFFE, v8  }
0x2bf: {  	v8 =	vbroadcast v8, $0x0;
	v5 =	vadd.s32 v4, v5;
	_ =	sdelay $0x2  }
0x2c0: {  	v6 =	vmul.f32 v7, v6;
	_ =	sdelay $0x1  }
0x2c1: {  	[tilespmem:v5+s18+$0x0] =	vst.idx.add.f32.msk $0xffff, v6  }
0x2c2: {  	v5 =	vld.idx.msk [tilespmem:v8+s16+$0x0], $0xffff;
	_ =	sdelay $0x1  }
0x2c3: {  	v6 =	vld.idx.msk [tilespmem:v8+s17+$0x0], $0xffff  }
0x2c4: {  	v7 =	vld [tilespmem:s22+$0x0];
	_ =	sdelay $0x1  }
0x2c5: {  	s31 =	simm.s32 $0x303;
	v5 =	vadd.s32 v4, v5  }
0x2c6: {  	v8 =	vmov s31;
	_ =	sdelay $0x1  }
0x2c7: {  	v6 =	vmul.f32 v7, v6;
	_ =	sdelay $0x1  }
0x2c8: {  	[tilespmem:v5+s18+$0x0] =	vst.idx.add.f32.msk $0xffff, v6  }
0x2c9: {  	v6 =	vld.idx.msk [tilespmem:v8+s16+$0x0], $0xffff;
	_ =	sdelay $0x1  }
0x2ca: {  	s23 =	simm.s32 $0x304;
	v7 =	vld.idx.msk [tilespmem:v8+s17+$0x0], $0xffff  }
0x2cb: {  	v5 =	vmov s23;
	v8 =	vld [tilespmem:s22+$0x10]  }
0x2cc: {  	v5 =	vand.u32 $0xFFFFFFFC, v5  }
0x2cd: {  	v5 =	vbroadcast v5, $0x0;
	v6 =	vadd.s32 v4, v6;
	_ =	sdelay $0x2  }
0x2ce: {  	s24 =	simm.s32 $0x308;
	v7 =	vmul.f32 v8, v7  }
.LBB2_19:
0x2cf: {  	p0 =	sne.s32 s24, $0x37C  }
0x2d0: {  	s22 =	sadd.s32 $0x40, s22;
	s25 =	smov.u32 s24;
	s24 =	sadd.s32 $0x4, s24;
	[tilespmem:v6+s18+$0x0] =	vst.idx.add.f32.msk $0xffff, v7  }
0x2d1: {  	v6 =	vld.idx.msk [tilespmem:v5+s16+$0x0], $0xffff;
	_ =	sdelay $0x2  }
0x2d2: {  	s26 =	sadd.s32 $0x1, s23;
	v5 =	vld.idx.msk [tilespmem:v5+s17+$0x0], $0xffff  }
0x2d3: {  	v8 =	vmov s26;
	v7 =	vld [tilespmem:s22+$0xFFFFFFE0]  }
0x2d4: {  	v8 =	vand.u32 $0xFFFFFFFD, v8  }
0x2d5: {  	v8 =	vbroadcast v8, $0x0;
	v6 =	vadd.s32 v4, v6;
	_ =	sdelay $0x2  }
0x2d6: {  	v5 =	vmul.f32 v7, v5;
	_ =	sdelay $0x1  }
0x2d7: {  	[tilespmem:v6+s18+$0x0] =	vst.idx.add.f32.msk $0xffff, v5  }
0x2d8: {  	v5 =	vld.idx.msk [tilespmem:v8+s16+$0x0], $0xffff;
	_ =	sdelay $0x2  }
0x2d9: {  	s26 =	sadd.s32 $0x2, s23;
	v6 =	vld.idx.msk [tilespmem:v8+s17+$0x0], $0xffff  }
0x2da: {  	v8 =	vmov s26;
	v7 =	vld [tilespmem:s22+$0xFFFFFFF0]  }
0x2db: {  	v8 =	vand.u32 $0xFFFFFFFE, v8  }
0x2dc: {  	v5 =	vadd.s32 v4, v5;
	v8 =	vbroadcast v8, $0x0;
	_ =	sdelay $0x2  }
0x2dd: {  	v6 =	vmul.f32 v7, v6;
	_ =	sdelay $0x1  }
0x2de: {  	[tilespmem:v5+s18+$0x0] =	vst.idx.add.f32.msk $0xffff, v6  }
0x2df: {  	v5 =	vld.idx.msk [tilespmem:v8+s16+$0x0], $0xffff;
	_ =	sdelay $0x2  }
0x2e0: {  	v6 =	vld.idx.msk [tilespmem:v8+s17+$0x0], $0xffff  }
0x2e1: {  	v7 =	vld [tilespmem:s22+$0x0];
	_ =	sdelay $0x1  }
0x2e2: {  	s26 =	sadd.s32 $0x3, s23;
	s23 =	smov.u32 s25;
	v5 =	vadd.s32 v4, v5  }
0x2e3: {  	v8 =	vmov s26;
	_ =	sdelay $0x1  }
0x2e4: {  	v6 =	vmul.f32 v7, v6;
	_ =	sdelay $0x1  }
0x2e5: {  	[tilespmem:v5+s18+$0x0] =	vst.idx.add.f32.msk $0xffff, v6  }
0x2e6: {  	v6 =	vld.idx.msk [tilespmem:v8+s16+$0x0], $0xffff  }
0x2e7: {  	v7 =	vld.idx.msk [tilespmem:v8+s17+$0x0], $0xffff  }
0x2e8: {  	v8 =	vld [tilespmem:s22+$0x10];
	_ =	sdelay $0x1  }
0x2e9: {  	v5 =	vmov s23  }
.Ltmp8:
0x2ea: {  	v5 =	vand.u32 $0xFFFFFFFC, v5;
	(pc) =	sbr.rel @p0 .LBB2_19-.Ltmp8, $2  }
0x2eb: {  	v5 =	vbroadcast v5, $0x0;
	v6 =	vadd.s32 v4, v6;
	_ =	sdelay $0x2  }
0x2ec: {  	v7 =	vmul.f32 v8, v7  }
0x2ed: {  	_ =	sdelay $0x3  }
0x2ee: {  	[tilespmem:v6+s18+$0x0] =	vst.idx.add.f32.msk $0xffff, v7  }
0x2ef: {  	v6 =	vld.idx.msk [tilespmem:v5+s16+$0x0], $0xffff;
	_ =	sdelay $0x1  }
0x2f0: {  	s22 =	sadd.s32 $0x40, s22;
	s24 =	sadd.s32 $0x1, s23;
	v5 =	vld.idx.msk [tilespmem:v5+s17+$0x0], $0xffff  }
0x2f1: {  	v8 =	vmov s24;
	v7 =	vld [tilespmem:s22+$0xFFFFFFE0]  }
0x2f2: {  	v8 =	vand.u32 $0xFFFFFFFD, v8  }
0x2f3: {  	v8 =	vbroadcast v8, $0x0;
	v6 =	vadd.s32 v4, v6;
	_ =	sdelay $0x2  }
0x2f4: {  	v5 =	vmul.f32 v7, v5;
	_ =	sdelay $0x1  }
0x2f5: {  	[tilespmem:v6+s18+$0x0] =	vst.idx.add.f32.msk $0xffff, v5  }
0x2f6: {  	v5 =	vld.idx.msk [tilespmem:v8+s16+$0x0], $0xffff;
	_ =	sdelay $0x1  }
0x2f7: {  	s25 =	sadd.s32 $0x2, s23;
	v6 =	vld.idx.msk [tilespmem:v8+s17+$0x0], $0xffff  }
0x2f8: {  	v7 =	vld [tilespmem:s22+$0xFFFFFFF0];
	v8 =	vmov s25  }
0x2f9: {  	v8 =	vand.u32 $0xFFFFFFFE, v8  }
0x2fa: {  	v8 =	vbroadcast v8, $0x0;
	v5 =	vadd.s32 v4, v5;
	_ =	sdelay $0x2  }
0x2fb: {  	v6 =	vmul.f32 v7, v6;
	_ =	sdelay $0x1  }
0x2fc: {  	[tilespmem:v5+s18+$0x0] =	vst.idx.add.f32.msk $0xffff, v6  }
0x2fd: {  	v5 =	vld.idx.msk [tilespmem:v8+s16+$0x0], $0xffff;
	_ =	sdelay $0x1  }
0x2fe: {  	v6 =	vld.idx.msk [tilespmem:v8+s17+$0x0], $0xffff  }
0x2ff: {  	v7 =	vld [tilespmem:s22+$0x0];
	_ =	sdelay $0x1  }
0x300: {  	s26 =	sadd.s32 $0x3, s23;
	v5 =	vadd.s32 v4, v5  }
0x301: {  	v8 =	vmov s26;
	_ =	sdelay $0x1  }
0x302: {  	v6 =	vmul.f32 v7, v6;
	_ =	sdelay $0x1  }
0x303: {  	[tilespmem:v5+s18+$0x0] =	vst.idx.add.f32.msk $0xffff, v6  }
0x304: {  	v5 =	vld.idx.msk [tilespmem:v8+s16+$0x0], $0xffff;
	_ =	sdelay $0x1  }
0x305: {  	v6 =	vld.idx.msk [tilespmem:v8+s17+$0x0], $0xffff  }
0x306: {  	v7 =	vld [tilespmem:s22+$0x10];
	_ =	sdelay $0x1  }
0x307: {  	v5 =	vadd.s32 v4, v5;
	_ =	sdelay $0x2  }
0x308: {  	v6 =	vmul.f32 v7, v6;
	_ =	sdelay $0x1  }
0x309: {  	[tilespmem:v5+s18+$0x0] =	vst.idx.add.f32.msk $0xffff, v6  }
0x30a: {  	v5 =	vld [tilespmem:$0xB80]  }
0x30b: {  	v6 =	vld [tilespmem:$0xB90]  }
0x30c: {  	v7 =	vld [tilespmem:$0xBA0]  }
0x30d: {  	v8 =	vld [tilespmem:$0xBB0]  }
0x30e: {  	v9 =	vld [tilespmem:$0xBC0]  }
0x30f: {  	[tilespmem:$0x3000] =	vst v5;
	v5 =	vld [tilespmem:$0xBD0]  }
0x310: {  	[tilespmem:$0x3010] =	vst v6;
	v6 =	vld [tilespmem:$0xBE0]  }
0x311: {  	[tilespmem:$0x3020] =	vst v7;
	v7 =	vld [tilespmem:$0xBF0]  }
0x312: {  	s28 =	simm.s32 $0x380;
	[tilespmem:$0x3030] =	vst v8  }
0x313: {  	[tilespmem:$0x3040] =	vst v9;
	v8 =	vmov s28  }
0x314: {  	[tilespmem:$0x3050] =	vst v5;
	v5 =	vand.u32 $0xFFFFFFFC, v8  }
0x315: {  	[tilespmem:$0x3060] =	vst v6;
	v5 =	vbroadcast v5, $0x0  }
0x316: {  	[tilespmem:$0x3070] =	vst v7  }
0x317: {  	[tilespmem:s14], [sflag:$0x1] =	stream.indirect.gather [hbm4b:s3+s12], $0x10, s13, s12, $0xb8;
	[tilespmem:$0x17880] =	vst v63  }
0x318: {  	_ =	swait.ge [sflag:s15], $0x800  }
0x319: {  	[sflag:s15] =	ssyncset.done $0x0  }
0x31a: {  	[sflag:s15] =	ssyncadd.s32 $0xFFFFF800  }
0x31b: {  	v6 =	vld.idx.msk [tilespmem:v5+s16+$0x0], $0xffff  }
0x31c: {  	s22 =	simm.s32 $0x30A0  }
0x31d: {  	s29 =	simm.s32 $0x381;
	v7 =	vld [tilespmem:s22+$0xFFFFFFE0]  }
0x31e: {  	v8 =	vmov s29;
	v5 =	vld.idx.msk [tilespmem:v5+s17+$0x0], $0xffff  }
0x31f: {  	v8 =	vand.u32 $0xFFFFFFFD, v8  }
0x320: {  	v8 =	vbroadcast v8, $0x0;
	v6 =	vadd.s32 v4, v6;
	_ =	sdelay $0x2  }
0x321: {  	v5 =	vmul.f32 v7, v5;
	_ =	sdelay $0x1  }
0x322: {  	[tilespmem:v6+s18+$0x0] =	vst.idx.add.f32.msk $0xffff, v5  }
0x323: {  	v5 =	vld.idx.msk [tilespmem:v8+s16+$0x0], $0xffff;
	_ =	sdelay $0x1  }
0x324: {  	s30 =	simm.s32 $0x382;
	v6 =	vld.idx.msk [tilespmem:v8+s17+$0x0], $0xffff  }
0x325: {  	v7 =	vld [tilespmem:s22+$0xFFFFFFF0];
	v8 =	vmov s30  }
0x326: {  	v8 =	vand.u32 $0xFFFFFFFE, v8  }
0x327: {  	v8 =	vbroadcast v8, $0x0;
	v5 =	vadd.s32 v4, v5;
	_ =	sdelay $0x2  }
0x328: {  	v6 =	vmul.f32 v7, v6;
	_ =	sdelay $0x1  }
0x329: {  	[tilespmem:v5+s18+$0x0] =	vst.idx.add.f32.msk $0xffff, v6  }
0x32a: {  	v5 =	vld.idx.msk [tilespmem:v8+s16+$0x0], $0xffff;
	_ =	sdelay $0x1  }
0x32b: {  	v6 =	vld.idx.msk [tilespmem:v8+s17+$0x0], $0xffff  }
0x32c: {  	v7 =	vld [tilespmem:s22+$0x0];
	_ =	sdelay $0x1  }
0x32d: {  	s31 =	simm.s32 $0x383;
	v5 =	vadd.s32 v4, v5  }
0x32e: {  	v8 =	vmov s31;
	_ =	sdelay $0x1  }
0x32f: {  	v6 =	vmul.f32 v7, v6;
	_ =	sdelay $0x1  }
0x330: {  	[tilespmem:v5+s18+$0x0] =	vst.idx.add.f32.msk $0xffff, v6  }
0x331: {  	v6 =	vld.idx.msk [tilespmem:v8+s16+$0x0], $0xffff;
	_ =	sdelay $0x1  }
0x332: {  	s23 =	simm.s32 $0x384;
	v7 =	vld.idx.msk [tilespmem:v8+s17+$0x0], $0xffff  }
0x333: {  	v5 =	vmov s23;
	v8 =	vld [tilespmem:s22+$0x10]  }
0x334: {  	v5 =	vand.u32 $0xFFFFFFFC, v5  }
0x335: {  	v5 =	vbroadcast v5, $0x0;
	v6 =	vadd.s32 v4, v6;
	_ =	sdelay $0x2  }
0x336: {  	s24 =	simm.s32 $0x388;
	v7 =	vmul.f32 v8, v7  }
.LBB2_21:
0x337: {  	p0 =	sne.s32 s24, $0x3FC  }
0x338: {  	s22 =	sadd.s32 $0x40, s22;
	s25 =	smov.u32 s24;
	s24 =	sadd.s32 $0x4, s24;
	[tilespmem:v6+s18+$0x0] =	vst.idx.add.f32.msk $0xffff, v7  }
0x339: {  	v6 =	vld.idx.msk [tilespmem:v5+s16+$0x0], $0xffff;
	_ =	sdelay $0x2  }
0x33a: {  	s26 =	sadd.s32 $0x1, s23;
	v5 =	vld.idx.msk [tilespmem:v5+s17+$0x0], $0xffff  }
0x33b: {  	v8 =	vmov s26;
	v7 =	vld [tilespmem:s22+$0xFFFFFFE0]  }
0x33c: {  	v8 =	vand.u32 $0xFFFFFFFD, v8  }
0x33d: {  	v8 =	vbroadcast v8, $0x0;
	v6 =	vadd.s32 v4, v6;
	_ =	sdelay $0x2  }
0x33e: {  	v5 =	vmul.f32 v7, v5;
	_ =	sdelay $0x1  }
0x33f: {  	[tilespmem:v6+s18+$0x0] =	vst.idx.add.f32.msk $0xffff, v5  }
0x340: {  	v5 =	vld.idx.msk [tilespmem:v8+s16+$0x0], $0xffff;
	_ =	sdelay $0x2  }
0x341: {  	s26 =	sadd.s32 $0x2, s23;
	v6 =	vld.idx.msk [tilespmem:v8+s17+$0x0], $0xffff  }
0x342: {  	v8 =	vmov s26;
	v7 =	vld [tilespmem:s22+$0xFFFFFFF0]  }
0x343: {  	v8 =	vand.u32 $0xFFFFFFFE, v8  }
0x344: {  	v5 =	vadd.s32 v4, v5;
	v8 =	vbroadcast v8, $0x0;
	_ =	sdelay $0x2  }
0x345: {  	v6 =	vmul.f32 v7, v6;
	_ =	sdelay $0x1  }
0x346: {  	[tilespmem:v5+s18+$0x0] =	vst.idx.add.f32.msk $0xffff, v6  }
0x347: {  	v5 =	vld.idx.msk [tilespmem:v8+s16+$0x0], $0xffff;
	_ =	sdelay $0x2  }
0x348: {  	v6 =	vld.idx.msk [tilespmem:v8+s17+$0x0], $0xffff  }
0x349: {  	v7 =	vld [tilespmem:s22+$0x0];
	_ =	sdelay $0x1  }
0x34a: {  	s26 =	sadd.s32 $0x3, s23;
	s23 =	smov.u32 s25;
	v5 =	vadd.s32 v4, v5  }
0x34b: {  	v8 =	vmov s26;
	_ =	sdelay $0x1  }
0x34c: {  	v6 =	vmul.f32 v7, v6;
	_ =	sdelay $0x1  }
0x34d: {  	[tilespmem:v5+s18+$0x0] =	vst.idx.add.f32.msk $0xffff, v6  }
0x34e: {  	v6 =	vld.idx.msk [tilespmem:v8+s16+$0x0], $0xffff  }
0x34f: {  	v7 =	vld.idx.msk [tilespmem:v8+s17+$0x0], $0xffff  }
0x350: {  	v8 =	vld [tilespmem:s22+$0x10];
	_ =	sdelay $0x1  }
0x351: {  	v5 =	vmov s23  }
.Ltmp9:
0x352: {  	v5 =	vand.u32 $0xFFFFFFFC, v5;
	(pc) =	sbr.rel @p0 .LBB2_21-.Ltmp9, $2  }
0x353: {  	v5 =	vbroadcast v5, $0x0;
	v6 =	vadd.s32 v4, v6;
	_ =	sdelay $0x2  }
0x354: {  	v7 =	vmul.f32 v8, v7  }
0x355: {  	_ =	sdelay $0x3  }
0x356: {  	[tilespmem:v6+s18+$0x0] =	vst.idx.add.f32.msk $0xffff, v7  }
0x357: {  	v6 =	vld.idx.msk [tilespmem:v5+s16+$0x0], $0xffff;
	_ =	sdelay $0x1  }
0x358: {  	s22 =	sadd.s32 $0x40, s22;
	s24 =	sadd.s32 $0x1, s23;
	v5 =	vld.idx.msk [tilespmem:v5+s17+$0x0], $0xffff  }
0x359: {  	v8 =	vmov s24;
	v7 =	vld [tilespmem:s22+$0xFFFFFFE0]  }
0x35a: {  	v8 =	vand.u32 $0xFFFFFFFD, v8  }
0x35b: {  	v8 =	vbroadcast v8, $0x0;
	v6 =	vadd.s32 v4, v6;
	_ =	sdelay $0x2  }
0x35c: {  	v5 =	vmul.f32 v7, v5;
	_ =	sdelay $0x1  }
0x35d: {  	[tilespmem:v6+s18+$0x0] =	vst.idx.add.f32.msk $0xffff, v5  }
0x35e: {  	v5 =	vld.idx.msk [tilespmem:v8+s16+$0x0], $0xffff;
	_ =	sdelay $0x1  }
0x35f: {  	s25 =	sadd.s32 $0x2, s23;
	v6 =	vld.idx.msk [tilespmem:v8+s17+$0x0], $0xffff  }
0x360: {  	v7 =	vld [tilespmem:s22+$0xFFFFFFF0];
	v8 =	vmov s25  }
0x361: {  	v8 =	vand.u32 $0xFFFFFFFE, v8  }
0x362: {  	v8 =	vbroadcast v8, $0x0;
	v5 =	vadd.s32 v4, v5;
	_ =	sdelay $0x2  }
0x363: {  	v6 =	vmul.f32 v7, v6;
	_ =	sdelay $0x1  }
0x364: {  	[tilespmem:v5+s18+$0x0] =	vst.idx.add.f32.msk $0xffff, v6  }
0x365: {  	v5 =	vld.idx.msk [tilespmem:v8+s16+$0x0], $0xffff;
	_ =	sdelay $0x1  }
0x366: {  	v6 =	vld.idx.msk [tilespmem:v8+s17+$0x0], $0xffff  }
0x367: {  	v7 =	vld [tilespmem:s22+$0x0];
	_ =	sdelay $0x1  }
0x368: {  	s26 =	sadd.s32 $0x3, s23;
	v5 =	vadd.s32 v4, v5  }
0x369: {  	v8 =	vmov s26;
	_ =	sdelay $0x1  }
0x36a: {  	v6 =	vmul.f32 v7, v6;
	_ =	sdelay $0x1  }
0x36b: {  	[tilespmem:v5+s18+$0x0] =	vst.idx.add.f32.msk $0xffff, v6  }
0x36c: {  	v5 =	vld.idx.msk [tilespmem:v8+s16+$0x0], $0xffff;
	_ =	sdelay $0x1  }
0x36d: {  	v6 =	vld.idx.msk [tilespmem:v8+s17+$0x0], $0xffff  }
0x36e: {  	v7 =	vld [tilespmem:s22+$0x10];
	_ =	sdelay $0x1  }
0x36f: {  	v5 =	vadd.s32 v4, v5;
	_ =	sdelay $0x2  }
0x370: {  	v6 =	vmul.f32 v7, v6;
	_ =	sdelay $0x1  }
0x371: {  	[tilespmem:v5+s18+$0x0] =	vst.idx.add.f32.msk $0xffff, v6  }
0x372: {  	v5 =	vld [tilespmem:$0xC00]  }
0x373: {  	v6 =	vld [tilespmem:$0xC10]  }
0x374: {  	v7 =	vld [tilespmem:$0xC20]  }
0x375: {  	v8 =	vld [tilespmem:$0xC30]  }
0x376: {  	v9 =	vld [tilespmem:$0xC40]  }
0x377: {  	[tilespmem:$0x3000] =	vst v5;
	v5 =	vld [tilespmem:$0xC50]  }
0x378: {  	[tilespmem:$0x3010] =	vst v6;
	v6 =	vld [tilespmem:$0xC60]  }
0x379: {  	[tilespmem:$0x3020] =	vst v7;
	v7 =	vld [tilespmem:$0xC70]  }
0x37a: {  	s28 =	simm.s32 $0x400;
	[tilespmem:$0x3030] =	vst v8  }
0x37b: {  	[tilespmem:$0x3040] =	vst v9;
	v8 =	vmov s28  }
0x37c: {  	[tilespmem:$0x3050] =	vst v5;
	v5 =	vand.u32 $0xFFFFFFFC, v8  }
0x37d: {  	[tilespmem:$0x3060] =	vst v6;
	v5 =	vbroadcast v5, $0x0  }
0x37e: {  	[tilespmem:$0x3070] =	vst v7  }
0x37f: {  	[tilespmem:s14], [sflag:$0x1] =	stream.indirect.gather [hbm4b:s3+s12], $0x10, s13, s12, $0xb8;
	[tilespmem:$0x17880] =	vst v63  }
0x380: {  	_ =	swait.ge [sflag:s15], $0x800  }
0x381: {  	[sflag:s15] =	ssyncset.done $0x0  }
0x382: {  	[sflag:s15] =	ssyncadd.s32 $0xFFFFF800  }
0x383: {  	v6 =	vld.idx.msk [tilespmem:v5+s16+$0x0], $0xffff  }
0x384: {  	s22 =	simm.s32 $0x30A0  }
0x385: {  	s29 =	simm.s32 $0x401;
	v7 =	vld [tilespmem:s22+$0xFFFFFFE0]  }
0x386: {  	v8 =	vmov s29;
	v5 =	vld.idx.msk [tilespmem:v5+s17+$0x0], $0xffff  }
0x387: {  	v8 =	vand.u32 $0xFFFFFFFD, v8  }
0x388: {  	v8 =	vbroadcast v8, $0x0;
	v6 =	vadd.s32 v4, v6;
	_ =	sdelay $0x2  }
0x389: {  	v5 =	vmul.f32 v7, v5;
	_ =	sdelay $0x1  }
0x38a: {  	[tilespmem:v6+s18+$0x0] =	vst.idx.add.f32.msk $0xffff, v5  }
0x38b: {  	v5 =	vld.idx.msk [tilespmem:v8+s16+$0x0], $0xffff;
	_ =	sdelay $0x1  }
0x38c: {  	s30 =	simm.s32 $0x402;
	v6 =	vld.idx.msk [tilespmem:v8+s17+$0x0], $0xffff  }
0x38d: {  	v7 =	vld [tilespmem:s22+$0xFFFFFFF0];
	v8 =	vmov s30  }
0x38e: {  	v8 =	vand.u32 $0xFFFFFFFE, v8  }
0x38f: {  	v8 =	vbroadcast v8, $0x0;
	v5 =	vadd.s32 v4, v5;
	_ =	sdelay $0x2  }
0x390: {  	v6 =	vmul.f32 v7, v6;
	_ =	sdelay $0x1  }
0x391: {  	[tilespmem:v5+s18+$0x0] =	vst.idx.add.f32.msk $0xffff, v6  }
0x392: {  	v5 =	vld.idx.msk [tilespmem:v8+s16+$0x0], $0xffff;
	_ =	sdelay $0x1  }
0x393: {  	v6 =	vld.idx.msk [tilespmem:v8+s17+$0x0], $0xffff  }
0x394: {  	v7 =	vld [tilespmem:s22+$0x0];
	_ =	sdelay $0x1  }
0x395: {  	s31 =	simm.s32 $0x403;
	v5 =	vadd.s32 v4, v5  }
0x396: {  	v8 =	vmov s31;
	_ =	sdelay $0x1  }
0x397: {  	v6 =	vmul.f32 v7, v6;
	_ =	sdelay $0x1  }
0x398: {  	[tilespmem:v5+s18+$0x0] =	vst.idx.add.f32.msk $0xffff, v6  }
0x399: {  	v6 =	vld.idx.msk [tilespmem:v8+s16+$0x0], $0xffff;
	_ =	sdelay $0x1  }
0x39a: {  	s23 =	simm.s32 $0x404;
	v7 =	vld.idx.msk [tilespmem:v8+s17+$0x0], $0xffff  }
0x39b: {  	v5 =	vmov s23;
	v8 =	vld [tilespmem:s22+$0x10]  }
0x39c: {  	v5 =	vand.u32 $0xFFFFFFFC, v5  }
0x39d: {  	v5 =	vbroadcast v5, $0x0;
	v6 =	vadd.s32 v4, v6;
	_ =	sdelay $0x2  }
0x39e: {  	s24 =	simm.s32 $0x408;
	v7 =	vmul.f32 v8, v7  }
.LBB2_23:
0x39f: {  	p0 =	sne.s32 s24, $0x47C  }
0x3a0: {  	s22 =	sadd.s32 $0x40, s22;
	s25 =	smov.u32 s24;
	s24 =	sadd.s32 $0x4, s24;
	[tilespmem:v6+s18+$0x0] =	vst.idx.add.f32.msk $0xffff, v7  }
0x3a1: {  	v6 =	vld.idx.msk [tilespmem:v5+s16+$0x0], $0xffff;
	_ =	sdelay $0x2  }
0x3a2: {  	s26 =	sadd.s32 $0x1, s23;
	v5 =	vld.idx.msk [tilespmem:v5+s17+$0x0], $0xffff  }
0x3a3: {  	v8 =	vmov s26;
	v7 =	vld [tilespmem:s22+$0xFFFFFFE0]  }
0x3a4: {  	v8 =	vand.u32 $0xFFFFFFFD, v8  }
0x3a5: {  	v8 =	vbroadcast v8, $0x0;
	v6 =	vadd.s32 v4, v6;
	_ =	sdelay $0x2  }
0x3a6: {  	v5 =	vmul.f32 v7, v5;
	_ =	sdelay $0x1  }
0x3a7: {  	[tilespmem:v6+s18+$0x0] =	vst.idx.add.f32.msk $0xffff, v5  }
0x3a8: {  	v5 =	vld.idx.msk [tilespmem:v8+s16+$0x0], $0xffff;
	_ =	sdelay $0x2  }
0x3a9: {  	s26 =	sadd.s32 $0x2, s23;
	v6 =	vld.idx.msk [tilespmem:v8+s17+$0x0], $0xffff  }
0x3aa: {  	v8 =	vmov s26;
	v7 =	vld [tilespmem:s22+$0xFFFFFFF0]  }
0x3ab: {  	v8 =	vand.u32 $0xFFFFFFFE, v8  }
0x3ac: {  	v5 =	vadd.s32 v4, v5;
	v8 =	vbroadcast v8, $0x0;
	_ =	sdelay $0x2  }
0x3ad: {  	v6 =	vmul.f32 v7, v6;
	_ =	sdelay $0x1  }
0x3ae: {  	[tilespmem:v5+s18+$0x0] =	vst.idx.add.f32.msk $0xffff, v6  }
0x3af: {  	v5 =	vld.idx.msk [tilespmem:v8+s16+$0x0], $0xffff;
	_ =	sdelay $0x2  }
0x3b0: {  	v6 =	vld.idx.msk [tilespmem:v8+s17+$0x0], $0xffff  }
0x3b1: {  	v7 =	vld [tilespmem:s22+$0x0];
	_ =	sdelay $0x1  }
0x3b2: {  	s26 =	sadd.s32 $0x3, s23;
	s23 =	smov.u32 s25;
	v5 =	vadd.s32 v4, v5  }
0x3b3: {  	v8 =	vmov s26;
	_ =	sdelay $0x1  }
0x3b4: {  	v6 =	vmul.f32 v7, v6;
	_ =	sdelay $0x1  }
0x3b5: {  	[tilespmem:v5+s18+$0x0] =	vst.idx.add.f32.msk $0xffff, v6  }
0x3b6: {  	v6 =	vld.idx.msk [tilespmem:v8+s16+$0x0], $0xffff  }
0x3b7: {  	v7 =	vld.idx.msk [tilespmem:v8+s17+$0x0], $0xffff  }
0x3b8: {  	v8 =	vld [tilespmem:s22+$0x10];
	_ =	sdelay $0x1  }
0x3b9: {  	v5 =	vmov s23  }
.Ltmp10:
0x3ba: {  	v5 =	vand.u32 $0xFFFFFFFC, v5;
	(pc) =	sbr.rel @p0 .LBB2_23-.Ltmp10, $2  }
0x3bb: {  	v5 =	vbroadcast v5, $0x0;
	v6 =	vadd.s32 v4, v6;
	_ =	sdelay $0x2  }
0x3bc: {  	v7 =	vmul.f32 v8, v7  }
0x3bd: {  	_ =	sdelay $0x3  }
0x3be: {  	[tilespmem:v6+s18+$0x0] =	vst.idx.add.f32.msk $0xffff, v7  }
0x3bf: {  	v6 =	vld.idx.msk [tilespmem:v5+s16+$0x0], $0xffff;
	_ =	sdelay $0x1  }
0x3c0: {  	s22 =	sadd.s32 $0x40, s22;
	s24 =	sadd.s32 $0x1, s23;
	v5 =	vld.idx.msk [tilespmem:v5+s17+$0x0], $0xffff  }
0x3c1: {  	v8 =	vmov s24;
	v7 =	vld [tilespmem:s22+$0xFFFFFFE0]  }
0x3c2: {  	v8 =	vand.u32 $0xFFFFFFFD, v8  }
0x3c3: {  	v8 =	vbroadcast v8, $0x0;
	v6 =	vadd.s32 v4, v6;
	_ =	sdelay $0x2  }
0x3c4: {  	v5 =	vmul.f32 v7, v5;
	_ =	sdelay $0x1  }
0x3c5: {  	[tilespmem:v6+s18+$0x0] =	vst.idx.add.f32.msk $0xffff, v5  }
0x3c6: {  	v5 =	vld.idx.msk [tilespmem:v8+s16+$0x0], $0xffff;
	_ =	sdelay $0x1  }
0x3c7: {  	s25 =	sadd.s32 $0x2, s23;
	v6 =	vld.idx.msk [tilespmem:v8+s17+$0x0], $0xffff  }
0x3c8: {  	v7 =	vld [tilespmem:s22+$0xFFFFFFF0];
	v8 =	vmov s25  }
0x3c9: {  	v8 =	vand.u32 $0xFFFFFFFE, v8  }
0x3ca: {  	v8 =	vbroadcast v8, $0x0;
	v5 =	vadd.s32 v4, v5;
	_ =	sdelay $0x2  }
0x3cb: {  	v6 =	vmul.f32 v7, v6;
	_ =	sdelay $0x1  }
0x3cc: {  	[tilespmem:v5+s18+$0x0] =	vst.idx.add.f32.msk $0xffff, v6  }
0x3cd: {  	v5 =	vld.idx.msk [tilespmem:v8+s16+$0x0], $0xffff;
	_ =	sdelay $0x1  }
0x3ce: {  	v6 =	vld.idx.msk [tilespmem:v8+s17+$0x0], $0xffff  }
0x3cf: {  	v7 =	vld [tilespmem:s22+$0x0];
	_ =	sdelay $0x1  }
0x3d0: {  	s26 =	sadd.s32 $0x3, s23;
	v5 =	vadd.s32 v4, v5  }
0x3d1: {  	v8 =	vmov s26;
	_ =	sdelay $0x1  }
0x3d2: {  	v6 =	vmul.f32 v7, v6;
	_ =	sdelay $0x1  }
0x3d3: {  	[tilespmem:v5+s18+$0x0] =	vst.idx.add.f32.msk $0xffff, v6  }
0x3d4: {  	v5 =	vld.idx.msk [tilespmem:v8+s16+$0x0], $0xffff;
	_ =	sdelay $0x1  }
0x3d5: {  	v6 =	vld.idx.msk [tilespmem:v8+s17+$0x0], $0xffff  }
0x3d6: {  	v7 =	vld [tilespmem:s22+$0x10];
	_ =	sdelay $0x1  }
0x3d7: {  	v5 =	vadd.s32 v4, v5;
	_ =	sdelay $0x2  }
0x3d8: {  	v6 =	vmul.f32 v7, v6;
	_ =	sdelay $0x1  }
0x3d9: {  	[tilespmem:v5+s18+$0x0] =	vst.idx.add.f32.msk $0xffff, v6  }
0x3da: {  	v5 =	vld [tilespmem:$0xC80]  }
0x3db: {  	v6 =	vld [tilespmem:$0xC90]  }
0x3dc: {  	v7 =	vld [tilespmem:$0xCA0]  }
0x3dd: {  	v8 =	vld [tilespmem:$0xCB0]  }
0x3de: {  	v9 =	vld [tilespmem:$0xCC0]  }
0x3df: {  	[tilespmem:$0x3000] =	vst v5;
	v5 =	vld [tilespmem:$0xCD0]  }
0x3e0: {  	[tilespmem:$0x3010] =	vst v6;
	v6 =	vld [tilespmem:$0xCE0]  }
0x3e1: {  	[tilespmem:$0x3020] =	vst v7;
	v7 =	vld [tilespmem:$0xCF0]  }
0x3e2: {  	s28 =	simm.s32 $0x480;
	[tilespmem:$0x3030] =	vst v8  }
0x3e3: {  	[tilespmem:$0x3040] =	vst v9;
	v8 =	vmov s28  }
0x3e4: {  	[tilespmem:$0x3050] =	vst v5;
	v5 =	vand.u32 $0xFFFFFFFC, v8  }
0x3e5: {  	[tilespmem:$0x3060] =	vst v6;
	v5 =	vbroadcast v5, $0x0  }
0x3e6: {  	[tilespmem:$0x3070] =	vst v7  }
0x3e7: {  	[tilespmem:s14], [sflag:$0x1] =	stream.indirect.gather [hbm4b:s3+s12], $0x10, s13, s12, $0xb8;
	[tilespmem:$0x17880] =	vst v63  }
0x3e8: {  	_ =	swait.ge [sflag:s15], $0x800  }
0x3e9: {  	[sflag:s15] =	ssyncset.done $0x0  }
0x3ea: {  	[sflag:s15] =	ssyncadd.s32 $0xFFFFF800  }
0x3eb: {  	v6 =	vld.idx.msk [tilespmem:v5+s16+$0x0], $0xffff  }
0x3ec: {  	s22 =	simm.s32 $0x30A0  }
0x3ed: {  	s29 =	simm.s32 $0x481;
	v7 =	vld [tilespmem:s22+$0xFFFFFFE0]  }
0x3ee: {  	v8 =	vmov s29;
	v5 =	vld.idx.msk [tilespmem:v5+s17+$0x0], $0xffff  }
0x3ef: {  	v8 =	vand.u32 $0xFFFFFFFD, v8  }
0x3f0: {  	v8 =	vbroadcast v8, $0x0;
	v6 =	vadd.s32 v4, v6;
	_ =	sdelay $0x2  }
0x3f1: {  	v5 =	vmul.f32 v7, v5;
	_ =	sdelay $0x1  }
0x3f2: {  	[tilespmem:v6+s18+$0x0] =	vst.idx.add.f32.msk $0xffff, v5  }
0x3f3: {  	v5 =	vld.idx.msk [tilespmem:v8+s16+$0x0], $0xffff;
	_ =	sdelay $0x1  }
0x3f4: {  	s30 =	simm.s32 $0x482;
	v6 =	vld.idx.msk [tilespmem:v8+s17+$0x0], $0xffff  }
0x3f5: {  	v7 =	vld [tilespmem:s22+$0xFFFFFFF0];
	v8 =	vmov s30  }
0x3f6: {  	v8 =	vand.u32 $0xFFFFFFFE, v8  }
0x3f7: {  	v8 =	vbroadcast v8, $0x0;
	v5 =	vadd.s32 v4, v5;
	_ =	sdelay $0x2  }
0x3f8: {  	v6 =	vmul.f32 v7, v6;
	_ =	sdelay $0x1  }
0x3f9: {  	[tilespmem:v5+s18+$0x0] =	vst.idx.add.f32.msk $0xffff, v6  }
0x3fa: {  	v5 =	vld.idx.msk [tilespmem:v8+s16+$0x0], $0xffff;
	_ =	sdelay $0x1  }
0x3fb: {  	v6 =	vld.idx.msk [tilespmem:v8+s17+$0x0], $0xffff  }
0x3fc: {  	v7 =	vld [tilespmem:s22+$0x0];
	_ =	sdelay $0x1  }
0x3fd: {  	s31 =	simm.s32 $0x483;
	v5 =	vadd.s32 v4, v5  }
0x3fe: {  	v8 =	vmov s31;
	_ =	sdelay $0x1  }
0x3ff: {  	v6 =	vmul.f32 v7, v6;
	_ =	sdelay $0x1  }
0x400: {  	[tilespmem:v5+s18+$0x0] =	vst.idx.add.f32.msk $0xffff, v6  }
0x401: {  	v6 =	vld.idx.msk [tilespmem:v8+s16+$0x0], $0xffff;
	_ =	sdelay $0x1  }
0x402: {  	s23 =	simm.s32 $0x484;
	v7 =	vld.idx.msk [tilespmem:v8+s17+$0x0], $0xffff  }
0x403: {  	v5 =	vmov s23;
	v8 =	vld [tilespmem:s22+$0x10]  }
0x404: {  	v5 =	vand.u32 $0xFFFFFFFC, v5  }
0x405: {  	v5 =	vbroadcast v5, $0x0;
	v6 =	vadd.s32 v4, v6;
	_ =	sdelay $0x2  }
0x406: {  	s24 =	simm.s32 $0x488;
	v7 =	vmul.f32 v8, v7  }
.LBB2_25:
0x407: {  	p0 =	sne.s32 s24, $0x4FC  }
0x408: {  	s22 =	sadd.s32 $0x40, s22;
	s25 =	smov.u32 s24;
	s24 =	sadd.s32 $0x4, s24;
	[tilespmem:v6+s18+$0x0] =	vst.idx.add.f32.msk $0xffff, v7  }
0x409: {  	v6 =	vld.idx.msk [tilespmem:v5+s16+$0x0], $0xffff;
	_ =	sdelay $0x2  }
0x40a: {  	s26 =	sadd.s32 $0x1, s23;
	v5 =	vld.idx.msk [tilespmem:v5+s17+$0x0], $0xffff  }
0x40b: {  	v8 =	vmov s26;
	v7 =	vld [tilespmem:s22+$0xFFFFFFE0]  }
0x40c: {  	v8 =	vand.u32 $0xFFFFFFFD, v8  }
0x40d: {  	v8 =	vbroadcast v8, $0x0;
	v6 =	vadd.s32 v4, v6;
	_ =	sdelay $0x2  }
0x40e: {  	v5 =	vmul.f32 v7, v5;
	_ =	sdelay $0x1  }
0x40f: {  	[tilespmem:v6+s18+$0x0] =	vst.idx.add.f32.msk $0xffff, v5  }
0x410: {  	v5 =	vld.idx.msk [tilespmem:v8+s16+$0x0], $0xffff;
	_ =	sdelay $0x2  }
0x411: {  	s26 =	sadd.s32 $0x2, s23;
	v6 =	vld.idx.msk [tilespmem:v8+s17+$0x0], $0xffff  }
0x412: {  	v8 =	vmov s26;
	v7 =	vld [tilespmem:s22+$0xFFFFFFF0]  }
0x413: {  	v8 =	vand.u32 $0xFFFFFFFE, v8  }
0x414: {  	v5 =	vadd.s32 v4, v5;
	v8 =	vbroadcast v8, $0x0;
	_ =	sdelay $0x2  }
0x415: {  	v6 =	vmul.f32 v7, v6;
	_ =	sdelay $0x1  }
0x416: {  	[tilespmem:v5+s18+$0x0] =	vst.idx.add.f32.msk $0xffff, v6  }
0x417: {  	v5 =	vld.idx.msk [tilespmem:v8+s16+$0x0], $0xffff;
	_ =	sdelay $0x2  }
0x418: {  	v6 =	vld.idx.msk [tilespmem:v8+s17+$0x0], $0xffff  }
0x419: {  	v7 =	vld [tilespmem:s22+$0x0];
	_ =	sdelay $0x1  }
0x41a: {  	s26 =	sadd.s32 $0x3, s23;
	s23 =	smov.u32 s25;
	v5 =	vadd.s32 v4, v5  }
0x41b: {  	v8 =	vmov s26;
	_ =	sdelay $0x1  }
0x41c: {  	v6 =	vmul.f32 v7, v6;
	_ =	sdelay $0x1  }
0x41d: {  	[tilespmem:v5+s18+$0x0] =	vst.idx.add.f32.msk $0xffff, v6  }
0x41e: {  	v6 =	vld.idx.msk [tilespmem:v8+s16+$0x0], $0xffff  }
0x41f: {  	v7 =	vld.idx.msk [tilespmem:v8+s17+$0x0], $0xffff  }
0x420: {  	v8 =	vld [tilespmem:s22+$0x10];
	_ =	sdelay $0x1  }
0x421: {  	v5 =	vmov s23  }
.Ltmp11:
0x422: {  	v5 =	vand.u32 $0xFFFFFFFC, v5;
	(pc) =	sbr.rel @p0 .LBB2_25-.Ltmp11, $2  }
0x423: {  	v5 =	vbroadcast v5, $0x0;
	v6 =	vadd.s32 v4, v6;
	_ =	sdelay $0x2  }
0x424: {  	v7 =	vmul.f32 v8, v7  }
0x425: {  	_ =	sdelay $0x3  }
0x426: {  	[tilespmem:v6+s18+$0x0] =	vst.idx.add.f32.msk $0xffff, v7  }
0x427: {  	v6 =	vld.idx.msk [tilespmem:v5+s16+$0x0], $0xffff;
	_ =	sdelay $0x1  }
0x428: {  	s22 =	sadd.s32 $0x40, s22;
	s24 =	sadd.s32 $0x1, s23;
	v5 =	vld.idx.msk [tilespmem:v5+s17+$0x0], $0xffff  }
0x429: {  	v8 =	vmov s24;
	v7 =	vld [tilespmem:s22+$0xFFFFFFE0]  }
0x42a: {  	v8 =	vand.u32 $0xFFFFFFFD, v8  }
0x42b: {  	v8 =	vbroadcast v8, $0x0;
	v6 =	vadd.s32 v4, v6;
	_ =	sdelay $0x2  }
0x42c: {  	v5 =	vmul.f32 v7, v5;
	_ =	sdelay $0x1  }
0x42d: {  	[tilespmem:v6+s18+$0x0] =	vst.idx.add.f32.msk $0xffff, v5  }
0x42e: {  	v5 =	vld.idx.msk [tilespmem:v8+s16+$0x0], $0xffff;
	_ =	sdelay $0x1  }
0x42f: {  	s25 =	sadd.s32 $0x2, s23;
	v6 =	vld.idx.msk [tilespmem:v8+s17+$0x0], $0xffff  }
0x430: {  	v7 =	vld [tilespmem:s22+$0xFFFFFFF0];
	v8 =	vmov s25  }
0x431: {  	v8 =	vand.u32 $0xFFFFFFFE, v8  }
0x432: {  	v8 =	vbroadcast v8, $0x0;
	v5 =	vadd.s32 v4, v5;
	_ =	sdelay $0x2  }
0x433: {  	v6 =	vmul.f32 v7, v6;
	_ =	sdelay $0x1  }
0x434: {  	[tilespmem:v5+s18+$0x0] =	vst.idx.add.f32.msk $0xffff, v6  }
0x435: {  	v5 =	vld.idx.msk [tilespmem:v8+s16+$0x0], $0xffff;
	_ =	sdelay $0x1  }
0x436: {  	v6 =	vld.idx.msk [tilespmem:v8+s17+$0x0], $0xffff  }
0x437: {  	v7 =	vld [tilespmem:s22+$0x0];
	_ =	sdelay $0x1  }
0x438: {  	s26 =	sadd.s32 $0x3, s23;
	v5 =	vadd.s32 v4, v5  }
0x439: {  	v8 =	vmov s26;
	_ =	sdelay $0x1  }
0x43a: {  	v6 =	vmul.f32 v7, v6;
	_ =	sdelay $0x1  }
0x43b: {  	[tilespmem:v5+s18+$0x0] =	vst.idx.add.f32.msk $0xffff, v6  }
0x43c: {  	v5 =	vld.idx.msk [tilespmem:v8+s16+$0x0], $0xffff;
	_ =	sdelay $0x1  }
0x43d: {  	v6 =	vld.idx.msk [tilespmem:v8+s17+$0x0], $0xffff  }
0x43e: {  	v7 =	vld [tilespmem:s22+$0x10];
	_ =	sdelay $0x1  }
0x43f: {  	v5 =	vadd.s32 v4, v5;
	_ =	sdelay $0x2  }
0x440: {  	v6 =	vmul.f32 v7, v6;
	_ =	sdelay $0x1  }
0x441: {  	[tilespmem:v5+s18+$0x0] =	vst.idx.add.f32.msk $0xffff, v6  }
0x442: {  	v5 =	vld [tilespmem:$0xD00]  }
0x443: {  	v6 =	vld [tilespmem:$0xD10]  }
0x444: {  	v7 =	vld [tilespmem:$0xD20]  }
0x445: {  	v8 =	vld [tilespmem:$0xD30]  }
0x446: {  	v9 =	vld [tilespmem:$0xD40]  }
0x447: {  	[tilespmem:$0x3000] =	vst v5;
	v5 =	vld [tilespmem:$0xD50]  }
0x448: {  	[tilespmem:$0x3010] =	vst v6;
	v6 =	vld [tilespmem:$0xD60]  }
0x449: {  	[tilespmem:$0x3020] =	vst v7;
	v7 =	vld [tilespmem:$0xD70]  }
0x44a: {  	s28 =	simm.s32 $0x500;
	[tilespmem:$0x3030] =	vst v8  }
0x44b: {  	[tilespmem:$0x3040] =	vst v9;
	v8 =	vmov s28  }
0x44c: {  	[tilespmem:$0x3050] =	vst v5;
	v5 =	vand.u32 $0xFFFFFFFC, v8  }
0x44d: {  	[tilespmem:$0x3060] =	vst v6;
	v5 =	vbroadcast v5, $0x0  }
0x44e: {  	[tilespmem:$0x3070] =	vst v7  }
0x44f: {  	[tilespmem:s14], [sflag:$0x1] =	stream.indirect.gather [hbm4b:s3+s12], $0x10, s13, s12, $0xb8;
	[tilespmem:$0x17880] =	vst v63  }
0x450: {  	_ =	swait.ge [sflag:s15], $0x800  }
0x451: {  	[sflag:s15] =	ssyncset.done $0x0  }
0x452: {  	[sflag:s15] =	ssyncadd.s32 $0xFFFFF800  }
0x453: {  	v6 =	vld.idx.msk [tilespmem:v5+s16+$0x0], $0xffff  }
0x454: {  	s22 =	simm.s32 $0x30A0  }
0x455: {  	s29 =	simm.s32 $0x501;
	v7 =	vld [tilespmem:s22+$0xFFFFFFE0]  }
0x456: {  	v8 =	vmov s29;
	v5 =	vld.idx.msk [tilespmem:v5+s17+$0x0], $0xffff  }
0x457: {  	v8 =	vand.u32 $0xFFFFFFFD, v8  }
0x458: {  	v8 =	vbroadcast v8, $0x0;
	v6 =	vadd.s32 v4, v6;
	_ =	sdelay $0x2  }
0x459: {  	v5 =	vmul.f32 v7, v5;
	_ =	sdelay $0x1  }
0x45a: {  	[tilespmem:v6+s18+$0x0] =	vst.idx.add.f32.msk $0xffff, v5  }
0x45b: {  	v5 =	vld.idx.msk [tilespmem:v8+s16+$0x0], $0xffff;
	_ =	sdelay $0x1  }
0x45c: {  	s30 =	simm.s32 $0x502;
	v6 =	vld.idx.msk [tilespmem:v8+s17+$0x0], $0xffff  }
0x45d: {  	v7 =	vld [tilespmem:s22+$0xFFFFFFF0];
	v8 =	vmov s30  }
0x45e: {  	v8 =	vand.u32 $0xFFFFFFFE, v8  }
0x45f: {  	v8 =	vbroadcast v8, $0x0;
	v5 =	vadd.s32 v4, v5;
	_ =	sdelay $0x2  }
0x460: {  	v6 =	vmul.f32 v7, v6;
	_ =	sdelay $0x1  }
0x461: {  	[tilespmem:v5+s18+$0x0] =	vst.idx.add.f32.msk $0xffff, v6  }
0x462: {  	v5 =	vld.idx.msk [tilespmem:v8+s16+$0x0], $0xffff;
	_ =	sdelay $0x1  }
0x463: {  	v6 =	vld.idx.msk [tilespmem:v8+s17+$0x0], $0xffff  }
0x464: {  	v7 =	vld [tilespmem:s22+$0x0];
	_ =	sdelay $0x1  }
0x465: {  	s31 =	simm.s32 $0x503;
	v5 =	vadd.s32 v4, v5  }
0x466: {  	v8 =	vmov s31;
	_ =	sdelay $0x1  }
0x467: {  	v6 =	vmul.f32 v7, v6;
	_ =	sdelay $0x1  }
0x468: {  	[tilespmem:v5+s18+$0x0] =	vst.idx.add.f32.msk $0xffff, v6  }
0x469: {  	v6 =	vld.idx.msk [tilespmem:v8+s16+$0x0], $0xffff;
	_ =	sdelay $0x1  }
0x46a: {  	s23 =	simm.s32 $0x504;
	v7 =	vld.idx.msk [tilespmem:v8+s17+$0x0], $0xffff  }
0x46b: {  	v5 =	vmov s23;
	v8 =	vld [tilespmem:s22+$0x10]  }
0x46c: {  	v5 =	vand.u32 $0xFFFFFFFC, v5  }
0x46d: {  	v5 =	vbroadcast v5, $0x0;
	v6 =	vadd.s32 v4, v6;
	_ =	sdelay $0x2  }
0x46e: {  	s24 =	simm.s32 $0x508;
	v7 =	vmul.f32 v8, v7  }
.LBB2_27:
0x46f: {  	p0 =	sne.s32 s24, $0x57C  }
0x470: {  	s22 =	sadd.s32 $0x40, s22;
	s25 =	smov.u32 s24;
	s24 =	sadd.s32 $0x4, s24;
	[tilespmem:v6+s18+$0x0] =	vst.idx.add.f32.msk $0xffff, v7  }
0x471: {  	v6 =	vld.idx.msk [tilespmem:v5+s16+$0x0], $0xffff;
	_ =	sdelay $0x2  }
0x472: {  	s26 =	sadd.s32 $0x1, s23;
	v5 =	vld.idx.msk [tilespmem:v5+s17+$0x0], $0xffff  }
0x473: {  	v8 =	vmov s26;
	v7 =	vld [tilespmem:s22+$0xFFFFFFE0]  }
0x474: {  	v8 =	vand.u32 $0xFFFFFFFD, v8  }
0x475: {  	v8 =	vbroadcast v8, $0x0;
	v6 =	vadd.s32 v4, v6;
	_ =	sdelay $0x2  }
0x476: {  	v5 =	vmul.f32 v7, v5;
	_ =	sdelay $0x1  }
0x477: {  	[tilespmem:v6+s18+$0x0] =	vst.idx.add.f32.msk $0xffff, v5  }
0x478: {  	v5 =	vld.idx.msk [tilespmem:v8+s16+$0x0], $0xffff;
	_ =	sdelay $0x2  }
0x479: {  	s26 =	sadd.s32 $0x2, s23;
	v6 =	vld.idx.msk [tilespmem:v8+s17+$0x0], $0xffff  }
0x47a: {  	v8 =	vmov s26;
	v7 =	vld [tilespmem:s22+$0xFFFFFFF0]  }
0x47b: {  	v8 =	vand.u32 $0xFFFFFFFE, v8  }
0x47c: {  	v5 =	vadd.s32 v4, v5;
	v8 =	vbroadcast v8, $0x0;
	_ =	sdelay $0x2  }
0x47d: {  	v6 =	vmul.f32 v7, v6;
	_ =	sdelay $0x1  }
0x47e: {  	[tilespmem:v5+s18+$0x0] =	vst.idx.add.f32.msk $0xffff, v6  }
0x47f: {  	v5 =	vld.idx.msk [tilespmem:v8+s16+$0x0], $0xffff;
	_ =	sdelay $0x2  }
0x480: {  	v6 =	vld.idx.msk [tilespmem:v8+s17+$0x0], $0xffff  }
0x481: {  	v7 =	vld [tilespmem:s22+$0x0];
	_ =	sdelay $0x1  }
0x482: {  	s26 =	sadd.s32 $0x3, s23;
	s23 =	smov.u32 s25;
	v5 =	vadd.s32 v4, v5  }
0x483: {  	v8 =	vmov s26;
	_ =	sdelay $0x1  }
0x484: {  	v6 =	vmul.f32 v7, v6;
	_ =	sdelay $0x1  }
0x485: {  	[tilespmem:v5+s18+$0x0] =	vst.idx.add.f32.msk $0xffff, v6  }
0x486: {  	v6 =	vld.idx.msk [tilespmem:v8+s16+$0x0], $0xffff  }
0x487: {  	v7 =	vld.idx.msk [tilespmem:v8+s17+$0x0], $0xffff  }
0x488: {  	v8 =	vld [tilespmem:s22+$0x10];
	_ =	sdelay $0x1  }
0x489: {  	v5 =	vmov s23  }
.Ltmp12:
0x48a: {  	v5 =	vand.u32 $0xFFFFFFFC, v5;
	(pc) =	sbr.rel @p0 .LBB2_27-.Ltmp12, $2  }
0x48b: {  	v5 =	vbroadcast v5, $0x0;
	v6 =	vadd.s32 v4, v6;
	_ =	sdelay $0x2  }
0x48c: {  	v7 =	vmul.f32 v8, v7  }
0x48d: {  	_ =	sdelay $0x3  }
0x48e: {  	[tilespmem:v6+s18+$0x0] =	vst.idx.add.f32.msk $0xffff, v7  }
0x48f: {  	v6 =	vld.idx.msk [tilespmem:v5+s16+$0x0], $0xffff;
	_ =	sdelay $0x1  }
0x490: {  	s22 =	sadd.s32 $0x40, s22;
	s24 =	sadd.s32 $0x1, s23;
	v5 =	vld.idx.msk [tilespmem:v5+s17+$0x0], $0xffff  }
0x491: {  	v8 =	vmov s24;
	v7 =	vld [tilespmem:s22+$0xFFFFFFE0]  }
0x492: {  	v8 =	vand.u32 $0xFFFFFFFD, v8  }
0x493: {  	v8 =	vbroadcast v8, $0x0;
	v6 =	vadd.s32 v4, v6;
	_ =	sdelay $0x2  }
0x494: {  	v5 =	vmul.f32 v7, v5;
	_ =	sdelay $0x1  }
0x495: {  	[tilespmem:v6+s18+$0x0] =	vst.idx.add.f32.msk $0xffff, v5  }
0x496: {  	v5 =	vld.idx.msk [tilespmem:v8+s16+$0x0], $0xffff;
	_ =	sdelay $0x1  }
0x497: {  	s25 =	sadd.s32 $0x2, s23;
	v6 =	vld.idx.msk [tilespmem:v8+s17+$0x0], $0xffff  }
0x498: {  	v7 =	vld [tilespmem:s22+$0xFFFFFFF0];
	v8 =	vmov s25  }
0x499: {  	v8 =	vand.u32 $0xFFFFFFFE, v8  }
0x49a: {  	v8 =	vbroadcast v8, $0x0;
	v5 =	vadd.s32 v4, v5;
	_ =	sdelay $0x2  }
0x49b: {  	v6 =	vmul.f32 v7, v6;
	_ =	sdelay $0x1  }
0x49c: {  	[tilespmem:v5+s18+$0x0] =	vst.idx.add.f32.msk $0xffff, v6  }
0x49d: {  	v5 =	vld.idx.msk [tilespmem:v8+s16+$0x0], $0xffff;
	_ =	sdelay $0x1  }
0x49e: {  	v6 =	vld.idx.msk [tilespmem:v8+s17+$0x0], $0xffff  }
0x49f: {  	v7 =	vld [tilespmem:s22+$0x0];
	_ =	sdelay $0x1  }
0x4a0: {  	s26 =	sadd.s32 $0x3, s23;
	v5 =	vadd.s32 v4, v5  }
0x4a1: {  	v8 =	vmov s26;
	_ =	sdelay $0x1  }
0x4a2: {  	v6 =	vmul.f32 v7, v6;
	_ =	sdelay $0x1  }
0x4a3: {  	[tilespmem:v5+s18+$0x0] =	vst.idx.add.f32.msk $0xffff, v6  }
0x4a4: {  	v5 =	vld.idx.msk [tilespmem:v8+s16+$0x0], $0xffff;
	_ =	sdelay $0x1  }
0x4a5: {  	v6 =	vld.idx.msk [tilespmem:v8+s17+$0x0], $0xffff  }
0x4a6: {  	v7 =	vld [tilespmem:s22+$0x10];
	_ =	sdelay $0x1  }
0x4a7: {  	v5 =	vadd.s32 v4, v5;
	_ =	sdelay $0x2  }
0x4a8: {  	v6 =	vmul.f32 v7, v6;
	_ =	sdelay $0x1  }
0x4a9: {  	[tilespmem:v5+s18+$0x0] =	vst.idx.add.f32.msk $0xffff, v6  }
0x4aa: {  	v5 =	vld [tilespmem:$0xD80]  }
0x4ab: {  	v6 =	vld [tilespmem:$0xD90]  }
0x4ac: {  	v7 =	vld [tilespmem:$0xDA0]  }
0x4ad: {  	v8 =	vld [tilespmem:$0xDB0]  }
0x4ae: {  	v9 =	vld [tilespmem:$0xDC0]  }
0x4af: {  	[tilespmem:$0x3000] =	vst v5;
	v5 =	vld [tilespmem:$0xDD0]  }
0x4b0: {  	[tilespmem:$0x3010] =	vst v6;
	v6 =	vld [tilespmem:$0xDE0]  }
0x4b1: {  	[tilespmem:$0x3020] =	vst v7;
	v7 =	vld [tilespmem:$0xDF0]  }
0x4b2: {  	s28 =	simm.s32 $0x580;
	[tilespmem:$0x3030] =	vst v8  }
0x4b3: {  	[tilespmem:$0x3040] =	vst v9;
	v8 =	vmov s28  }
0x4b4: {  	[tilespmem:$0x3050] =	vst v5;
	v5 =	vand.u32 $0xFFFFFFFC, v8  }
0x4b5: {  	[tilespmem:$0x3060] =	vst v6;
	v5 =	vbroadcast v5, $0x0  }
0x4b6: {  	[tilespmem:$0x3070] =	vst v7  }
0x4b7: {  	[tilespmem:s14], [sflag:$0x1] =	stream.indirect.gather [hbm4b:s3+s12], $0x10, s13, s12, $0xb8;
	[tilespmem:$0x17880] =	vst v63  }
0x4b8: {  	_ =	swait.ge [sflag:s15], $0x800  }
0x4b9: {  	[sflag:s15] =	ssyncset.done $0x0  }
0x4ba: {  	[sflag:s15] =	ssyncadd.s32 $0xFFFFF800  }
0x4bb: {  	v6 =	vld.idx.msk [tilespmem:v5+s16+$0x0], $0xffff  }
0x4bc: {  	s22 =	simm.s32 $0x30A0  }
0x4bd: {  	s29 =	simm.s32 $0x581;
	v7 =	vld [tilespmem:s22+$0xFFFFFFE0]  }
0x4be: {  	v8 =	vmov s29;
	v5 =	vld.idx.msk [tilespmem:v5+s17+$0x0], $0xffff  }
0x4bf: {  	v8 =	vand.u32 $0xFFFFFFFD, v8  }
0x4c0: {  	v8 =	vbroadcast v8, $0x0;
	v6 =	vadd.s32 v4, v6;
	_ =	sdelay $0x2  }
0x4c1: {  	v5 =	vmul.f32 v7, v5;
	_ =	sdelay $0x1  }
0x4c2: {  	[tilespmem:v6+s18+$0x0] =	vst.idx.add.f32.msk $0xffff, v5  }
0x4c3: {  	v5 =	vld.idx.msk [tilespmem:v8+s16+$0x0], $0xffff;
	_ =	sdelay $0x1  }
0x4c4: {  	s30 =	simm.s32 $0x582;
	v6 =	vld.idx.msk [tilespmem:v8+s17+$0x0], $0xffff  }
0x4c5: {  	v7 =	vld [tilespmem:s22+$0xFFFFFFF0];
	v8 =	vmov s30  }
0x4c6: {  	v8 =	vand.u32 $0xFFFFFFFE, v8  }
0x4c7: {  	v8 =	vbroadcast v8, $0x0;
	v5 =	vadd.s32 v4, v5;
	_ =	sdelay $0x2  }
0x4c8: {  	v6 =	vmul.f32 v7, v6;
	_ =	sdelay $0x1  }
0x4c9: {  	[tilespmem:v5+s18+$0x0] =	vst.idx.add.f32.msk $0xffff, v6  }
0x4ca: {  	v5 =	vld.idx.msk [tilespmem:v8+s16+$0x0], $0xffff;
	_ =	sdelay $0x1  }
0x4cb: {  	v6 =	vld.idx.msk [tilespmem:v8+s17+$0x0], $0xffff  }
0x4cc: {  	v7 =	vld [tilespmem:s22+$0x0];
	_ =	sdelay $0x1  }
0x4cd: {  	s31 =	simm.s32 $0x583;
	v5 =	vadd.s32 v4, v5  }
0x4ce: {  	v8 =	vmov s31;
	_ =	sdelay $0x1  }
0x4cf: {  	v6 =	vmul.f32 v7, v6;
	_ =	sdelay $0x1  }
0x4d0: {  	[tilespmem:v5+s18+$0x0] =	vst.idx.add.f32.msk $0xffff, v6  }
0x4d1: {  	v6 =	vld.idx.msk [tilespmem:v8+s16+$0x0], $0xffff;
	_ =	sdelay $0x1  }
0x4d2: {  	s23 =	simm.s32 $0x584;
	v7 =	vld.idx.msk [tilespmem:v8+s17+$0x0], $0xffff  }
0x4d3: {  	v5 =	vmov s23;
	v8 =	vld [tilespmem:s22+$0x10]  }
0x4d4: {  	v5 =	vand.u32 $0xFFFFFFFC, v5  }
0x4d5: {  	v5 =	vbroadcast v5, $0x0;
	v6 =	vadd.s32 v4, v6;
	_ =	sdelay $0x2  }
0x4d6: {  	s24 =	simm.s32 $0x588;
	v7 =	vmul.f32 v8, v7  }
.LBB2_29:
0x4d7: {  	p0 =	sne.s32 s24, $0x5FC  }
0x4d8: {  	s22 =	sadd.s32 $0x40, s22;
	s25 =	smov.u32 s24;
	s24 =	sadd.s32 $0x4, s24;
	[tilespmem:v6+s18+$0x0] =	vst.idx.add.f32.msk $0xffff, v7  }
0x4d9: {  	v6 =	vld.idx.msk [tilespmem:v5+s16+$0x0], $0xffff;
	_ =	sdelay $0x2  }
0x4da: {  	s26 =	sadd.s32 $0x1, s23;
	v5 =	vld.idx.msk [tilespmem:v5+s17+$0x0], $0xffff  }
0x4db: {  	v8 =	vmov s26;
	v7 =	vld [tilespmem:s22+$0xFFFFFFE0]  }
0x4dc: {  	v8 =	vand.u32 $0xFFFFFFFD, v8  }
0x4dd: {  	v8 =	vbroadcast v8, $0x0;
	v6 =	vadd.s32 v4, v6;
	_ =	sdelay $0x2  }
0x4de: {  	v5 =	vmul.f32 v7, v5;
	_ =	sdelay $0x1  }
0x4df: {  	[tilespmem:v6+s18+$0x0] =	vst.idx.add.f32.msk $0xffff, v5  }
0x4e0: {  	v5 =	vld.idx.msk [tilespmem:v8+s16+$0x0], $0xffff;
	_ =	sdelay $0x2  }
0x4e1: {  	s26 =	sadd.s32 $0x2, s23;
	v6 =	vld.idx.msk [tilespmem:v8+s17+$0x0], $0xffff  }
0x4e2: {  	v8 =	vmov s26;
	v7 =	vld [tilespmem:s22+$0xFFFFFFF0]  }
0x4e3: {  	v8 =	vand.u32 $0xFFFFFFFE, v8  }
0x4e4: {  	v5 =	vadd.s32 v4, v5;
	v8 =	vbroadcast v8, $0x0;
	_ =	sdelay $0x2  }
0x4e5: {  	v6 =	vmul.f32 v7, v6;
	_ =	sdelay $0x1  }
0x4e6: {  	[tilespmem:v5+s18+$0x0] =	vst.idx.add.f32.msk $0xffff, v6  }
0x4e7: {  	v5 =	vld.idx.msk [tilespmem:v8+s16+$0x0], $0xffff;
	_ =	sdelay $0x2  }
0x4e8: {  	v6 =	vld.idx.msk [tilespmem:v8+s17+$0x0], $0xffff  }
0x4e9: {  	v7 =	vld [tilespmem:s22+$0x0];
	_ =	sdelay $0x1  }
0x4ea: {  	s26 =	sadd.s32 $0x3, s23;
	s23 =	smov.u32 s25;
	v5 =	vadd.s32 v4, v5  }
0x4eb: {  	v8 =	vmov s26;
	_ =	sdelay $0x1  }
0x4ec: {  	v6 =	vmul.f32 v7, v6;
	_ =	sdelay $0x1  }
0x4ed: {  	[tilespmem:v5+s18+$0x0] =	vst.idx.add.f32.msk $0xffff, v6  }
0x4ee: {  	v6 =	vld.idx.msk [tilespmem:v8+s16+$0x0], $0xffff  }
0x4ef: {  	v7 =	vld.idx.msk [tilespmem:v8+s17+$0x0], $0xffff  }
0x4f0: {  	v8 =	vld [tilespmem:s22+$0x10];
	_ =	sdelay $0x1  }
0x4f1: {  	v5 =	vmov s23  }
.Ltmp13:
0x4f2: {  	v5 =	vand.u32 $0xFFFFFFFC, v5;
	(pc) =	sbr.rel @p0 .LBB2_29-.Ltmp13, $2  }
0x4f3: {  	v5 =	vbroadcast v5, $0x0;
	v6 =	vadd.s32 v4, v6;
	_ =	sdelay $0x2  }
0x4f4: {  	v7 =	vmul.f32 v8, v7  }
0x4f5: {  	_ =	sdelay $0x3  }
0x4f6: {  	[tilespmem:v6+s18+$0x0] =	vst.idx.add.f32.msk $0xffff, v7  }
0x4f7: {  	v6 =	vld.idx.msk [tilespmem:v5+s16+$0x0], $0xffff;
	_ =	sdelay $0x1  }
0x4f8: {  	s22 =	sadd.s32 $0x40, s22;
	s24 =	sadd.s32 $0x1, s23;
	v5 =	vld.idx.msk [tilespmem:v5+s17+$0x0], $0xffff  }
0x4f9: {  	v8 =	vmov s24;
	v7 =	vld [tilespmem:s22+$0xFFFFFFE0]  }
0x4fa: {  	v8 =	vand.u32 $0xFFFFFFFD, v8  }
0x4fb: {  	v8 =	vbroadcast v8, $0x0;
	v6 =	vadd.s32 v4, v6;
	_ =	sdelay $0x2  }
0x4fc: {  	v5 =	vmul.f32 v7, v5;
	_ =	sdelay $0x1  }
0x4fd: {  	[tilespmem:v6+s18+$0x0] =	vst.idx.add.f32.msk $0xffff, v5  }
0x4fe: {  	v5 =	vld.idx.msk [tilespmem:v8+s16+$0x0], $0xffff;
	_ =	sdelay $0x1  }
0x4ff: {  	s25 =	sadd.s32 $0x2, s23;
	v6 =	vld.idx.msk [tilespmem:v8+s17+$0x0], $0xffff  }
0x500: {  	v7 =	vld [tilespmem:s22+$0xFFFFFFF0];
	v8 =	vmov s25  }
0x501: {  	v8 =	vand.u32 $0xFFFFFFFE, v8  }
0x502: {  	v8 =	vbroadcast v8, $0x0;
	v5 =	vadd.s32 v4, v5;
	_ =	sdelay $0x2  }
0x503: {  	v6 =	vmul.f32 v7, v6;
	_ =	sdelay $0x1  }
0x504: {  	[tilespmem:v5+s18+$0x0] =	vst.idx.add.f32.msk $0xffff, v6  }
0x505: {  	v5 =	vld.idx.msk [tilespmem:v8+s16+$0x0], $0xffff;
	_ =	sdelay $0x1  }
0x506: {  	v6 =	vld.idx.msk [tilespmem:v8+s17+$0x0], $0xffff  }
0x507: {  	v7 =	vld [tilespmem:s22+$0x0];
	_ =	sdelay $0x1  }
0x508: {  	s26 =	sadd.s32 $0x3, s23;
	v5 =	vadd.s32 v4, v5  }
0x509: {  	v8 =	vmov s26;
	_ =	sdelay $0x1  }
0x50a: {  	v6 =	vmul.f32 v7, v6;
	_ =	sdelay $0x1  }
0x50b: {  	[tilespmem:v5+s18+$0x0] =	vst.idx.add.f32.msk $0xffff, v6  }
0x50c: {  	v5 =	vld.idx.msk [tilespmem:v8+s16+$0x0], $0xffff;
	_ =	sdelay $0x1  }
0x50d: {  	v6 =	vld.idx.msk [tilespmem:v8+s17+$0x0], $0xffff  }
0x50e: {  	v7 =	vld [tilespmem:s22+$0x10];
	_ =	sdelay $0x1  }
0x50f: {  	v5 =	vadd.s32 v4, v5;
	_ =	sdelay $0x2  }
0x510: {  	v6 =	vmul.f32 v7, v6;
	_ =	sdelay $0x1  }
0x511: {  	[tilespmem:v5+s18+$0x0] =	vst.idx.add.f32.msk $0xffff, v6  }
0x512: {  	v5 =	vld [tilespmem:$0xE00]  }
0x513: {  	v6 =	vld [tilespmem:$0xE10]  }
0x514: {  	v7 =	vld [tilespmem:$0xE20]  }
0x515: {  	v8 =	vld [tilespmem:$0xE30]  }
0x516: {  	v9 =	vld [tilespmem:$0xE40]  }
0x517: {  	[tilespmem:$0x3000] =	vst v5;
	v5 =	vld [tilespmem:$0xE50]  }
0x518: {  	[tilespmem:$0x3010] =	vst v6;
	v6 =	vld [tilespmem:$0xE60]  }
0x519: {  	[tilespmem:$0x3020] =	vst v7;
	v7 =	vld [tilespmem:$0xE70]  }
0x51a: {  	s28 =	simm.s32 $0x600;
	[tilespmem:$0x3030] =	vst v8  }
0x51b: {  	[tilespmem:$0x3040] =	vst v9;
	v8 =	vmov s28  }
0x51c: {  	[tilespmem:$0x3050] =	vst v5;
	v5 =	vand.u32 $0xFFFFFFFC, v8  }
0x51d: {  	[tilespmem:$0x3060] =	vst v6;
	v5 =	vbroadcast v5, $0x0  }
0x51e: {  	[tilespmem:$0x3070] =	vst v7  }
0x51f: {  	[tilespmem:s14], [sflag:$0x1] =	stream.indirect.gather [hbm4b:s3+s12], $0x10, s13, s12, $0xb8;
	[tilespmem:$0x17880] =	vst v63  }
0x520: {  	_ =	swait.ge [sflag:s15], $0x800  }
0x521: {  	[sflag:s15] =	ssyncset.done $0x0  }
0x522: {  	[sflag:s15] =	ssyncadd.s32 $0xFFFFF800  }
0x523: {  	v6 =	vld.idx.msk [tilespmem:v5+s16+$0x0], $0xffff  }
0x524: {  	s22 =	simm.s32 $0x30A0  }
0x525: {  	s29 =	simm.s32 $0x601;
	v7 =	vld [tilespmem:s22+$0xFFFFFFE0]  }
0x526: {  	v8 =	vmov s29;
	v5 =	vld.idx.msk [tilespmem:v5+s17+$0x0], $0xffff  }
0x527: {  	v8 =	vand.u32 $0xFFFFFFFD, v8  }
0x528: {  	v8 =	vbroadcast v8, $0x0;
	v6 =	vadd.s32 v4, v6;
	_ =	sdelay $0x2  }
0x529: {  	v5 =	vmul.f32 v7, v5;
	_ =	sdelay $0x1  }
0x52a: {  	[tilespmem:v6+s18+$0x0] =	vst.idx.add.f32.msk $0xffff, v5  }
0x52b: {  	v5 =	vld.idx.msk [tilespmem:v8+s16+$0x0], $0xffff;
	_ =	sdelay $0x1  }
0x52c: {  	s30 =	simm.s32 $0x602;
	v6 =	vld.idx.msk [tilespmem:v8+s17+$0x0], $0xffff  }
0x52d: {  	v7 =	vld [tilespmem:s22+$0xFFFFFFF0];
	v8 =	vmov s30  }
0x52e: {  	v8 =	vand.u32 $0xFFFFFFFE, v8  }
0x52f: {  	v8 =	vbroadcast v8, $0x0;
	v5 =	vadd.s32 v4, v5;
	_ =	sdelay $0x2  }
0x530: {  	v6 =	vmul.f32 v7, v6;
	_ =	sdelay $0x1  }
0x531: {  	[tilespmem:v5+s18+$0x0] =	vst.idx.add.f32.msk $0xffff, v6  }
0x532: {  	v5 =	vld.idx.msk [tilespmem:v8+s16+$0x0], $0xffff;
	_ =	sdelay $0x1  }
0x533: {  	v6 =	vld.idx.msk [tilespmem:v8+s17+$0x0], $0xffff  }
0x534: {  	v7 =	vld [tilespmem:s22+$0x0];
	_ =	sdelay $0x1  }
0x535: {  	s31 =	simm.s32 $0x603;
	v5 =	vadd.s32 v4, v5  }
0x536: {  	v8 =	vmov s31;
	_ =	sdelay $0x1  }
0x537: {  	v6 =	vmul.f32 v7, v6;
	_ =	sdelay $0x1  }
0x538: {  	[tilespmem:v5+s18+$0x0] =	vst.idx.add.f32.msk $0xffff, v6  }
0x539: {  	v6 =	vld.idx.msk [tilespmem:v8+s16+$0x0], $0xffff;
	_ =	sdelay $0x1  }
0x53a: {  	s23 =	simm.s32 $0x604;
	v7 =	vld.idx.msk [tilespmem:v8+s17+$0x0], $0xffff  }
0x53b: {  	v5 =	vmov s23;
	v8 =	vld [tilespmem:s22+$0x10]  }
0x53c: {  	v5 =	vand.u32 $0xFFFFFFFC, v5  }
0x53d: {  	v5 =	vbroadcast v5, $0x0;
	v6 =	vadd.s32 v4, v6;
	_ =	sdelay $0x2  }
0x53e: {  	s24 =	simm.s32 $0x608;
	v7 =	vmul.f32 v8, v7  }
.LBB2_31:
0x53f: {  	p0 =	sne.s32 s24, $0x67C  }
0x540: {  	s22 =	sadd.s32 $0x40, s22;
	s25 =	smov.u32 s24;
	s24 =	sadd.s32 $0x4, s24;
	[tilespmem:v6+s18+$0x0] =	vst.idx.add.f32.msk $0xffff, v7  }
0x541: {  	v6 =	vld.idx.msk [tilespmem:v5+s16+$0x0], $0xffff;
	_ =	sdelay $0x2  }
0x542: {  	s26 =	sadd.s32 $0x1, s23;
	v5 =	vld.idx.msk [tilespmem:v5+s17+$0x0], $0xffff  }
0x543: {  	v8 =	vmov s26;
	v7 =	vld [tilespmem:s22+$0xFFFFFFE0]  }
0x544: {  	v8 =	vand.u32 $0xFFFFFFFD, v8  }
0x545: {  	v8 =	vbroadcast v8, $0x0;
	v6 =	vadd.s32 v4, v6;
	_ =	sdelay $0x2  }
0x546: {  	v5 =	vmul.f32 v7, v5;
	_ =	sdelay $0x1  }
0x547: {  	[tilespmem:v6+s18+$0x0] =	vst.idx.add.f32.msk $0xffff, v5  }
0x548: {  	v5 =	vld.idx.msk [tilespmem:v8+s16+$0x0], $0xffff;
	_ =	sdelay $0x2  }
0x549: {  	s26 =	sadd.s32 $0x2, s23;
	v6 =	vld.idx.msk [tilespmem:v8+s17+$0x0], $0xffff  }
0x54a: {  	v8 =	vmov s26;
	v7 =	vld [tilespmem:s22+$0xFFFFFFF0]  }
0x54b: {  	v8 =	vand.u32 $0xFFFFFFFE, v8  }
0x54c: {  	v5 =	vadd.s32 v4, v5;
	v8 =	vbroadcast v8, $0x0;
	_ =	sdelay $0x2  }
0x54d: {  	v6 =	vmul.f32 v7, v6;
	_ =	sdelay $0x1  }
0x54e: {  	[tilespmem:v5+s18+$0x0] =	vst.idx.add.f32.msk $0xffff, v6  }
0x54f: {  	v5 =	vld.idx.msk [tilespmem:v8+s16+$0x0], $0xffff;
	_ =	sdelay $0x2  }
0x550: {  	v6 =	vld.idx.msk [tilespmem:v8+s17+$0x0], $0xffff  }
0x551: {  	v7 =	vld [tilespmem:s22+$0x0];
	_ =	sdelay $0x1  }
0x552: {  	s26 =	sadd.s32 $0x3, s23;
	s23 =	smov.u32 s25;
	v5 =	vadd.s32 v4, v5  }
0x553: {  	v8 =	vmov s26;
	_ =	sdelay $0x1  }
0x554: {  	v6 =	vmul.f32 v7, v6;
	_ =	sdelay $0x1  }
0x555: {  	[tilespmem:v5+s18+$0x0] =	vst.idx.add.f32.msk $0xffff, v6  }
0x556: {  	v6 =	vld.idx.msk [tilespmem:v8+s16+$0x0], $0xffff  }
0x557: {  	v7 =	vld.idx.msk [tilespmem:v8+s17+$0x0], $0xffff  }
0x558: {  	v8 =	vld [tilespmem:s22+$0x10];
	_ =	sdelay $0x1  }
0x559: {  	v5 =	vmov s23  }
.Ltmp14:
0x55a: {  	v5 =	vand.u32 $0xFFFFFFFC, v5;
	(pc) =	sbr.rel @p0 .LBB2_31-.Ltmp14, $2  }
0x55b: {  	v5 =	vbroadcast v5, $0x0;
	v6 =	vadd.s32 v4, v6;
	_ =	sdelay $0x2  }
0x55c: {  	v7 =	vmul.f32 v8, v7  }
0x55d: {  	_ =	sdelay $0x3  }
0x55e: {  	[tilespmem:v6+s18+$0x0] =	vst.idx.add.f32.msk $0xffff, v7  }
0x55f: {  	v6 =	vld.idx.msk [tilespmem:v5+s16+$0x0], $0xffff;
	_ =	sdelay $0x1  }
0x560: {  	s22 =	sadd.s32 $0x40, s22;
	s24 =	sadd.s32 $0x1, s23;
	v5 =	vld.idx.msk [tilespmem:v5+s17+$0x0], $0xffff  }
0x561: {  	v8 =	vmov s24;
	v7 =	vld [tilespmem:s22+$0xFFFFFFE0]  }
0x562: {  	v8 =	vand.u32 $0xFFFFFFFD, v8  }
0x563: {  	v8 =	vbroadcast v8, $0x0;
	v6 =	vadd.s32 v4, v6;
	_ =	sdelay $0x2  }
0x564: {  	v5 =	vmul.f32 v7, v5;
	_ =	sdelay $0x1  }
0x565: {  	[tilespmem:v6+s18+$0x0] =	vst.idx.add.f32.msk $0xffff, v5  }
0x566: {  	v5 =	vld.idx.msk [tilespmem:v8+s16+$0x0], $0xffff;
	_ =	sdelay $0x1  }
0x567: {  	s25 =	sadd.s32 $0x2, s23;
	v6 =	vld.idx.msk [tilespmem:v8+s17+$0x0], $0xffff  }
0x568: {  	v7 =	vld [tilespmem:s22+$0xFFFFFFF0];
	v8 =	vmov s25  }
0x569: {  	v8 =	vand.u32 $0xFFFFFFFE, v8  }
0x56a: {  	v8 =	vbroadcast v8, $0x0;
	v5 =	vadd.s32 v4, v5;
	_ =	sdelay $0x2  }
0x56b: {  	v6 =	vmul.f32 v7, v6;
	_ =	sdelay $0x1  }
0x56c: {  	[tilespmem:v5+s18+$0x0] =	vst.idx.add.f32.msk $0xffff, v6  }
0x56d: {  	v5 =	vld.idx.msk [tilespmem:v8+s16+$0x0], $0xffff;
	_ =	sdelay $0x1  }
0x56e: {  	v6 =	vld.idx.msk [tilespmem:v8+s17+$0x0], $0xffff  }
0x56f: {  	v7 =	vld [tilespmem:s22+$0x0];
	_ =	sdelay $0x1  }
0x570: {  	s26 =	sadd.s32 $0x3, s23;
	v5 =	vadd.s32 v4, v5  }
0x571: {  	v8 =	vmov s26;
	_ =	sdelay $0x1  }
0x572: {  	v6 =	vmul.f32 v7, v6;
	_ =	sdelay $0x1  }
0x573: {  	[tilespmem:v5+s18+$0x0] =	vst.idx.add.f32.msk $0xffff, v6  }
0x574: {  	v5 =	vld.idx.msk [tilespmem:v8+s16+$0x0], $0xffff;
	_ =	sdelay $0x1  }
0x575: {  	v6 =	vld.idx.msk [tilespmem:v8+s17+$0x0], $0xffff  }
0x576: {  	v7 =	vld [tilespmem:s22+$0x10];
	_ =	sdelay $0x1  }
0x577: {  	v5 =	vadd.s32 v4, v5;
	_ =	sdelay $0x2  }
0x578: {  	v6 =	vmul.f32 v7, v6;
	_ =	sdelay $0x1  }
0x579: {  	[tilespmem:v5+s18+$0x0] =	vst.idx.add.f32.msk $0xffff, v6  }
0x57a: {  	v5 =	vld [tilespmem:$0xE80]  }
0x57b: {  	v6 =	vld [tilespmem:$0xE90]  }
0x57c: {  	v7 =	vld [tilespmem:$0xEA0]  }
0x57d: {  	v8 =	vld [tilespmem:$0xEB0]  }
0x57e: {  	v9 =	vld [tilespmem:$0xEC0]  }
0x57f: {  	[tilespmem:$0x3000] =	vst v5;
	v5 =	vld [tilespmem:$0xED0]  }
0x580: {  	[tilespmem:$0x3010] =	vst v6;
	v6 =	vld [tilespmem:$0xEE0]  }
0x581: {  	[tilespmem:$0x3020] =	vst v7;
	v7 =	vld [tilespmem:$0xEF0]  }
0x582: {  	s28 =	simm.s32 $0x680;
	[tilespmem:$0x3030] =	vst v8  }
0x583: {  	[tilespmem:$0x3040] =	vst v9;
	v8 =	vmov s28  }
0x584: {  	[tilespmem:$0x3050] =	vst v5;
	v5 =	vand.u32 $0xFFFFFFFC, v8  }
0x585: {  	[tilespmem:$0x3060] =	vst v6;
	v5 =	vbroadcast v5, $0x0  }
0x586: {  	[tilespmem:$0x3070] =	vst v7  }
0x587: {  	[tilespmem:s14], [sflag:$0x1] =	stream.indirect.gather [hbm4b:s3+s12], $0x10, s13, s12, $0xb8;
	[tilespmem:$0x17880] =	vst v63  }
0x588: {  	_ =	swait.ge [sflag:s15], $0x800  }
0x589: {  	[sflag:s15] =	ssyncset.done $0x0  }
0x58a: {  	[sflag:s15] =	ssyncadd.s32 $0xFFFFF800  }
0x58b: {  	v6 =	vld.idx.msk [tilespmem:v5+s16+$0x0], $0xffff  }
0x58c: {  	s22 =	simm.s32 $0x30A0  }
0x58d: {  	s29 =	simm.s32 $0x681;
	v7 =	vld [tilespmem:s22+$0xFFFFFFE0]  }
0x58e: {  	v8 =	vmov s29;
	v5 =	vld.idx.msk [tilespmem:v5+s17+$0x0], $0xffff  }
0x58f: {  	v8 =	vand.u32 $0xFFFFFFFD, v8  }
0x590: {  	v8 =	vbroadcast v8, $0x0;
	v6 =	vadd.s32 v4, v6;
	_ =	sdelay $0x2  }
0x591: {  	v5 =	vmul.f32 v7, v5;
	_ =	sdelay $0x1  }
0x592: {  	[tilespmem:v6+s18+$0x0] =	vst.idx.add.f32.msk $0xffff, v5  }
0x593: {  	v5 =	vld.idx.msk [tilespmem:v8+s16+$0x0], $0xffff;
	_ =	sdelay $0x1  }
0x594: {  	s30 =	simm.s32 $0x682;
	v6 =	vld.idx.msk [tilespmem:v8+s17+$0x0], $0xffff  }
0x595: {  	v7 =	vld [tilespmem:s22+$0xFFFFFFF0];
	v8 =	vmov s30  }
0x596: {  	v8 =	vand.u32 $0xFFFFFFFE, v8  }
0x597: {  	v8 =	vbroadcast v8, $0x0;
	v5 =	vadd.s32 v4, v5;
	_ =	sdelay $0x2  }
0x598: {  	v6 =	vmul.f32 v7, v6;
	_ =	sdelay $0x1  }
0x599: {  	[tilespmem:v5+s18+$0x0] =	vst.idx.add.f32.msk $0xffff, v6  }
0x59a: {  	v5 =	vld.idx.msk [tilespmem:v8+s16+$0x0], $0xffff;
	_ =	sdelay $0x1  }
0x59b: {  	v6 =	vld.idx.msk [tilespmem:v8+s17+$0x0], $0xffff  }
0x59c: {  	v7 =	vld [tilespmem:s22+$0x0];
	_ =	sdelay $0x1  }
0x59d: {  	s31 =	simm.s32 $0x683;
	v5 =	vadd.s32 v4, v5  }
0x59e: {  	v8 =	vmov s31;
	_ =	sdelay $0x1  }
0x59f: {  	v6 =	vmul.f32 v7, v6;
	_ =	sdelay $0x1  }
0x5a0: {  	[tilespmem:v5+s18+$0x0] =	vst.idx.add.f32.msk $0xffff, v6  }
0x5a1: {  	v6 =	vld.idx.msk [tilespmem:v8+s16+$0x0], $0xffff;
	_ =	sdelay $0x1  }
0x5a2: {  	s23 =	simm.s32 $0x684;
	v7 =	vld.idx.msk [tilespmem:v8+s17+$0x0], $0xffff  }
0x5a3: {  	v5 =	vmov s23;
	v8 =	vld [tilespmem:s22+$0x10]  }
0x5a4: {  	v5 =	vand.u32 $0xFFFFFFFC, v5  }
0x5a5: {  	v5 =	vbroadcast v5, $0x0;
	v6 =	vadd.s32 v4, v6;
	_ =	sdelay $0x2  }
0x5a6: {  	s24 =	simm.s32 $0x688;
	v7 =	vmul.f32 v8, v7  }
.LBB2_33:
0x5a7: {  	p0 =	sne.s32 s24, $0x6FC  }
0x5a8: {  	s22 =	sadd.s32 $0x40, s22;
	s25 =	smov.u32 s24;
	s24 =	sadd.s32 $0x4, s24;
	[tilespmem:v6+s18+$0x0] =	vst.idx.add.f32.msk $0xffff, v7  }
0x5a9: {  	v6 =	vld.idx.msk [tilespmem:v5+s16+$0x0], $0xffff;
	_ =	sdelay $0x2  }
0x5aa: {  	s26 =	sadd.s32 $0x1, s23;
	v5 =	vld.idx.msk [tilespmem:v5+s17+$0x0], $0xffff  }
0x5ab: {  	v8 =	vmov s26;
	v7 =	vld [tilespmem:s22+$0xFFFFFFE0]  }
0x5ac: {  	v8 =	vand.u32 $0xFFFFFFFD, v8  }
0x5ad: {  	v8 =	vbroadcast v8, $0x0;
	v6 =	vadd.s32 v4, v6;
	_ =	sdelay $0x2  }
0x5ae: {  	v5 =	vmul.f32 v7, v5;
	_ =	sdelay $0x1  }
0x5af: {  	[tilespmem:v6+s18+$0x0] =	vst.idx.add.f32.msk $0xffff, v5  }
0x5b0: {  	v5 =	vld.idx.msk [tilespmem:v8+s16+$0x0], $0xffff;
	_ =	sdelay $0x2  }
0x5b1: {  	s26 =	sadd.s32 $0x2, s23;
	v6 =	vld.idx.msk [tilespmem:v8+s17+$0x0], $0xffff  }
0x5b2: {  	v8 =	vmov s26;
	v7 =	vld [tilespmem:s22+$0xFFFFFFF0]  }
0x5b3: {  	v8 =	vand.u32 $0xFFFFFFFE, v8  }
0x5b4: {  	v5 =	vadd.s32 v4, v5;
	v8 =	vbroadcast v8, $0x0;
	_ =	sdelay $0x2  }
0x5b5: {  	v6 =	vmul.f32 v7, v6;
	_ =	sdelay $0x1  }
0x5b6: {  	[tilespmem:v5+s18+$0x0] =	vst.idx.add.f32.msk $0xffff, v6  }
0x5b7: {  	v5 =	vld.idx.msk [tilespmem:v8+s16+$0x0], $0xffff;
	_ =	sdelay $0x2  }
0x5b8: {  	v6 =	vld.idx.msk [tilespmem:v8+s17+$0x0], $0xffff  }
0x5b9: {  	v7 =	vld [tilespmem:s22+$0x0];
	_ =	sdelay $0x1  }
0x5ba: {  	s26 =	sadd.s32 $0x3, s23;
	s23 =	smov.u32 s25;
	v5 =	vadd.s32 v4, v5  }
0x5bb: {  	v8 =	vmov s26;
	_ =	sdelay $0x1  }
0x5bc: {  	v6 =	vmul.f32 v7, v6;
	_ =	sdelay $0x1  }
0x5bd: {  	[tilespmem:v5+s18+$0x0] =	vst.idx.add.f32.msk $0xffff, v6  }
0x5be: {  	v6 =	vld.idx.msk [tilespmem:v8+s16+$0x0], $0xffff  }
0x5bf: {  	v7 =	vld.idx.msk [tilespmem:v8+s17+$0x0], $0xffff  }
0x5c0: {  	v8 =	vld [tilespmem:s22+$0x10];
	_ =	sdelay $0x1  }
0x5c1: {  	v5 =	vmov s23  }
.Ltmp15:
0x5c2: {  	v5 =	vand.u32 $0xFFFFFFFC, v5;
	(pc) =	sbr.rel @p0 .LBB2_33-.Ltmp15, $2  }
0x5c3: {  	v5 =	vbroadcast v5, $0x0;
	v6 =	vadd.s32 v4, v6;
	_ =	sdelay $0x2  }
0x5c4: {  	v7 =	vmul.f32 v8, v7  }
0x5c5: {  	_ =	sdelay $0x3  }
0x5c6: {  	[tilespmem:v6+s18+$0x0] =	vst.idx.add.f32.msk $0xffff, v7  }
0x5c7: {  	v6 =	vld.idx.msk [tilespmem:v5+s16+$0x0], $0xffff;
	_ =	sdelay $0x1  }
0x5c8: {  	s22 =	sadd.s32 $0x40, s22;
	s24 =	sadd.s32 $0x1, s23;
	v5 =	vld.idx.msk [tilespmem:v5+s17+$0x0], $0xffff  }
0x5c9: {  	v8 =	vmov s24;
	v7 =	vld [tilespmem:s22+$0xFFFFFFE0]  }
0x5ca: {  	v8 =	vand.u32 $0xFFFFFFFD, v8  }
0x5cb: {  	v8 =	vbroadcast v8, $0x0;
	v6 =	vadd.s32 v4, v6;
	_ =	sdelay $0x2  }
0x5cc: {  	v5 =	vmul.f32 v7, v5;
	_ =	sdelay $0x1  }
0x5cd: {  	[tilespmem:v6+s18+$0x0] =	vst.idx.add.f32.msk $0xffff, v5  }
0x5ce: {  	v5 =	vld.idx.msk [tilespmem:v8+s16+$0x0], $0xffff;
	_ =	sdelay $0x1  }
0x5cf: {  	s25 =	sadd.s32 $0x2, s23;
	v6 =	vld.idx.msk [tilespmem:v8+s17+$0x0], $0xffff  }
0x5d0: {  	v7 =	vld [tilespmem:s22+$0xFFFFFFF0];
	v8 =	vmov s25  }
0x5d1: {  	v8 =	vand.u32 $0xFFFFFFFE, v8  }
0x5d2: {  	v8 =	vbroadcast v8, $0x0;
	v5 =	vadd.s32 v4, v5;
	_ =	sdelay $0x2  }
0x5d3: {  	v6 =	vmul.f32 v7, v6;
	_ =	sdelay $0x1  }
0x5d4: {  	[tilespmem:v5+s18+$0x0] =	vst.idx.add.f32.msk $0xffff, v6  }
0x5d5: {  	v5 =	vld.idx.msk [tilespmem:v8+s16+$0x0], $0xffff;
	_ =	sdelay $0x1  }
0x5d6: {  	v6 =	vld.idx.msk [tilespmem:v8+s17+$0x0], $0xffff  }
0x5d7: {  	v7 =	vld [tilespmem:s22+$0x0];
	_ =	sdelay $0x1  }
0x5d8: {  	s26 =	sadd.s32 $0x3, s23;
	v5 =	vadd.s32 v4, v5  }
0x5d9: {  	v8 =	vmov s26;
	_ =	sdelay $0x1  }
0x5da: {  	v6 =	vmul.f32 v7, v6;
	_ =	sdelay $0x1  }
0x5db: {  	[tilespmem:v5+s18+$0x0] =	vst.idx.add.f32.msk $0xffff, v6  }
0x5dc: {  	v5 =	vld.idx.msk [tilespmem:v8+s16+$0x0], $0xffff;
	_ =	sdelay $0x1  }
0x5dd: {  	v6 =	vld.idx.msk [tilespmem:v8+s17+$0x0], $0xffff  }
0x5de: {  	v7 =	vld [tilespmem:s22+$0x10];
	_ =	sdelay $0x1  }
0x5df: {  	v5 =	vadd.s32 v4, v5;
	_ =	sdelay $0x2  }
0x5e0: {  	v6 =	vmul.f32 v7, v6;
	_ =	sdelay $0x1  }
0x5e1: {  	[tilespmem:v5+s18+$0x0] =	vst.idx.add.f32.msk $0xffff, v6  }
0x5e2: {  	v5 =	vld [tilespmem:$0xF00]  }
0x5e3: {  	v6 =	vld [tilespmem:$0xF10]  }
0x5e4: {  	v7 =	vld [tilespmem:$0xF20]  }
0x5e5: {  	v8 =	vld [tilespmem:$0xF30]  }
0x5e6: {  	v9 =	vld [tilespmem:$0xF40]  }
0x5e7: {  	[tilespmem:$0x3000] =	vst v5;
	v5 =	vld [tilespmem:$0xF50]  }
0x5e8: {  	[tilespmem:$0x3010] =	vst v6;
	v6 =	vld [tilespmem:$0xF60]  }
0x5e9: {  	[tilespmem:$0x3020] =	vst v7;
	v7 =	vld [tilespmem:$0xF70]  }
0x5ea: {  	s28 =	simm.s32 $0x700;
	[tilespmem:$0x3030] =	vst v8  }
0x5eb: {  	[tilespmem:$0x3040] =	vst v9;
	v8 =	vmov s28  }
0x5ec: {  	[tilespmem:$0x3050] =	vst v5;
	v5 =	vand.u32 $0xFFFFFFFC, v8  }
0x5ed: {  	[tilespmem:$0x3060] =	vst v6;
	v5 =	vbroadcast v5, $0x0  }
0x5ee: {  	[tilespmem:$0x3070] =	vst v7  }
0x5ef: {  	[tilespmem:s14], [sflag:$0x1] =	stream.indirect.gather [hbm4b:s3+s12], $0x10, s13, s12, $0xb8;
	[tilespmem:$0x17880] =	vst v63  }
0x5f0: {  	_ =	swait.ge [sflag:s15], $0x800  }
0x5f1: {  	[sflag:s15] =	ssyncset.done $0x0  }
0x5f2: {  	[sflag:s15] =	ssyncadd.s32 $0xFFFFF800  }
0x5f3: {  	v6 =	vld.idx.msk [tilespmem:v5+s16+$0x0], $0xffff  }
0x5f4: {  	s22 =	simm.s32 $0x30A0  }
0x5f5: {  	s29 =	simm.s32 $0x701;
	v7 =	vld [tilespmem:s22+$0xFFFFFFE0]  }
0x5f6: {  	v8 =	vmov s29;
	v5 =	vld.idx.msk [tilespmem:v5+s17+$0x0], $0xffff  }
0x5f7: {  	v8 =	vand.u32 $0xFFFFFFFD, v8  }
0x5f8: {  	v8 =	vbroadcast v8, $0x0;
	v6 =	vadd.s32 v4, v6;
	_ =	sdelay $0x2  }
0x5f9: {  	v5 =	vmul.f32 v7, v5;
	_ =	sdelay $0x1  }
0x5fa: {  	[tilespmem:v6+s18+$0x0] =	vst.idx.add.f32.msk $0xffff, v5  }
0x5fb: {  	v5 =	vld.idx.msk [tilespmem:v8+s16+$0x0], $0xffff;
	_ =	sdelay $0x1  }
0x5fc: {  	s30 =	simm.s32 $0x702;
	v6 =	vld.idx.msk [tilespmem:v8+s17+$0x0], $0xffff  }
0x5fd: {  	v7 =	vld [tilespmem:s22+$0xFFFFFFF0];
	v8 =	vmov s30  }
0x5fe: {  	v8 =	vand.u32 $0xFFFFFFFE, v8  }
0x5ff: {  	v8 =	vbroadcast v8, $0x0;
	v5 =	vadd.s32 v4, v5;
	_ =	sdelay $0x2  }
0x600: {  	v6 =	vmul.f32 v7, v6;
	_ =	sdelay $0x1  }
0x601: {  	[tilespmem:v5+s18+$0x0] =	vst.idx.add.f32.msk $0xffff, v6  }
0x602: {  	v5 =	vld.idx.msk [tilespmem:v8+s16+$0x0], $0xffff;
	_ =	sdelay $0x1  }
0x603: {  	v6 =	vld.idx.msk [tilespmem:v8+s17+$0x0], $0xffff  }
0x604: {  	v7 =	vld [tilespmem:s22+$0x0];
	_ =	sdelay $0x1  }
0x605: {  	s31 =	simm.s32 $0x703;
	v5 =	vadd.s32 v4, v5  }
0x606: {  	v8 =	vmov s31;
	_ =	sdelay $0x1  }
0x607: {  	v6 =	vmul.f32 v7, v6;
	_ =	sdelay $0x1  }
0x608: {  	[tilespmem:v5+s18+$0x0] =	vst.idx.add.f32.msk $0xffff, v6  }
0x609: {  	v6 =	vld.idx.msk [tilespmem:v8+s16+$0x0], $0xffff;
	_ =	sdelay $0x1  }
0x60a: {  	s23 =	simm.s32 $0x704;
	v7 =	vld.idx.msk [tilespmem:v8+s17+$0x0], $0xffff  }
0x60b: {  	v5 =	vmov s23;
	v8 =	vld [tilespmem:s22+$0x10]  }
0x60c: {  	v5 =	vand.u32 $0xFFFFFFFC, v5  }
0x60d: {  	v5 =	vbroadcast v5, $0x0;
	v6 =	vadd.s32 v4, v6;
	_ =	sdelay $0x2  }
0x60e: {  	s24 =	simm.s32 $0x708;
	v7 =	vmul.f32 v8, v7  }
.LBB2_35:
0x60f: {  	p0 =	sne.s32 s24, $0x77C  }
0x610: {  	s22 =	sadd.s32 $0x40, s22;
	s25 =	smov.u32 s24;
	s24 =	sadd.s32 $0x4, s24;
	[tilespmem:v6+s18+$0x0] =	vst.idx.add.f32.msk $0xffff, v7  }
0x611: {  	v6 =	vld.idx.msk [tilespmem:v5+s16+$0x0], $0xffff;
	_ =	sdelay $0x2  }
0x612: {  	s26 =	sadd.s32 $0x1, s23;
	v5 =	vld.idx.msk [tilespmem:v5+s17+$0x0], $0xffff  }
0x613: {  	v8 =	vmov s26;
	v7 =	vld [tilespmem:s22+$0xFFFFFFE0]  }
0x614: {  	v8 =	vand.u32 $0xFFFFFFFD, v8  }
0x615: {  	v8 =	vbroadcast v8, $0x0;
	v6 =	vadd.s32 v4, v6;
	_ =	sdelay $0x2  }
0x616: {  	v5 =	vmul.f32 v7, v5;
	_ =	sdelay $0x1  }
0x617: {  	[tilespmem:v6+s18+$0x0] =	vst.idx.add.f32.msk $0xffff, v5  }
0x618: {  	v5 =	vld.idx.msk [tilespmem:v8+s16+$0x0], $0xffff;
	_ =	sdelay $0x2  }
0x619: {  	s26 =	sadd.s32 $0x2, s23;
	v6 =	vld.idx.msk [tilespmem:v8+s17+$0x0], $0xffff  }
0x61a: {  	v8 =	vmov s26;
	v7 =	vld [tilespmem:s22+$0xFFFFFFF0]  }
0x61b: {  	v8 =	vand.u32 $0xFFFFFFFE, v8  }
0x61c: {  	v5 =	vadd.s32 v4, v5;
	v8 =	vbroadcast v8, $0x0;
	_ =	sdelay $0x2  }
0x61d: {  	v6 =	vmul.f32 v7, v6;
	_ =	sdelay $0x1  }
0x61e: {  	[tilespmem:v5+s18+$0x0] =	vst.idx.add.f32.msk $0xffff, v6  }
0x61f: {  	v5 =	vld.idx.msk [tilespmem:v8+s16+$0x0], $0xffff;
	_ =	sdelay $0x2  }
0x620: {  	v6 =	vld.idx.msk [tilespmem:v8+s17+$0x0], $0xffff  }
0x621: {  	v7 =	vld [tilespmem:s22+$0x0];
	_ =	sdelay $0x1  }
0x622: {  	s26 =	sadd.s32 $0x3, s23;
	s23 =	smov.u32 s25;
	v5 =	vadd.s32 v4, v5  }
0x623: {  	v8 =	vmov s26;
	_ =	sdelay $0x1  }
0x624: {  	v6 =	vmul.f32 v7, v6;
	_ =	sdelay $0x1  }
0x625: {  	[tilespmem:v5+s18+$0x0] =	vst.idx.add.f32.msk $0xffff, v6  }
0x626: {  	v6 =	vld.idx.msk [tilespmem:v8+s16+$0x0], $0xffff  }
0x627: {  	v7 =	vld.idx.msk [tilespmem:v8+s17+$0x0], $0xffff  }
0x628: {  	v8 =	vld [tilespmem:s22+$0x10];
	_ =	sdelay $0x1  }
0x629: {  	v5 =	vmov s23  }
.Ltmp16:
0x62a: {  	v5 =	vand.u32 $0xFFFFFFFC, v5;
	(pc) =	sbr.rel @p0 .LBB2_35-.Ltmp16, $2  }
0x62b: {  	v5 =	vbroadcast v5, $0x0;
	v6 =	vadd.s32 v4, v6;
	_ =	sdelay $0x2  }
0x62c: {  	v7 =	vmul.f32 v8, v7  }
0x62d: {  	_ =	sdelay $0x3  }
0x62e: {  	[tilespmem:v6+s18+$0x0] =	vst.idx.add.f32.msk $0xffff, v7  }
0x62f: {  	v6 =	vld.idx.msk [tilespmem:v5+s16+$0x0], $0xffff;
	_ =	sdelay $0x1  }
0x630: {  	s22 =	sadd.s32 $0x40, s22;
	s24 =	sadd.s32 $0x1, s23;
	v5 =	vld.idx.msk [tilespmem:v5+s17+$0x0], $0xffff  }
0x631: {  	v8 =	vmov s24;
	v7 =	vld [tilespmem:s22+$0xFFFFFFE0]  }
0x632: {  	v8 =	vand.u32 $0xFFFFFFFD, v8  }
0x633: {  	v8 =	vbroadcast v8, $0x0;
	v6 =	vadd.s32 v4, v6;
	_ =	sdelay $0x2  }
0x634: {  	v5 =	vmul.f32 v7, v5;
	_ =	sdelay $0x1  }
0x635: {  	[tilespmem:v6+s18+$0x0] =	vst.idx.add.f32.msk $0xffff, v5  }
0x636: {  	v5 =	vld.idx.msk [tilespmem:v8+s16+$0x0], $0xffff;
	_ =	sdelay $0x1  }
0x637: {  	s25 =	sadd.s32 $0x2, s23;
	v6 =	vld.idx.msk [tilespmem:v8+s17+$0x0], $0xffff  }
0x638: {  	v7 =	vld [tilespmem:s22+$0xFFFFFFF0];
	v8 =	vmov s25  }
0x639: {  	v8 =	vand.u32 $0xFFFFFFFE, v8  }
0x63a: {  	v8 =	vbroadcast v8, $0x0;
	v5 =	vadd.s32 v4, v5;
	_ =	sdelay $0x2  }
0x63b: {  	v6 =	vmul.f32 v7, v6;
	_ =	sdelay $0x1  }
0x63c: {  	[tilespmem:v5+s18+$0x0] =	vst.idx.add.f32.msk $0xffff, v6  }
0x63d: {  	v5 =	vld.idx.msk [tilespmem:v8+s16+$0x0], $0xffff;
	_ =	sdelay $0x1  }
0x63e: {  	v6 =	vld.idx.msk [tilespmem:v8+s17+$0x0], $0xffff  }
0x63f: {  	v7 =	vld [tilespmem:s22+$0x0];
	_ =	sdelay $0x1  }
0x640: {  	s26 =	sadd.s32 $0x3, s23;
	v5 =	vadd.s32 v4, v5  }
0x641: {  	v8 =	vmov s26;
	_ =	sdelay $0x1  }
0x642: {  	v6 =	vmul.f32 v7, v6;
	_ =	sdelay $0x1  }
0x643: {  	[tilespmem:v5+s18+$0x0] =	vst.idx.add.f32.msk $0xffff, v6  }
0x644: {  	v5 =	vld.idx.msk [tilespmem:v8+s16+$0x0], $0xffff;
	_ =	sdelay $0x1  }
0x645: {  	v6 =	vld.idx.msk [tilespmem:v8+s17+$0x0], $0xffff  }
0x646: {  	v7 =	vld [tilespmem:s22+$0x10];
	_ =	sdelay $0x1  }
0x647: {  	v5 =	vadd.s32 v4, v5;
	_ =	sdelay $0x2  }
0x648: {  	v6 =	vmul.f32 v7, v6;
	_ =	sdelay $0x1  }
0x649: {  	[tilespmem:v5+s18+$0x0] =	vst.idx.add.f32.msk $0xffff, v6  }
0x64a: {  	v5 =	vld [tilespmem:$0xF80]  }
0x64b: {  	v6 =	vld [tilespmem:$0xF90]  }
0x64c: {  	v7 =	vld [tilespmem:$0xFA0]  }
0x64d: {  	v8 =	vld [tilespmem:$0xFB0]  }
0x64e: {  	v9 =	vld [tilespmem:$0xFC0]  }
0x64f: {  	[tilespmem:$0x3000] =	vst v5;
	v5 =	vld [tilespmem:$0xFD0]  }
0x650: {  	[tilespmem:$0x3010] =	vst v6;
	v6 =	vld [tilespmem:$0xFE0]  }
0x651: {  	[tilespmem:$0x3020] =	vst v7;
	v7 =	vld [tilespmem:$0xFF0]  }
0x652: {  	s28 =	simm.s32 $0x780;
	[tilespmem:$0x3030] =	vst v8  }
0x653: {  	[tilespmem:$0x3040] =	vst v9;
	v8 =	vmov s28  }
0x654: {  	[tilespmem:$0x3050] =	vst v5;
	v5 =	vand.u32 $0xFFFFFFFC, v8  }
0x655: {  	[tilespmem:$0x3060] =	vst v6;
	v5 =	vbroadcast v5, $0x0  }
0x656: {  	[tilespmem:$0x3070] =	vst v7  }
0x657: {  	[tilespmem:s14], [sflag:$0x1] =	stream.indirect.gather [hbm4b:s3+s12], $0x10, s13, s12, $0xb8;
	[tilespmem:$0x17880] =	vst v63  }
0x658: {  	_ =	swait.ge [sflag:s15], $0x800  }
0x659: {  	[sflag:s15] =	ssyncset.done $0x0  }
0x65a: {  	[sflag:s15] =	ssyncadd.s32 $0xFFFFF800  }
0x65b: {  	v6 =	vld.idx.msk [tilespmem:v5+s16+$0x0], $0xffff  }
0x65c: {  	s22 =	simm.s32 $0x30A0  }
0x65d: {  	s29 =	simm.s32 $0x781;
	v7 =	vld [tilespmem:s22+$0xFFFFFFE0]  }
0x65e: {  	v8 =	vmov s29;
	v5 =	vld.idx.msk [tilespmem:v5+s17+$0x0], $0xffff  }
0x65f: {  	v8 =	vand.u32 $0xFFFFFFFD, v8  }
0x660: {  	v8 =	vbroadcast v8, $0x0;
	v6 =	vadd.s32 v4, v6;
	_ =	sdelay $0x2  }
0x661: {  	v5 =	vmul.f32 v7, v5;
	_ =	sdelay $0x1  }
0x662: {  	[tilespmem:v6+s18+$0x0] =	vst.idx.add.f32.msk $0xffff, v5  }
0x663: {  	v5 =	vld.idx.msk [tilespmem:v8+s16+$0x0], $0xffff;
	_ =	sdelay $0x1  }
0x664: {  	s30 =	simm.s32 $0x782;
	v6 =	vld.idx.msk [tilespmem:v8+s17+$0x0], $0xffff  }
0x665: {  	v7 =	vld [tilespmem:s22+$0xFFFFFFF0];
	v8 =	vmov s30  }
0x666: {  	v8 =	vand.u32 $0xFFFFFFFE, v8  }
0x667: {  	v8 =	vbroadcast v8, $0x0;
	v5 =	vadd.s32 v4, v5;
	_ =	sdelay $0x2  }
0x668: {  	v6 =	vmul.f32 v7, v6;
	_ =	sdelay $0x1  }
0x669: {  	[tilespmem:v5+s18+$0x0] =	vst.idx.add.f32.msk $0xffff, v6  }
0x66a: {  	v5 =	vld.idx.msk [tilespmem:v8+s16+$0x0], $0xffff;
	_ =	sdelay $0x1  }
0x66b: {  	v6 =	vld.idx.msk [tilespmem:v8+s17+$0x0], $0xffff  }
0x66c: {  	v7 =	vld [tilespmem:s22+$0x0];
	_ =	sdelay $0x1  }
0x66d: {  	s31 =	simm.s32 $0x783;
	v5 =	vadd.s32 v4, v5  }
0x66e: {  	v8 =	vmov s31;
	_ =	sdelay $0x1  }
0x66f: {  	v6 =	vmul.f32 v7, v6;
	_ =	sdelay $0x1  }
0x670: {  	[tilespmem:v5+s18+$0x0] =	vst.idx.add.f32.msk $0xffff, v6  }
0x671: {  	v6 =	vld.idx.msk [tilespmem:v8+s16+$0x0], $0xffff;
	_ =	sdelay $0x1  }
0x672: {  	s23 =	simm.s32 $0x784;
	v7 =	vld.idx.msk [tilespmem:v8+s17+$0x0], $0xffff  }
0x673: {  	v5 =	vmov s23;
	v8 =	vld [tilespmem:s22+$0x10]  }
0x674: {  	v5 =	vand.u32 $0xFFFFFFFC, v5  }
0x675: {  	v5 =	vbroadcast v5, $0x0;
	v6 =	vadd.s32 v4, v6;
	_ =	sdelay $0x2  }
0x676: {  	s24 =	simm.s32 $0x788;
	v7 =	vmul.f32 v8, v7  }
.LBB2_37:
0x677: {  	p0 =	sne.s32 s24, $0x7FC  }
0x678: {  	s22 =	sadd.s32 $0x40, s22;
	s25 =	smov.u32 s24;
	s24 =	sadd.s32 $0x4, s24;
	[tilespmem:v6+s18+$0x0] =	vst.idx.add.f32.msk $0xffff, v7  }
0x679: {  	v6 =	vld.idx.msk [tilespmem:v5+s16+$0x0], $0xffff;
	_ =	sdelay $0x2  }
0x67a: {  	s26 =	sadd.s32 $0x1, s23;
	v5 =	vld.idx.msk [tilespmem:v5+s17+$0x0], $0xffff  }
0x67b: {  	v8 =	vmov s26;
	v7 =	vld [tilespmem:s22+$0xFFFFFFE0]  }
0x67c: {  	v8 =	vand.u32 $0xFFFFFFFD, v8  }
0x67d: {  	v8 =	vbroadcast v8, $0x0;
	v6 =	vadd.s32 v4, v6;
	_ =	sdelay $0x2  }
0x67e: {  	v5 =	vmul.f32 v7, v5;
	_ =	sdelay $0x1  }
0x67f: {  	[tilespmem:v6+s18+$0x0] =	vst.idx.add.f32.msk $0xffff, v5  }
0x680: {  	v5 =	vld.idx.msk [tilespmem:v8+s16+$0x0], $0xffff;
	_ =	sdelay $0x2  }
0x681: {  	s26 =	sadd.s32 $0x2, s23;
	v6 =	vld.idx.msk [tilespmem:v8+s17+$0x0], $0xffff  }
0x682: {  	v8 =	vmov s26;
	v7 =	vld [tilespmem:s22+$0xFFFFFFF0]  }
0x683: {  	v8 =	vand.u32 $0xFFFFFFFE, v8  }
0x684: {  	v5 =	vadd.s32 v4, v5;
	v8 =	vbroadcast v8, $0x0;
	_ =	sdelay $0x2  }
0x685: {  	v6 =	vmul.f32 v7, v6;
	_ =	sdelay $0x1  }
0x686: {  	[tilespmem:v5+s18+$0x0] =	vst.idx.add.f32.msk $0xffff, v6  }
0x687: {  	v5 =	vld.idx.msk [tilespmem:v8+s16+$0x0], $0xffff;
	_ =	sdelay $0x2  }
0x688: {  	v6 =	vld.idx.msk [tilespmem:v8+s17+$0x0], $0xffff  }
0x689: {  	v7 =	vld [tilespmem:s22+$0x0];
	_ =	sdelay $0x1  }
0x68a: {  	s26 =	sadd.s32 $0x3, s23;
	s23 =	smov.u32 s25;
	v5 =	vadd.s32 v4, v5  }
0x68b: {  	v8 =	vmov s26;
	_ =	sdelay $0x1  }
0x68c: {  	v6 =	vmul.f32 v7, v6;
	_ =	sdelay $0x1  }
0x68d: {  	[tilespmem:v5+s18+$0x0] =	vst.idx.add.f32.msk $0xffff, v6  }
0x68e: {  	v6 =	vld.idx.msk [tilespmem:v8+s16+$0x0], $0xffff  }
0x68f: {  	v7 =	vld.idx.msk [tilespmem:v8+s17+$0x0], $0xffff  }
0x690: {  	v8 =	vld [tilespmem:s22+$0x10];
	_ =	sdelay $0x1  }
0x691: {  	v5 =	vmov s23  }
.Ltmp17:
0x692: {  	v5 =	vand.u32 $0xFFFFFFFC, v5;
	(pc) =	sbr.rel @p0 .LBB2_37-.Ltmp17, $2  }
0x693: {  	v5 =	vbroadcast v5, $0x0;
	v6 =	vadd.s32 v4, v6;
	_ =	sdelay $0x2  }
0x694: {  	v7 =	vmul.f32 v8, v7  }
0x695: {  	_ =	sdelay $0x3  }
0x696: {  	[tilespmem:v6+s18+$0x0] =	vst.idx.add.f32.msk $0xffff, v7  }
0x697: {  	v6 =	vld.idx.msk [tilespmem:v5+s16+$0x0], $0xffff;
	_ =	sdelay $0x1  }
0x698: {  	s22 =	sadd.s32 $0x40, s22;
	s24 =	sadd.s32 $0x1, s23;
	v5 =	vld.idx.msk [tilespmem:v5+s17+$0x0], $0xffff  }
0x699: {  	v8 =	vmov s24;
	v7 =	vld [tilespmem:s22+$0xFFFFFFE0]  }
0x69a: {  	v8 =	vand.u32 $0xFFFFFFFD, v8  }
0x69b: {  	v8 =	vbroadcast v8, $0x0;
	v6 =	vadd.s32 v4, v6;
	_ =	sdelay $0x2  }
0x69c: {  	v5 =	vmul.f32 v7, v5;
	_ =	sdelay $0x1  }
0x69d: {  	[tilespmem:v6+s18+$0x0] =	vst.idx.add.f32.msk $0xffff, v5  }
0x69e: {  	v5 =	vld.idx.msk [tilespmem:v8+s16+$0x0], $0xffff;
	_ =	sdelay $0x1  }
0x69f: {  	s30 =	sadd.s32 $0x2, s23;
	v6 =	vld.idx.msk [tilespmem:v8+s17+$0x0], $0xffff  }
0x6a0: {  	v62 =	vmov s30;
	v7 =	vld [tilespmem:s22+$0xFFFFFFF0]  }
0x6a1: {  	v8 =	vand.u32 $0xFFFFFFFE, v62  }
0x6a2: {  	v8 =	vbroadcast v8, $0x0;
	v5 =	vadd.s32 v4, v5;
	_ =	sdelay $0x2  }
0x6a3: {  	v6 =	vmul.f32 v7, v6;
	_ =	sdelay $0x1  }
0x6a4: {  	[tilespmem:v5+s18+$0x0] =	vst.idx.add.f32.msk $0xffff, v6  }
0x6a5: {  	v5 =	vld.idx.msk [tilespmem:v8+s16+$0x0], $0xffff;
	_ =	sdelay $0x1  }
0x6a6: {  	v6 =	vld.idx.msk [tilespmem:v8+s17+$0x0], $0xffff  }
0x6a7: {  	v7 =	vld [tilespmem:s22+$0x0];
	_ =	sdelay $0x1  }
0x6a8: {  	s31 =	sadd.s32 $0x3, s23;
	v5 =	vadd.s32 v4, v5  }
0x6a9: {  	v63 =	vmov s31;
	_ =	sdelay $0x1  }
0x6aa: {  	v6 =	vmul.f32 v7, v6;
	_ =	sdelay $0x1  }
0x6ab: {  	[tilespmem:v5+s18+$0x0] =	vst.idx.add.f32.msk $0xffff, v6  }
0x6ac: {  	v5 =	vld.idx.msk [tilespmem:v63+s16+$0x0], $0xffff;
	_ =	sdelay $0x1  }
0x6ad: {  	v6 =	vld.idx.msk [tilespmem:v63+s17+$0x0], $0xffff  }
0x6ae: {  	v7 =	vld [tilespmem:s22+$0x10]  }
0x6af: {  	s21 =	sadd.s32 $0x1, s21  }
0x6b0: {  	p0 =	sne.s32 s21, $0x50;
	v5 =	vadd.s32 v4, v5  }
.Ltmp18:
0x6b1: {  	_ = 	snop;
	(pc) =	sbr.rel @p0 .LBB2_4-.Ltmp18, $3  }
0x6b2: {  	_ = 	snop  }
0x6b3: {  	v6 =	vmul.f32 v7, v6;
	_ =	sdelay $0x1  }
0x6b4: {  	[tilespmem:v5+s18+$0x0] =	vst.idx.add.f32.msk $0xffff, v6  }
0x6b5: {  	s19 =	sadd.s32 $0x1, s19  }
0x6b6: {  	p0 =	sne.s32 s19, s8  }
.Ltmp19:
0x6b7: {  	_ = 	snop;
	(pc) =	sbr.rel @p0 .LBB2_1-.Ltmp19, $4  }
0x6b8: {  	[hbm4b:s7+s2] =	stream.linear.scatter [tilespmem:s18], [sflag:$0x2], $0x14000, $0x38;
	[tilespmem:$0x17880] =	vst v63  }
0x6b9: {  	_ =	swait.ge [sflag:s9], $0x14000  }
0x6ba: {  	[sflag:s9] =	ssyncset.done $0x0  }
0x6bb: {  	[sflag:s9] =	ssyncadd.s32 $0xFFFEC000  }
0x6bc: {  	_ =	sfence.sel $0x180000  }
0x6bd: {  	[bflag:$0x0] =	sbarrier.arrive $0xFFFF  }
0x6be: {  	p0 =	sne.s32 s1, $0x0;
	_ =	strace $0x9000004A  }
0x6bf: {  	s0 =	sadd.s32 @!p0 $0x100000, s0;
	[bflag:$0x2] =	sbarrier.arrive $0xFFFF  }
0x6c0: {  	[sflag:s0] =	ssyncadd.tile.s32 @!p0 $0x1;
	_ =	shalt  }
.Lfunc_end2:
_tile_overlayer_lowered:
.L_overlay_start_2:
0x6c1: {  	(tag) =	ssettag $0x2  }
0x6c2: {  	s0 =	rddreg [dreg:$0x0];
	s2 =	stileid.u32  }
0x6c3: {  	s1 =	rddreg [dreg:$0x1];
	p0 =	sne.s32 s2, $0x0  }
0x6c4: {  	s3 =	rddreg [dreg:$0x2];
	[bflag:$0x3] =	sbarrier.arrive $0xFFFF;
	s2 =	simm.s32 @!p0 $0x1C02  }
0x6c5: {  	[timem:s3], [sflag:s2] =	dma.local @!p0 [hbm:s0], s1  }
0x6c6: {  	s0 =	simm.s32 @!p0 $0x2  }
0x6c7: {  	_ =	swait.ge @!p0 [sflag:s0], s1  }
0x6c8: {  	s1 =	ssub.s32 @!p0 $0x0, s1;
	[sflag:s0] =	ssyncset.done @!p0 $0x0  }
0x6c9: {  	[sflag:s0] =	ssyncadd.s32 @!p0 s1  }
0x6ca: {  	[bflag:$0x3] =	sbarrier.arrive $0xFFFF  }
0x6cb: {  	_ =	shalt  }

// kernel: kernel.7.cloned.1.call-start
scs
__scs_entry_jumppad:
0x0: {  	(pc) =	sbr.rel $0x88, $3  }
0x1: {  	(tag) =	ssettag $0x0;
	lr =	simm.s32 $0x1  }
0x2: {  	[smem:$0x3F9B] =	sst lr;
	_ =	strace $0xD0000000  }
0x3: {  	_ = 	snop  }
0x4: {  	_ = 	snop  }
0x5: {  	_ = 	snop  }
0x6: {  	_ = 	snop  }
0x7: {  	_ = 	snop  }
__scs_overlays_trampoline_lowered:
0x8: {  	[smem:$0x3FAA] =	sst s0  }
0x9: {  	[smem:$0x3FAB] =	sst s1  }
0xa: {  	[smem:$0x3FAC] =	sst s2  }
0xb: {  	[smem:$0x3FAD] =	sst s3  }
0xc: {  	[smem:$0x3FAE] =	sst s4  }
0xd: {  	[smem:$0x3FAF] =	sst s5  }
0xe: {  	[smem:$0x3FB0] =	sst s6  }
0xf: {  	[smem:$0x3FB1] =	sst s7  }
0x10: {  	[smem:$0x3FB2] =	sst s8  }
0x11: {  	[smem:$0x3FB3] =	sst s9;
	s0 =	simm.s32 @!p0 $0x0  }
0x12: {  	s1 =	sld [smem:$0x3F99];
	s0 =	simm.s32 @p0 $0x1  }
0x13: {  	[smem:$0x3FB4] =	sst s0;
	s0 =	simm.s32 @!p1 $0x0  }
0x14: {  	s2 =	sld [smem:$0x3F98];
	s0 =	simm.s32 @p1 $0x1  }
0x15: {  	[smem:$0x3FB5] =	sst s0;
	s0 =	simm.s32 @!p2 $0x0  }
0x16: {  	s3 =	sld [smem:$0x3FDB];
	s0 =	simm.s32 @p2 $0x1  }
0x17: {  	s4 =	simm.s32 $0x1BF5;
	[smem:$0x3FB7] =	sst s0  }
0x18: {  	s0 =	sld [smem:$0x3F9A];
	_ =	swait.ge [sflag:s4], $0x0  }
0x19: {  	s7 =	sld [smem:$0x3F9B]  }
0x1a: {  	s8 =	sadd.s32 $0xFFFFE003, lr  }
0x1b: {  	s9 =	sadd.s32 $0xFFFFFEF7, lr;
	s5 =	simm.s32 $0xFFFFFFFF;
	p2 =	slt.u32 s8, $0xFFFFF086  }
0x1c: {  	p1 =	slt.u32 s9, $0xF7A;
	s5 =	simm.s32 @!p2 $0x0  }
0x1d: {  	s5 =	simm.s32 @p1 $0x1;
	p0 =	seq.s32 s7, s2  }
0x1e: {  	s7 =	smul.u32 @!p0 $0xF7A, s2;
	p2 =	seq.s32 @!p0 s5, $0x0  }
0x1f: {  	s9 =	smul.u32 $0xF7A, s1;
	s8 =	simm.s32 @!p0 $0x1BF5;
	p2 =	por !p2, p0  }
0x20: {  	[sflag:s8] =	ssyncset.s32 @!p0 $0xFFFFF086;
	s6 =	sadd.s32 @!p0 s3, s7;
	s7 =	simm.s32 @!p0 $0x108  }
0x21: {  	s3 =	sadd.s32 s3, s9;
	s6 =	sadd.s32 @!p0 $0x88, s6;
	s7 =	simm.s32 @p2 $0x1082  }
0x22: {  	[simem:s7], [sflag:s8] =	dma.local @!p0 [hbm:s6], $0xF7A  }
0x23: {  	s9 =	sor.u32 $0xD0000000, s2;
	s6 =	simm.s32 $0x108;
	_ =	swait.ge @!p0 [sflag:s8], $0x0  }
0x24: {  	s3 =	sadd.s32 $0x88, s3;
	s6 =	simm.s32 @!p1 $0x1082;
	[sflag:s4] =	ssyncset.s32 $0xFFFFF086  }
0x25: {  	[simem:s6], [sflag:s4] =	dma.local [hbm:s3], $0xF7A  }
0x26: {  	[smem:$0x3F9B] =	sst s1;
	(tag) =	ssettag s2;
	_ =	strace s9  }
0x27: {  	s1 =	sld [smem:$0x3FAB]  }
0x28: {  	s2 =	sld [smem:$0x3FAC]  }
0x29: {  	s4 =	sld [smem:$0x3FAE]  }
0x2a: {  	p0 =	seq.s32 s5, $0x0;
	s5 =	sld [smem:$0x3FAF]  }
0x2b: {  	s6 =	sld [smem:$0x3FB0]  }
0x2c: {  	s7 =	sld [smem:$0x3FB1]  }
0x2d: {  	s3 =	simm.s32 $0x108;
	s8 =	sld [smem:$0x3FB2]  }
0x2e: {  	s3 =	simm.s32 @!p0 $0x1082;
	s9 =	sld [smem:$0x3FB3]  }
0x2f: {  	lr =	sadd.s32 s0, s3;
	s0 =	sld [smem:$0x3FAA]  }
0x30: {  	s3 =	sld [smem:$0x3FAD]  }
0x31: {  	[smem:$0x3FB6] =	sst s10  }
0x32: {  	s10 =	sld [smem:$0x3FB4];
	_ =	sdelay $0x3  }
0x33: {  	p0 =	seq.s32 s10, $0x1;
	s10 =	sld [smem:$0x3FB6];
	_ =	sdelay $0x3  }
0x34: {  	[smem:$0x3FB6] =	sst s10  }
0x35: {  	s10 =	sld [smem:$0x3FB5];
	_ =	sdelay $0x3  }
0x36: {  	p1 =	seq.s32 s10, $0x1;
	s10 =	sld [smem:$0x3FB6];
	_ =	sdelay $0x3  }
0x37: {  	[smem:$0x3FB6] =	sst s10  }
0x38: {  	s10 =	sld [smem:$0x3FB7]  }
0x39: {  	_ = 	snop;
	(pc) =	sbr.ind lr, $3  }
0x3a: {  	_ = 	snop  }
0x3b: {  	_ = 	snop  }
0x3c: {  	p2 =	seq.s32 s10, $0x1;
	s10 =	sld [smem:$0x3FB6]  }
0x3d: {  	_ =	shalt  }
0x3e: {  	_ =	shalt  }
0x3f: {  	_ =	shalt  }
0x40: {  	_ =	shalt  }
0x41: {  	_ =	shalt  }
0x42: {  	_ =	shalt  }
0x43: {  	_ =	shalt  }
0x44: {  	_ =	shalt  }
0x45: {  	_ =	shalt  }
0x46: {  	_ =	shalt  }
0x47: {  	_ =	shalt  }
0x48: {  	_ =	shalt  }
0x49: {  	_ =	shalt  }
0x4a: {  	_ =	shalt  }
0x4b: {  	_ =	shalt  }
0x4c: {  	_ =	shalt  }
0x4d: {  	_ =	shalt  }
0x4e: {  	_ =	shalt  }
0x4f: {  	_ =	shalt  }
0x50: {  	_ =	shalt  }
0x51: {  	_ =	shalt  }
0x52: {  	_ =	shalt  }
0x53: {  	_ =	shalt  }
0x54: {  	_ =	shalt  }
0x55: {  	_ =	shalt  }
0x56: {  	_ =	shalt  }
0x57: {  	_ =	shalt  }
0x58: {  	_ =	shalt  }
0x59: {  	_ =	shalt  }
0x5a: {  	_ =	shalt  }
0x5b: {  	_ =	shalt  }
0x5c: {  	_ =	shalt  }
0x5d: {  	_ =	shalt  }
0x5e: {  	_ =	shalt  }
0x5f: {  	_ =	shalt  }
0x60: {  	_ =	shalt  }
0x61: {  	_ =	shalt  }
0x62: {  	_ =	shalt  }
0x63: {  	_ =	shalt  }
0x64: {  	_ =	shalt  }
0x65: {  	_ =	shalt  }
0x66: {  	_ =	shalt  }
0x67: {  	_ =	shalt  }
0x68: {  	_ =	shalt  }
0x69: {  	_ =	shalt  }
0x6a: {  	_ =	shalt  }
0x6b: {  	_ =	shalt  }
0x6c: {  	_ =	shalt  }
0x6d: {  	_ =	shalt  }
0x6e: {  	_ =	shalt  }
0x6f: {  	_ =	shalt  }
0x70: {  	_ =	shalt  }
0x71: {  	_ =	shalt  }
0x72: {  	_ =	shalt  }
0x73: {  	_ =	shalt  }
0x74: {  	_ =	shalt  }
0x75: {  	_ =	shalt  }
0x76: {  	_ =	shalt  }
0x77: {  	_ =	shalt  }
0x78: {  	_ =	shalt  }
0x79: {  	_ =	shalt  }
0x7a: {  	_ =	shalt  }
0x7b: {  	_ =	shalt  }
0x7c: {  	_ =	shalt  }
0x7d: {  	_ =	shalt  }
0x7e: {  	_ =	shalt  }
0x7f: {  	_ =	shalt  }
0x80: {  	_ =	shalt  }
0x81: {  	_ =	shalt  }
0x82: {  	_ =	shalt  }
0x83: {  	_ =	shalt  }
0x84: {  	_ =	shalt  }
0x85: {  	_ =	shalt  }
0x86: {  	_ =	shalt  }
0x87: {  	_ =	shalt  }
.Lfunc_end0:
.L_simem_size_0:
called_computation_lowered:
.L_overlay_start_0:
0x88: {  	s2 =	sld [smem:$0x3FD9]  }
0x89: {  	s3 =	sld [smem:$0x3FFE];
	_ =	sdelay $0x1  }
0x8a: {  	s1 =	srdreg.scid  }
0x8b: {  	s0 =	sand.u32 $0x1, s1  }
0x8c: {  	s17 =	sshll.u32 s0, $0xA;
	s2 =	sadd.s32 s3, s2  }
0x8d: {  	s2 =	sadd.s32 s2, s17  }
0x8e: {  	[smem:$0x3FC2] =	sst s2  }
0x8f: {  	_ = 	snop  }
0x90: {  	s2 =	sld [smem:$0x3FC5]  }
0x91: {  	s18 =	sld [smem:$0x3FD0];
	(tm) =	ssettm $0x1  }
0x92: {  	s4 =	sld [smem:$0x3FFB];
	_ =	sdelay $0x3  }
0x93: {  	_ =	strace s4  }
0x94: {  	s4 =	sld [smem:$0x3FFC];
	_ =	sdelay $0x3  }
0x95: {  	_ =	strace s4  }
0x96: {  	s4 =	sld [smem:$0x3FFD];
	_ =	sdelay $0x3  }
0x97: {  	_ =	strace s4  }
0x98: {  	_ =	strace $0x8FFFFFFF  }
0x99: {  	s19 =	sld [smem:$0x3FDB];
	_ =	sdelay $0x1  }
0x9a: {  	s5 =	simm.s32 $_scs_section_size  }
0x9b: {  	s6 =	simm.s32 $_size__tile_overlayer_lowered;
	s7 =	simm.s32 $_tile_overlayer_lowered  }
0x9c: {  	s22 =	simm.s32 $0x1BFF;
	s21 =	sshll.u32 s7, $0x1;
	s4 =	sadd.s32 s5, s19  }
0x9d: {  	s8 =	simm.s32 $0x0;
	s20 =	sshll.u32 s6, $0x1;
	s6 =	sadd.s32 s21, s4  }
0x9e: {  	[timem:s8], [sflag:s22] =	dma.local [hbm:s6], s20  }
0x9f: {  	_ =	swait.ge [sflag:s22], s20  }
0xa0: {  	s5 =	ssub.s32 $0x0, s20;
	[sflag:s22] =	ssyncset.done $0x0  }
0xa1: {  	[sflag:s22] =	ssyncadd.s32 s5;
	_ =	sdelay $0x1  }
0xa2: {  	s23 =	simm.s32 $0x1B8B  }
0xa3: {  	_ =	swait.ge [sflag:s23], $0x1  }
0xa4: {  	[sflag:s23] =	ssyncset.done $0x0  }
0xa5: {  	s25 =	simm.s32 $0x1B8E;
	s24 =	sld [smem:$0x3FFE];
	[sflag:s23] =	ssyncadd.s32 $0xFFFFFFFF  }
0xa6: {  	s26 =	simm.s32 $execute0_lowered;
	[smem:$0x3FD2] =	sst s25  }
0xa7: {  	s6 =	sshll.u32 s26, $0x1;
	_ =	strace $0x80000046;
	[dreg:$0x1] =	wrdreg $0xFFFFFFFF  }
0xa8: {  	s28 =	simm.s32 $_size_execute0_lowered;
	s4 =	sadd.s32 s4, s6;
	[dreg:$0x0] =	wrdreg $0x0  }
0xa9: {  	s6 =	sshll.u32 s28, $0x1;
	[dreg:$0x2] =	wrdreg s4  }
0xaa: {  	[dreg:$0x3] =	wrdreg s6  }
0xab: {  	[dreg:$0x4] =	wrdreg $0xC0  }
0xac: {  	_ =	task [dreg:s8], $0x5FFFF  }
0xad: {  	[dreg:$0x1] =	wrdreg $0xFFFFFFFF  }
0xae: {  	[dreg:$0x0] =	wrdreg $0x60  }
0xaf: {  	[dreg:$0x2] =	wrdreg s18  }
0xb0: {  	[dreg:$0x3] =	wrdreg s24  }
0xb1: {  	[dreg:$0x4] =	wrdreg s2  }
0xb2: {  	[dreg:$0x5] =	wrdreg $0x9  }
0xb3: {  	_ =	task.clear_ibuf [dreg:s8], $0x6FFFF;
	_ =	strace $0x90000046  }
0xb4: {  	s29 =	simm.s32 $0x9;
	_ =	strace $0x80000048  }
0xb5: {  	_ =	swait.ge [sflag:s29], $0x1  }
0xb6: {  	[sflag:s29] =	ssyncadd.s32 $0xFFFFFFFF  }
0xb7: {  	_ =	strace $0x90000048  }
0xb8: {  	_ =	sfence  }
0xb9: {  	s30 =	sld [smem:$0x0];
	_ =	sdelay $0x2  }
0xba: {  	s31 =	sshll.u32 s1, $0xD;
	s1 =	sshrl.u32 s1, $0x2  }
0xbb: {  	s3 =	sand.u32 $0x4000, s31;
	s1 =	sadd.s32 s1, s30  }
0xbc: {  	s0 =	sor.u32 s3, s0;
	s1 =	sshll.u32 s1, $0x11  }
0xbd: {  	s0 =	sor.u32 s1, s0  }
0xbe: {  	s0 =	sadd.s32 $0x8F2B, s0  }
0xbf: {  	[sflag:s0] =	ssyncadd.remote.s32 $0x1  }
0xc0: {  	_ =	sfence.sel $0xFFFF  }
0xc1: {  	[dreg:$0x0] =	wrdreg $0xFFFFFFFF;
	(pc) =	sbr.abs _section_cstart, $3  }
0xc2: {  	[dreg:$0x1] =	wrdreg $0xFFFFFFFF  }
0xc3: {  	_ =	task.clear_ibuf [dreg:s8], $0x2FFFF;
	_ =	strace $0x9FFFFFFF  }
0xc4: {  	(tm) =	ssettm $0x7FFFFFFF  }
0xc5: {  	_ =	shalt  }
tec
execute0_lowered:
.L_overlay_start_1:
0x0: {  	(tag) =	ssettag $0x1  }
0x1: {  	v3 =	vlaneseq.u32;
	v0 =	vimm.f32 $0.0e+00;
	vm0 =	vmmov $0xffff  }
0x2: {  	v4 =	vimm.s32 $0xB80;
	vm15 =	vcmask $0x300;
	v5 =	vimm.s32 $0x1B80  }
0x3: {  	vm14 =	vcmask $0x704;
	vm13 =	vcmask $0xB08;
	vm12 =	vcmask $0xF0C  }
0x4: {  	vm11 =	vcmask $0x1310;
	vm10 =	vcmask $0x1714;
	vm9 =	vcmask $0x1B18  }
0x5: {  	vm8 =	vcmask $0x1F1C;
	vm7 =	vcmask $0x2320;
	vm6 =	vcmask $0x2724  }
0x6: {  	vm5 =	vcmask $0x2B28;
	vm4 =	vcmask $0x2F2C;
	vm3 =	vcmask $0x3330  }
0x7: {  	vm2 =	vcmask $0x3734;
	vm1 =	vcmask $0x3B38;
	v6 =	vimm.s32 $0x2B80  }
0x8: {  	v7 =	vimm.s32 $0x3B80;
	v8 =	vimm.s32 $0x4B80;
	v9 =	vimm.s32 $0x5B80  }
0x9: {  	v10 =	vimm.s32 $0x6B80;
	v11 =	vimm.s32 $0x7B80;
	v2 =	vshrl.u32 v3, $0x3  }
0xa: {  	v1 =	vand.u32 $0x7, v3;
	v4 =	vsel vm15, $0x0, v4;
	v5 =	vsel vm15, $0x1000, v5  }
0xb: {  	v3 =	vor.u32 $0x8, v3;
	v6 =	vsel vm15, $0x2000, v6;
	v7 =	vsel vm15, $0x3000, v7  }
0xc: {  	v8 =	vsel vm15, $0x4000, v8;
	v9 =	vsel vm15, $0x5000, v9;
	v10 =	vsel vm15, $0x6000, v10  }
0xd: {  	v11 =	vsel vm15, $0x7000, v11;
	v2 =	vmul.u32 $0x8, v2;
	v4 =	vsel vm14, $0x80, v4  }
0xe: {  	v5 =	vsel vm14, $0x1080, v5;
	v6 =	vsel vm14, $0x2080, v6;
	v7 =	vsel vm14, $0x3080, v7  }
0xf: {  	v8 =	vsel vm14, $0x4080, v8;
	v9 =	vsel vm14, $0x5080, v9;
	v10 =	vsel vm14, $0x6080, v10  }
0x10: {  	v11 =	vsel vm14, $0x7080, v11;
	v4 =	vsel vm13, $0x100, v4;
	v5 =	vsel vm13, $0x1100, v5  }
0x11: {  	v6 =	vsel vm13, $0x2100, v6;
	v7 =	vsel vm13, $0x3100, v7;
	v8 =	vsel vm13, $0x4100, v8  }
0x12: {  	v9 =	vsel vm13, $0x5100, v9;
	v10 =	vsel vm13, $0x6100, v10;
	v11 =	vsel vm13, $0x7100, v11  }
0x13: {  	v4 =	vsel vm12, $0x180, v4;
	v5 =	vsel vm12, $0x1180, v5;
	v6 =	vsel vm12, $0x2180, v6  }
0x14: {  	v7 =	vsel vm12, $0x3180, v7;
	v8 =	vsel vm12, $0x4180, v8;
	v9 =	vsel vm12, $0x5180, v9  }
0x15: {  	v10 =	vsel vm12, $0x6180, v10;
	v11 =	vsel vm12, $0x7180, v11;
	v4 =	vsel vm11, $0x200, v4  }
0x16: {  	v5 =	vsel vm11, $0x1200, v5;
	v6 =	vsel vm11, $0x2200, v6;
	v7 =	vsel vm11, $0x3200, v7  }
0x17: {  	v8 =	vsel vm11, $0x4200, v8;
	v9 =	vsel vm11, $0x5200, v9;
	v10 =	vsel vm11, $0x6200, v10  }
0x18: {  	v11 =	vsel vm11, $0x7200, v11;
	v4 =	vsel vm10, $0x280, v4;
	v5 =	vsel vm10, $0x1280, v5  }
0x19: {  	v6 =	vsel vm10, $0x2280, v6;
	v7 =	vsel vm10, $0x3280, v7;
	v8 =	vsel vm10, $0x4280, v8  }
0x1a: {  	v9 =	vsel vm10, $0x5280, v9;
	v10 =	vsel vm10, $0x6280, v10;
	v11 =	vsel vm10, $0x7280, v11  }
0x1b: {  	v4 =	vsel vm9, $0x300, v4;
	v5 =	vsel vm9, $0x1300, v5;
	v6 =	vsel vm9, $0x2300, v6  }
0x1c: {  	v7 =	vsel vm9, $0x3300, v7;
	v8 =	vsel vm9, $0x4300, v8;
	v9 =	vsel vm9, $0x5300, v9  }
0x1d: {  	v10 =	vsel vm9, $0x6300, v10;
	v11 =	vsel vm9, $0x7300, v11;
	v4 =	vsel vm8, $0x380, v4  }
0x1e: {  	v5 =	vsel vm8, $0x1380, v5;
	v6 =	vsel vm8, $0x2380, v6;
	v7 =	vsel vm8, $0x3380, v7  }
0x1f: {  	v8 =	vsel vm8, $0x4380, v8;
	v9 =	vsel vm8, $0x5380, v9;
	v10 =	vsel vm8, $0x6380, v10  }
0x20: {  	v11 =	vsel vm8, $0x7380, v11;
	v4 =	vsel vm7, $0x800, v4;
	v5 =	vsel vm7, $0x1800, v5  }
0x21: {  	v6 =	vsel vm7, $0x2800, v6;
	v7 =	vsel vm7, $0x3800, v7;
	v8 =	vsel vm7, $0x4800, v8  }
0x22: {  	v9 =	vsel vm7, $0x5800, v9;
	v10 =	vsel vm7, $0x6800, v10;
	v11 =	vsel vm7, $0x7800, v11  }
0x23: {  	s0 =	rddreg [dreg:$0x0];
	v4 =	vsel vm6, $0x880, v4;
	v5 =	vsel vm6, $0x1880, v5;
	v6 =	vsel vm6, $0x2880, v6  }
0x24: {  	s1 =	rddreg [dreg:$0x1];
	s10 =	simm.s32 $0x0;
	s2 =	srdreg.scid;
	v7 =	vsel vm6, $0x3880, v7;
	v8 =	vsel vm6, $0x4880, v8;
	v9 =	vsel vm6, $0x5880, v9  }
0x25: {  	s3 =	stileid.u32;
	s12 =	simm.s32 $0x10100;
	s13 =	simm.s32 $0x3;
	v10 =	vsel vm6, $0x6880, v10;
	v11 =	vsel vm6, $0x7880, v11;
	v4 =	vsel vm5, $0x900, v4  }
0x26: {  	s14 =	simm.s32 $0x80;
	s15 =	simm.s32 $0x100;
	s16 =	simm.s32 $0xA900;
	v5 =	vsel vm5, $0x1900, v5;
	v6 =	vsel vm5, $0x2900, v6;
	v7 =	vsel vm5, $0x3900, v7  }
0x27: {  	s17 =	simm.s32 $0xB100;
	s18 =	simm.s32 $0xB900;
	s19 =	simm.s32 $0xC100;
	v8 =	vsel vm5, $0x4900, v8;
	v9 =	vsel vm5, $0x5900, v9;
	v10 =	vsel vm5, $0x6900, v10  }
0x28: {  	s20 =	simm.s32 $0xC900;
	s21 =	simm.s32 $0xD100;
	s22 =	simm.s32 $0xD900;
	v11 =	vsel vm5, $0x7900, v11;
	v4 =	vsel vm4, $0x980, v4;
	v5 =	vsel vm4, $0x1980, v5  }
0x29: {  	s23 =	simm.s32 $0xE100;
	s24 =	simm.s32 $0xE900;
	s25 =	simm.s32 $0xF100;
	v6 =	vsel vm4, $0x2980, v6;
	v7 =	vsel vm4, $0x3980, v7;
	v8 =	vsel vm4, $0x4980, v8  }
0x2a: {  	s28 =	simm.s32 $0x1;
	s29 =	simm.s32 $0x10200;
	s30 =	simm.s32 $0x10280;
	v9 =	vsel vm4, $0x5980, v9;
	v10 =	vsel vm4, $0x6980, v10;
	v11 =	vsel vm4, $0x7980, v11  }
0x2b: {  	s31 =	simm.s32 $0x0;
	[smem:$0x7FF] =	sst s10;
	s2 =	sand.u32 $0x1, s2;
	v4 =	vsel vm3, $0xA00, v4;
	v5 =	vsel vm3, $0x1A00, v5;
	v6 =	vsel vm3, $0x2A00, v6  }
0x2c: {  	s3 =	sshll.u32 s3, $0x1;
	s5 =	sadd.s32 $0x1600, s1;
	s6 =	sadd.s32 $0x161000, s1;
	v7 =	vsel vm3, $0x3A00, v7;
	v8 =	vsel vm3, $0x4A00, v8;
	v9 =	vsel vm3, $0x5A00, v9  }
0x2d: {  	s7 =	sadd.s32 $0x166000, s1;
	s3 =	sor.u32 s2, s3;
	s2 =	ssub.s32 $0x2, s2;
	v10 =	vsel vm3, $0x6A00, v10;
	v11 =	vsel vm3, $0x7A00, v11;
	v4 =	vsel vm2, $0xA80, v4  }
0x2e: {  	s8 =	sadd.s32 $0x59800, s1;
	s4 =	smul.u32 $0x500, s3;
	s9 =	sshrl.u32 s2, $0x1;
	v5 =	vsel vm2, $0x1A80, v5;
	v6 =	vsel vm2, $0x2A80, v6;
	v7 =	vsel vm2, $0x3A80, v7  }
0x2f: {  	_ =	strace $0x80000047;
	s2 =	ssub.s32 s2, s9;
	s9 =	smul.u32 $0x1400, s3;
	v8 =	vsel vm2, $0x4A80, v8;
	v9 =	vsel vm2, $0x5A80, v9;
	v10 =	vsel vm2, $0x6A80, v10  }
0x30: {  	s3 =	simm.s32 $0x0;
	s1 =	sadd.s32 s4, s1;
	s26 =	smax.u32 s2, $0x1;
	v11 =	vsel vm2, $0x7A80, v11;
	v4 =	vsel vm1, $0xB00, v4;
	v5 =	vsel vm1, $0x1B00, v5  }
0x31: {  	s4 =	simm.s32 $0x2;
	s1 =	sadd.s32 $0x4F800, s1;
	[dreg:$0x5] =	wrdreg s26;
	v6 =	vsel vm1, $0x2B00, v6;
	v7 =	vsel vm1, $0x3B00, v7;
	v8 =	vsel vm1, $0x4B00, v8  }
0x32: {  	s26 =	simm.s32 $0xF900;
	[dreg:$0x4] =	wrdreg s1;
	s1 =	simm.s32 $0x8100;
	v9 =	vsel vm1, $0x5B00, v9;
	v10 =	vsel vm1, $0x6B00, v10;
	v11 =	vsel vm1, $0x7B00, v11  }
.LBB2_1:
0x33: {  	[dreg:$0x6] =	wrdreg s3  }
0x34: {  	s2 =	rddreg [dreg:$0x2]  }
0x35: {  	[tilespmem:s12], [sflag:$0x3] =	stream.linear.gather [hbm4b:s2+s10], $0x100, $0x38;
	[tilespmem:$0x12A80] =	vst v63  }
0x36: {  	_ =	swait.ge [sflag:s13], $0x100  }
0x37: {  	[sflag:s13] =	ssyncset.done $0x0  }
0x38: {  	s3 =	simm.s32 $0x0;
	s2 =	simm.s32 $0x40;
	[sflag:s13] =	ssyncadd.s32 $0xFFFFFF00  }
.LBB2_2:
0x39: {  	p0 =	sne.s32 s2, $0x9FC0;
	[tilespmem:s3+$0x10280] =	vst v0;
	s3 =	smov.u32 s2;
	s2 =	sadd.s32 $0x40, s2  }
.Ltmp0:
0x3a: {  	(pc) =	sbr.rel @p0 .LBB2_2-.Ltmp0, $2  }
0x3b: {  	_ =	sdelay $0x2  }
0x3c: {  	s3 =	sshra.s32 s3, $0x2  }
0x3d: {  	[tilespmem:s3+$0x10280] =	vst v0;
	s3 =	simm.s32 $0x0  }
.LBB2_4:
0x3e: {  	s2 =	sshll.u32 s3, $0x7  }
0x3f: {  	s10 =	sadd.s32 s9, s2  }
0x40: {  	s2 =	sshrl.u32 s10, $0x3  }
0x41: {  	s11 =	sadd.s32 s6, s2  }
0x42: {  	[tilespmem:s31], [sflag:$0x3] =	stream.linear.gather [hbm4b:s11+s31], $0x80, $0x38;
	[tilespmem:$0x12A80] =	vst v63  }
0x43: {  	_ =	swait.ge [sflag:s13], $0x80  }
0x44: {  	[sflag:s13] =	ssyncset.done $0x0  }
0x45: {  	s11 =	sadd.s32 s7, s2;
	[sflag:s13] =	ssyncadd.s32 $0xFFFFFF80  }
0x46: {  	[tilespmem:s14], [sflag:$0x3] =	stream.linear.gather [hbm4b:s11+s31], $0x80, $0x38;
	[tilespmem:$0x12A80] =	vst v63  }
0x47: {  	_ =	swait.ge [sflag:s13], $0x80  }
0x48: {  	[sflag:s13] =	ssyncset.done $0x0  }
0x49: {  	[sflag:s13] =	ssyncadd.s32 $0xFFFFFF80  }
0x4a: {  	v12 =	vld [tilespmem:$0x0];
	_ =	sdelay $0x4  }
0x4b: {  	v13 =	vshll.u32 v12, $0x1  }
0x4c: {  	v12 =	vand.u32 $0x7, v12;
	v13 =	vand.u32 $0xFFFFFFF0, v13  }
0x4d: {  	v12 =	vor.u32 v12, v13  }
0x4e: {  	v13 =	vperm.xlane v12, v1;
	_ =	sdelay $0x1  }
0x4f: {  	v12 =	vperm.xlane v12, v3;
	v13 =	vadd.s32 v2, v13;
	_ =	sdelay $0x1  }
0x50: {  	v12 =	vadd.s32 v2, v12;
	_ =	sdelay $0x2  }
0x51: {  	[tilespmem:s15], [sflag:$0x1] =	stream.indirect_vreg.gather [hbm4b:s0+s31], $0x80, v13, vm0, $0xb8;
	[tilespmem:$0x12A80] =	vst v63  }
0x52: {  	s11 =	simm.s32 $0x900  }
0x53: {  	[tilespmem:s11], [sflag:$0x1] =	stream.indirect_vreg.gather [hbm4b:s0+s31], $0x80, v12, vm0, $0xb8;
	[tilespmem:$0x12A80] =	vst v63  }
0x54: {  	v12 =	vld [tilespmem:$0x10];
	_ =	sdelay $0x4  }
0x55: {  	v13 =	vshll.u32 v12, $0x1  }
0x56: {  	v12 =	vand.u32 $0x7, v12;
	v13 =	vand.u32 $0xFFFFFFF0, v13  }
0x57: {  	v12 =	vor.u32 v12, v13  }
0x58: {  	v13 =	vperm.xlane v12, v1;
	_ =	sdelay $0x1  }
0x59: {  	v12 =	vperm.xlane v12, v3;
	v13 =	vadd.s32 v2, v13;
	_ =	sdelay $0x1  }
0x5a: {  	v12 =	vadd.s32 v2, v12;
	_ =	sdelay $0x1  }
0x5b: {  	s11 =	simm.s32 $0x1100  }
0x5c: {  	[tilespmem:s11], [sflag:$0x1] =	stream.indirect_vreg.gather [hbm4b:s0+s31], $0x80, v13, vm0, $0xb8;
	[tilespmem:$0x12A80] =	vst v63  }
0x5d: {  	s11 =	simm.s32 $0x1900  }
0x5e: {  	[tilespmem:s11], [sflag:$0x1] =	stream.indirect_vreg.gather [hbm4b:s0+s31], $0x80, v12, vm0, $0xb8;
	[tilespmem:$0x12A80] =	vst v63  }
0x5f: {  	v12 =	vld [tilespmem:$0x20];
	_ =	sdelay $0x4  }
0x60: {  	v13 =	vshll.u32 v12, $0x1  }
0x61: {  	v12 =	vand.u32 $0x7, v12;
	v13 =	vand.u32 $0xFFFFFFF0, v13  }
0x62: {  	v12 =	vor.u32 v12, v13  }
0x63: {  	v13 =	vperm.xlane v12, v1;
	_ =	sdelay $0x1  }
0x64: {  	v12 =	vperm.xlane v12, v3;
	v13 =	vadd.s32 v2, v13;
	_ =	sdelay $0x1  }
0x65: {  	v12 =	vadd.s32 v2, v12;
	_ =	sdelay $0x1  }
0x66: {  	s11 =	simm.s32 $0x2100  }
0x67: {  	[tilespmem:s11], [sflag:$0x1] =	stream.indirect_vreg.gather [hbm4b:s0+s31], $0x80, v13, vm0, $0xb8;
	[tilespmem:$0x12A80] =	vst v63  }
0x68: {  	s11 =	simm.s32 $0x2900  }
0x69: {  	[tilespmem:s11], [sflag:$0x1] =	stream.indirect_vreg.gather [hbm4b:s0+s31], $0x80, v12, vm0, $0xb8;
	[tilespmem:$0x12A80] =	vst v63  }
0x6a: {  	v12 =	vld [tilespmem:$0x30];
	_ =	sdelay $0x4  }
0x6b: {  	v13 =	vshll.u32 v12, $0x1  }
0x6c: {  	v12 =	vand.u32 $0x7, v12;
	v13 =	vand.u32 $0xFFFFFFF0, v13  }
0x6d: {  	v12 =	vor.u32 v12, v13  }
0x6e: {  	v13 =	vperm.xlane v12, v1;
	_ =	sdelay $0x1  }
0x6f: {  	v12 =	vperm.xlane v12, v3;
	v13 =	vadd.s32 v2, v13;
	_ =	sdelay $0x1  }
0x70: {  	v12 =	vadd.s32 v2, v12;
	_ =	sdelay $0x1  }
0x71: {  	s11 =	simm.s32 $0x3100  }
0x72: {  	[tilespmem:s11], [sflag:$0x1] =	stream.indirect_vreg.gather [hbm4b:s0+s31], $0x80, v13, vm0, $0xb8;
	[tilespmem:$0x12A80] =	vst v63  }
0x73: {  	s11 =	simm.s32 $0x3900  }
0x74: {  	[tilespmem:s11], [sflag:$0x1] =	stream.indirect_vreg.gather [hbm4b:s0+s31], $0x80, v12, vm0, $0xb8;
	[tilespmem:$0x12A80] =	vst v63  }
0x75: {  	v12 =	vld [tilespmem:$0x40];
	_ =	sdelay $0x4  }
0x76: {  	v13 =	vshll.u32 v12, $0x1  }
0x77: {  	v12 =	vand.u32 $0x7, v12;
	v13 =	vand.u32 $0xFFFFFFF0, v13  }
0x78: {  	v12 =	vor.u32 v12, v13  }
0x79: {  	v13 =	vperm.xlane v12, v1;
	_ =	sdelay $0x1  }
0x7a: {  	v12 =	vperm.xlane v12, v3;
	v13 =	vadd.s32 v2, v13;
	_ =	sdelay $0x1  }
0x7b: {  	v12 =	vadd.s32 v2, v12;
	_ =	sdelay $0x1  }
0x7c: {  	s11 =	simm.s32 $0x4100  }
0x7d: {  	[tilespmem:s11], [sflag:$0x1] =	stream.indirect_vreg.gather [hbm4b:s0+s31], $0x80, v13, vm0, $0xb8;
	[tilespmem:$0x12A80] =	vst v63  }
0x7e: {  	s11 =	simm.s32 $0x4900  }
0x7f: {  	[tilespmem:s11], [sflag:$0x1] =	stream.indirect_vreg.gather [hbm4b:s0+s31], $0x80, v12, vm0, $0xb8;
	[tilespmem:$0x12A80] =	vst v63  }
0x80: {  	v12 =	vld [tilespmem:$0x50];
	_ =	sdelay $0x4  }
0x81: {  	v13 =	vshll.u32 v12, $0x1  }
0x82: {  	v12 =	vand.u32 $0x7, v12;
	v13 =	vand.u32 $0xFFFFFFF0, v13  }
0x83: {  	v12 =	vor.u32 v12, v13  }
0x84: {  	v13 =	vperm.xlane v12, v1;
	_ =	sdelay $0x1  }
0x85: {  	v12 =	vperm.xlane v12, v3;
	v13 =	vadd.s32 v2, v13;
	_ =	sdelay $0x1  }
0x86: {  	v12 =	vadd.s32 v2, v12;
	_ =	sdelay $0x1  }
0x87: {  	s11 =	simm.s32 $0x5100  }
0x88: {  	[tilespmem:s11], [sflag:$0x1] =	stream.indirect_vreg.gather [hbm4b:s0+s31], $0x80, v13, vm0, $0xb8;
	[tilespmem:$0x12A80] =	vst v63  }
0x89: {  	s11 =	simm.s32 $0x5900  }
0x8a: {  	[tilespmem:s11], [sflag:$0x1] =	stream.indirect_vreg.gather [hbm4b:s0+s31], $0x80, v12, vm0, $0xb8;
	[tilespmem:$0x12A80] =	vst v63  }
0x8b: {  	v12 =	vld [tilespmem:$0x60];
	_ =	sdelay $0x4  }
0x8c: {  	v13 =	vshll.u32 v12, $0x1  }
0x8d: {  	v12 =	vand.u32 $0x7, v12;
	v13 =	vand.u32 $0xFFFFFFF0, v13  }
0x8e: {  	v12 =	vor.u32 v12, v13  }
0x8f: {  	v13 =	vperm.xlane v12, v1;
	_ =	sdelay $0x1  }
0x90: {  	v12 =	vperm.xlane v12, v3;
	v13 =	vadd.s32 v2, v13;
	_ =	sdelay $0x1  }
0x91: {  	v12 =	vadd.s32 v2, v12;
	_ =	sdelay $0x1  }
0x92: {  	s11 =	simm.s32 $0x6100  }
0x93: {  	[tilespmem:s11], [sflag:$0x1] =	stream.indirect_vreg.gather [hbm4b:s0+s31], $0x80, v13, vm0, $0xb8;
	[tilespmem:$0x12A80] =	vst v63  }
0x94: {  	s11 =	simm.s32 $0x6900  }
0x95: {  	[tilespmem:s11], [sflag:$0x1] =	stream.indirect_vreg.gather [hbm4b:s0+s31], $0x80, v12, vm0, $0xb8;
	[tilespmem:$0x12A80] =	vst v63  }
0x96: {  	v12 =	vld [tilespmem:$0x70];
	_ =	sdelay $0x4  }
0x97: {  	v13 =	vshll.u32 v12, $0x1  }
0x98: {  	v12 =	vand.u32 $0x7, v12;
	v13 =	vand.u32 $0xFFFFFFF0, v13  }
0x99: {  	v12 =	vor.u32 v12, v13  }
0x9a: {  	v13 =	vperm.xlane v12, v1;
	_ =	sdelay $0x1  }
0x9b: {  	v12 =	vperm.xlane v12, v3;
	v13 =	vadd.s32 v2, v13;
	_ =	sdelay $0x1  }
0x9c: {  	v12 =	vadd.s32 v2, v12;
	_ =	sdelay $0x1  }
0x9d: {  	s11 =	simm.s32 $0x7100  }
0x9e: {  	[tilespmem:s11], [sflag:$0x1] =	stream.indirect_vreg.gather [hbm4b:s0+s31], $0x80, v13, vm0, $0xb8;
	[tilespmem:$0x12A80] =	vst v63  }
0x9f: {  	s11 =	simm.s32 $0x7900  }
0xa0: {  	[tilespmem:s11], [sflag:$0x1] =	stream.indirect_vreg.gather [hbm4b:s0+s31], $0x80, v12, vm0, $0xb8;
	[tilespmem:$0x12A80] =	vst v63  }
0xa1: {  	v12 =	vld [tilespmem:$0x80];
	_ =	sdelay $0x4  }
0xa2: {  	v13 =	vshll.u32 v12, $0x1  }
0xa3: {  	v12 =	vand.u32 $0x7, v12;
	v13 =	vand.u32 $0xFFFFFFF0, v13  }
0xa4: {  	v12 =	vor.u32 v12, v13  }
0xa5: {  	v13 =	vperm.xlane v12, v1;
	_ =	sdelay $0x1  }
0xa6: {  	v12 =	vperm.xlane v12, v3;
	v13 =	vadd.s32 v2, v13;
	_ =	sdelay $0x1  }
0xa7: {  	v12 =	vadd.s32 v2, v12;
	_ =	sdelay $0x2  }
0xa8: {  	[tilespmem:s1], [sflag:$0x2] =	stream.indirect_vreg.gather [hbm4b:s5+s31], $0x80, v13, vm0, $0xb8;
	[tilespmem:$0x12A80] =	vst v63  }
0xa9: {  	s11 =	simm.s32 $0x8900  }
0xaa: {  	[tilespmem:s11], [sflag:$0x2] =	stream.indirect_vreg.gather [hbm4b:s5+s31], $0x80, v12, vm0, $0xb8;
	[tilespmem:$0x12A80] =	vst v63  }
0xab: {  	v12 =	vld [tilespmem:$0x90];
	_ =	sdelay $0x4  }
0xac: {  	v13 =	vshll.u32 v12, $0x1  }
0xad: {  	v12 =	vand.u32 $0x7, v12;
	v13 =	vand.u32 $0xFFFFFFF0, v13  }
0xae: {  	v12 =	vor.u32 v12, v13  }
0xaf: {  	v13 =	vperm.xlane v12, v1;
	_ =	sdelay $0x1  }
0xb0: {  	v12 =	vperm.xlane v12, v3;
	v13 =	vadd.s32 v2, v13;
	_ =	sdelay $0x1  }
0xb1: {  	v12 =	vadd.s32 v2, v12;
	_ =	sdelay $0x1  }
0xb2: {  	s11 =	simm.s32 $0x9100  }
0xb3: {  	[tilespmem:s11], [sflag:$0x2] =	stream.indirect_vreg.gather [hbm4b:s5+s31], $0x80, v13, vm0, $0xb8;
	[tilespmem:$0x12A80] =	vst v63  }
0xb4: {  	s11 =	simm.s32 $0x9900  }
0xb5: {  	[tilespmem:s11], [sflag:$0x2] =	stream.indirect_vreg.gather [hbm4b:s5+s31], $0x80, v12, vm0, $0xb8;
	[tilespmem:$0x12A80] =	vst v63  }
0xb6: {  	v12 =	vld [tilespmem:$0xA0];
	_ =	sdelay $0x4  }
0xb7: {  	v13 =	vshll.u32 v12, $0x1  }
0xb8: {  	v12 =	vand.u32 $0x7, v12;
	v13 =	vand.u32 $0xFFFFFFF0, v13  }
0xb9: {  	v12 =	vor.u32 v12, v13  }
0xba: {  	v13 =	vperm.xlane v12, v1;
	_ =	sdelay $0x1  }
0xbb: {  	v12 =	vperm.xlane v12, v3;
	v13 =	vadd.s32 v2, v13;
	_ =	sdelay $0x1  }
0xbc: {  	v12 =	vadd.s32 v2, v12;
	_ =	sdelay $0x1  }
0xbd: {  	s11 =	simm.s32 $0xA100  }
0xbe: {  	[tilespmem:s11], [sflag:$0x2] =	stream.indirect_vreg.gather [hbm4b:s5+s31], $0x80, v13, vm0, $0xb8;
	[tilespmem:$0x12A80] =	vst v63  }
0xbf: {  	_ = 	snop  }
0xc0: {  	[tilespmem:s16], [sflag:$0x2] =	stream.indirect_vreg.gather [hbm4b:s5+s31], $0x80, v12, vm0, $0xb8;
	[tilespmem:$0x12A80] =	vst v63  }
0xc1: {  	v12 =	vld [tilespmem:$0xB0];
	_ =	sdelay $0x4  }
0xc2: {  	v13 =	vshll.u32 v12, $0x1  }
0xc3: {  	v12 =	vand.u32 $0x7, v12;
	v13 =	vand.u32 $0xFFFFFFF0, v13  }
0xc4: {  	v12 =	vor.u32 v12, v13  }
0xc5: {  	v13 =	vperm.xlane v12, v1;
	_ =	sdelay $0x1  }
0xc6: {  	v12 =	vperm.xlane v12, v3;
	v13 =	vadd.s32 v2, v13;
	_ =	sdelay $0x1  }
0xc7: {  	v12 =	vadd.s32 v2, v12;
	_ =	sdelay $0x2  }
0xc8: {  	[tilespmem:s17], [sflag:$0x2] =	stream.indirect_vreg.gather [hbm4b:s5+s31], $0x80, v13, vm0, $0xb8;
	[tilespmem:$0x12A80] =	vst v63  }
0xc9: {  	_ = 	snop  }
0xca: {  	[tilespmem:s18], [sflag:$0x2] =	stream.indirect_vreg.gather [hbm4b:s5+s31], $0x80, v12, vm0, $0xb8;
	[tilespmem:$0x12A80] =	vst v63  }
0xcb: {  	v12 =	vld [tilespmem:$0xC0];
	_ =	sdelay $0x4  }
0xcc: {  	v13 =	vshll.u32 v12, $0x1  }
0xcd: {  	v12 =	vand.u32 $0x7, v12;
	v13 =	vand.u32 $0xFFFFFFF0, v13  }
0xce: {  	v12 =	vor.u32 v12, v13  }
0xcf: {  	v13 =	vperm.xlane v12, v1;
	_ =	sdelay $0x1  }
0xd0: {  	v12 =	vperm.xlane v12, v3;
	v13 =	vadd.s32 v2, v13;
	_ =	sdelay $0x1  }
0xd1: {  	v12 =	vadd.s32 v2, v12;
	_ =	sdelay $0x2  }
0xd2: {  	[tilespmem:s19], [sflag:$0x2] =	stream.indirect_vreg.gather [hbm4b:s5+s31], $0x80, v13, vm0, $0xb8;
	[tilespmem:$0x12A80] =	vst v63  }
0xd3: {  	_ = 	snop  }
0xd4: {  	[tilespmem:s20], [sflag:$0x2] =	stream.indirect_vreg.gather [hbm4b:s5+s31], $0x80, v12, vm0, $0xb8;
	[tilespmem:$0x12A80] =	vst v63  }
0xd5: {  	v12 =	vld [tilespmem:$0xD0];
	_ =	sdelay $0x4  }
0xd6: {  	v13 =	vshll.u32 v12, $0x1  }
0xd7: {  	v12 =	vand.u32 $0x7, v12;
	v13 =	vand.u32 $0xFFFFFFF0, v13  }
0xd8: {  	v12 =	vor.u32 v12, v13  }
0xd9: {  	v13 =	vperm.xlane v12, v1;
	_ =	sdelay $0x1  }
0xda: {  	v12 =	vperm.xlane v12, v3;
	v13 =	vadd.s32 v2, v13;
	_ =	sdelay $0x1  }
0xdb: {  	v12 =	vadd.s32 v2, v12;
	_ =	sdelay $0x2  }
0xdc: {  	[tilespmem:s21], [sflag:$0x2] =	stream.indirect_vreg.gather [hbm4b:s5+s31], $0x80, v13, vm0, $0xb8;
	[tilespmem:$0x12A80] =	vst v63  }
0xdd: {  	_ = 	snop  }
0xde: {  	[tilespmem:s22], [sflag:$0x2] =	stream.indirect_vreg.gather [hbm4b:s5+s31], $0x80, v12, vm0, $0xb8;
	[tilespmem:$0x12A80] =	vst v63  }
0xdf: {  	v12 =	vld [tilespmem:$0xE0];
	_ =	sdelay $0x4  }
0xe0: {  	v13 =	vshll.u32 v12, $0x1  }
0xe1: {  	v12 =	vand.u32 $0x7, v12;
	v13 =	vand.u32 $0xFFFFFFF0, v13  }
0xe2: {  	v12 =	vor.u32 v12, v13  }
0xe3: {  	v13 =	vperm.xlane v12, v1;
	_ =	sdelay $0x1  }
0xe4: {  	v12 =	vperm.xlane v12, v3;
	v13 =	vadd.s32 v2, v13;
	_ =	sdelay $0x1  }
0xe5: {  	v12 =	vadd.s32 v2, v12;
	_ =	sdelay $0x2  }
0xe6: {  	[tilespmem:s23], [sflag:$0x2] =	stream.indirect_vreg.gather [hbm4b:s5+s31], $0x80, v13, vm0, $0xb8;
	[tilespmem:$0x12A80] =	vst v63  }
0xe7: {  	_ = 	snop  }
0xe8: {  	[tilespmem:s24], [sflag:$0x2] =	stream.indirect_vreg.gather [hbm4b:s5+s31], $0x80, v12, vm0, $0xb8;
	[tilespmem:$0x12A80] =	vst v63  }
0xe9: {  	v12 =	vld [tilespmem:$0xF0];
	_ =	sdelay $0x4  }
0xea: {  	v13 =	vshll.u32 v12, $0x1  }
0xeb: {  	v12 =	vand.u32 $0x7, v12;
	v13 =	vand.u32 $0xFFFFFFF0, v13  }
0xec: {  	v12 =	vor.u32 v12, v13  }
0xed: {  	v13 =	vperm.xlane v12, v1;
	_ =	sdelay $0x1  }
0xee: {  	v12 =	vperm.xlane v12, v3;
	v13 =	vadd.s32 v2, v13;
	_ =	sdelay $0x1  }
0xef: {  	v12 =	vadd.s32 v2, v12;
	_ =	sdelay $0x2  }
0xf0: {  	[tilespmem:s25], [sflag:$0x2] =	stream.indirect_vreg.gather [hbm4b:s5+s31], $0x80, v13, vm0, $0xb8;
	v13 =	vmov s31;
	[tilespmem:$0x12A80] =	vst v63  }
0xf1: {  	v14 =	vshll.u32 v13, $0x3  }
0xf2: {  	[tilespmem:s26], [sflag:$0x2] =	stream.indirect_vreg.gather [hbm4b:s5+s31], $0x80, v12, vm0, $0xb8;
	v12 =	vand.u32 $0x7F, v13;
	v14 =	vand.u32 $0x400, v14;
	[tilespmem:$0x12A80] =	vst v63  }
0xf3: {  	_ =	swait.ge [sflag:s28], $0x8000;
	v12 =	vor.u32 v14, v12  }
0xf4: {  	[sflag:s28] =	ssyncset.done $0x0;
	v12 =	vor.u32 v4, v12  }
0xf5: {  	[sflag:s28] =	ssyncadd.s32 $0xFFFF8000  }
0xf6: {  	_ =	swait.ge [sflag:s4], $0x8000  }
0xf7: {  	s11 =	simm.s32 $0x1;
	[sflag:s4] =	ssyncset.done $0x0  }
0xf8: {  	v16 =	vmov s11;
	[sflag:s4] =	ssyncadd.s32 $0xFFFF8000  }
0xf9: {  	v15 =	vshll.u32 v16, $0x3;
	v14 =	vld.idx.msk [tilespmem:v12+s15+$0x0], $0xffff  }
0xfa: {  	v15 =	vand.u32 $0x400, v15;
	v17 =	vld.idx.msk [tilespmem:v12+s1+$0x0], $0xffff;
	v12 =	vand.u32 $0x7F, v16  }
0xfb: {  	v12 =	vor.u32 v15, v12  }
0xfc: {  	v18 =	vor.u32 v4, v12  }
0xfd: {  	s11 =	simm.s32 $0x2  }
0xfe: {  	v12 =	vmov s11  }
0xff: {  	v19 =	vld.idx.msk [tilespmem:v13+s12+$0x0], $0xffff;
	v13 =	vshll.u32 v12, $0x3  }
0x100: {  	v20 =	vand.u32 $0x400, v13;
	v14 =	vadd.f32 v17, v14;
	v17 =	vand.u32 $0x7F, v12  }
0x101: {  	v20 =	vor.u32 v20, v17;
	v15 =	vld.idx.msk [tilespmem:v18+s15+$0x0], $0xffff  }
0x102: {  	v21 =	vmul.f32 $2.000000030e-01, v14;
	v17 =	vld.idx.msk [tilespmem:v18+s1+$0x0], $0xffff;
	v18 =	vor.u32 v4, v20;
	_ =	sdelay $0x1  }
0x103: {  	s11 =	simm.s32 $0x3;
	v20 =	vmax.f32 v14, v21  }
0x104: {  	v14 =	vmov s11;
	v19 =	vmul.f32 v20, v19  }
0x105: {  	v16 =	vld.idx.msk [tilespmem:v16+s12+$0x0], $0xffff;
	v13 =	vimm.f32 $0.0e+00;
	s11 =	simm.s32 $0x4;
	v20 =	vand.u32 $0x7F, v14;
	v21 =	vshll.u32 v14, $0x3  }
.LBB2_5:
0x106: {  	p0 =	sne.s32 s11, $0xFF;
	v21 =	vand.u32 $0x400, v21;
	v22 =	vadd.f32 v17, v15;
	v15 =	vld.idx.msk [tilespmem:v18+s15+$0x0], $0xffff;
	v13 =	vadd.f32 v19, v13  }
0x107: {  	v19 =	vor.u32 v21, v20;
	v17 =	vld.idx.msk [tilespmem:v18+s1+$0x0], $0xffff  }
.Ltmp1:
0x108: {  	v18 =	vor.u32 v4, v19;
	v19 =	vmul.f32 $2.000000030e-01, v22;
	(pc) =	sbr.rel @p0 .LBB2_5-.Ltmp1, $4  }
0x109: {  	_ = 	snop  }
0x10a: {  	v19 =	vmax.f32 v22, v19  }
0x10b: {  	v22 =	vmov s11;
	v19 =	vmul.f32 v19, v16  }
0x10c: {  	s11 =	sadd.s32 $0x1, s11;
	v20 =	vand.u32 $0x7F, v22;
	v21 =	vshll.u32 v22, $0x3;
	v16 =	vld.idx.msk [tilespmem:v12+s12+$0x0], $0xffff;
	v12 =	vmovc v14;
	v14 =	vmov v22  }
0x10d: {  	v21 =	vand.u32 $0x400, v21  }
0x10e: {  	v20 =	vor.u32 v21, v20  }
0x10f: {  	v20 =	vor.u32 v4, v20;
	_ =	sdelay $0x2  }
0x110: {  	v21 =	vld.idx.msk [tilespmem:v18+s15+$0x0], $0xffff  }
0x111: {  	v18 =	vld.idx.msk [tilespmem:v18+s1+$0x0], $0xffff  }
0x112: {  	v22 =	vld.idx.msk [tilespmem:v20+s15+$0x0], $0xffff  }
0x113: {  	v20 =	vld.idx.msk [tilespmem:v20+s1+$0x0], $0xffff  }
0x114: {  	v15 =	vadd.f32 v17, v15;
	_ =	sdelay $0x1  }
0x115: {  	v12 =	vld.idx.msk [tilespmem:v12+s12+$0x0], $0xffff;
	v17 =	vmul.f32 $2.000000030e-01, v15;
	v18 =	vadd.f32 v18, v21;
	_ =	sdelay $0x1  }
0x116: {  	v14 =	vld.idx.msk [tilespmem:v14+s12+$0x0], $0xffff;
	v15 =	vmax.f32 v15, v17;
	v17 =	vmul.f32 $2.000000030e-01, v18;
	v20 =	vadd.f32 v20, v22  }
0x117: {  	v13 =	vadd.f32 v19, v13;
	v15 =	vmul.f32 v15, v16  }
0x118: {  	v16 =	vmax.f32 v18, v17;
	v17 =	vmul.f32 $2.000000030e-01, v20  }
0x119: {  	v13 =	vadd.f32 v15, v13;
	v12 =	vmul.f32 v16, v12  }
0x11a: {  	v15 =	vmax.f32 v20, v17  }
0x11b: {  	v12 =	vadd.f32 v12, v13;
	v13 =	vmul.f32 v15, v14;
	_ =	sdelay $0x1  }
0x11c: {  	v12 =	vadd.f32 v13, v12;
	_ =	sdelay $0x1  }
0x11d: {  	v12 =	vmul.f32 $1.442695020e+00, v12;
	_ =	sdelay $0x1  }
0x11e: {  	(erf) = vpow2.f32 v12;
	_ =	sdelay $0x1  }
0x11f: {  	s11 =	simm.s32 $0x0  }
0x120: {  	v13 =	vmov s11  }
0x121: {  	v12 =	vshll.u32 v13, $0x3  }
0x122: {  	v14 =	vand.u32 $0x7F, v13;
	v12 =	vand.u32 $0x400, v12  }
0x123: {  	v12 =	vor.u32 v12, v14  }
0x124: {  	v12 =	vor.u32 v5, v12;
	_ =	sdelay $0x1  }
0x125: {  	p0 =	slt.u32 s10, $0x27100;
	v14 =	vpop (erf)  }
0x126: {  	s11 =	simm.s32 $0x1;
	v14 =	vpsel !p0, $0x0, v14  }
0x127: {  	v16 =	vmov s11;
	[tilespmem:$0x10200] =	vst v14  }
0x128: {  	v15 =	vshll.u32 v16, $0x3;
	v14 =	vld.idx.msk [tilespmem:v12+s15+$0x0], $0xffff  }
0x129: {  	v15 =	vand.u32 $0x400, v15;
	v17 =	vld.idx.msk [tilespmem:v12+s1+$0x0], $0xffff;
	v12 =	vand.u32 $0x7F, v16  }
0x12a: {  	v12 =	vor.u32 v15, v12  }
0x12b: {  	v18 =	vor.u32 v5, v12  }
0x12c: {  	s11 =	simm.s32 $0x2  }
0x12d: {  	v12 =	vmov s11  }
0x12e: {  	v19 =	vld.idx.msk [tilespmem:v13+s12+$0x0], $0xffff;
	v13 =	vshll.u32 v12, $0x3  }
0x12f: {  	v20 =	vand.u32 $0x400, v13;
	v14 =	vadd.f32 v17, v14;
	v17 =	vand.u32 $0x7F, v12  }
0x130: {  	v20 =	vor.u32 v20, v17;
	v15 =	vld.idx.msk [tilespmem:v18+s15+$0x0], $0xffff  }
0x131: {  	v21 =	vmul.f32 $2.000000030e-01, v14;
	v17 =	vld.idx.msk [tilespmem:v18+s1+$0x0], $0xffff;
	v18 =	vor.u32 v5, v20;
	_ =	sdelay $0x1  }
0x132: {  	s11 =	simm.s32 $0x3;
	v20 =	vmax.f32 v14, v21  }
0x133: {  	v14 =	vmov s11;
	v19 =	vmul.f32 v20, v19  }
0x134: {  	v16 =	vld.idx.msk [tilespmem:v16+s12+$0x0], $0xffff;
	v13 =	vimm.f32 $0.0e+00;
	s11 =	simm.s32 $0x4;
	v20 =	vand.u32 $0x7F, v14;
	v21 =	vshll.u32 v14, $0x3  }
.LBB2_7:
0x135: {  	p0 =	sne.s32 s11, $0xFF;
	v21 =	vand.u32 $0x400, v21;
	v22 =	vadd.f32 v17, v15;
	v15 =	vld.idx.msk [tilespmem:v18+s15+$0x0], $0xffff;
	v13 =	vadd.f32 v19, v13  }
0x136: {  	v19 =	vor.u32 v21, v20;
	v17 =	vld.idx.msk [tilespmem:v18+s1+$0x0], $0xffff  }
.Ltmp2:
0x137: {  	v18 =	vor.u32 v5, v19;
	v19 =	vmul.f32 $2.000000030e-01, v22;
	(pc) =	sbr.rel @p0 .LBB2_7-.Ltmp2, $4  }
0x138: {  	_ = 	snop  }
0x139: {  	v19 =	vmax.f32 v22, v19  }
0x13a: {  	v22 =	vmov s11;
	v19 =	vmul.f32 v19, v16  }
0x13b: {  	s11 =	sadd.s32 $0x1, s11;
	v20 =	vand.u32 $0x7F, v22;
	v21 =	vshll.u32 v22, $0x3;
	v16 =	vld.idx.msk [tilespmem:v12+s12+$0x0], $0xffff;
	v12 =	vmovc v14;
	v14 =	vmov v22  }
0x13c: {  	v21 =	vand.u32 $0x400, v21  }
0x13d: {  	v20 =	vor.u32 v21, v20  }
0x13e: {  	v20 =	vor.u32 v5, v20;
	_ =	sdelay $0x2  }
0x13f: {  	v21 =	vld.idx.msk [tilespmem:v18+s15+$0x0], $0xffff  }
0x140: {  	v18 =	vld.idx.msk [tilespmem:v18+s1+$0x0], $0xffff  }
0x141: {  	v22 =	vld.idx.msk [tilespmem:v20+s15+$0x0], $0xffff  }
0x142: {  	v20 =	vld.idx.msk [tilespmem:v20+s1+$0x0], $0xffff  }
0x143: {  	v15 =	vadd.f32 v17, v15;
	_ =	sdelay $0x1  }
0x144: {  	v12 =	vld.idx.msk [tilespmem:v12+s12+$0x0], $0xffff;
	v17 =	vmul.f32 $2.000000030e-01, v15;
	v18 =	vadd.f32 v18, v21;
	_ =	sdelay $0x1  }
0x145: {  	v14 =	vld.idx.msk [tilespmem:v14+s12+$0x0], $0xffff;
	v15 =	vmax.f32 v15, v17;
	v17 =	vmul.f32 $2.000000030e-01, v18;
	v20 =	vadd.f32 v20, v22  }
0x146: {  	v13 =	vadd.f32 v19, v13;
	v15 =	vmul.f32 v15, v16  }
0x147: {  	v16 =	vmax.f32 v18, v17;
	v17 =	vmul.f32 $2.000000030e-01, v20  }
0x148: {  	v13 =	vadd.f32 v15, v13;
	v12 =	vmul.f32 v16, v12  }
0x149: {  	v15 =	vmax.f32 v20, v17  }
0x14a: {  	v12 =	vadd.f32 v12, v13;
	v13 =	vmul.f32 v15, v14;
	_ =	sdelay $0x1  }
0x14b: {  	v12 =	vadd.f32 v13, v12;
	_ =	sdelay $0x1  }
0x14c: {  	v12 =	vmul.f32 $1.442695020e+00, v12;
	_ =	sdelay $0x1  }
0x14d: {  	(erf) = vpow2.f32 v12;
	_ =	sdelay $0x1  }
0x14e: {  	s11 =	simm.s32 $0x0  }
0x14f: {  	v13 =	vmov s11  }
0x150: {  	v12 =	vshll.u32 v13, $0x3  }
0x151: {  	v14 =	vand.u32 $0x7F, v13;
	v12 =	vand.u32 $0x400, v12  }
0x152: {  	v12 =	vor.u32 v12, v14  }
0x153: {  	v12 =	vor.u32 v6, v12  }
0x154: {  	s11 =	sor.u32 $0x10, s10  }
0x155: {  	p0 =	slt.u32 s11, $0x27100;
	v14 =	vpop (erf)  }
0x156: {  	s11 =	simm.s32 $0x1;
	v14 =	vpsel !p0, $0x0, v14  }
0x157: {  	v16 =	vmov s11;
	[tilespmem:$0x10210] =	vst v14  }
0x158: {  	v15 =	vshll.u32 v16, $0x3;
	v14 =	vld.idx.msk [tilespmem:v12+s15+$0x0], $0xffff  }
0x159: {  	v15 =	vand.u32 $0x400, v15;
	v17 =	vld.idx.msk [tilespmem:v12+s1+$0x0], $0xffff;
	v12 =	vand.u32 $0x7F, v16  }
0x15a: {  	v12 =	vor.u32 v15, v12  }
0x15b: {  	v18 =	vor.u32 v6, v12  }
0x15c: {  	s11 =	simm.s32 $0x2  }
0x15d: {  	v12 =	vmov s11  }
0x15e: {  	v19 =	vld.idx.msk [tilespmem:v13+s12+$0x0], $0xffff;
	v13 =	vshll.u32 v12, $0x3  }
0x15f: {  	v20 =	vand.u32 $0x400, v13;
	v14 =	vadd.f32 v17, v14;
	v17 =	vand.u32 $0x7F, v12  }
0x160: {  	v20 =	vor.u32 v20, v17;
	v15 =	vld.idx.msk [tilespmem:v18+s15+$0x0], $0xffff  }
0x161: {  	v21 =	vmul.f32 $2.000000030e-01, v14;
	v17 =	vld.idx.msk [tilespmem:v18+s1+$0x0], $0xffff;
	v18 =	vor.u32 v6, v20;
	_ =	sdelay $0x1  }
0x162: {  	s11 =	simm.s32 $0x3;
	v20 =	vmax.f32 v14, v21  }
0x163: {  	v14 =	vmov s11;
	v19 =	vmul.f32 v20, v19  }
0x164: {  	v16 =	vld.idx.msk [tilespmem:v16+s12+$0x0], $0xffff;
	v13 =	vimm.f32 $0.0e+00;
	s11 =	simm.s32 $0x4;
	v20 =	vand.u32 $0x7F, v14;
	v21 =	vshll.u32 v14, $0x3  }
.LBB2_9:
0x165: {  	p0 =	sne.s32 s11, $0xFF;
	v21 =	vand.u32 $0x400, v21;
	v22 =	vadd.f32 v17, v15;
	v15 =	vld.idx.msk [tilespmem:v18+s15+$0x0], $0xffff;
	v13 =	vadd.f32 v19, v13  }
0x166: {  	v19 =	vor.u32 v21, v20;
	v17 =	vld.idx.msk [tilespmem:v18+s1+$0x0], $0xffff  }
.Ltmp3:
0x167: {  	v18 =	vor.u32 v6, v19;
	v19 =	vmul.f32 $2.000000030e-01, v22;
	(pc) =	sbr.rel @p0 .LBB2_9-.Ltmp3, $4  }
0x168: {  	_ = 	snop  }
0x169: {  	v19 =	vmax.f32 v22, v19  }
0x16a: {  	v22 =	vmov s11;
	v19 =	vmul.f32 v19, v16  }
0x16b: {  	s11 =	sadd.s32 $0x1, s11;
	v20 =	vand.u32 $0x7F, v22;
	v21 =	vshll.u32 v22, $0x3;
	v16 =	vld.idx.msk [tilespmem:v12+s12+$0x0], $0xffff;
	v12 =	vmovc v14;
	v14 =	vmov v22  }
0x16c: {  	v21 =	vand.u32 $0x400, v21  }
0x16d: {  	v20 =	vor.u32 v21, v20  }
0x16e: {  	v20 =	vor.u32 v6, v20;
	_ =	sdelay $0x2  }
0x16f: {  	v21 =	vld.idx.msk [tilespmem:v18+s15+$0x0], $0xffff  }
0x170: {  	v18 =	vld.idx.msk [tilespmem:v18+s1+$0x0], $0xffff  }
0x171: {  	v22 =	vld.idx.msk [tilespmem:v20+s15+$0x0], $0xffff  }
0x172: {  	v20 =	vld.idx.msk [tilespmem:v20+s1+$0x0], $0xffff  }
0x173: {  	v15 =	vadd.f32 v17, v15;
	_ =	sdelay $0x1  }
0x174: {  	v12 =	vld.idx.msk [tilespmem:v12+s12+$0x0], $0xffff;
	v17 =	vmul.f32 $2.000000030e-01, v15;
	v18 =	vadd.f32 v18, v21;
	_ =	sdelay $0x1  }
0x175: {  	v14 =	vld.idx.msk [tilespmem:v14+s12+$0x0], $0xffff;
	v15 =	vmax.f32 v15, v17;
	v17 =	vmul.f32 $2.000000030e-01, v18;
	v20 =	vadd.f32 v20, v22  }
0x176: {  	v13 =	vadd.f32 v19, v13;
	v15 =	vmul.f32 v15, v16  }
0x177: {  	v16 =	vmax.f32 v18, v17;
	v17 =	vmul.f32 $2.000000030e-01, v20  }
0x178: {  	v13 =	vadd.f32 v15, v13;
	v12 =	vmul.f32 v16, v12  }
0x179: {  	v15 =	vmax.f32 v20, v17  }
0x17a: {  	v12 =	vadd.f32 v12, v13;
	v13 =	vmul.f32 v15, v14;
	_ =	sdelay $0x1  }
0x17b: {  	v12 =	vadd.f32 v13, v12;
	_ =	sdelay $0x1  }
0x17c: {  	v12 =	vmul.f32 $1.442695020e+00, v12;
	_ =	sdelay $0x1  }
0x17d: {  	(erf) = vpow2.f32 v12;
	_ =	sdelay $0x1  }
0x17e: {  	s11 =	simm.s32 $0x0  }
0x17f: {  	v13 =	vmov s11  }
0x180: {  	v12 =	vshll.u32 v13, $0x3  }
0x181: {  	v14 =	vand.u32 $0x7F, v13;
	v12 =	vand.u32 $0x400, v12  }
0x182: {  	v12 =	vor.u32 v12, v14  }
0x183: {  	v12 =	vor.u32 v7, v12  }
0x184: {  	s11 =	sor.u32 $0x20, s10  }
0x185: {  	p0 =	slt.u32 s11, $0x27100;
	v14 =	vpop (erf)  }
0x186: {  	s11 =	simm.s32 $0x1;
	v14 =	vpsel !p0, $0x0, v14  }
0x187: {  	v16 =	vmov s11;
	[tilespmem:$0x10220] =	vst v14  }
0x188: {  	v15 =	vshll.u32 v16, $0x3;
	v14 =	vld.idx.msk [tilespmem:v12+s15+$0x0], $0xffff  }
0x189: {  	v15 =	vand.u32 $0x400, v15;
	v17 =	vld.idx.msk [tilespmem:v12+s1+$0x0], $0xffff;
	v12 =	vand.u32 $0x7F, v16  }
0x18a: {  	v12 =	vor.u32 v15, v12  }
0x18b: {  	v18 =	vor.u32 v7, v12  }
0x18c: {  	s11 =	simm.s32 $0x2  }
0x18d: {  	v12 =	vmov s11  }
0x18e: {  	v19 =	vld.idx.msk [tilespmem:v13+s12+$0x0], $0xffff;
	v13 =	vshll.u32 v12, $0x3  }
0x18f: {  	v20 =	vand.u32 $0x400, v13;
	v14 =	vadd.f32 v17, v14;
	v17 =	vand.u32 $0x7F, v12  }
0x190: {  	v20 =	vor.u32 v20, v17;
	v15 =	vld.idx.msk [tilespmem:v18+s15+$0x0], $0xffff  }
0x191: {  	v21 =	vmul.f32 $2.000000030e-01, v14;
	v17 =	vld.idx.msk [tilespmem:v18+s1+$0x0], $0xffff;
	v18 =	vor.u32 v7, v20;
	_ =	sdelay $0x1  }
0x192: {  	s11 =	simm.s32 $0x3;
	v20 =	vmax.f32 v14, v21  }
0x193: {  	v14 =	vmov s11;
	v19 =	vmul.f32 v20, v19  }
0x194: {  	v16 =	vld.idx.msk [tilespmem:v16+s12+$0x0], $0xffff;
	v13 =	vimm.f32 $0.0e+00;
	s11 =	simm.s32 $0x4;
	v20 =	vand.u32 $0x7F, v14;
	v21 =	vshll.u32 v14, $0x3  }
.LBB2_11:
0x195: {  	p0 =	sne.s32 s11, $0xFF;
	v21 =	vand.u32 $0x400, v21;
	v22 =	vadd.f32 v17, v15;
	v15 =	vld.idx.msk [tilespmem:v18+s15+$0x0], $0xffff;
	v13 =	vadd.f32 v19, v13  }
0x196: {  	v19 =	vor.u32 v21, v20;
	v17 =	vld.idx.msk [tilespmem:v18+s1+$0x0], $0xffff  }
.Ltmp4:
0x197: {  	v18 =	vor.u32 v7, v19;
	v19 =	vmul.f32 $2.000000030e-01, v22;
	(pc) =	sbr.rel @p0 .LBB2_11-.Ltmp4, $4  }
0x198: {  	_ = 	snop  }
0x199: {  	v19 =	vmax.f32 v22, v19  }
0x19a: {  	v22 =	vmov s11;
	v19 =	vmul.f32 v19, v16  }
0x19b: {  	s11 =	sadd.s32 $0x1, s11;
	v20 =	vand.u32 $0x7F, v22;
	v21 =	vshll.u32 v22, $0x3;
	v16 =	vld.idx.msk [tilespmem:v12+s12+$0x0], $0xffff;
	v12 =	vmovc v14;
	v14 =	vmov v22  }
0x19c: {  	v21 =	vand.u32 $0x400, v21  }
0x19d: {  	v20 =	vor.u32 v21, v20  }
0x19e: {  	v20 =	vor.u32 v7, v20;
	_ =	sdelay $0x2  }
0x19f: {  	v21 =	vld.idx.msk [tilespmem:v18+s15+$0x0], $0xffff  }
0x1a0: {  	v18 =	vld.idx.msk [tilespmem:v18+s1+$0x0], $0xffff  }
0x1a1: {  	v22 =	vld.idx.msk [tilespmem:v20+s15+$0x0], $0xffff  }
0x1a2: {  	v20 =	vld.idx.msk [tilespmem:v20+s1+$0x0], $0xffff  }
0x1a3: {  	v15 =	vadd.f32 v17, v15;
	_ =	sdelay $0x1  }
0x1a4: {  	v12 =	vld.idx.msk [tilespmem:v12+s12+$0x0], $0xffff;
	v17 =	vmul.f32 $2.000000030e-01, v15;
	v18 =	vadd.f32 v18, v21;
	_ =	sdelay $0x1  }
0x1a5: {  	v14 =	vld.idx.msk [tilespmem:v14+s12+$0x0], $0xffff;
	v15 =	vmax.f32 v15, v17;
	v17 =	vmul.f32 $2.000000030e-01, v18;
	v20 =	vadd.f32 v20, v22  }
0x1a6: {  	v13 =	vadd.f32 v19, v13;
	v15 =	vmul.f32 v15, v16  }
0x1a7: {  	v16 =	vmax.f32 v18, v17;
	v17 =	vmul.f32 $2.000000030e-01, v20  }
0x1a8: {  	v13 =	vadd.f32 v15, v13;
	v12 =	vmul.f32 v16, v12  }
0x1a9: {  	v15 =	vmax.f32 v20, v17  }
0x1aa: {  	v12 =	vadd.f32 v12, v13;
	v13 =	vmul.f32 v15, v14;
	_ =	sdelay $0x1  }
0x1ab: {  	v12 =	vadd.f32 v13, v12;
	_ =	sdelay $0x1  }
0x1ac: {  	v12 =	vmul.f32 $1.442695020e+00, v12;
	_ =	sdelay $0x1  }
0x1ad: {  	(erf) = vpow2.f32 v12;
	_ =	sdelay $0x1  }
0x1ae: {  	s11 =	simm.s32 $0x0  }
0x1af: {  	v13 =	vmov s11  }
0x1b0: {  	v12 =	vshll.u32 v13, $0x3  }
0x1b1: {  	v14 =	vand.u32 $0x7F, v13;
	v12 =	vand.u32 $0x400, v12  }
0x1b2: {  	v12 =	vor.u32 v12, v14  }
0x1b3: {  	v12 =	vor.u32 v8, v12  }
0x1b4: {  	s11 =	sor.u32 $0x30, s10  }
0x1b5: {  	p0 =	slt.u32 s11, $0x27100;
	v14 =	vpop (erf)  }
0x1b6: {  	s11 =	simm.s32 $0x1;
	v14 =	vpsel !p0, $0x0, v14  }
0x1b7: {  	v16 =	vmov s11;
	[tilespmem:$0x10230] =	vst v14  }
0x1b8: {  	v15 =	vshll.u32 v16, $0x3;
	v14 =	vld.idx.msk [tilespmem:v12+s15+$0x0], $0xffff  }
0x1b9: {  	v15 =	vand.u32 $0x400, v15;
	v17 =	vld.idx.msk [tilespmem:v12+s1+$0x0], $0xffff;
	v12 =	vand.u32 $0x7F, v16  }
0x1ba: {  	v12 =	vor.u32 v15, v12  }
0x1bb: {  	v18 =	vor.u32 v8, v12  }
0x1bc: {  	s11 =	simm.s32 $0x2  }
0x1bd: {  	v12 =	vmov s11  }
0x1be: {  	v19 =	vld.idx.msk [tilespmem:v13+s12+$0x0], $0xffff;
	v13 =	vshll.u32 v12, $0x3  }
0x1bf: {  	v20 =	vand.u32 $0x400, v13;
	v14 =	vadd.f32 v17, v14;
	v17 =	vand.u32 $0x7F, v12  }
0x1c0: {  	v20 =	vor.u32 v20, v17;
	v15 =	vld.idx.msk [tilespmem:v18+s15+$0x0], $0xffff  }
0x1c1: {  	v21 =	vmul.f32 $2.000000030e-01, v14;
	v17 =	vld.idx.msk [tilespmem:v18+s1+$0x0], $0xffff;
	v18 =	vor.u32 v8, v20;
	_ =	sdelay $0x1  }
0x1c2: {  	s11 =	simm.s32 $0x3;
	v20 =	vmax.f32 v14, v21  }
0x1c3: {  	v14 =	vmov s11;
	v19 =	vmul.f32 v20, v19  }
0x1c4: {  	v16 =	vld.idx.msk [tilespmem:v16+s12+$0x0], $0xffff;
	v13 =	vimm.f32 $0.0e+00;
	s11 =	simm.s32 $0x4;
	v20 =	vand.u32 $0x7F, v14;
	v21 =	vshll.u32 v14, $0x3  }
.LBB2_13:
0x1c5: {  	p0 =	sne.s32 s11, $0xFF;
	v21 =	vand.u32 $0x400, v21;
	v22 =	vadd.f32 v17, v15;
	v15 =	vld.idx.msk [tilespmem:v18+s15+$0x0], $0xffff;
	v13 =	vadd.f32 v19, v13  }
0x1c6: {  	v19 =	vor.u32 v21, v20;
	v17 =	vld.idx.msk [tilespmem:v18+s1+$0x0], $0xffff  }
.Ltmp5:
0x1c7: {  	v18 =	vor.u32 v8, v19;
	v19 =	vmul.f32 $2.000000030e-01, v22;
	(pc) =	sbr.rel @p0 .LBB2_13-.Ltmp5, $4  }
0x1c8: {  	_ = 	snop  }
0x1c9: {  	v19 =	vmax.f32 v22, v19  }
0x1ca: {  	v22 =	vmov s11;
	v19 =	vmul.f32 v19, v16  }
0x1cb: {  	s11 =	sadd.s32 $0x1, s11;
	v20 =	vand.u32 $0x7F, v22;
	v21 =	vshll.u32 v22, $0x3;
	v16 =	vld.idx.msk [tilespmem:v12+s12+$0x0], $0xffff;
	v12 =	vmovc v14;
	v14 =	vmov v22  }
0x1cc: {  	v21 =	vand.u32 $0x400, v21  }
0x1cd: {  	v20 =	vor.u32 v21, v20  }
0x1ce: {  	v20 =	vor.u32 v8, v20;
	_ =	sdelay $0x2  }
0x1cf: {  	v21 =	vld.idx.msk [tilespmem:v18+s15+$0x0], $0xffff  }
0x1d0: {  	v18 =	vld.idx.msk [tilespmem:v18+s1+$0x0], $0xffff  }
0x1d1: {  	v22 =	vld.idx.msk [tilespmem:v20+s15+$0x0], $0xffff  }
0x1d2: {  	v20 =	vld.idx.msk [tilespmem:v20+s1+$0x0], $0xffff  }
0x1d3: {  	v15 =	vadd.f32 v17, v15;
	_ =	sdelay $0x1  }
0x1d4: {  	v12 =	vld.idx.msk [tilespmem:v12+s12+$0x0], $0xffff;
	v17 =	vmul.f32 $2.000000030e-01, v15;
	v18 =	vadd.f32 v18, v21;
	_ =	sdelay $0x1  }
0x1d5: {  	v14 =	vld.idx.msk [tilespmem:v14+s12+$0x0], $0xffff;
	v15 =	vmax.f32 v15, v17;
	v17 =	vmul.f32 $2.000000030e-01, v18;
	v20 =	vadd.f32 v20, v22  }
0x1d6: {  	v13 =	vadd.f32 v19, v13;
	v15 =	vmul.f32 v15, v16  }
0x1d7: {  	v16 =	vmax.f32 v18, v17;
	v17 =	vmul.f32 $2.000000030e-01, v20  }
0x1d8: {  	v13 =	vadd.f32 v15, v13;
	v12 =	vmul.f32 v16, v12  }
0x1d9: {  	v15 =	vmax.f32 v20, v17  }
0x1da: {  	v12 =	vadd.f32 v12, v13;
	v13 =	vmul.f32 v15, v14;
	_ =	sdelay $0x1  }
0x1db: {  	v12 =	vadd.f32 v13, v12;
	_ =	sdelay $0x1  }
0x1dc: {  	v12 =	vmul.f32 $1.442695020e+00, v12;
	_ =	sdelay $0x1  }
0x1dd: {  	(erf) = vpow2.f32 v12;
	_ =	sdelay $0x1  }
0x1de: {  	s11 =	simm.s32 $0x0  }
0x1df: {  	v13 =	vmov s11  }
0x1e0: {  	v12 =	vshll.u32 v13, $0x3  }
0x1e1: {  	v14 =	vand.u32 $0x7F, v13;
	v12 =	vand.u32 $0x400, v12  }
0x1e2: {  	v12 =	vor.u32 v12, v14  }
0x1e3: {  	v12 =	vor.u32 v9, v12  }
0x1e4: {  	s11 =	sor.u32 $0x40, s10  }
0x1e5: {  	p0 =	slt.u32 s11, $0x27100;
	v14 =	vpop (erf)  }
0x1e6: {  	s11 =	simm.s32 $0x1;
	v14 =	vpsel !p0, $0x0, v14  }
0x1e7: {  	v16 =	vmov s11;
	[tilespmem:$0x10240] =	vst v14  }
0x1e8: {  	v15 =	vshll.u32 v16, $0x3;
	v14 =	vld.idx.msk [tilespmem:v12+s15+$0x0], $0xffff  }
0x1e9: {  	v15 =	vand.u32 $0x400, v15;
	v17 =	vld.idx.msk [tilespmem:v12+s1+$0x0], $0xffff;
	v12 =	vand.u32 $0x7F, v16  }
0x1ea: {  	v12 =	vor.u32 v15, v12  }
0x1eb: {  	v18 =	vor.u32 v9, v12  }
0x1ec: {  	s11 =	simm.s32 $0x2  }
0x1ed: {  	v12 =	vmov s11  }
0x1ee: {  	v19 =	vld.idx.msk [tilespmem:v13+s12+$0x0], $0xffff;
	v13 =	vshll.u32 v12, $0x3  }
0x1ef: {  	v20 =	vand.u32 $0x400, v13;
	v14 =	vadd.f32 v17, v14;
	v17 =	vand.u32 $0x7F, v12  }
0x1f0: {  	v20 =	vor.u32 v20, v17;
	v15 =	vld.idx.msk [tilespmem:v18+s15+$0x0], $0xffff  }
0x1f1: {  	v21 =	vmul.f32 $2.000000030e-01, v14;
	v17 =	vld.idx.msk [tilespmem:v18+s1+$0x0], $0xffff;
	v18 =	vor.u32 v9, v20;
	_ =	sdelay $0x1  }
0x1f2: {  	s11 =	simm.s32 $0x3;
	v20 =	vmax.f32 v14, v21  }
0x1f3: {  	v14 =	vmov s11;
	v19 =	vmul.f32 v20, v19  }
0x1f4: {  	v16 =	vld.idx.msk [tilespmem:v16+s12+$0x0], $0xffff;
	v13 =	vimm.f32 $0.0e+00;
	s11 =	simm.s32 $0x4;
	v20 =	vand.u32 $0x7F, v14;
	v21 =	vshll.u32 v14, $0x3  }
.LBB2_15:
0x1f5: {  	p0 =	sne.s32 s11, $0xFF;
	v21 =	vand.u32 $0x400, v21;
	v22 =	vadd.f32 v17, v15;
	v15 =	vld.idx.msk [tilespmem:v18+s15+$0x0], $0xffff;
	v13 =	vadd.f32 v19, v13  }
0x1f6: {  	v19 =	vor.u32 v21, v20;
	v17 =	vld.idx.msk [tilespmem:v18+s1+$0x0], $0xffff  }
.Ltmp6:
0x1f7: {  	v18 =	vor.u32 v9, v19;
	v19 =	vmul.f32 $2.000000030e-01, v22;
	(pc) =	sbr.rel @p0 .LBB2_15-.Ltmp6, $4  }
0x1f8: {  	_ = 	snop  }
0x1f9: {  	v19 =	vmax.f32 v22, v19  }
0x1fa: {  	v22 =	vmov s11;
	v19 =	vmul.f32 v19, v16  }
0x1fb: {  	s11 =	sadd.s32 $0x1, s11;
	v20 =	vand.u32 $0x7F, v22;
	v21 =	vshll.u32 v22, $0x3;
	v16 =	vld.idx.msk [tilespmem:v12+s12+$0x0], $0xffff;
	v12 =	vmovc v14;
	v14 =	vmov v22  }
0x1fc: {  	v21 =	vand.u32 $0x400, v21  }
0x1fd: {  	v20 =	vor.u32 v21, v20  }
0x1fe: {  	v20 =	vor.u32 v9, v20;
	_ =	sdelay $0x2  }
0x1ff: {  	v21 =	vld.idx.msk [tilespmem:v18+s15+$0x0], $0xffff  }
0x200: {  	v18 =	vld.idx.msk [tilespmem:v18+s1+$0x0], $0xffff  }
0x201: {  	v22 =	vld.idx.msk [tilespmem:v20+s15+$0x0], $0xffff  }
0x202: {  	v20 =	vld.idx.msk [tilespmem:v20+s1+$0x0], $0xffff  }
0x203: {  	v15 =	vadd.f32 v17, v15;
	_ =	sdelay $0x1  }
0x204: {  	v12 =	vld.idx.msk [tilespmem:v12+s12+$0x0], $0xffff;
	v17 =	vmul.f32 $2.000000030e-01, v15;
	v18 =	vadd.f32 v18, v21;
	_ =	sdelay $0x1  }
0x205: {  	v14 =	vld.idx.msk [tilespmem:v14+s12+$0x0], $0xffff;
	v15 =	vmax.f32 v15, v17;
	v17 =	vmul.f32 $2.000000030e-01, v18;
	v20 =	vadd.f32 v20, v22  }
0x206: {  	v13 =	vadd.f32 v19, v13;
	v15 =	vmul.f32 v15, v16  }
0x207: {  	v16 =	vmax.f32 v18, v17;
	v17 =	vmul.f32 $2.000000030e-01, v20  }
0x208: {  	v13 =	vadd.f32 v15, v13;
	v12 =	vmul.f32 v16, v12  }
0x209: {  	v15 =	vmax.f32 v20, v17  }
0x20a: {  	v12 =	vadd.f32 v12, v13;
	v13 =	vmul.f32 v15, v14;
	_ =	sdelay $0x1  }
0x20b: {  	v12 =	vadd.f32 v13, v12;
	_ =	sdelay $0x1  }
0x20c: {  	v12 =	vmul.f32 $1.442695020e+00, v12;
	_ =	sdelay $0x1  }
0x20d: {  	(erf) = vpow2.f32 v12;
	_ =	sdelay $0x1  }
0x20e: {  	s11 =	simm.s32 $0x0  }
0x20f: {  	v13 =	vmov s11  }
0x210: {  	v12 =	vshll.u32 v13, $0x3  }
0x211: {  	v14 =	vand.u32 $0x7F, v13;
	v12 =	vand.u32 $0x400, v12  }
0x212: {  	v12 =	vor.u32 v12, v14  }
0x213: {  	v12 =	vor.u32 v10, v12  }
0x214: {  	s11 =	sor.u32 $0x50, s10  }
0x215: {  	p0 =	slt.u32 s11, $0x27100;
	v14 =	vpop (erf)  }
0x216: {  	s11 =	simm.s32 $0x1;
	v14 =	vpsel !p0, $0x0, v14  }
0x217: {  	v16 =	vmov s11;
	[tilespmem:$0x10250] =	vst v14  }
0x218: {  	v15 =	vshll.u32 v16, $0x3;
	v14 =	vld.idx.msk [tilespmem:v12+s15+$0x0], $0xffff  }
0x219: {  	v15 =	vand.u32 $0x400, v15;
	v17 =	vld.idx.msk [tilespmem:v12+s1+$0x0], $0xffff;
	v12 =	vand.u32 $0x7F, v16  }
0x21a: {  	v12 =	vor.u32 v15, v12  }
0x21b: {  	v18 =	vor.u32 v10, v12  }
0x21c: {  	s11 =	simm.s32 $0x2  }
0x21d: {  	v12 =	vmov s11  }
0x21e: {  	v19 =	vld.idx.msk [tilespmem:v13+s12+$0x0], $0xffff;
	v13 =	vshll.u32 v12, $0x3  }
0x21f: {  	v20 =	vand.u32 $0x400, v13;
	v14 =	vadd.f32 v17, v14;
	v17 =	vand.u32 $0x7F, v12  }
0x220: {  	v20 =	vor.u32 v20, v17;
	v15 =	vld.idx.msk [tilespmem:v18+s15+$0x0], $0xffff  }
0x221: {  	v21 =	vmul.f32 $2.000000030e-01, v14;
	v17 =	vld.idx.msk [tilespmem:v18+s1+$0x0], $0xffff;
	v18 =	vor.u32 v10, v20;
	_ =	sdelay $0x1  }
0x222: {  	s11 =	simm.s32 $0x3;
	v20 =	vmax.f32 v14, v21  }
0x223: {  	v14 =	vmov s11;
	v19 =	vmul.f32 v20, v19  }
0x224: {  	v16 =	vld.idx.msk [tilespmem:v16+s12+$0x0], $0xffff;
	v13 =	vimm.f32 $0.0e+00;
	s11 =	simm.s32 $0x4;
	v20 =	vand.u32 $0x7F, v14;
	v21 =	vshll.u32 v14, $0x3  }
.LBB2_17:
0x225: {  	p0 =	sne.s32 s11, $0xFF;
	v21 =	vand.u32 $0x400, v21;
	v22 =	vadd.f32 v17, v15;
	v15 =	vld.idx.msk [tilespmem:v18+s15+$0x0], $0xffff;
	v13 =	vadd.f32 v19, v13  }
0x226: {  	v19 =	vor.u32 v21, v20;
	v17 =	vld.idx.msk [tilespmem:v18+s1+$0x0], $0xffff  }
.Ltmp7:
0x227: {  	v18 =	vor.u32 v10, v19;
	v19 =	vmul.f32 $2.000000030e-01, v22;
	(pc) =	sbr.rel @p0 .LBB2_17-.Ltmp7, $4  }
0x228: {  	_ = 	snop  }
0x229: {  	v19 =	vmax.f32 v22, v19  }
0x22a: {  	v22 =	vmov s11;
	v19 =	vmul.f32 v19, v16  }
0x22b: {  	s11 =	sadd.s32 $0x1, s11;
	v20 =	vand.u32 $0x7F, v22;
	v21 =	vshll.u32 v22, $0x3;
	v16 =	vld.idx.msk [tilespmem:v12+s12+$0x0], $0xffff;
	v12 =	vmovc v14;
	v14 =	vmov v22  }
0x22c: {  	v21 =	vand.u32 $0x400, v21  }
0x22d: {  	v20 =	vor.u32 v21, v20  }
0x22e: {  	v20 =	vor.u32 v10, v20;
	_ =	sdelay $0x2  }
0x22f: {  	v21 =	vld.idx.msk [tilespmem:v18+s15+$0x0], $0xffff  }
0x230: {  	v18 =	vld.idx.msk [tilespmem:v18+s1+$0x0], $0xffff  }
0x231: {  	v22 =	vld.idx.msk [tilespmem:v20+s15+$0x0], $0xffff  }
0x232: {  	v20 =	vld.idx.msk [tilespmem:v20+s1+$0x0], $0xffff  }
0x233: {  	v15 =	vadd.f32 v17, v15;
	_ =	sdelay $0x1  }
0x234: {  	v12 =	vld.idx.msk [tilespmem:v12+s12+$0x0], $0xffff;
	v17 =	vmul.f32 $2.000000030e-01, v15;
	v18 =	vadd.f32 v18, v21;
	_ =	sdelay $0x1  }
0x235: {  	v14 =	vld.idx.msk [tilespmem:v14+s12+$0x0], $0xffff;
	v15 =	vmax.f32 v15, v17;
	v17 =	vmul.f32 $2.000000030e-01, v18;
	v20 =	vadd.f32 v20, v22  }
0x236: {  	v13 =	vadd.f32 v19, v13;
	v15 =	vmul.f32 v15, v16  }
0x237: {  	v16 =	vmax.f32 v18, v17;
	v17 =	vmul.f32 $2.000000030e-01, v20  }
0x238: {  	v13 =	vadd.f32 v15, v13;
	v12 =	vmul.f32 v16, v12  }
0x239: {  	v15 =	vmax.f32 v20, v17  }
0x23a: {  	v12 =	vadd.f32 v12, v13;
	v13 =	vmul.f32 v15, v14;
	_ =	sdelay $0x1  }
0x23b: {  	v12 =	vadd.f32 v13, v12;
	_ =	sdelay $0x1  }
0x23c: {  	v12 =	vmul.f32 $1.442695020e+00, v12;
	_ =	sdelay $0x1  }
0x23d: {  	(erf) = vpow2.f32 v12;
	_ =	sdelay $0x1  }
0x23e: {  	s11 =	simm.s32 $0x0  }
0x23f: {  	v13 =	vmov s11  }
0x240: {  	v12 =	vshll.u32 v13, $0x3  }
0x241: {  	v14 =	vand.u32 $0x7F, v13;
	v12 =	vand.u32 $0x400, v12  }
0x242: {  	v12 =	vor.u32 v12, v14  }
0x243: {  	v12 =	vor.u32 v11, v12  }
0x244: {  	s11 =	sor.u32 $0x60, s10  }
0x245: {  	p0 =	slt.u32 s11, $0x27100;
	v14 =	vpop (erf)  }
0x246: {  	s11 =	simm.s32 $0x1;
	v14 =	vpsel !p0, $0x0, v14  }
0x247: {  	v16 =	vmov s11;
	[tilespmem:$0x10260] =	vst v14  }
0x248: {  	v15 =	vshll.u32 v16, $0x3;
	v14 =	vld.idx.msk [tilespmem:v12+s15+$0x0], $0xffff  }
0x249: {  	v15 =	vand.u32 $0x400, v15;
	v17 =	vld.idx.msk [tilespmem:v12+s1+$0x0], $0xffff;
	v12 =	vand.u32 $0x7F, v16  }
0x24a: {  	v12 =	vor.u32 v15, v12  }
0x24b: {  	v18 =	vor.u32 v11, v12  }
0x24c: {  	s11 =	simm.s32 $0x2  }
0x24d: {  	v12 =	vmov s11  }
0x24e: {  	v19 =	vld.idx.msk [tilespmem:v13+s12+$0x0], $0xffff;
	v13 =	vshll.u32 v12, $0x3  }
0x24f: {  	v20 =	vand.u32 $0x400, v13;
	v14 =	vadd.f32 v17, v14;
	v17 =	vand.u32 $0x7F, v12  }
0x250: {  	v20 =	vor.u32 v20, v17;
	v15 =	vld.idx.msk [tilespmem:v18+s15+$0x0], $0xffff  }
0x251: {  	v21 =	vmul.f32 $2.000000030e-01, v14;
	v17 =	vld.idx.msk [tilespmem:v18+s1+$0x0], $0xffff;
	v18 =	vor.u32 v11, v20;
	_ =	sdelay $0x1  }
0x252: {  	s11 =	simm.s32 $0x3;
	v20 =	vmax.f32 v14, v21  }
0x253: {  	v14 =	vmov s11;
	v19 =	vmul.f32 v20, v19  }
0x254: {  	v16 =	vld.idx.msk [tilespmem:v16+s12+$0x0], $0xffff;
	v13 =	vimm.f32 $0.0e+00;
	s11 =	simm.s32 $0x4;
	v20 =	vand.u32 $0x7F, v14;
	v21 =	vshll.u32 v14, $0x3  }
.LBB2_19:
0x255: {  	p0 =	sne.s32 s11, $0xFF;
	v21 =	vand.u32 $0x400, v21;
	v22 =	vadd.f32 v17, v15;
	v15 =	vld.idx.msk [tilespmem:v18+s15+$0x0], $0xffff;
	v13 =	vadd.f32 v19, v13  }
0x256: {  	v19 =	vor.u32 v21, v20;
	v17 =	vld.idx.msk [tilespmem:v18+s1+$0x0], $0xffff  }
.Ltmp8:
0x257: {  	v18 =	vor.u32 v11, v19;
	v19 =	vmul.f32 $2.000000030e-01, v22;
	(pc) =	sbr.rel @p0 .LBB2_19-.Ltmp8, $4  }
0x258: {  	_ = 	snop  }
0x259: {  	v19 =	vmax.f32 v22, v19  }
0x25a: {  	v22 =	vmov s11;
	v19 =	vmul.f32 v19, v16  }
0x25b: {  	s11 =	sadd.s32 $0x1, s11;
	v20 =	vand.u32 $0x7F, v22;
	v21 =	vshll.u32 v22, $0x3;
	v16 =	vld.idx.msk [tilespmem:v12+s12+$0x0], $0xffff;
	v12 =	vmovc v14;
	v14 =	vmov v22  }
0x25c: {  	v21 =	vand.u32 $0x400, v21  }
0x25d: {  	v20 =	vor.u32 v21, v20  }
0x25e: {  	v20 =	vor.u32 v11, v20;
	_ =	sdelay $0x2  }
0x25f: {  	v59 =	vld.idx.msk [tilespmem:v18+s15+$0x0], $0xffff  }
0x260: {  	v60 =	vld.idx.msk [tilespmem:v18+s1+$0x0], $0xffff  }
0x261: {  	v22 =	vld.idx.msk [tilespmem:v20+s15+$0x0], $0xffff  }
0x262: {  	v20 =	vld.idx.msk [tilespmem:v20+s1+$0x0], $0xffff  }
0x263: {  	v15 =	vadd.f32 v17, v15;
	_ =	sdelay $0x1  }
0x264: {  	v12 =	vld.idx.msk [tilespmem:v12+s12+$0x0], $0xffff;
	v17 =	vmul.f32 $2.000000030e-01, v15;
	v18 =	vadd.f32 v60, v59;
	_ =	sdelay $0x1  }
0x265: {  	v14 =	vld.idx.msk [tilespmem:v14+s12+$0x0], $0xffff;
	v15 =	vmax.f32 v15, v17;
	v61 =	vmul.f32 $2.000000030e-01, v18;
	v20 =	vadd.f32 v20, v22  }
0x266: {  	v13 =	vadd.f32 v19, v13;
	v15 =	vmul.f32 v15, v16  }
0x267: {  	v62 =	vmax.f32 v18, v61;
	v63 =	vmul.f32 $2.000000030e-01, v20  }
0x268: {  	v13 =	vadd.f32 v15, v13;
	v12 =	vmul.f32 v62, v12  }
0x269: {  	v15 =	vmax.f32 v20, v63  }
0x26a: {  	v12 =	vadd.f32 v12, v13;
	v13 =	vmul.f32 v15, v14;
	_ =	sdelay $0x1  }
0x26b: {  	v12 =	vadd.f32 v13, v12;
	_ =	sdelay $0x1  }
0x26c: {  	v12 =	vmul.f32 $1.442695020e+00, v12;
	_ =	sdelay $0x1  }
0x26d: {  	(erf) = vpow2.f32 v12;
	_ =	sdelay $0x5  }
0x26e: {  	s11 =	simm.s32 $0x0  }
0x26f: {  	v13 =	vmov s11  }
0x270: {  	s10 =	sor.u32 $0x70, s10  }
0x271: {  	p0 =	slt.u32 s10, $0x27100;
	v12 =	vpop (erf)  }
0x272: {  	v12 =	vpsel !p0, $0x0, v12  }
0x273: {  	[tilespmem:$0x10270] =	vst v12  }
0x274: {  	v12 =	vld.idx.msk [tilespmem:v13+s14+$0x0], $0xffff;
	_ =	sdelay $0x2  }
0x275: {  	s11 =	simm.s32 $0x1;
	v14 =	vld.idx.msk [tilespmem:v13+s29+$0x0], $0xffff  }
0x276: {  	s10 =	simm.s32 $0x2;
	v13 =	vmov s11  }
.LBB2_21:
0x277: {  	p0 =	sne.s32 s10, $0x7F;
	_ =	sdelay $0x2  }
0x278: {  	[tilespmem:v12+s30+$0x0] =	vst.idx.add.f32.msk $0x1, v14  }
.Ltmp9:
0x279: {  	v12 =	vld.idx.msk [tilespmem:v13+s14+$0x0], $0xffff;
	(pc) =	sbr.rel @p0 .LBB2_21-.Ltmp9, $3  }
0x27a: {  	_ = 	snop  }
0x27b: {  	v14 =	vld.idx.msk [tilespmem:v13+s29+$0x0], $0xffff;
	_ =	sdelay $0x1  }
0x27c: {  	v13 =	vmov s10;
	s10 =	sadd.s32 $0x1, s10  }
0x27d: {  	_ =	sdelay $0x3  }
0x27e: {  	[tilespmem:v12+s30+$0x0] =	vst.idx.add.f32.msk $0x1, v14  }
0x27f: {  	v12 =	vld.idx.msk [tilespmem:v13+s14+$0x0], $0xffff;
	_ =	sdelay $0x2  }
0x280: {  	v63 =	vld.idx.msk [tilespmem:v13+s29+$0x0], $0xffff;
	_ =	sdelay $0x2  }
0x281: {  	s3 =	sadd.s32 $0x1, s3  }
0x282: {  	p0 =	sne.s32 s3, $0x28  }
.Ltmp10:
0x283: {  	s2 =	sadd.s32 s8, s2;
	s10 =	simm.s32 $0x0;
	[tilespmem:v12+s30+$0x0] =	vst.idx.add.f32.msk $0x1, v63;
	(pc) =	sbr.rel @p0 .LBB2_4-.Ltmp10, $4  }
0x284: {  	[hbm4b:s2+s10] =	stream.linear.scatter [tilespmem:s29], [sflag:$0x3], $0x80, $0x38;
	[tilespmem:$0x12A80] =	vst v63  }
0x285: {  	_ =	swait.ge [sflag:s13], $0x80  }
0x286: {  	[sflag:s13] =	ssyncset.done $0x0  }
0x287: {  	[sflag:s13] =	ssyncadd.s32 $0xFFFFFF80  }
0x288: {  	s2 =	rddreg [dreg:$0x4]  }
0x289: {  	[hbm4b:s2+s10] =	stream.linear.scatter [tilespmem:s30], [sflag:$0x3], $0x2800, $0x38;
	[tilespmem:$0x12A80] =	vst v63  }
0x28a: {  	_ =	swait.ge [sflag:s13], $0x2800  }
0x28b: {  	s3 =	rddreg [dreg:$0x6]  }
0x28c: {  	s11 =	rddreg [dreg:$0x5];
	s3 =	sadd.s32 $0x1, s3  }
0x28d: {  	p0 =	sne.s32 s3, s11  }
.Ltmp11:
0x28e: {  	_ = 	snop;
	(pc) =	sbr.rel @p0 .LBB2_1-.Ltmp11, $3  }
0x28f: {  	_ =	sdelay $0x1  }
0x290: {  	[sflag:s13] =	ssyncset.done $0x0  }
0x291: {  	[sflag:s13] =	ssyncadd.s32 $0xFFFFD800  }
0x292: {  	_ =	sfence.sel $0x180000  }
0x293: {  	[bflag:$0x0] =	sbarrier.arrive $0xFFFF  }
0x294: {  	_ =	strace $0x90000047  }
0x295: {  	s0 =	stileid.u32;
	[bflag:$0x2] =	sbarrier.arrive $0xFFFF  }
0x296: {  	p0 =	sne.s32 s0, $0x0;
	s0 =	rddreg [dreg:$0x3]  }
0x297: {  	s0 =	sadd.s32 @!p0 $0x100000, s0  }
0x298: {  	[sflag:s0] =	ssyncadd.tile.s32 @!p0 $0x1;
	_ =	shalt  }
.Lfunc_end2:
_tile_overlayer_lowered:
.L_overlay_start_2:
0x299: {  	(tag) =	ssettag $0x2  }
0x29a: {  	s0 =	rddreg [dreg:$0x0];
	s2 =	stileid.u32  }
0x29b: {  	s1 =	rddreg [dreg:$0x1];
	p0 =	sne.s32 s2, $0x0  }
0x29c: {  	s3 =	rddreg [dreg:$0x2];
	[bflag:$0x3] =	sbarrier.arrive $0xFFFF;
	s2 =	simm.s32 @!p0 $0x1C03  }
0x29d: {  	[timem:s3], [sflag:s2] =	dma.local @!p0 [hbm:s0], s1  }
0x29e: {  	s0 =	simm.s32 @!p0 $0x3  }
0x29f: {  	_ =	swait.ge @!p0 [sflag:s0], s1  }
0x2a0: {  	s1 =	ssub.s32 @!p0 $0x0, s1;
	[sflag:s0] =	ssyncset.done @!p0 $0x0  }
0x2a1: {  	[sflag:s0] =	ssyncadd.s32 @!p0 s1  }
0x2a2: {  	[bflag:$0x3] =	sbarrier.arrive $0xFFFF  }
0x2a3: {  	_ =	shalt  }

</sc_bundles>
